<compile_context>
chip_gen: v7x
topology: tpu7x:2x2x1
jax: 0.10.2.dev20260603
libtpu: 0.0.44.dev20260713+nightly
codegen_flags: <defaults>
</compile_context>

<pallas_src>
import jax
import jax.numpy as jnp
from jax import lax
from jax.experimental import pallas as pl
from jax.experimental.pallas import tpu as pltpu
from jax.experimental.pallas import tpu_sc as plsc

N = 10000
E = 320000
F_IN = 128
HID = 16
NCLS = 32

NC = 2
NS = 16
NW = NC * NS

EW = E // NW
CH = 128
NCHF = EW // CH
TAIL = EW - NCHF * CH
NBUF = 8

_MESH = dict(core_axis_name="c", subcore_axis_name="s")
_SC_PARAMS = pltpu.CompilerParams(use_tc_tiling_on_sc=False)


def _sc_deg_body(ei_hbm, out_hbm, idx_v, ones_v, z_v, deg_sh, dsem):
    c = lax.axis_index("c")
    s = lax.axis_index("s")
    w = s * NC + c
    for i in range(CH // 16):
        ones_v[pl.ds(i * 16, 16)] = jnp.full((16,), 1.0, jnp.float32)
    for i in range(640 // 16):
        z_v[pl.ds(i * 16, 16)] = jnp.zeros((16,), jnp.float32)
    @pl.when(s < 15)
    def _():
        pltpu.sync_copy(z_v, deg_sh.at[pl.ds(s * 640, 640)])

    @pl.when(s == 15)
    def _():
        pltpu.sync_copy(z_v.at[pl.ds(0, N - 9600)], deg_sh.at[pl.ds(9600, N - 9600)])

    plsc.subcore_barrier()
    pltpu.sync_copy(ei_hbm.at[1, pl.ds(w * EW, EW)], idx_v)

    def body(j, carry):
        pltpu.async_copy(ones_v, deg_sh.at[idx_v.at[pl.ds(j * CH, CH)]], dsem,
                         add=True)
        return carry

    lax.fori_loop(0, NCHF, body, 0)
    pltpu.async_copy(ones_v.at[pl.ds(0, TAIL)],
                     deg_sh.at[idx_v.at[pl.ds(NCHF * CH, TAIL)]], dsem, add=True)

    def drain(j, carry):
        pltpu.make_async_copy(ones_v, deg_sh.at[idx_v.at[pl.ds(j * CH, CH)]],
                              dsem).wait()
        return carry

    lax.fori_loop(0, NCHF, drain, 0)
    pltpu.make_async_copy(ones_v.at[pl.ds(0, TAIL)],
                          deg_sh.at[idx_v.at[pl.ds(NCHF * CH, TAIL)]], dsem).wait()
    plsc.subcore_barrier()
    @pl.when(s < 15)
    def _():
        pltpu.sync_copy(deg_sh.at[pl.ds(s * 640, 640)], out_hbm.at[c, pl.ds(s * 640, 640)])

    @pl.when(s == 15)
    def _():
        pltpu.sync_copy(deg_sh.at[pl.ds(9600, N - 9600)], out_hbm.at[c, pl.ds(9600, N - 9600)])


_sc_deg = pl.kernel(
    _sc_deg_body,
    out_type=jax.ShapeDtypeStruct((NC, N), jnp.float32),
    mesh=plsc.VectorSubcoreMesh(**_MESH),
    compiler_params=_SC_PARAMS,
    scratch_types=[
        pltpu.VMEM((EW,), jnp.int32),
        pltpu.VMEM((CH,), jnp.float32),
        pltpu.VMEM((640,), jnp.float32),
        pltpu.VMEM_SHARED((N,), jnp.float32),
        pltpu.SemaphoreType.DMA,
    ],
)


def _make_sc_agg(F):
    ZR = 64
    NRS = N // NS

    def body(g_hbm, ei_hbm, out_hbm, si_v, di_v, rows_v, tail_v, z_v, agg_sh,
             gsems, ssems, tsem):
        c = lax.axis_index("c")
        s = lax.axis_index("s")
        w = s * NC + c
        base = s * NRS
        for i in range(ZR):
            for t in range(F // 16):
                z_v[i, pl.ds(t * 16, 16)] = jnp.zeros((16,), jnp.float32)

        def zbody(j, carry):
            pltpu.sync_copy(z_v, agg_sh.at[pl.ds(base + j * ZR, ZR)])
            return carry

        lax.fori_loop(0, NRS // ZR, zbody, 0)
        pltpu.sync_copy(z_v.at[pl.ds(0, NRS % ZR)],
                        agg_sh.at[pl.ds(base + (NRS // ZR) * ZR, NRS % ZR)])
        plsc.subcore_barrier()

        pltpu.sync_copy(ei_hbm.at[0, pl.ds(w * EW, EW)], si_v)
        pltpu.sync_copy(ei_hbm.at[1, pl.ds(w * EW, EW)], di_v)

        def sidx(j):
            return si_v.at[pl.ds(j * CH, CH)]

        def didx(j):
            return di_v.at[pl.ds(j * CH, CH)]

        def issue_gather(j, b):
            pltpu.async_copy(g_hbm.at[sidx(j)], rows_v.at[b], gsems.at[b])

        def wait_gather(j, b):
            pltpu.make_async_copy(g_hbm.at[sidx(j)], rows_v.at[b], gsems.at[b]).wait()

        def issue_scatter(j, b):
            pltpu.async_copy(rows_v.at[b], agg_sh.at[didx(j)], ssems.at[b], add=True)

        def wait_scatter(j, b):
            pltpu.make_async_copy(rows_v.at[b], agg_sh.at[didx(j)], ssems.at[b]).wait()

        for b in range(NBUF):
            issue_gather(b, b)

        def body2(rr, carry):
            for b in range(NBUF):
                j = rr * NBUF + b

                @pl.when(j < NCHF)
                def _():
                    wait_gather(j, b)
                    issue_scatter(j, b)

                @pl.when(j + NBUF < NCHF)
                def _():
                    wait_scatter(j, b)
                    issue_gather(j + NBUF, b)

            return carry

        lax.fori_loop(0, (NCHF + NBUF - 1) // NBUF, body2, 0)
        for k in range(NBUF):
            j = NCHF - NBUF + k
            b = j % NBUF
            wait_scatter(j, b)
        pltpu.async_copy(g_hbm.at[si_v.at[pl.ds(NCHF * CH, TAIL)]], tail_v, tsem).wait()
        pltpu.sync_copy(tail_v, agg_sh.at[di_v.at[pl.ds(NCHF * CH, TAIL)]], add=True)
        plsc.subcore_barrier()
        pltpu.sync_copy(agg_sh.at[pl.ds(s * NRS, NRS)],
                        out_hbm.at[c].at[pl.ds(s * NRS, NRS)])

    return pl.kernel(
        body,
        out_type=jax.ShapeDtypeStruct((NC, N, F), jnp.float32),
        mesh=plsc.VectorSubcoreMesh(**_MESH),
        compiler_params=_SC_PARAMS,
        scratch_types=[
            pltpu.VMEM((EW,), jnp.int32),
            pltpu.VMEM((EW,), jnp.int32),
            pltpu.VMEM((NBUF, CH, F), jnp.float32),
            pltpu.VMEM((TAIL, F), jnp.float32),
            pltpu.VMEM((ZR, F), jnp.float32),
            pltpu.VMEM_SHARED((N, F), jnp.float32),
            pltpu.SemaphoreType.DMA((NBUF,)),
            pltpu.SemaphoreType.DMA((NBUF,)),
            pltpu.SemaphoreType.DMA,
        ],
    )


_sc_agg16 = _make_sc_agg(HID)
_sc_agg32 = _make_sc_agg(NCLS)


_GB = 2
_BR = N // _GB


def _dinv_of(dp):
    return lax.rsqrt(1.0 + jnp.sum(dp, axis=1, keepdims=True))


def _tc_mm1_body(x_ref, w_ref, o_ref):
    o_ref[...] = jnp.dot(x_ref[...], w_ref[...], preferred_element_type=jnp.float32)


def _tc_mm1(x, w1t):
    return pl.pallas_call(
        _tc_mm1_body,
        grid=(_GB,),
        in_specs=[
            pl.BlockSpec((_BR, F_IN), lambda i: (i, 0)),
            pl.BlockSpec((F_IN, HID), lambda i: (0, 0)),
        ],
        out_specs=pl.BlockSpec((_BR, HID), lambda i: (i, 0)),
        out_shape=jax.ShapeDtypeStruct((N, HID), jnp.float32),
    )(x, w1t)


def _tc_scale_body(h_ref, dp_ref, o_ref):
    o_ref[...] = h_ref[...] * _dinv_of(dp_ref[...])


def _tc_scale(h1, degp):
    return pl.pallas_call(
        _tc_scale_body,
        grid=(_GB,),
        in_specs=[
            pl.BlockSpec((_BR, HID), lambda i: (i, 0)),
            pl.BlockSpec((_BR, NC), lambda i: (i, 0)),
        ],
        out_specs=pl.BlockSpec((_BR, HID), lambda i: (i, 0)),
        out_shape=jax.ShapeDtypeStruct((N, HID), jnp.float32),
    )(h1, degp)


def _tc_mid_body(p_ref, g_ref, dp_ref, b_ref, w_ref, o_ref):
    dinv = _dinv_of(dp_ref[...])
    a = p_ref[0] + p_ref[1] + g_ref[...]
    z = jnp.maximum(a * dinv + b_ref[...], 0.0)
    o_ref[...] = jnp.dot(z, w_ref[...], preferred_element_type=jnp.float32) * dinv


def _tc_mid(parts1, g1, degp, b1r, w2t):
    return pl.pallas_call(
        _tc_mid_body,
        grid=(_GB,),
        in_specs=[
            pl.BlockSpec((NC, _BR, HID), lambda i: (0, i, 0)),
            pl.BlockSpec((_BR, HID), lambda i: (i, 0)),
            pl.BlockSpec((_BR, NC), lambda i: (i, 0)),
            pl.BlockSpec((1, HID), lambda i: (0, 0)),
            pl.BlockSpec((HID, NCLS), lambda i: (0, 0)),
        ],
        out_specs=pl.BlockSpec((_BR, NCLS), lambda i: (i, 0)),
        out_shape=jax.ShapeDtypeStruct((N, NCLS), jnp.float32),
    )(parts1, g1, degp, b1r, w2t)


def _tc_out_body(p_ref, g_ref, dp_ref, b_ref, o_ref):
    dinv = _dinv_of(dp_ref[...])
    u = (p_ref[0] + p_ref[1] + g_ref[...]) * dinv + b_ref[...]
    m = jnp.max(u, axis=1, keepdims=True)
    sh = u - m
    r = sh - jnp.log(jnp.sum(jnp.exp(sh), axis=1, keepdims=True))
    o_ref[...] = r.T


def _tc_out(parts2, g2, degp, b2r):
    return pl.pallas_call(
        _tc_out_body,
        out_shape=jax.ShapeDtypeStruct((NCLS, N), jnp.float32),
    )(parts2, g2, degp, b2r)


def kernel(x, edge_index, W1, b1, W2, b2):
    h1 = _tc_mm1(x, W1.T)
    degp = _sc_deg(edge_index).T
    g1 = _tc_scale(h1, degp)
    parts1 = _sc_agg16(g1, edge_index)
    g2 = _tc_mid(parts1, g1, degp, b1.reshape(1, HID), W2.T)
    parts2 = _sc_agg32(g2, edge_index)
    return _tc_out(parts2, g2, degp, b2.reshape(1, NCLS)).T

# --- scband reference (transcript-rebuilt; emitter-appended) ---
"""Pipeline reference for scband-planetoid-gcn-73237782332060 (READ-ONLY COPY).

The authoritative reference and input builder live on the scoring server;
editing this copy changes nothing except your own understanding.
"""

import jax, jax.numpy as jnp
import numpy as np

N = 10000
E = 320000
F_IN = 128
HID = 16
NCLS = 32


def setup_inputs(seed: int = 0) -> dict:
    key = jax.random.key(seed)
    k1, k2, k3, k4 = jax.random.split(key, 4)
    x = jax.random.normal(k1, (N, F_IN), dtype=jnp.float32)
    edge_index = jax.random.randint(k2, (2, E), 0, N, dtype=jnp.int32)
    # GCNConv linear weights (PyG convention: weight shape [out, in], bias after aggregation)
    W1 = jax.random.normal(k3, (HID, F_IN), dtype=jnp.float32) * (1.0 / np.sqrt(F_IN))
    b1 = jnp.zeros((HID,), dtype=jnp.float32)
    W2 = jax.random.normal(k4, (NCLS, HID), dtype=jnp.float32) * (1.0 / np.sqrt(HID))
    b2 = jnp.zeros((NCLS,), dtype=jnp.float32)
    return {"x": x, "edge_index": edge_index, "W1": W1, "b1": b1, "W2": W2, "b2": b2}


def gcn_conv(x, src, dst, W, b):
    # Faithful GCNConv: add self-loops, symmetric deg^-1/2 normalization, scatter-add aggregation.
    n = x.shape[0]
    loop = jnp.arange(n, dtype=src.dtype)
    s = jnp.concatenate([src, loop])
    d = jnp.concatenate([dst, loop])
    deg = jnp.zeros((n,), dtype=x.dtype).at[d].add(1.0)
    dinv = jnp.where(deg > 0, deg ** -0.5, 0.0)
    norm = dinv[s] * dinv[d]
    h = x @ W.T
    msg = h[s] * norm[:, None]
    out = jnp.zeros((n, W.shape[0]), dtype=x.dtype).at[d].add(msg)
    return out + b


def reference(x, edge_index, W1, b1, W2, b2):
    src, dst = edge_index[0], edge_index[1]
    h = gcn_conv(x, src, dst, W1, b1)
    h = jax.nn.relu(h)
    h = gcn_conv(h, src, dst, W2, b2)
    return jax.nn.log_softmax(h, axis=1)

if __name__ == "__main__":
    import jax
    _d = setup_inputs()
    print(jax.jit(kernel)(*tuple(_d.values())))

</pallas_src>

<mosaic_0001>
#map = affine_map<(d0, d1) -> (0, 0)>
module attributes {stable_mosaic.version = 14 : i64} {
  func.func @_sc_deg_body(%arg0: i32, %arg1: i32, %arg2: memref<2x320000xi32, #tpu.memory_space<hbm>>, %arg3: memref<2x10000xf32, #tpu.memory_space<hbm>>, %arg4: memref<10000xi32, #tpu.memory_space<vmem>>, %arg5: memref<128xf32, #tpu.memory_space<vmem>>, %arg6: memref<640xf32, #tpu.memory_space<vmem>>, %arg7: memref<10000xf32, #tpu.memory_space<vmem_shared>>, %arg8: memref<!tpu.dma_semaphore, #tpu.memory_space<semaphore_mem>>) attributes {dimension_semantics = [#tpu.dimension_semantics<core_parallel>, #tpu.dimension_semantics<subcore_parallel>], iteration_bounds = array<i64: 2, 16>, scalar_prefetch = 0 : i64, scratch_operands = 5 : i64, tpu.core_type = #tpu.core_type<sc_vector_subcore>, window_params = [{transform_indices = #map}, {transform_indices = #map}]} {
    %mul3A = arith.constant 2 : i32
    %mul3A_0 = arith.muli %arg1, %mul3A : i32
    %add3A = arith.addi %mul3A_0, %arg0 : i32
    %broadcast_in_dim3A = arith.constant 1.000000e+00 : f32
    %broadcast_in_dim3A_1 = vector.broadcast %broadcast_in_dim3A : f32 to vector<16xf32>
    %swap3A = arith.constant 0 : index
    %swap3A_2 = tpu.vector_load %arg5[%swap3A] {strides = array<i32>} : memref<128xf32, #tpu.memory_space<vmem>>, vector<16xf32>,
    %swap3A_3 = vector.shape_cast %swap3A_2 : vector<16xf32> to vector<16xf32>
    %swap3A_4 = vector.shape_cast %broadcast_in_dim3A_1 : vector<16xf32> to vector<16xf32>
    tpu.vector_store %arg5[%swap3A], %swap3A_4 {strides = array<i32>} : memref<128xf32, #tpu.memory_space<vmem>>, vector<16xf32>,
    %broadcast_in_dim3A_5 = arith.constant 1.000000e+00 : f32
    %broadcast_in_dim3A_6 = vector.broadcast %broadcast_in_dim3A_5 : f32 to vector<16xf32>
    %swap3A_7 = arith.constant 16 : index
    %swap3A_8 = tpu.vector_load %arg5[%swap3A_7] {strides = array<i32>} : memref<128xf32, #tpu.memory_space<vmem>>, vector<16xf32>,
    %swap3A_9 = vector.shape_cast %swap3A_8 : vector<16xf32> to vector<16xf32>
    %swap3A_10 = vector.shape_cast %broadcast_in_dim3A_6 : vector<16xf32> to vector<16xf32>
    tpu.vector_store %arg5[%swap3A_7], %swap3A_10 {strides = array<i32>} : memref<128xf32, #tpu.memory_space<vmem>>, vector<16xf32>,
    %broadcast_in_dim3A_11 = arith.constant 1.000000e+00 : f32
    %broadcast_in_dim3A_12 = vector.broadcast %broadcast_in_dim3A_11 : f32 to vector<16xf32>
    %swap3A_13 = arith.constant 32 : index
    %swap3A_14 = tpu.vector_load %arg5[%swap3A_13] {strides = array<i32>} : memref<128xf32, #tpu.memory_space<vmem>>, vector<16xf32>,
    %swap3A_15 = vector.shape_cast %swap3A_14 : vector<16xf32> to vector<16xf32>
    %swap3A_16 = vector.shape_cast %broadcast_in_dim3A_12 : vector<16xf32> to vector<16xf32>
    tpu.vector_store %arg5[%swap3A_13], %swap3A_16 {strides = array<i32>} : memref<128xf32, #tpu.memory_space<vmem>>, vector<16xf32>,
    %broadcast_in_dim3A_17 = arith.constant 1.000000e+00 : f32
    %broadcast_in_dim3A_18 = vector.broadcast %broadcast_in_dim3A_17 : f32 to vector<16xf32>
    %swap3A_19 = arith.constant 48 : index
    %swap3A_20 = tpu.vector_load %arg5[%swap3A_19] {strides = array<i32>} : memref<128xf32, #tpu.memory_space<vmem>>, vector<16xf32>,
    %swap3A_21 = vector.shape_cast %swap3A_20 : vector<16xf32> to vector<16xf32>
    %swap3A_22 = vector.shape_cast %broadcast_in_dim3A_18 : vector<16xf32> to vector<16xf32>
    tpu.vector_store %arg5[%swap3A_19], %swap3A_22 {strides = array<i32>} : memref<128xf32, #tpu.memory_space<vmem>>, vector<16xf32>,
    %broadcast_in_dim3A_23 = arith.constant 1.000000e+00 : f32
    %broadcast_in_dim3A_24 = vector.broadcast %broadcast_in_dim3A_23 : f32 to vector<16xf32>
    %swap3A_25 = arith.constant 64 : index
    %swap3A_26 = tpu.vector_load %arg5[%swap3A_25] {strides = array<i32>} : memref<128xf32, #tpu.memory_space<vmem>>, vector<16xf32>,
    %swap3A_27 = vector.shape_cast %swap3A_26 : vector<16xf32> to vector<16xf32>
    %swap3A_28 = vector.shape_cast %broadcast_in_dim3A_24 : vector<16xf32> to vector<16xf32>
    tpu.vector_store %arg5[%swap3A_25], %swap3A_28 {strides = array<i32>} : memref<128xf32, #tpu.memory_space<vmem>>, vector<16xf32>,
    %broadcast_in_dim3A_29 = arith.constant 1.000000e+00 : f32
    %broadcast_in_dim3A_30 = vector.broadcast %broadcast_in_dim3A_29 : f32 to vector<16xf32>
    %swap3A_31 = arith.constant 80 : index
    %swap3A_32 = tpu.vector_load %arg5[%swap3A_31] {strides = array<i32>} : memref<128xf32, #tpu.memory_space<vmem>>, vector<16xf32>,
    %swap3A_33 = vector.shape_cast %swap3A_32 : vector<16xf32> to vector<16xf32>
    %swap3A_34 = vector.shape_cast %broadcast_in_dim3A_30 : vector<16xf32> to vector<16xf32>
    tpu.vector_store %arg5[%swap3A_31], %swap3A_34 {strides = array<i32>} : memref<128xf32, #tpu.memory_space<vmem>>, vector<16xf32>,
    %broadcast_in_dim3A_35 = arith.constant 1.000000e+00 : f32
    %broadcast_in_dim3A_36 = vector.broadcast %broadcast_in_dim3A_35 : f32 to vector<16xf32>
    %swap3A_37 = arith.constant 96 : index
    %swap3A_38 = tpu.vector_load %arg5[%swap3A_37] {strides = array<i32>} : memref<128xf32, #tpu.memory_space<vmem>>, vector<16xf32>,
    %swap3A_39 = vector.shape_cast %swap3A_38 : vector<16xf32> to vector<16xf32>
    %swap3A_40 = vector.shape_cast %broadcast_in_dim3A_36 : vector<16xf32> to vector<16xf32>
    tpu.vector_store %arg5[%swap3A_37], %swap3A_40 {strides = array<i32>} : memref<128xf32, #tpu.memory_space<vmem>>, vector<16xf32>,
    %broadcast_in_dim3A_41 = arith.constant 1.000000e+00 : f32
    %broadcast_in_dim3A_42 = vector.broadcast %broadcast_in_dim3A_41 : f32 to vector<16xf32>
    %swap3A_43 = arith.constant 112 : index
    %swap3A_44 = tpu.vector_load %arg5[%swap3A_43] {strides = array<i32>} : memref<128xf32, #tpu.memory_space<vmem>>, vector<16xf32>,
    %swap3A_45 = vector.shape_cast %swap3A_44 : vector<16xf32> to vector<16xf32>
    %swap3A_46 = vector.shape_cast %broadcast_in_dim3A_42 : vector<16xf32> to vector<16xf32>
    tpu.vector_store %arg5[%swap3A_43], %swap3A_46 {strides = array<i32>} : memref<128xf32, #tpu.memory_space<vmem>>, vector<16xf32>,
    %broadcast_in_dim3A_47 = arith.constant 0.000000e+00 : f32
    %broadcast_in_dim3A_48 = vector.broadcast %broadcast_in_dim3A_47 : f32 to vector<16xf32>
    %swap3A_49 = arith.constant 0 : index
    %swap3A_50 = tpu.vector_load %arg6[%swap3A_49] {strides = array<i32>} : memref<640xf32, #tpu.memory_space<vmem>>, vector<16xf32>,
    %swap3A_51 = vector.shape_cast %swap3A_50 : vector<16xf32> to vector<16xf32>
    %swap3A_52 = vector.shape_cast %broadcast_in_dim3A_48 : vector<16xf32> to vector<16xf32>
    tpu.vector_store %arg6[%swap3A_49], %swap3A_52 {strides = array<i32>} : memref<640xf32, #tpu.memory_space<vmem>>, vector<16xf32>,
    %broadcast_in_dim3A_53 = arith.constant 0.000000e+00 : f32
    %broadcast_in_dim3A_54 = vector.broadcast %broadcast_in_dim3A_53 : f32 to vector<16xf32>
    %swap3A_55 = arith.constant 16 : index
    %swap3A_56 = tpu.vector_load %arg6[%swap3A_55] {strides = array<i32>} : memref<640xf32, #tpu.memory_space<vmem>>, vector<16xf32>,
    %swap3A_57 = vector.shape_cast %swap3A_56 : vector<16xf32> to vector<16xf32>
    %swap3A_58 = vector.shape_cast %broadcast_in_dim3A_54 : vector<16xf32> to vector<16xf32>
    tpu.vector_store %arg6[%swap3A_55], %swap3A_58 {strides = array<i32>} : memref<640xf32, #tpu.memory_space<vmem>>, vector<16xf32>,
    %broadcast_in_dim3A_59 = arith.constant 0.000000e+00 : f32
    %broadcast_in_dim3A_60 = vector.broadcast %broadcast_in_dim3A_59 : f32 to vector<16xf32>
    %swap3A_61 = arith.constant 32 : index
    %swap3A_62 = tpu.vector_load %arg6[%swap3A_61] {strides = array<i32>} : memref<640xf32, #tpu.memory_space<vmem>>, vector<16xf32>,
    %swap3A_63 = vector.shape_cast %swap3A_62 : vector<16xf32> to vector<16xf32>
    %swap3A_64 = vector.shape_cast %broadcast_in_dim3A_60 : vector<16xf32> to vector<16xf32>
    tpu.vector_store %arg6[%swap3A_61], %swap3A_64 {strides = array<i32>} : memref<640xf32, #tpu.memory_space<vmem>>, vector<16xf32>,
    %broadcast_in_dim3A_65 = arith.constant 0.000000e+00 : f32
    %broadcast_in_dim3A_66 = vector.broadcast %broadcast_in_dim3A_65 : f32 to vector<16xf32>
    %swap3A_67 = arith.constant 48 : index
    %swap3A_68 = tpu.vector_load %arg6[%swap3A_67] {strides = array<i32>} : memref<640xf32, #tpu.memory_space<vmem>>, vector<16xf32>,
    %swap3A_69 = vector.shape_cast %swap3A_68 : vector<16xf32> to vector<16xf32>
    %swap3A_70 = vector.shape_cast %broadcast_in_dim3A_66 : vector<16xf32> to vector<16xf32>
    tpu.vector_store %arg6[%swap3A_67], %swap3A_70 {strides = array<i32>} : memref<640xf32, #tpu.memory_space<vmem>>, vector<16xf32>,
    %broadcast_in_dim3A_71 = arith.constant 0.000000e+00 : f32
    %broadcast_in_dim3A_72 = vector.broadcast %broadcast_in_dim3A_71 : f32 to vector<16xf32>
    %swap3A_73 = arith.constant 64 : index
    %swap3A_74 = tpu.vector_load %arg6[%swap3A_73] {strides = array<i32>} : memref<640xf32, #tpu.memory_space<vmem>>, vector<16xf32>,
    %swap3A_75 = vector.shape_cast %swap3A_74 : vector<16xf32> to vector<16xf32>
    %swap3A_76 = vector.shape_cast %broadcast_in_dim3A_72 : vector<16xf32> to vector<16xf32>
    tpu.vector_store %arg6[%swap3A_73], %swap3A_76 {strides = array<i32>} : memref<640xf32, #tpu.memory_space<vmem>>, vector<16xf32>,
    %broadcast_in_dim3A_77 = arith.constant 0.000000e+00 : f32
    %broadcast_in_dim3A_78 = vector.broadcast %broadcast_in_dim3A_77 : f32 to vector<16xf32>
    %swap3A_79 = arith.constant 80 : index
    %swap3A_80 = tpu.vector_load %arg6[%swap3A_79] {strides = array<i32>} : memref<640xf32, #tpu.memory_space<vmem>>, vector<16xf32>,
    %swap3A_81 = vector.shape_cast %swap3A_80 : vector<16xf32> to vector<16xf32>
    %swap3A_82 = vector.shape_cast %broadcast_in_dim3A_78 : vector<16xf32> to vector<16xf32>
    tpu.vector_store %arg6[%swap3A_79], %swap3A_82 {strides = array<i32>} : memref<640xf32, #tpu.memory_space<vmem>>, vector<16xf32>,
    %broadcast_in_dim3A_83 = arith.constant 0.000000e+00 : f32
    %broadcast_in_dim3A_84 = vector.broadcast %broadcast_in_dim3A_83 : f32 to vector<16xf32>
    %swap3A_85 = arith.constant 96 : index
    %swap3A_86 = tpu.vector_load %arg6[%swap3A_85] {strides = array<i32>} : memref<640xf32, #tpu.memory_space<vmem>>, vector<16xf32>,
    %swap3A_87 = vector.shape_cast %swap3A_86 : vector<16xf32> to vector<16xf32>
    %swap3A_88 = vector.shape_cast %broadcast_in_dim3A_84 : vector<16xf32> to vector<16xf32>
    tpu.vector_store %arg6[%swap3A_85], %swap3A_88 {strides = array<i32>} : memref<640xf32, #tpu.memory_space<vmem>>, vector<16xf32>,
    %broadcast_in_dim3A_89 = arith.constant 0.000000e+00 : f32
    %broadcast_in_dim3A_90 = vector.broadcast %broadcast_in_dim3A_89 : f32 to vector<16xf32>
    %swap3A_91 = arith.constant 112 : index
    %swap3A_92 = tpu.vector_load %arg6[%swap3A_91] {strides = array<i32>} : memref<640xf32, #tpu.memory_space<vmem>>, vector<16xf32>,
    %swap3A_93 = vector.shape_cast %swap3A_92 : vector<16xf32> to vector<16xf32>
    %swap3A_94 = vector.shape_cast %broadcast_in_dim3A_90 : vector<16xf32> to vector<16xf32>
    tpu.vector_store %arg6[%swap3A_91], %swap3A_94 {strides = array<i32>} : memref<640xf32, #tpu.memory_space<vmem>>, vector<16xf32>,
    %broadcast_in_dim3A_95 = arith.constant 0.000000e+00 : f32
    %broadcast_in_dim3A_96 = vector.broadcast %broadcast_in_dim3A_95 : f32 to vector<16xf32>
    %swap3A_97 = arith.constant 128 : index
    %swap3A_98 = tpu.vector_load %arg6[%swap3A_97] {strides = array<i32>} : memref<640xf32, #tpu.memory_space<vmem>>, vector<16xf32>,
    %swap3A_99 = vector.shape_cast %swap3A_98 : vector<16xf32> to vector<16xf32>
    %swap3A_100 = vector.shape_cast %broadcast_in_dim3A_96 : vector<16xf32> to vector<16xf32>
    tpu.vector_store %arg6[%swap3A_97], %swap3A_100 {strides = array<i32>} : memref<640xf32, #tpu.memory_space<vmem>>, vector<16xf32>,
    %broadcast_in_dim3A_101 = arith.constant 0.000000e+00 : f32
    %broadcast_in_dim3A_102 = vector.broadcast %broadcast_in_dim3A_101 : f32 to vector<16xf32>
    %swap3A_103 = arith.constant 144 : index
    %swap3A_104 = tpu.vector_load %arg6[%swap3A_103] {strides = array<i32>} : memref<640xf32, #tpu.memory_space<vmem>>, vector<16xf32>,
    %swap3A_105 = vector.shape_cast %swap3A_104 : vector<16xf32> to vector<16xf32>
    %swap3A_106 = vector.shape_cast %broadcast_in_dim3A_102 : vector<16xf32> to vector<16xf32>
    tpu.vector_store %arg6[%swap3A_103], %swap3A_106 {strides = array<i32>} : memref<640xf32, #tpu.memory_space<vmem>>, vector<16xf32>,
    %broadcast_in_dim3A_107 = arith.constant 0.000000e+00 : f32
    %broadcast_in_dim3A_108 = vector.broadcast %broadcast_in_dim3A_107 : f32 to vector<16xf32>
    %swap3A_109 = arith.constant 160 : index
    %swap3A_110 = tpu.vector_load %arg6[%swap3A_109] {strides = array<i32>} : memref<640xf32, #tpu.memory_space<vmem>>, vector<16xf32>,
    %swap3A_111 = vector.shape_cast %swap3A_110 : vector<16xf32> to vector<16xf32>
    %swap3A_112 = vector.shape_cast %broadcast_in_dim3A_108 : vector<16xf32> to vector<16xf32>
    tpu.vector_store %arg6[%swap3A_109], %swap3A_112 {strides = array<i32>} : memref<640xf32, #tpu.memory_space<vmem>>, vector<16xf32>,
    %broadcast_in_dim3A_113 = arith.constant 0.000000e+00 : f32
    %broadcast_in_dim3A_114 = vector.broadcast %broadcast_in_dim3A_113 : f32 to vector<16xf32>
    %swap3A_115 = arith.constant 176 : index
    %swap3A_116 = tpu.vector_load %arg6[%swap3A_115] {strides = array<i32>} : memref<640xf32, #tpu.memory_space<vmem>>, vector<16xf32>,
    %swap3A_117 = vector.shape_cast %swap3A_116 : vector<16xf32> to vector<16xf32>
    %swap3A_118 = vector.shape_cast %broadcast_in_dim3A_114 : vector<16xf32> to vector<16xf32>
    tpu.vector_store %arg6[%swap3A_115], %swap3A_118 {strides = array<i32>} : memref<640xf32, #tpu.memory_space<vmem>>, vector<16xf32>,
    %broadcast_in_dim3A_119 = arith.constant 0.000000e+00 : f32
    %broadcast_in_dim3A_120 = vector.broadcast %broadcast_in_dim3A_119 : f32 to vector<16xf32>
    %swap3A_121 = arith.constant 192 : index
    %swap3A_122 = tpu.vector_load %arg6[%swap3A_121] {strides = array<i32>} : memref<640xf32, #tpu.memory_space<vmem>>, vector<16xf32>,
    %swap3A_123 = vector.shape_cast %swap3A_122 : vector<16xf32> to vector<16xf32>
    %swap3A_124 = vector.shape_cast %broadcast_in_dim3A_120 : vector<16xf32> to vector<16xf32>
    tpu.vector_store %arg6[%swap3A_121], %swap3A_124 {strides = array<i32>} : memref<640xf32, #tpu.memory_space<vmem>>, vector<16xf32>,
    %broadcast_in_dim3A_125 = arith.constant 0.000000e+00 : f32
    %broadcast_in_dim3A_126 = vector.broadcast %broadcast_in_dim3A_125 : f32 to vector<16xf32>
    %swap3A_127 = arith.constant 208 : index
    %swap3A_128 = tpu.vector_load %arg6[%swap3A_127] {strides = array<i32>} : memref<640xf32, #tpu.memory_space<vmem>>, vector<16xf32>,
    %swap3A_129 = vector.shape_cast %swap3A_128 : vector<16xf32> to vector<16xf32>
    %swap3A_130 = vector.shape_cast %broadcast_in_dim3A_126 : vector<16xf32> to vector<16xf32>
    tpu.vector_store %arg6[%swap3A_127], %swap3A_130 {strides = array<i32>} : memref<640xf32, #tpu.memory_space<vmem>>, vector<16xf32>,
    %broadcast_in_dim3A_131 = arith.constant 0.000000e+00 : f32
    %broadcast_in_dim3A_132 = vector.broadcast %broadcast_in_dim3A_131 : f32 to vector<16xf32>
    %swap3A_133 = arith.constant 224 : index
    %swap3A_134 = tpu.vector_load %arg6[%swap3A_133] {strides = array<i32>} : memref<640xf32, #tpu.memory_space<vmem>>, vector<16xf32>,
    %swap3A_135 = vector.shape_cast %swap3A_134 : vector<16xf32> to vector<16xf32>
    %swap3A_136 = vector.shape_cast %broadcast_in_dim3A_132 : vector<16xf32> to vector<16xf32>
    tpu.vector_store %arg6[%swap3A_133], %swap3A_136 {strides = array<i32>} : memref<640xf32, #tpu.memory_space<vmem>>, vector<16xf32>,
    %broadcast_in_dim3A_137 = arith.constant 0.000000e+00 : f32
    %broadcast_in_dim3A_138 = vector.broadcast %broadcast_in_dim3A_137 : f32 to vector<16xf32>
    %swap3A_139 = arith.constant 240 : index
    %swap3A_140 = tpu.vector_load %arg6[%swap3A_139] {strides = array<i32>} : memref<640xf32, #tpu.memory_space<vmem>>, vector<16xf32>,
    %swap3A_141 = vector.shape_cast %swap3A_140 : vector<16xf32> to vector<16xf32>
    %swap3A_142 = vector.shape_cast %broadcast_in_dim3A_138 : vector<16xf32> to vector<16xf32>
    tpu.vector_store %arg6[%swap3A_139], %swap3A_142 {strides = array<i32>} : memref<640xf32, #tpu.memory_space<vmem>>, vector<16xf32>,
    %broadcast_in_dim3A_143 = arith.constant 0.000000e+00 : f32
    %broadcast_in_dim3A_144 = vector.broadcast %broadcast_in_dim3A_143 : f32 to vector<16xf32>
    %swap3A_145 = arith.constant 256 : index
    %swap3A_146 = tpu.vector_load %arg6[%swap3A_145] {strides = array<i32>} : memref<640xf32, #tpu.memory_space<vmem>>, vector<16xf32>,
    %swap3A_147 = vector.shape_cast %swap3A_146 : vector<16xf32> to vector<16xf32>
    %swap3A_148 = vector.shape_cast %broadcast_in_dim3A_144 : vector<16xf32> to vector<16xf32>
    tpu.vector_store %arg6[%swap3A_145], %swap3A_148 {strides = array<i32>} : memref<640xf32, #tpu.memory_space<vmem>>, vector<16xf32>,
    %broadcast_in_dim3A_149 = arith.constant 0.000000e+00 : f32
    %broadcast_in_dim3A_150 = vector.broadcast %broadcast_in_dim3A_149 : f32 to vector<16xf32>
    %swap3A_151 = arith.constant 272 : index
    %swap3A_152 = tpu.vector_load %arg6[%swap3A_151] {strides = array<i32>} : memref<640xf32, #tpu.memory_space<vmem>>, vector<16xf32>,
    %swap3A_153 = vector.shape_cast %swap3A_152 : vector<16xf32> to vector<16xf32>
    %swap3A_154 = vector.shape_cast %broadcast_in_dim3A_150 : vector<16xf32> to vector<16xf32>
    tpu.vector_store %arg6[%swap3A_151], %swap3A_154 {strides = array<i32>} : memref<640xf32, #tpu.memory_space<vmem>>, vector<16xf32>,
    %broadcast_in_dim3A_155 = arith.constant 0.000000e+00 : f32
    %broadcast_in_dim3A_156 = vector.broadcast %broadcast_in_dim3A_155 : f32 to vector<16xf32>
    %swap3A_157 = arith.constant 288 : index
    %swap3A_158 = tpu.vector_load %arg6[%swap3A_157] {strides = array<i32>} : memref<640xf32, #tpu.memory_space<vmem>>, vector<16xf32>,
    %swap3A_159 = vector.shape_cast %swap3A_158 : vector<16xf32> to vector<16xf32>
    %swap3A_160 = vector.shape_cast %broadcast_in_dim3A_156 : vector<16xf32> to vector<16xf32>
    tpu.vector_store %arg6[%swap3A_157], %swap3A_160 {strides = array<i32>} : memref<640xf32, #tpu.memory_space<vmem>>, vector<16xf32>,
    %broadcast_in_dim3A_161 = arith.constant 0.000000e+00 : f32
    %broadcast_in_dim3A_162 = vector.broadcast %broadcast_in_dim3A_161 : f32 to vector<16xf32>
    %swap3A_163 = arith.constant 304 : index
    %swap3A_164 = tpu.vector_load %arg6[%swap3A_163] {strides = array<i32>} : memref<640xf32, #tpu.memory_space<vmem>>, vector<16xf32>,
    %swap3A_165 = vector.shape_cast %swap3A_164 : vector<16xf32> to vector<16xf32>
    %swap3A_166 = vector.shape_cast %broadcast_in_dim3A_162 : vector<16xf32> to vector<16xf32>
    tpu.vector_store %arg6[%swap3A_163], %swap3A_166 {strides = array<i32>} : memref<640xf32, #tpu.memory_space<vmem>>, vector<16xf32>,
    %broadcast_in_dim3A_167 = arith.constant 0.000000e+00 : f32
    %broadcast_in_dim3A_168 = vector.broadcast %broadcast_in_dim3A_167 : f32 to vector<16xf32>
    %swap3A_169 = arith.constant 320 : index
    %swap3A_170 = tpu.vector_load %arg6[%swap3A_169] {strides = array<i32>} : memref<640xf32, #tpu.memory_space<vmem>>, vector<16xf32>,
    %swap3A_171 = vector.shape_cast %swap3A_170 : vector<16xf32> to vector<16xf32>
    %swap3A_172 = vector.shape_cast %broadcast_in_dim3A_168 : vector<16xf32> to vector<16xf32>
    tpu.vector_store %arg6[%swap3A_169], %swap3A_172 {strides = array<i32>} : memref<640xf32, #tpu.memory_space<vmem>>, vector<16xf32>,
    %broadcast_in_dim3A_173 = arith.constant 0.000000e+00 : f32
    %broadcast_in_dim3A_174 = vector.broadcast %broadcast_in_dim3A_173 : f32 to vector<16xf32>
    %swap3A_175 = arith.constant 336 : index
    %swap3A_176 = tpu.vector_load %arg6[%swap3A_175] {strides = array<i32>} : memref<640xf32, #tpu.memory_space<vmem>>, vector<16xf32>,
    %swap3A_177 = vector.shape_cast %swap3A_176 : vector<16xf32> to vector<16xf32>
    %swap3A_178 = vector.shape_cast %broadcast_in_dim3A_174 : vector<16xf32> to vector<16xf32>
    tpu.vector_store %arg6[%swap3A_175], %swap3A_178 {strides = array<i32>} : memref<640xf32, #tpu.memory_space<vmem>>, vector<16xf32>,
    %broadcast_in_dim3A_179 = arith.constant 0.000000e+00 : f32
    %broadcast_in_dim3A_180 = vector.broadcast %broadcast_in_dim3A_179 : f32 to vector<16xf32>
    %swap3A_181 = arith.constant 352 : index
    %swap3A_182 = tpu.vector_load %arg6[%swap3A_181] {strides = array<i32>} : memref<640xf32, #tpu.memory_space<vmem>>, vector<16xf32>,
    %swap3A_183 = vector.shape_cast %swap3A_182 : vector<16xf32> to vector<16xf32>
    %swap3A_184 = vector.shape_cast %broadcast_in_dim3A_180 : vector<16xf32> to vector<16xf32>
    tpu.vector_store %arg6[%swap3A_181], %swap3A_184 {strides = array<i32>} : memref<640xf32, #tpu.memory_space<vmem>>, vector<16xf32>,
    %broadcast_in_dim3A_185 = arith.constant 0.000000e+00 : f32
    %broadcast_in_dim3A_186 = vector.broadcast %broadcast_in_dim3A_185 : f32 to vector<16xf32>
    %swap3A_187 = arith.constant 368 : index
    %swap3A_188 = tpu.vector_load %arg6[%swap3A_187] {strides = array<i32>} : memref<640xf32, #tpu.memory_space<vmem>>, vector<16xf32>,
    %swap3A_189 = vector.shape_cast %swap3A_188 : vector<16xf32> to vector<16xf32>
    %swap3A_190 = vector.shape_cast %broadcast_in_dim3A_186 : vector<16xf32> to vector<16xf32>
    tpu.vector_store %arg6[%swap3A_187], %swap3A_190 {strides = array<i32>} : memref<640xf32, #tpu.memory_space<vmem>>, vector<16xf32>,
    %broadcast_in_dim3A_191 = arith.constant 0.000000e+00 : f32
    %broadcast_in_dim3A_192 = vector.broadcast %broadcast_in_dim3A_191 : f32 to vector<16xf32>
    %swap3A_193 = arith.constant 384 : index
    %swap3A_194 = tpu.vector_load %arg6[%swap3A_193] {strides = array<i32>} : memref<640xf32, #tpu.memory_space<vmem>>, vector<16xf32>,
    %swap3A_195 = vector.shape_cast %swap3A_194 : vector<16xf32> to vector<16xf32>
    %swap3A_196 = vector.shape_cast %broadcast_in_dim3A_192 : vector<16xf32> to vector<16xf32>
    tpu.vector_store %arg6[%swap3A_193], %swap3A_196 {strides = array<i32>} : memref<640xf32, #tpu.memory_space<vmem>>, vector<16xf32>,
    %broadcast_in_dim3A_197 = arith.constant 0.000000e+00 : f32
    %broadcast_in_dim3A_198 = vector.broadcast %broadcast_in_dim3A_197 : f32 to vector<16xf32>
    %swap3A_199 = arith.constant 400 : index
    %swap3A_200 = tpu.vector_load %arg6[%swap3A_199] {strides = array<i32>} : memref<640xf32, #tpu.memory_space<vmem>>, vector<16xf32>,
    %swap3A_201 = vector.shape_cast %swap3A_200 : vector<16xf32> to vector<16xf32>
    %swap3A_202 = vector.shape_cast %broadcast_in_dim3A_198 : vector<16xf32> to vector<16xf32>
    tpu.vector_store %arg6[%swap3A_199], %swap3A_202 {strides = array<i32>} : memref<640xf32, #tpu.memory_space<vmem>>, vector<16xf32>,
    %broadcast_in_dim3A_203 = arith.constant 0.000000e+00 : f32
    %broadcast_in_dim3A_204 = vector.broadcast %broadcast_in_dim3A_203 : f32 to vector<16xf32>
    %swap3A_205 = arith.constant 416 : index
    %swap3A_206 = tpu.vector_load %arg6[%swap3A_205] {strides = array<i32>} : memref<640xf32, #tpu.memory_space<vmem>>, vector<16xf32>,
    %swap3A_207 = vector.shape_cast %swap3A_206 : vector<16xf32> to vector<16xf32>
    %swap3A_208 = vector.shape_cast %broadcast_in_dim3A_204 : vector<16xf32> to vector<16xf32>
    tpu.vector_store %arg6[%swap3A_205], %swap3A_208 {strides = array<i32>} : memref<640xf32, #tpu.memory_space<vmem>>, vector<16xf32>,
    %broadcast_in_dim3A_209 = arith.constant 0.000000e+00 : f32
    %broadcast_in_dim3A_210 = vector.broadcast %broadcast_in_dim3A_209 : f32 to vector<16xf32>
    %swap3A_211 = arith.constant 432 : index
    %swap3A_212 = tpu.vector_load %arg6[%swap3A_211] {strides = array<i32>} : memref<640xf32, #tpu.memory_space<vmem>>, vector<16xf32>,
    %swap3A_213 = vector.shape_cast %swap3A_212 : vector<16xf32> to vector<16xf32>
    %swap3A_214 = vector.shape_cast %broadcast_in_dim3A_210 : vector<16xf32> to vector<16xf32>
    tpu.vector_store %arg6[%swap3A_211], %swap3A_214 {strides = array<i32>} : memref<640xf32, #tpu.memory_space<vmem>>, vector<16xf32>,
    %broadcast_in_dim3A_215 = arith.constant 0.000000e+00 : f32
    %broadcast_in_dim3A_216 = vector.broadcast %broadcast_in_dim3A_215 : f32 to vector<16xf32>
    %swap3A_217 = arith.constant 448 : index
    %swap3A_218 = tpu.vector_load %arg6[%swap3A_217] {strides = array<i32>} : memref<640xf32, #tpu.memory_space<vmem>>, vector<16xf32>,
    %swap3A_219 = vector.shape_cast %swap3A_218 : vector<16xf32> to vector<16xf32>
    %swap3A_220 = vector.shape_cast %broadcast_in_dim3A_216 : vector<16xf32> to vector<16xf32>
    tpu.vector_store %arg6[%swap3A_217], %swap3A_220 {strides = array<i32>} : memref<640xf32, #tpu.memory_space<vmem>>, vector<16xf32>,
    %broadcast_in_dim3A_221 = arith.constant 0.000000e+00 : f32
    %broadcast_in_dim3A_222 = vector.broadcast %broadcast_in_dim3A_221 : f32 to vector<16xf32>
    %swap3A_223 = arith.constant 464 : index
    %swap3A_224 = tpu.vector_load %arg6[%swap3A_223] {strides = array<i32>} : memref<640xf32, #tpu.memory_space<vmem>>, vector<16xf32>,
    %swap3A_225 = vector.shape_cast %swap3A_224 : vector<16xf32> to vector<16xf32>
    %swap3A_226 = vector.shape_cast %broadcast_in_dim3A_222 : vector<16xf32> to vector<16xf32>
    tpu.vector_store %arg6[%swap3A_223], %swap3A_226 {strides = array<i32>} : memref<640xf32, #tpu.memory_space<vmem>>, vector<16xf32>,
    %broadcast_in_dim3A_227 = arith.constant 0.000000e+00 : f32
    %broadcast_in_dim3A_228 = vector.broadcast %broadcast_in_dim3A_227 : f32 to vector<16xf32>
    %swap3A_229 = arith.constant 480 : index
    %swap3A_230 = tpu.vector_load %arg6[%swap3A_229] {strides = array<i32>} : memref<640xf32, #tpu.memory_space<vmem>>, vector<16xf32>,
    %swap3A_231 = vector.shape_cast %swap3A_230 : vector<16xf32> to vector<16xf32>
    %swap3A_232 = vector.shape_cast %broadcast_in_dim3A_228 : vector<16xf32> to vector<16xf32>
    tpu.vector_store %arg6[%swap3A_229], %swap3A_232 {strides = array<i32>} : memref<640xf32, #tpu.memory_space<vmem>>, vector<16xf32>,
    %broadcast_in_dim3A_233 = arith.constant 0.000000e+00 : f32
    %broadcast_in_dim3A_234 = vector.broadcast %broadcast_in_dim3A_233 : f32 to vector<16xf32>
    %swap3A_235 = arith.constant 496 : index
    %swap3A_236 = tpu.vector_load %arg6[%swap3A_235] {strides = array<i32>} : memref<640xf32, #tpu.memory_space<vmem>>, vector<16xf32>,
    %swap3A_237 = vector.shape_cast %swap3A_236 : vector<16xf32> to vector<16xf32>
    %swap3A_238 = vector.shape_cast %broadcast_in_dim3A_234 : vector<16xf32> to vector<16xf32>
    tpu.vector_store %arg6[%swap3A_235], %swap3A_238 {strides = array<i32>} : memref<640xf32, #tpu.memory_space<vmem>>, vector<16xf32>,
    %broadcast_in_dim3A_239 = arith.constant 0.000000e+00 : f32
    %broadcast_in_dim3A_240 = vector.broadcast %broadcast_in_dim3A_239 : f32 to vector<16xf32>
    %swap3A_241 = arith.constant 512 : index
    %swap3A_242 = tpu.vector_load %arg6[%swap3A_241] {strides = array<i32>} : memref<640xf32, #tpu.memory_space<vmem>>, vector<16xf32>,
    %swap3A_243 = vector.shape_cast %swap3A_242 : vector<16xf32> to vector<16xf32>
    %swap3A_244 = vector.shape_cast %broadcast_in_dim3A_240 : vector<16xf32> to vector<16xf32>
    tpu.vector_store %arg6[%swap3A_241], %swap3A_244 {strides = array<i32>} : memref<640xf32, #tpu.memory_space<vmem>>, vector<16xf32>,
    %broadcast_in_dim3A_245 = arith.constant 0.000000e+00 : f32
    %broadcast_in_dim3A_246 = vector.broadcast %broadcast_in_dim3A_245 : f32 to vector<16xf32>
    %swap3A_247 = arith.constant 528 : index
    %swap3A_248 = tpu.vector_load %arg6[%swap3A_247] {strides = array<i32>} : memref<640xf32, #tpu.memory_space<vmem>>, vector<16xf32>,
    %swap3A_249 = vector.shape_cast %swap3A_248 : vector<16xf32> to vector<16xf32>
    %swap3A_250 = vector.shape_cast %broadcast_in_dim3A_246 : vector<16xf32> to vector<16xf32>
    tpu.vector_store %arg6[%swap3A_247], %swap3A_250 {strides = array<i32>} : memref<640xf32, #tpu.memory_space<vmem>>, vector<16xf32>,
    %broadcast_in_dim3A_251 = arith.constant 0.000000e+00 : f32
    %broadcast_in_dim3A_252 = vector.broadcast %broadcast_in_dim3A_251 : f32 to vector<16xf32>
    %swap3A_253 = arith.constant 544 : index
    %swap3A_254 = tpu.vector_load %arg6[%swap3A_253] {strides = array<i32>} : memref<640xf32, #tpu.memory_space<vmem>>, vector<16xf32>,
    %swap3A_255 = vector.shape_cast %swap3A_254 : vector<16xf32> to vector<16xf32>
    %swap3A_256 = vector.shape_cast %broadcast_in_dim3A_252 : vector<16xf32> to vector<16xf32>
    tpu.vector_store %arg6[%swap3A_253], %swap3A_256 {strides = array<i32>} : memref<640xf32, #tpu.memory_space<vmem>>, vector<16xf32>,
    %broadcast_in_dim3A_257 = arith.constant 0.000000e+00 : f32
    %broadcast_in_dim3A_258 = vector.broadcast %broadcast_in_dim3A_257 : f32 to vector<16xf32>
    %swap3A_259 = arith.constant 560 : index
    %swap3A_260 = tpu.vector_load %arg6[%swap3A_259] {strides = array<i32>} : memref<640xf32, #tpu.memory_space<vmem>>, vector<16xf32>,
    %swap3A_261 = vector.shape_cast %swap3A_260 : vector<16xf32> to vector<16xf32>
    %swap3A_262 = vector.shape_cast %broadcast_in_dim3A_258 : vector<16xf32> to vector<16xf32>
    tpu.vector_store %arg6[%swap3A_259], %swap3A_262 {strides = array<i32>} : memref<640xf32, #tpu.memory_space<vmem>>, vector<16xf32>,
    %broadcast_in_dim3A_263 = arith.constant 0.000000e+00 : f32
    %broadcast_in_dim3A_264 = vector.broadcast %broadcast_in_dim3A_263 : f32 to vector<16xf32>
    %swap3A_265 = arith.constant 576 : index
    %swap3A_266 = tpu.vector_load %arg6[%swap3A_265] {strides = array<i32>} : memref<640xf32, #tpu.memory_space<vmem>>, vector<16xf32>,
    %swap3A_267 = vector.shape_cast %swap3A_266 : vector<16xf32> to vector<16xf32>
    %swap3A_268 = vector.shape_cast %broadcast_in_dim3A_264 : vector<16xf32> to vector<16xf32>
    tpu.vector_store %arg6[%swap3A_265], %swap3A_268 {strides = array<i32>} : memref<640xf32, #tpu.memory_space<vmem>>, vector<16xf32>,
    %broadcast_in_dim3A_269 = arith.constant 0.000000e+00 : f32
    %broadcast_in_dim3A_270 = vector.broadcast %broadcast_in_dim3A_269 : f32 to vector<16xf32>
    %swap3A_271 = arith.constant 592 : index
    %swap3A_272 = tpu.vector_load %arg6[%swap3A_271] {strides = array<i32>} : memref<640xf32, #tpu.memory_space<vmem>>, vector<16xf32>,
    %swap3A_273 = vector.shape_cast %swap3A_272 : vector<16xf32> to vector<16xf32>
    %swap3A_274 = vector.shape_cast %broadcast_in_dim3A_270 : vector<16xf32> to vector<16xf32>
    tpu.vector_store %arg6[%swap3A_271], %swap3A_274 {strides = array<i32>} : memref<640xf32, #tpu.memory_space<vmem>>, vector<16xf32>,
    %broadcast_in_dim3A_275 = arith.constant 0.000000e+00 : f32
    %broadcast_in_dim3A_276 = vector.broadcast %broadcast_in_dim3A_275 : f32 to vector<16xf32>
    %swap3A_277 = arith.constant 608 : index
    %swap3A_278 = tpu.vector_load %arg6[%swap3A_277] {strides = array<i32>} : memref<640xf32, #tpu.memory_space<vmem>>, vector<16xf32>,
    %swap3A_279 = vector.shape_cast %swap3A_278 : vector<16xf32> to vector<16xf32>
    %swap3A_280 = vector.shape_cast %broadcast_in_dim3A_276 : vector<16xf32> to vector<16xf32>
    tpu.vector_store %arg6[%swap3A_277], %swap3A_280 {strides = array<i32>} : memref<640xf32, #tpu.memory_space<vmem>>, vector<16xf32>,
    %broadcast_in_dim3A_281 = arith.constant 0.000000e+00 : f32
    %broadcast_in_dim3A_282 = vector.broadcast %broadcast_in_dim3A_281 : f32 to vector<16xf32>
    %swap3A_283 = arith.constant 624 : index
    %swap3A_284 = tpu.vector_load %arg6[%swap3A_283] {strides = array<i32>} : memref<640xf32, #tpu.memory_space<vmem>>, vector<16xf32>,
    %swap3A_285 = vector.shape_cast %swap3A_284 : vector<16xf32> to vector<16xf32>
    %swap3A_286 = vector.shape_cast %broadcast_in_dim3A_282 : vector<16xf32> to vector<16xf32>
    tpu.vector_store %arg6[%swap3A_283], %swap3A_286 {strides = array<i32>} : memref<640xf32, #tpu.memory_space<vmem>>, vector<16xf32>,
    %lt3A = arith.constant 15 : i32
    %lt3A_287 = arith.cmpi slt, %arg1, %lt3A : i32
    %convert_element_type3A = arith.extui %lt3A_287 : i1 to i32
    %cond3A = arith.constant 0 : i32
    %cond3A_288 = arith.cmpi ne, %convert_element_type3A, %cond3A : i32
    scf.if %cond3A_288 {
      %mul3A_327 = arith.constant 640 : i32
      %mul3A_328 = arith.muli %arg1, %mul3A_327 : i32
      "tpu.region"() ({
        %run_scoped3A_329 = tpu.sem_alloc : memref<!tpu.dma_semaphore, #tpu.memory_space<semaphore_mem>>
        %dma_start3A_330 = tpu.memref_slice %arg7[%mul3A_328] : memref<10000xf32, #tpu.memory_space<vmem_shared>> -> memref<640xf32, #tpu.memory_space<vmem_shared>>
        %dma_start3A_331 = tpu.memref_slice %arg7[%mul3A_328] : memref<10000xf32, #tpu.memory_space<vmem_shared>> -> memref<640xf32, #tpu.memory_space<vmem_shared>>
        tpu.enqueue_dma source(%arg6 : memref<640xf32, #tpu.memory_space<vmem>>) target(%dma_start3A_331 : memref<640xf32, #tpu.memory_space<vmem_shared>>) target_semaphore(%run_scoped3A_329 : memref<!tpu.dma_semaphore, #tpu.memory_space<semaphore_mem>>)
        %dma_wait3A_332 = tpu.memref_slice %arg7[%mul3A_328] : memref<10000xf32, #tpu.memory_space<vmem_shared>> -> memref<640xf32, #tpu.memory_space<vmem_shared>>
        %dma_wait3A_333 = tpu.memref_slice %arg7[%mul3A_328] : memref<10000xf32, #tpu.memory_space<vmem_shared>> -> memref<640xf32, #tpu.memory_space<vmem_shared>>
        tpu.wait_dma2 semaphore(%run_scoped3A_329 : memref<!tpu.dma_semaphore, #tpu.memory_space<semaphore_mem>>) src(%arg6 : memref<640xf32, #tpu.memory_space<vmem>>) dst(%dma_wait3A_333 : memref<640xf32, #tpu.memory_space<vmem_shared>>)
        tpu.yield
      }) : () -> ()
    } else {
    }
    %eq3A = arith.constant 15 : i32
    %eq3A_289 = arith.cmpi eq, %arg1, %eq3A : i32
    %convert_element_type3A_290 = arith.extui %eq3A_289 : i1 to i32
    %cond3A_291 = arith.constant 0 : i32
    %cond3A_292 = arith.cmpi ne, %convert_element_type3A_290, %cond3A_291 : i32
    scf.if %cond3A_292 {
      "tpu.region"() ({
        %run_scoped3A_327 = tpu.sem_alloc : memref<!tpu.dma_semaphore, #tpu.memory_space<semaphore_mem>>
        %dma_start3A_328 = arith.constant 0 : i32
        %dma_start3A_329 = tpu.memref_slice %arg6[%dma_start3A_328] : memref<640xf32, #tpu.memory_space<vmem>> -> memref<400xf32, #tpu.memory_space<vmem>>
        %dma_start3A_330 = arith.constant 9600 : i32
        %dma_start3A_331 = tpu.memref_slice %arg7[%dma_start3A_330] : memref<10000xf32, #tpu.memory_space<vmem_shared>> -> memref<400xf32, #tpu.memory_space<vmem_shared>>
        %dma_start3A_332 = arith.constant 9600 : i32
        %dma_start3A_333 = tpu.memref_slice %arg7[%dma_start3A_332] : memref<10000xf32, #tpu.memory_space<vmem_shared>> -> memref<400xf32, #tpu.memory_space<vmem_shared>>
        %dma_start3A_334 = arith.constant 0 : i32
        %dma_start3A_335 = tpu.memref_slice %arg6[%dma_start3A_334] : memref<640xf32, #tpu.memory_space<vmem>> -> memref<400xf32, #tpu.memory_space<vmem>>
        tpu.enqueue_dma source(%dma_start3A_335 : memref<400xf32, #tpu.memory_space<vmem>>) target(%dma_start3A_333 : memref<400xf32, #tpu.memory_space<vmem_shared>>) target_semaphore(%run_scoped3A_327 : memref<!tpu.dma_semaphore, #tpu.memory_space<semaphore_mem>>)
        %dma_wait3A_336 = arith.constant 0 : i32
        %dma_wait3A_337 = tpu.memref_slice %arg6[%dma_wait3A_336] : memref<640xf32, #tpu.memory_space<vmem>> -> memref<400xf32, #tpu.memory_space<vmem>>
        %dma_wait3A_338 = arith.constant 9600 : i32
        %dma_wait3A_339 = tpu.memref_slice %arg7[%dma_wait3A_338] : memref<10000xf32, #tpu.memory_space<vmem_shared>> -> memref<400xf32, #tpu.memory_space<vmem_shared>>
        %dma_wait3A_340 = arith.constant 9600 : i32
        %dma_wait3A_341 = tpu.memref_slice %arg7[%dma_wait3A_340] : memref<10000xf32, #tpu.memory_space<vmem_shared>> -> memref<400xf32, #tpu.memory_space<vmem_shared>>
        %dma_wait3A_342 = arith.constant 0 : i32
        %dma_wait3A_343 = tpu.memref_slice %arg6[%dma_wait3A_342] : memref<640xf32, #tpu.memory_space<vmem>> -> memref<400xf32, #tpu.memory_space<vmem>>
        tpu.wait_dma2 semaphore(%run_scoped3A_327 : memref<!tpu.dma_semaphore, #tpu.memory_space<semaphore_mem>>) src(%dma_wait3A_343 : memref<400xf32, #tpu.memory_space<vmem>>) dst(%dma_wait3A_341 : memref<400xf32, #tpu.memory_space<vmem_shared>>)
        tpu.yield
      }) : () -> ()
    } else {
    }
    %barrier3A = arith.constant 0 : index
    tpu.barrier barrier_id(%barrier3A)
    %mul3A_293 = arith.constant 10000 : i32
    %mul3A_294 = arith.muli %add3A, %mul3A_293 : i32
    %run_scoped3A = arith.constant 1 : i32
    "tpu.region"() ({
      %run_scoped3A_327 = tpu.sem_alloc : memref<!tpu.dma_semaphore, #tpu.memory_space<semaphore_mem>>
      %dma_start3A_328 = tpu.memref_slice %arg2[%run_scoped3A, %mul3A_294] : memref<2x320000xi32, #tpu.memory_space<hbm>> -> memref<1x10000xi32, #tpu.memory_space<hbm>>
      %dma_start3A_329 = tpu.memref_squeeze %dma_start3A_328 : memref<1x10000xi32, #tpu.memory_space<hbm>> -> memref<10000xi32, #tpu.memory_space<hbm>>
      %dma_start3A_330 = tpu.memref_slice %arg2[%run_scoped3A, %mul3A_294] : memref<2x320000xi32, #tpu.memory_space<hbm>> -> memref<1x10000xi32, #tpu.memory_space<hbm>>
      %dma_start3A_331 = tpu.memref_squeeze %dma_start3A_330 : memref<1x10000xi32, #tpu.memory_space<hbm>> -> memref<10000xi32, #tpu.memory_space<hbm>>
      tpu.enqueue_dma source(%dma_start3A_331 : memref<10000xi32, #tpu.memory_space<hbm>>) target(%arg4 : memref<10000xi32, #tpu.memory_space<vmem>>) target_semaphore(%run_scoped3A_327 : memref<!tpu.dma_semaphore, #tpu.memory_space<semaphore_mem>>)
      %dma_wait3A_332 = tpu.memref_slice %arg2[%run_scoped3A, %mul3A_294] : memref<2x320000xi32, #tpu.memory_space<hbm>> -> memref<1x10000xi32, #tpu.memory_space<hbm>>
      %dma_wait3A_333 = tpu.memref_squeeze %dma_wait3A_332 : memref<1x10000xi32, #tpu.memory_space<hbm>> -> memref<10000xi32, #tpu.memory_space<hbm>>
      %dma_wait3A_334 = tpu.memref_slice %arg2[%run_scoped3A, %mul3A_294] : memref<2x320000xi32, #tpu.memory_space<hbm>> -> memref<1x10000xi32, #tpu.memory_space<hbm>>
      %dma_wait3A_335 = tpu.memref_squeeze %dma_wait3A_334 : memref<1x10000xi32, #tpu.memory_space<hbm>> -> memref<10000xi32, #tpu.memory_space<hbm>>
      tpu.wait_dma2 semaphore(%run_scoped3A_327 : memref<!tpu.dma_semaphore, #tpu.memory_space<semaphore_mem>>) src(%dma_wait3A_335 : memref<10000xi32, #tpu.memory_space<hbm>>) dst(%arg4 : memref<10000xi32, #tpu.memory_space<vmem>>)
      tpu.yield
    }) : () -> ()
    %scan3A = arith.constant 0 : i32
    %scan3A_295 = arith.constant 0 : i32
    %scan3A_296 = arith.constant 78 : i32
    %scan3A_297 = arith.addi %scan3A_295, %scan3A_296 : i32
    %scan3A_298 = arith.constant 1 : i32
    scf.for %scan3A_327 = %scan3A_295 to %scan3A_297 step %scan3A_298  : i32 {
      %mul3A_328 = arith.constant 128 : i32
      %mul3A_329 = arith.muli %scan3A_327, %mul3A_328 : i32
      %dma_start3A_330 = tpu.memref_slice %arg4[%mul3A_329] : memref<10000xi32, #tpu.memory_space<vmem>> -> memref<128xi32, #tpu.memory_space<vmem>>
      %dma_start3A_331 = arith.constant 0 : i32
      %dma_start3A_332 = tpu.memref_slice %arg7[%dma_start3A_331] : memref<10000xf32, #tpu.memory_space<vmem_shared>> -> memref<10000xf32, #tpu.memory_space<vmem_shared>>
      tpu.enqueue_indirect_dma source(%arg5 : memref<128xf32, #tpu.memory_space<vmem>>) target(%dma_start3A_332 : memref<10000xf32, #tpu.memory_space<vmem_shared>>) offsets(%dma_start3A_330 : memref<128xi32, #tpu.memory_space<vmem>>) semaphore(%arg8 : memref<!tpu.dma_semaphore, #tpu.memory_space<semaphore_mem>>) {add = true}
    }
    %scan3A_299 = arith.constant 78 : i32
    %dma_start3A = arith.constant 0 : i32
    %dma_start3A_300 = tpu.memref_slice %arg5[%dma_start3A] : memref<128xf32, #tpu.memory_space<vmem>> -> memref<16xf32, #tpu.memory_space<vmem>>
    %dma_start3A_301 = arith.constant 9984 : i32
    %dma_start3A_302 = tpu.memref_slice %arg4[%dma_start3A_301] : memref<10000xi32, #tpu.memory_space<vmem>> -> memref<16xi32, #tpu.memory_space<vmem>>
    %dma_start3A_303 = arith.constant 0 : i32
    %dma_start3A_304 = tpu.memref_slice %arg7[%dma_start3A_303] : memref<10000xf32, #tpu.memory_space<vmem_shared>> -> memref<10000xf32, #tpu.memory_space<vmem_shared>>
    tpu.enqueue_indirect_dma source(%dma_start3A_300 : memref<16xf32, #tpu.memory_space<vmem>>) target(%dma_start3A_304 : memref<10000xf32, #tpu.memory_space<vmem_shared>>) offsets(%dma_start3A_302 : memref<16xi32, #tpu.memory_space<vmem>>) semaphore(%arg8 : memref<!tpu.dma_semaphore, #tpu.memory_space<semaphore_mem>>) {add = true}
    %scan3A_305 = arith.constant 0 : i32
    %scan3A_306 = arith.constant 0 : i32
    %scan3A_307 = arith.constant 78 : i32
    %scan3A_308 = arith.addi %scan3A_306, %scan3A_307 : i32
    %scan3A_309 = arith.constant 1 : i32
    scf.for %scan3A_327 = %scan3A_306 to %scan3A_308 step %scan3A_309  : i32 {
      %mul3A_328 = arith.constant 128 : i32
      %mul3A_329 = arith.muli %scan3A_327, %mul3A_328 : i32
      %dma_wait3A_330 = tpu.memref_slice %arg4[%mul3A_329] : memref<10000xi32, #tpu.memory_space<vmem>> -> memref<128xi32, #tpu.memory_space<vmem>>
      %dma_wait3A_331 = arith.constant 0 : i32
      %dma_wait3A_332 = tpu.memref_slice %arg7[%dma_wait3A_331] : memref<10000xf32, #tpu.memory_space<vmem_shared>> -> memref<10000xf32, #tpu.memory_space<vmem_shared>>
      tpu.wait_indirect_dma semaphore(%arg8 : memref<!tpu.dma_semaphore, #tpu.memory_space<semaphore_mem>>) src(%arg5 : memref<128xf32, #tpu.memory_space<vmem>>) dst(%dma_wait3A_332 : memref<10000xf32, #tpu.memory_space<vmem_shared>>)
    }
    %scan3A_310 = arith.constant 78 : i32
    %dma_wait3A = arith.constant 0 : i32
    %dma_wait3A_311 = tpu.memref_slice %arg5[%dma_wait3A] : memref<128xf32, #tpu.memory_space<vmem>> -> memref<16xf32, #tpu.memory_space<vmem>>
    %dma_wait3A_312 = arith.constant 9984 : i32
    %dma_wait3A_313 = tpu.memref_slice %arg4[%dma_wait3A_312] : memref<10000xi32, #tpu.memory_space<vmem>> -> memref<16xi32, #tpu.memory_space<vmem>>
    %dma_wait3A_314 = arith.constant 0 : i32
    %dma_wait3A_315 = tpu.memref_slice %arg7[%dma_wait3A_314] : memref<10000xf32, #tpu.memory_space<vmem_shared>> -> memref<10000xf32, #tpu.memory_space<vmem_shared>>
    tpu.wait_indirect_dma semaphore(%arg8 : memref<!tpu.dma_semaphore, #tpu.memory_space<semaphore_mem>>) src(%dma_wait3A_311 : memref<16xf32, #tpu.memory_space<vmem>>) dst(%dma_wait3A_315 : memref<10000xf32, #tpu.memory_space<vmem_shared>>)
    %barrier3A_316 = arith.constant 0 : index
    tpu.barrier barrier_id(%barrier3A_316)
    %lt3A_317 = arith.constant 15 : i32
    %lt3A_318 = arith.cmpi slt, %arg1, %lt3A_317 : i32
    %convert_element_type3A_319 = arith.extui %lt3A_318 : i1 to i32
    %cond3A_320 = arith.constant 0 : i32
    %cond3A_321 = arith.cmpi ne, %convert_element_type3A_319, %cond3A_320 : i32
    scf.if %cond3A_321 {
      %mul3A_327 = arith.constant 640 : i32
      %mul3A_328 = arith.muli %arg1, %mul3A_327 : i32
      %mul3A_329 = arith.constant 640 : i32
      %mul3A_330 = arith.muli %arg1, %mul3A_329 : i32
      "tpu.region"() ({
        %run_scoped3A_331 = tpu.sem_alloc : memref<!tpu.dma_semaphore, #tpu.memory_space<semaphore_mem>>
        %dma_start3A_332 = tpu.memref_slice %arg3[%arg0, %mul3A_330] : memref<2x10000xf32, #tpu.memory_space<hbm>> -> memref<1x640xf32, #tpu.memory_space<hbm>>
        %dma_start3A_333 = tpu.memref_squeeze %dma_start3A_332 : memref<1x640xf32, #tpu.memory_space<hbm>> -> memref<640xf32, #tpu.memory_space<hbm>>
        %dma_start3A_334 = tpu.memref_slice %arg7[%mul3A_328] : memref<10000xf32, #tpu.memory_space<vmem_shared>> -> memref<640xf32, #tpu.memory_space<vmem_shared>>
        tpu.enqueue_dma source(%dma_start3A_334 : memref<640xf32, #tpu.memory_space<vmem_shared>>) target(%dma_start3A_333 : memref<640xf32, #tpu.memory_space<hbm>>) target_semaphore(%run_scoped3A_331 : memref<!tpu.dma_semaphore, #tpu.memory_space<semaphore_mem>>)
        %dma_wait3A_335 = tpu.memref_slice %arg3[%arg0, %mul3A_330] : memref<2x10000xf32, #tpu.memory_space<hbm>> -> memref<1x640xf32, #tpu.memory_space<hbm>>
        %dma_wait3A_336 = tpu.memref_squeeze %dma_wait3A_335 : memref<1x640xf32, #tpu.memory_space<hbm>> -> memref<640xf32, #tpu.memory_space<hbm>>
        %dma_wait3A_337 = tpu.memref_slice %arg7[%mul3A_328] : memref<10000xf32, #tpu.memory_space<vmem_shared>> -> memref<640xf32, #tpu.memory_space<vmem_shared>>
        tpu.wait_dma2 semaphore(%run_scoped3A_331 : memref<!tpu.dma_semaphore, #tpu.memory_space<semaphore_mem>>) src(%dma_wait3A_337 : memref<640xf32, #tpu.memory_space<vmem_shared>>) dst(%dma_wait3A_336 : memref<640xf32, #tpu.memory_space<hbm>>)
        tpu.yield
      }) : () -> ()
    } else {
    }
    %eq3A_322 = arith.constant 15 : i32
    %eq3A_323 = arith.cmpi eq, %arg1, %eq3A_322 : i32
    %convert_element_type3A_324 = arith.extui %eq3A_323 : i1 to i32
    %cond3A_325 = arith.constant 0 : i32
    %cond3A_326 = arith.cmpi ne, %convert_element_type3A_324, %cond3A_325 : i32
    scf.if %cond3A_326 {
      "tpu.region"() ({
        %run_scoped3A_327 = tpu.sem_alloc : memref<!tpu.dma_semaphore, #tpu.memory_space<semaphore_mem>>
        %dma_start3A_328 = arith.constant 9600 : i32
        %dma_start3A_329 = tpu.memref_slice %arg3[%arg0, %dma_start3A_328] : memref<2x10000xf32, #tpu.memory_space<hbm>> -> memref<1x400xf32, #tpu.memory_space<hbm>>
        %dma_start3A_330 = tpu.memref_squeeze %dma_start3A_329 : memref<1x400xf32, #tpu.memory_space<hbm>> -> memref<400xf32, #tpu.memory_space<hbm>>
        %dma_start3A_331 = arith.constant 9600 : i32
        %dma_start3A_332 = tpu.memref_slice %arg7[%dma_start3A_331] : memref<10000xf32, #tpu.memory_space<vmem_shared>> -> memref<400xf32, #tpu.memory_space<vmem_shared>>
        tpu.enqueue_dma source(%dma_start3A_332 : memref<400xf32, #tpu.memory_space<vmem_shared>>) target(%dma_start3A_330 : memref<400xf32, #tpu.memory_space<hbm>>) target_semaphore(%run_scoped3A_327 : memref<!tpu.dma_semaphore, #tpu.memory_space<semaphore_mem>>)
        %dma_wait3A_333 = arith.constant 9600 : i32
        %dma_wait3A_334 = tpu.memref_slice %arg3[%arg0, %dma_wait3A_333] : memref<2x10000xf32, #tpu.memory_space<hbm>> -> memref<1x400xf32, #tpu.memory_space<hbm>>
        %dma_wait3A_335 = tpu.memref_squeeze %dma_wait3A_334 : memref<1x400xf32, #tpu.memory_space<hbm>> -> memref<400xf32, #tpu.memory_space<hbm>>
        %dma_wait3A_336 = arith.constant 9600 : i32
        %dma_wait3A_337 = tpu.memref_slice %arg7[%dma_wait3A_336] : memref<10000xf32, #tpu.memory_space<vmem_shared>> -> memref<400xf32, #tpu.memory_space<vmem_shared>>
        tpu.wait_dma2 semaphore(%run_scoped3A_327 : memref<!tpu.dma_semaphore, #tpu.memory_space<semaphore_mem>>) src(%dma_wait3A_337 : memref<400xf32, #tpu.memory_space<vmem_shared>>) dst(%dma_wait3A_335 : memref<400xf32, #tpu.memory_space<hbm>>)
        tpu.yield
      }) : () -> ()
    } else {
    }
    return
  }
}

#map = affine_map<(d0, d1) -> (0, 0)>
#map1 = affine_map<(d0, d1) -> (0, 0, 0)>
module attributes {stable_mosaic.version = 14 : i64} {
  func.func @body(%arg0: i32, %arg1: i32, %arg2: memref<10000x32xf32, #tpu.memory_space<hbm>>, %arg3: memref<2x320000xi32, #tpu.memory_space<hbm>>, %arg4: memref<2x10000x32xf32, #tpu.memory_space<hbm>>, %arg5: memref<10000xi32, #tpu.memory_space<vmem>>, %arg6: memref<10000xi32, #tpu.memory_space<vmem>>, %arg7: memref<8x128x32xf32, #tpu.memory_space<vmem>>, %arg8: memref<16x32xf32, #tpu.memory_space<vmem>>, %arg9: memref<64x32xf32, #tpu.memory_space<vmem>>, %arg10: memref<10000x32xf32, #tpu.memory_space<vmem_shared>>, %arg11: memref<8x!tpu.dma_semaphore, #tpu.memory_space<semaphore_mem>>, %arg12: memref<8x!tpu.dma_semaphore, #tpu.memory_space<semaphore_mem>>, %arg13: memref<!tpu.dma_semaphore, #tpu.memory_space<semaphore_mem>>) attributes {dimension_semantics = [#tpu.dimension_semantics<core_parallel>, #tpu.dimension_semantics<subcore_parallel>], iteration_bounds = array<i64: 2, 16>, scalar_prefetch = 0 : i64, scratch_operands = 9 : i64, tpu.core_type = #tpu.core_type<sc_vector_subcore>, window_params = [{transform_indices = #map}, {transform_indices = #map}, {transform_indices = #map1}]} {
    %mul3A = arith.constant 2 : i32
    %mul3A_0 = arith.muli %arg1, %mul3A : i32
    %add3A = arith.addi %mul3A_0, %arg0 : i32
    %mul3A_1 = arith.constant 625 : i32
    %mul3A_2 = arith.muli %arg1, %mul3A_1 : i32
    %broadcast_in_dim3A = arith.constant 0.000000e+00 : f32
    %broadcast_in_dim3A_3 = vector.broadcast %broadcast_in_dim3A : f32 to vector<16xf32>
    %swap3A = arith.constant 0 : i32
    %swap3A_4 = arith.index_cast %swap3A : i32 to index
    %swap3A_5 = arith.constant 0 : index
    %swap3A_6 = tpu.vector_load %arg9[%swap3A_4, %swap3A_5] {strides = array<i32>} : memref<64x32xf32, #tpu.memory_space<vmem>>, vector<1x16xf32>,
    %swap3A_7 = vector.shape_cast %swap3A_6 : vector<1x16xf32> to vector<16xf32>
    %swap3A_8 = vector.shape_cast %broadcast_in_dim3A_3 : vector<16xf32> to vector<1x16xf32>
    tpu.vector_store %arg9[%swap3A_4, %swap3A_5], %swap3A_8 {strides = array<i32>} : memref<64x32xf32, #tpu.memory_space<vmem>>, vector<1x16xf32>,
    %broadcast_in_dim3A_9 = arith.constant 0.000000e+00 : f32
    %broadcast_in_dim3A_10 = vector.broadcast %broadcast_in_dim3A_9 : f32 to vector<16xf32>
    %swap3A_11 = arith.constant 0 : i32
    %swap3A_12 = arith.index_cast %swap3A_11 : i32 to index
    %swap3A_13 = arith.constant 16 : index
    %swap3A_14 = tpu.vector_load %arg9[%swap3A_12, %swap3A_13] {strides = array<i32>} : memref<64x32xf32, #tpu.memory_space<vmem>>, vector<1x16xf32>,
    %swap3A_15 = vector.shape_cast %swap3A_14 : vector<1x16xf32> to vector<16xf32>
    %swap3A_16 = vector.shape_cast %broadcast_in_dim3A_10 : vector<16xf32> to vector<1x16xf32>
    tpu.vector_store %arg9[%swap3A_12, %swap3A_13], %swap3A_16 {strides = array<i32>} : memref<64x32xf32, #tpu.memory_space<vmem>>, vector<1x16xf32>,
    %broadcast_in_dim3A_17 = arith.constant 0.000000e+00 : f32
    %broadcast_in_dim3A_18 = vector.broadcast %broadcast_in_dim3A_17 : f32 to vector<16xf32>
    %swap3A_19 = arith.constant 1 : i32
    %swap3A_20 = arith.index_cast %swap3A_19 : i32 to index
    %swap3A_21 = arith.constant 0 : index
    %swap3A_22 = tpu.vector_load %arg9[%swap3A_20, %swap3A_21] {strides = array<i32>} : memref<64x32xf32, #tpu.memory_space<vmem>>, vector<1x16xf32>,
    %swap3A_23 = vector.shape_cast %swap3A_22 : vector<1x16xf32> to vector<16xf32>
    %swap3A_24 = vector.shape_cast %broadcast_in_dim3A_18 : vector<16xf32> to vector<1x16xf32>
    tpu.vector_store %arg9[%swap3A_20, %swap3A_21], %swap3A_24 {strides = array<i32>} : memref<64x32xf32, #tpu.memory_space<vmem>>, vector<1x16xf32>,
    %broadcast_in_dim3A_25 = arith.constant 0.000000e+00 : f32
    %broadcast_in_dim3A_26 = vector.broadcast %broadcast_in_dim3A_25 : f32 to vector<16xf32>
    %swap3A_27 = arith.constant 1 : i32
    %swap3A_28 = arith.index_cast %swap3A_27 : i32 to index
    %swap3A_29 = arith.constant 16 : index
    %swap3A_30 = tpu.vector_load %arg9[%swap3A_28, %swap3A_29] {strides = array<i32>} : memref<64x32xf32, #tpu.memory_space<vmem>>, vector<1x16xf32>,
    %swap3A_31 = vector.shape_cast %swap3A_30 : vector<1x16xf32> to vector<16xf32>
    %swap3A_32 = vector.shape_cast %broadcast_in_dim3A_26 : vector<16xf32> to vector<1x16xf32>
    tpu.vector_store %arg9[%swap3A_28, %swap3A_29], %swap3A_32 {strides = array<i32>} : memref<64x32xf32, #tpu.memory_space<vmem>>, vector<1x16xf32>,
    %broadcast_in_dim3A_33 = arith.constant 0.000000e+00 : f32
    %broadcast_in_dim3A_34 = vector.broadcast %broadcast_in_dim3A_33 : f32 to vector<16xf32>
    %swap3A_35 = arith.constant 2 : i32
    %swap3A_36 = arith.index_cast %swap3A_35 : i32 to index
    %swap3A_37 = arith.constant 0 : index
    %swap3A_38 = tpu.vector_load %arg9[%swap3A_36, %swap3A_37] {strides = array<i32>} : memref<64x32xf32, #tpu.memory_space<vmem>>, vector<1x16xf32>,
    %swap3A_39 = vector.shape_cast %swap3A_38 : vector<1x16xf32> to vector<16xf32>
    %swap3A_40 = vector.shape_cast %broadcast_in_dim3A_34 : vector<16xf32> to vector<1x16xf32>
    tpu.vector_store %arg9[%swap3A_36, %swap3A_37], %swap3A_40 {strides = array<i32>} : memref<64x32xf32, #tpu.memory_space<vmem>>, vector<1x16xf32>,
    %broadcast_in_dim3A_41 = arith.constant 0.000000e+00 : f32
    %broadcast_in_dim3A_42 = vector.broadcast %broadcast_in_dim3A_41 : f32 to vector<16xf32>
    %swap3A_43 = arith.constant 2 : i32
    %swap3A_44 = arith.index_cast %swap3A_43 : i32 to index
    %swap3A_45 = arith.constant 16 : index
    %swap3A_46 = tpu.vector_load %arg9[%swap3A_44, %swap3A_45] {strides = array<i32>} : memref<64x32xf32, #tpu.memory_space<vmem>>, vector<1x16xf32>,
    %swap3A_47 = vector.shape_cast %swap3A_46 : vector<1x16xf32> to vector<16xf32>
    %swap3A_48 = vector.shape_cast %broadcast_in_dim3A_42 : vector<16xf32> to vector<1x16xf32>
    tpu.vector_store %arg9[%swap3A_44, %swap3A_45], %swap3A_48 {strides = array<i32>} : memref<64x32xf32, #tpu.memory_space<vmem>>, vector<1x16xf32>,
    %broadcast_in_dim3A_49 = arith.constant 0.000000e+00 : f32
    %broadcast_in_dim3A_50 = vector.broadcast %broadcast_in_dim3A_49 : f32 to vector<16xf32>
    %swap3A_51 = arith.constant 3 : i32
    %swap3A_52 = arith.index_cast %swap3A_51 : i32 to index
    %swap3A_53 = arith.constant 0 : index
    %swap3A_54 = tpu.vector_load %arg9[%swap3A_52, %swap3A_53] {strides = array<i32>} : memref<64x32xf32, #tpu.memory_space<vmem>>, vector<1x16xf32>,
    %swap3A_55 = vector.shape_cast %swap3A_54 : vector<1x16xf32> to vector<16xf32>
    %swap3A_56 = vector.shape_cast %broadcast_in_dim3A_50 : vector<16xf32> to vector<1x16xf32>
    tpu.vector_store %arg9[%swap3A_52, %swap3A_53], %swap3A_56 {strides = array<i32>} : memref<64x32xf32, #tpu.memory_space<vmem>>, vector<1x16xf32>,
    %broadcast_in_dim3A_57 = arith.constant 0.000000e+00 : f32
    %broadcast_in_dim3A_58 = vector.broadcast %broadcast_in_dim3A_57 : f32 to vector<16xf32>
    %swap3A_59 = arith.constant 3 : i32
    %swap3A_60 = arith.index_cast %swap3A_59 : i32 to index
    %swap3A_61 = arith.constant 16 : index
    %swap3A_62 = tpu.vector_load %arg9[%swap3A_60, %swap3A_61] {strides = array<i32>} : memref<64x32xf32, #tpu.memory_space<vmem>>, vector<1x16xf32>,
    %swap3A_63 = vector.shape_cast %swap3A_62 : vector<1x16xf32> to vector<16xf32>
    %swap3A_64 = vector.shape_cast %broadcast_in_dim3A_58 : vector<16xf32> to vector<1x16xf32>
    tpu.vector_store %arg9[%swap3A_60, %swap3A_61], %swap3A_64 {strides = array<i32>} : memref<64x32xf32, #tpu.memory_space<vmem>>, vector<1x16xf32>,
    %broadcast_in_dim3A_65 = arith.constant 0.000000e+00 : f32
    %broadcast_in_dim3A_66 = vector.broadcast %broadcast_in_dim3A_65 : f32 to vector<16xf32>
    %swap3A_67 = arith.constant 4 : i32
    %swap3A_68 = arith.index_cast %swap3A_67 : i32 to index
    %swap3A_69 = arith.constant 0 : index
    %swap3A_70 = tpu.vector_load %arg9[%swap3A_68, %swap3A_69] {strides = array<i32>} : memref<64x32xf32, #tpu.memory_space<vmem>>, vector<1x16xf32>,
    %swap3A_71 = vector.shape_cast %swap3A_70 : vector<1x16xf32> to vector<16xf32>
    %swap3A_72 = vector.shape_cast %broadcast_in_dim3A_66 : vector<16xf32> to vector<1x16xf32>
    tpu.vector_store %arg9[%swap3A_68, %swap3A_69], %swap3A_72 {strides = array<i32>} : memref<64x32xf32, #tpu.memory_space<vmem>>, vector<1x16xf32>,
    %broadcast_in_dim3A_73 = arith.constant 0.000000e+00 : f32
    %broadcast_in_dim3A_74 = vector.broadcast %broadcast_in_dim3A_73 : f32 to vector<16xf32>
    %swap3A_75 = arith.constant 4 : i32
    %swap3A_76 = arith.index_cast %swap3A_75 : i32 to index
    %swap3A_77 = arith.constant 16 : index
    %swap3A_78 = tpu.vector_load %arg9[%swap3A_76, %swap3A_77] {strides = array<i32>} : memref<64x32xf32, #tpu.memory_space<vmem>>, vector<1x16xf32>,
    %swap3A_79 = vector.shape_cast %swap3A_78 : vector<1x16xf32> to vector<16xf32>
    %swap3A_80 = vector.shape_cast %broadcast_in_dim3A_74 : vector<16xf32> to vector<1x16xf32>
    tpu.vector_store %arg9[%swap3A_76, %swap3A_77], %swap3A_80 {strides = array<i32>} : memref<64x32xf32, #tpu.memory_space<vmem>>, vector<1x16xf32>,
    %broadcast_in_dim3A_81 = arith.constant 0.000000e+00 : f32
    %broadcast_in_dim3A_82 = vector.broadcast %broadcast_in_dim3A_81 : f32 to vector<16xf32>
    %swap3A_83 = arith.constant 5 : i32
    %swap3A_84 = arith.index_cast %swap3A_83 : i32 to index
    %swap3A_85 = arith.constant 0 : index
    %swap3A_86 = tpu.vector_load %arg9[%swap3A_84, %swap3A_85] {strides = array<i32>} : memref<64x32xf32, #tpu.memory_space<vmem>>, vector<1x16xf32>,
    %swap3A_87 = vector.shape_cast %swap3A_86 : vector<1x16xf32> to vector<16xf32>
    %swap3A_88 = vector.shape_cast %broadcast_in_dim3A_82 : vector<16xf32> to vector<1x16xf32>
    tpu.vector_store %arg9[%swap3A_84, %swap3A_85], %swap3A_88 {strides = array<i32>} : memref<64x32xf32, #tpu.memory_space<vmem>>, vector<1x16xf32>,
    %broadcast_in_dim3A_89 = arith.constant 0.000000e+00 : f32
    %broadcast_in_dim3A_90 = vector.broadcast %broadcast_in_dim3A_89 : f32 to vector<16xf32>
    %swap3A_91 = arith.constant 5 : i32
    %swap3A_92 = arith.index_cast %swap3A_91 : i32 to index
    %swap3A_93 = arith.constant 16 : index
    %swap3A_94 = tpu.vector_load %arg9[%swap3A_92, %swap3A_93] {strides = array<i32>} : memref<64x32xf32, #tpu.memory_space<vmem>>, vector<1x16xf32>,
    %swap3A_95 = vector.shape_cast %swap3A_94 : vector<1x16xf32> to vector<16xf32>
    %swap3A_96 = vector.shape_cast %broadcast_in_dim3A_90 : vector<16xf32> to vector<1x16xf32>
    tpu.vector_store %arg9[%swap3A_92, %swap3A_93], %swap3A_96 {strides = array<i32>} : memref<64x32xf32, #tpu.memory_space<vmem>>, vector<1x16xf32>,
    %broadcast_in_dim3A_97 = arith.constant 0.000000e+00 : f32
    %broadcast_in_dim3A_98 = vector.broadcast %broadcast_in_dim3A_97 : f32 to vector<16xf32>
    %swap3A_99 = arith.constant 6 : i32
    %swap3A_100 = arith.index_cast %swap3A_99 : i32 to index
    %swap3A_101 = arith.constant 0 : index
    %swap3A_102 = tpu.vector_load %arg9[%swap3A_100, %swap3A_101] {strides = array<i32>} : memref<64x32xf32, #tpu.memory_space<vmem>>, vector<1x16xf32>,
    %swap3A_103 = vector.shape_cast %swap3A_102 : vector<1x16xf32> to vector<16xf32>
    %swap3A_104 = vector.shape_cast %broadcast_in_dim3A_98 : vector<16xf32> to vector<1x16xf32>
    tpu.vector_store %arg9[%swap3A_100, %swap3A_101], %swap3A_104 {strides = array<i32>} : memref<64x32xf32, #tpu.memory_space<vmem>>, vector<1x16xf32>,
    %broadcast_in_dim3A_105 = arith.constant 0.000000e+00 : f32
    %broadcast_in_dim3A_106 = vector.broadcast %broadcast_in_dim3A_105 : f32 to vector<16xf32>
    %swap3A_107 = arith.constant 6 : i32
    %swap3A_108 = arith.index_cast %swap3A_107 : i32 to index
    %swap3A_109 = arith.constant 16 : index
    %swap3A_110 = tpu.vector_load %arg9[%swap3A_108, %swap3A_109] {strides = array<i32>} : memref<64x32xf32, #tpu.memory_space<vmem>>, vector<1x16xf32>,
    %swap3A_111 = vector.shape_cast %swap3A_110 : vector<1x16xf32> to vector<16xf32>
    %swap3A_112 = vector.shape_cast %broadcast_in_dim3A_106 : vector<16xf32> to vector<1x16xf32>
    tpu.vector_store %arg9[%swap3A_108, %swap3A_109], %swap3A_112 {strides = array<i32>} : memref<64x32xf32, #tpu.memory_space<vmem>>, vector<1x16xf32>,
    %broadcast_in_dim3A_113 = arith.constant 0.000000e+00 : f32
    %broadcast_in_dim3A_114 = vector.broadcast %broadcast_in_dim3A_113 : f32 to vector<16xf32>
    %swap3A_115 = arith.constant 7 : i32
    %swap3A_116 = arith.index_cast %swap3A_115 : i32 to index
    %swap3A_117 = arith.constant 0 : index
    %swap3A_118 = tpu.vector_load %arg9[%swap3A_116, %swap3A_117] {strides = array<i32>} : memref<64x32xf32, #tpu.memory_space<vmem>>, vector<1x16xf32>,
    %swap3A_119 = vector.shape_cast %swap3A_118 : vector<1x16xf32> to vector<16xf32>
    %swap3A_120 = vector.shape_cast %broadcast_in_dim3A_114 : vector<16xf32> to vector<1x16xf32>
    tpu.vector_store %arg9[%swap3A_116, %swap3A_117], %swap3A_120 {strides = array<i32>} : memref<64x32xf32, #tpu.memory_space<vmem>>, vector<1x16xf32>,
    %broadcast_in_dim3A_121 = arith.constant 0.000000e+00 : f32
    %broadcast_in_dim3A_122 = vector.broadcast %broadcast_in_dim3A_121 : f32 to vector<16xf32>
    %swap3A_123 = arith.constant 7 : i32
    %swap3A_124 = arith.index_cast %swap3A_123 : i32 to index
    %swap3A_125 = arith.constant 16 : index
    %swap3A_126 = tpu.vector_load %arg9[%swap3A_124, %swap3A_125] {strides = array<i32>} : memref<64x32xf32, #tpu.memory_space<vmem>>, vector<1x16xf32>,
    %swap3A_127 = vector.shape_cast %swap3A_126 : vector<1x16xf32> to vector<16xf32>
    %swap3A_128 = vector.shape_cast %broadcast_in_dim3A_122 : vector<16xf32> to vector<1x16xf32>
    tpu.vector_store %arg9[%swap3A_124, %swap3A_125], %swap3A_128 {strides = array<i32>} : memref<64x32xf32, #tpu.memory_space<vmem>>, vector<1x16xf32>,
    %broadcast_in_dim3A_129 = arith.constant 0.000000e+00 : f32
    %broadcast_in_dim3A_130 = vector.broadcast %broadcast_in_dim3A_129 : f32 to vector<16xf32>
    %swap3A_131 = arith.constant 8 : i32
    %swap3A_132 = arith.index_cast %swap3A_131 : i32 to index
    %swap3A_133 = arith.constant 0 : index
    %swap3A_134 = tpu.vector_load %arg9[%swap3A_132, %swap3A_133] {strides = array<i32>} : memref<64x32xf32, #tpu.memory_space<vmem>>, vector<1x16xf32>,
    %swap3A_135 = vector.shape_cast %swap3A_134 : vector<1x16xf32> to vector<16xf32>
    %swap3A_136 = vector.shape_cast %broadcast_in_dim3A_130 : vector<16xf32> to vector<1x16xf32>
    tpu.vector_store %arg9[%swap3A_132, %swap3A_133], %swap3A_136 {strides = array<i32>} : memref<64x32xf32, #tpu.memory_space<vmem>>, vector<1x16xf32>,
    %broadcast_in_dim3A_137 = arith.constant 0.000000e+00 : f32
    %broadcast_in_dim3A_138 = vector.broadcast %broadcast_in_dim3A_137 : f32 to vector<16xf32>
    %swap3A_139 = arith.constant 8 : i32
    %swap3A_140 = arith.index_cast %swap3A_139 : i32 to index
    %swap3A_141 = arith.constant 16 : index
    %swap3A_142 = tpu.vector_load %arg9[%swap3A_140, %swap3A_141] {strides = array<i32>} : memref<64x32xf32, #tpu.memory_space<vmem>>, vector<1x16xf32>,
    %swap3A_143 = vector.shape_cast %swap3A_142 : vector<1x16xf32> to vector<16xf32>
    %swap3A_144 = vector.shape_cast %broadcast_in_dim3A_138 : vector<16xf32> to vector<1x16xf32>
    tpu.vector_store %arg9[%swap3A_140, %swap3A_141], %swap3A_144 {strides = array<i32>} : memref<64x32xf32, #tpu.memory_space<vmem>>, vector<1x16xf32>,
    %broadcast_in_dim3A_145 = arith.constant 0.000000e+00 : f32
    %broadcast_in_dim3A_146 = vector.broadcast %broadcast_in_dim3A_145 : f32 to vector<16xf32>
    %swap3A_147 = arith.constant 9 : i32
    %swap3A_148 = arith.index_cast %swap3A_147 : i32 to index
    %swap3A_149 = arith.constant 0 : index
    %swap3A_150 = tpu.vector_load %arg9[%swap3A_148, %swap3A_149] {strides = array<i32>} : memref<64x32xf32, #tpu.memory_space<vmem>>, vector<1x16xf32>,
    %swap3A_151 = vector.shape_cast %swap3A_150 : vector<1x16xf32> to vector<16xf32>
    %swap3A_152 = vector.shape_cast %broadcast_in_dim3A_146 : vector<16xf32> to vector<1x16xf32>
    tpu.vector_store %arg9[%swap3A_148, %swap3A_149], %swap3A_152 {strides = array<i32>} : memref<64x32xf32, #tpu.memory_space<vmem>>, vector<1x16xf32>,
    %broadcast_in_dim3A_153 = arith.constant 0.000000e+00 : f32
    %broadcast_in_dim3A_154 = vector.broadcast %broadcast_in_dim3A_153 : f32 to vector<16xf32>
    %swap3A_155 = arith.constant 9 : i32
    %swap3A_156 = arith.index_cast %swap3A_155 : i32 to index
    %swap3A_157 = arith.constant 16 : index
    %swap3A_158 = tpu.vector_load %arg9[%swap3A_156, %swap3A_157] {strides = array<i32>} : memref<64x32xf32, #tpu.memory_space<vmem>>, vector<1x16xf32>,
    %swap3A_159 = vector.shape_cast %swap3A_158 : vector<1x16xf32> to vector<16xf32>
    %swap3A_160 = vector.shape_cast %broadcast_in_dim3A_154 : vector<16xf32> to vector<1x16xf32>
    tpu.vector_store %arg9[%swap3A_156, %swap3A_157], %swap3A_160 {strides = array<i32>} : memref<64x32xf32, #tpu.memory_space<vmem>>, vector<1x16xf32>,
    %broadcast_in_dim3A_161 = arith.constant 0.000000e+00 : f32
    %broadcast_in_dim3A_162 = vector.broadcast %broadcast_in_dim3A_161 : f32 to vector<16xf32>
    %swap3A_163 = arith.constant 10 : i32
    %swap3A_164 = arith.index_cast %swap3A_163 : i32 to index
    %swap3A_165 = arith.constant 0 : index
    %swap3A_166 = tpu.vector_load %arg9[%swap3A_164, %swap3A_165] {strides = array<i32>} : memref<64x32xf32, #tpu.memory_space<vmem>>, vector<1x16xf32>,
    %swap3A_167 = vector.shape_cast %swap3A_166 : vector<1x16xf32> to vector<16xf32>
    %swap3A_168 = vector.shape_cast %broadcast_in_dim3A_162 : vector<16xf32> to vector<1x16xf32>
    tpu.vector_store %arg9[%swap3A_164, %swap3A_165], %swap3A_168 {strides = array<i32>} : memref<64x32xf32, #tpu.memory_space<vmem>>, vector<1x16xf32>,
    %broadcast_in_dim3A_169 = arith.constant 0.000000e+00 : f32
    %broadcast_in_dim3A_170 = vector.broadcast %broadcast_in_dim3A_169 : f32 to vector<16xf32>
    %swap3A_171 = arith.constant 10 : i32
    %swap3A_172 = arith.index_cast %swap3A_171 : i32 to index
    %swap3A_173 = arith.constant 16 : index
    %swap3A_174 = tpu.vector_load %arg9[%swap3A_172, %swap3A_173] {strides = array<i32>} : memref<64x32xf32, #tpu.memory_space<vmem>>, vector<1x16xf32>,
    %swap3A_175 = vector.shape_cast %swap3A_174 : vector<1x16xf32> to vector<16xf32>
    %swap3A_176 = vector.shape_cast %broadcast_in_dim3A_170 : vector<16xf32> to vector<1x16xf32>
    tpu.vector_store %arg9[%swap3A_172, %swap3A_173], %swap3A_176 {strides = array<i32>} : memref<64x32xf32, #tpu.memory_space<vmem>>, vector<1x16xf32>,
    %broadcast_in_dim3A_177 = arith.constant 0.000000e+00 : f32
    %broadcast_in_dim3A_178 = vector.broadcast %broadcast_in_dim3A_177 : f32 to vector<16xf32>
    %swap3A_179 = arith.constant 11 : i32
    %swap3A_180 = arith.index_cast %swap3A_179 : i32 to index
    %swap3A_181 = arith.constant 0 : index
    %swap3A_182 = tpu.vector_load %arg9[%swap3A_180, %swap3A_181] {strides = array<i32>} : memref<64x32xf32, #tpu.memory_space<vmem>>, vector<1x16xf32>,
    %swap3A_183 = vector.shape_cast %swap3A_182 : vector<1x16xf32> to vector<16xf32>
    %swap3A_184 = vector.shape_cast %broadcast_in_dim3A_178 : vector<16xf32> to vector<1x16xf32>
    tpu.vector_store %arg9[%swap3A_180, %swap3A_181], %swap3A_184 {strides = array<i32>} : memref<64x32xf32, #tpu.memory_space<vmem>>, vector<1x16xf32>,
    %broadcast_in_dim3A_185 = arith.constant 0.000000e+00 : f32
    %broadcast_in_dim3A_186 = vector.broadcast %broadcast_in_dim3A_185 : f32 to vector<16xf32>
    %swap3A_187 = arith.constant 11 : i32
    %swap3A_188 = arith.index_cast %swap3A_187 : i32 to index
    %swap3A_189 = arith.constant 16 : index
    %swap3A_190 = tpu.vector_load %arg9[%swap3A_188, %swap3A_189] {strides = array<i32>} : memref<64x32xf32, #tpu.memory_space<vmem>>, vector<1x16xf32>,
    %swap3A_191 = vector.shape_cast %swap3A_190 : vector<1x16xf32> to vector<16xf32>
    %swap3A_192 = vector.shape_cast %broadcast_in_dim3A_186 : vector<16xf32> to vector<1x16xf32>
    tpu.vector_store %arg9[%swap3A_188, %swap3A_189], %swap3A_192 {strides = array<i32>} : memref<64x32xf32, #tpu.memory_space<vmem>>, vector<1x16xf32>,
    %broadcast_in_dim3A_193 = arith.constant 0.000000e+00 : f32
    %broadcast_in_dim3A_194 = vector.broadcast %broadcast_in_dim3A_193 : f32 to vector<16xf32>
    %swap3A_195 = arith.constant 12 : i32
    %swap3A_196 = arith.index_cast %swap3A_195 : i32 to index
    %swap3A_197 = arith.constant 0 : index
    %swap3A_198 = tpu.vector_load %arg9[%swap3A_196, %swap3A_197] {strides = array<i32>} : memref<64x32xf32, #tpu.memory_space<vmem>>, vector<1x16xf32>,
    %swap3A_199 = vector.shape_cast %swap3A_198 : vector<1x16xf32> to vector<16xf32>
    %swap3A_200 = vector.shape_cast %broadcast_in_dim3A_194 : vector<16xf32> to vector<1x16xf32>
    tpu.vector_store %arg9[%swap3A_196, %swap3A_197], %swap3A_200 {strides = array<i32>} : memref<64x32xf32, #tpu.memory_space<vmem>>, vector<1x16xf32>,
    %broadcast_in_dim3A_201 = arith.constant 0.000000e+00 : f32
    %broadcast_in_dim3A_202 = vector.broadcast %broadcast_in_dim3A_201 : f32 to vector<16xf32>
    %swap3A_203 = arith.constant 12 : i32
    %swap3A_204 = arith.index_cast %swap3A_203 : i32 to index
    %swap3A_205 = arith.constant 16 : index
    %swap3A_206 = tpu.vector_load %arg9[%swap3A_204, %swap3A_205] {strides = array<i32>} : memref<64x32xf32, #tpu.memory_space<vmem>>, vector<1x16xf32>,
    %swap3A_207 = vector.shape_cast %swap3A_206 : vector<1x16xf32> to vector<16xf32>
    %swap3A_208 = vector.shape_cast %broadcast_in_dim3A_202 : vector<16xf32> to vector<1x16xf32>
    tpu.vector_store %arg9[%swap3A_204, %swap3A_205], %swap3A_208 {strides = array<i32>} : memref<64x32xf32, #tpu.memory_space<vmem>>, vector<1x16xf32>,
    %broadcast_in_dim3A_209 = arith.constant 0.000000e+00 : f32
    %broadcast_in_dim3A_210 = vector.broadcast %broadcast_in_dim3A_209 : f32 to vector<16xf32>
    %swap3A_211 = arith.constant 13 : i32
    %swap3A_212 = arith.index_cast %swap3A_211 : i32 to index
    %swap3A_213 = arith.constant 0 : index
    %swap3A_214 = tpu.vector_load %arg9[%swap3A_212, %swap3A_213] {strides = array<i32>} : memref<64x32xf32, #tpu.memory_space<vmem>>, vector<1x16xf32>,
    %swap3A_215 = vector.shape_cast %swap3A_214 : vector<1x16xf32> to vector<16xf32>
    %swap3A_216 = vector.shape_cast %broadcast_in_dim3A_210 : vector<16xf32> to vector<1x16xf32>
    tpu.vector_store %arg9[%swap3A_212, %swap3A_213], %swap3A_216 {strides = array<i32>} : memref<64x32xf32, #tpu.memory_space<vmem>>, vector<1x16xf32>,
    %broadcast_in_dim3A_217 = arith.constant 0.000000e+00 : f32
    %broadcast_in_dim3A_218 = vector.broadcast %broadcast_in_dim3A_217 : f32 to vector<16xf32>
    %swap3A_219 = arith.constant 13 : i32
    %swap3A_220 = arith.index_cast %swap3A_219 : i32 to index
    %swap3A_221 = arith.constant 16 : index
    %swap3A_222 = tpu.vector_load %arg9[%swap3A_220, %swap3A_221] {strides = array<i32>} : memref<64x32xf32, #tpu.memory_space<vmem>>, vector<1x16xf32>,
    %swap3A_223 = vector.shape_cast %swap3A_222 : vector<1x16xf32> to vector<16xf32>
    %swap3A_224 = vector.shape_cast %broadcast_in_dim3A_218 : vector<16xf32> to vector<1x16xf32>
    tpu.vector_store %arg9[%swap3A_220, %swap3A_221], %swap3A_224 {strides = array<i32>} : memref<64x32xf32, #tpu.memory_space<vmem>>, vector<1x16xf32>,
    %broadcast_in_dim3A_225 = arith.constant 0.000000e+00 : f32
    %broadcast_in_dim3A_226 = vector.broadcast %broadcast_in_dim3A_225 : f32 to vector<16xf32>
    %swap3A_227 = arith.constant 14 : i32
    %swap3A_228 = arith.index_cast %swap3A_227 : i32 to index
    %swap3A_229 = arith.constant 0 : index
    %swap3A_230 = tpu.vector_load %arg9[%swap3A_228, %swap3A_229] {strides = array<i32>} : memref<64x32xf32, #tpu.memory_space<vmem>>, vector<1x16xf32>,
    %swap3A_231 = vector.shape_cast %swap3A_230 : vector<1x16xf32> to vector<16xf32>
    %swap3A_232 = vector.shape_cast %broadcast_in_dim3A_226 : vector<16xf32> to vector<1x16xf32>
    tpu.vector_store %arg9[%swap3A_228, %swap3A_229], %swap3A_232 {strides = array<i32>} : memref<64x32xf32, #tpu.memory_space<vmem>>, vector<1x16xf32>,
    %broadcast_in_dim3A_233 = arith.constant 0.000000e+00 : f32
    %broadcast_in_dim3A_234 = vector.broadcast %broadcast_in_dim3A_233 : f32 to vector<16xf32>
    %swap3A_235 = arith.constant 14 : i32
    %swap3A_236 = arith.index_cast %swap3A_235 : i32 to index
    %swap3A_237 = arith.constant 16 : index
    %swap3A_238 = tpu.vector_load %arg9[%swap3A_236, %swap3A_237] {strides = array<i32>} : memref<64x32xf32, #tpu.memory_space<vmem>>, vector<1x16xf32>,
    %swap3A_239 = vector.shape_cast %swap3A_238 : vector<1x16xf32> to vector<16xf32>
    %swap3A_240 = vector.shape_cast %broadcast_in_dim3A_234 : vector<16xf32> to vector<1x16xf32>
    tpu.vector_store %arg9[%swap3A_236, %swap3A_237], %swap3A_240 {strides = array<i32>} : memref<64x32xf32, #tpu.memory_space<vmem>>, vector<1x16xf32>,
    %broadcast_in_dim3A_241 = arith.constant 0.000000e+00 : f32
    %broadcast_in_dim3A_242 = vector.broadcast %broadcast_in_dim3A_241 : f32 to vector<16xf32>
    %swap3A_243 = arith.constant 15 : i32
    %swap3A_244 = arith.index_cast %swap3A_243 : i32 to index
    %swap3A_245 = arith.constant 0 : index
    %swap3A_246 = tpu.vector_load %arg9[%swap3A_244, %swap3A_245] {strides = array<i32>} : memref<64x32xf32, #tpu.memory_space<vmem>>, vector<1x16xf32>,
    %swap3A_247 = vector.shape_cast %swap3A_246 : vector<1x16xf32> to vector<16xf32>
    %swap3A_248 = vector.shape_cast %broadcast_in_dim3A_242 : vector<16xf32> to vector<1x16xf32>
    tpu.vector_store %arg9[%swap3A_244, %swap3A_245], %swap3A_248 {strides = array<i32>} : memref<64x32xf32, #tpu.memory_space<vmem>>, vector<1x16xf32>,
    %broadcast_in_dim3A_249 = arith.constant 0.000000e+00 : f32
    %broadcast_in_dim3A_250 = vector.broadcast %broadcast_in_dim3A_249 : f32 to vector<16xf32>
    %swap3A_251 = arith.constant 15 : i32
    %swap3A_252 = arith.index_cast %swap3A_251 : i32 to index
    %swap3A_253 = arith.constant 16 : index
    %swap3A_254 = tpu.vector_load %arg9[%swap3A_252, %swap3A_253] {strides = array<i32>} : memref<64x32xf32, #tpu.memory_space<vmem>>, vector<1x16xf32>,
    %swap3A_255 = vector.shape_cast %swap3A_254 : vector<1x16xf32> to vector<16xf32>
    %swap3A_256 = vector.shape_cast %broadcast_in_dim3A_250 : vector<16xf32> to vector<1x16xf32>
    tpu.vector_store %arg9[%swap3A_252, %swap3A_253], %swap3A_256 {strides = array<i32>} : memref<64x32xf32, #tpu.memory_space<vmem>>, vector<1x16xf32>,
    %broadcast_in_dim3A_257 = arith.constant 0.000000e+00 : f32
    %broadcast_in_dim3A_258 = vector.broadcast %broadcast_in_dim3A_257 : f32 to vector<16xf32>
    %swap3A_259 = arith.constant 16 : i32
    %swap3A_260 = arith.index_cast %swap3A_259 : i32 to index
    %swap3A_261 = arith.constant 0 : index
    %swap3A_262 = tpu.vector_load %arg9[%swap3A_260, %swap3A_261] {strides = array<i32>} : memref<64x32xf32, #tpu.memory_space<vmem>>, vector<1x16xf32>,
    %swap3A_263 = vector.shape_cast %swap3A_262 : vector<1x16xf32> to vector<16xf32>
    %swap3A_264 = vector.shape_cast %broadcast_in_dim3A_258 : vector<16xf32> to vector<1x16xf32>
    tpu.vector_store %arg9[%swap3A_260, %swap3A_261], %swap3A_264 {strides = array<i32>} : memref<64x32xf32, #tpu.memory_space<vmem>>, vector<1x16xf32>,
    %broadcast_in_dim3A_265 = arith.constant 0.000000e+00 : f32
    %broadcast_in_dim3A_266 = vector.broadcast %broadcast_in_dim3A_265 : f32 to vector<16xf32>
    %swap3A_267 = arith.constant 16 : i32
    %swap3A_268 = arith.index_cast %swap3A_267 : i32 to index
    %swap3A_269 = arith.constant 16 : index
    %swap3A_270 = tpu.vector_load %arg9[%swap3A_268, %swap3A_269] {strides = array<i32>} : memref<64x32xf32, #tpu.memory_space<vmem>>, vector<1x16xf32>,
    %swap3A_271 = vector.shape_cast %swap3A_270 : vector<1x16xf32> to vector<16xf32>
    %swap3A_272 = vector.shape_cast %broadcast_in_dim3A_266 : vector<16xf32> to vector<1x16xf32>
    tpu.vector_store %arg9[%swap3A_268, %swap3A_269], %swap3A_272 {strides = array<i32>} : memref<64x32xf32, #tpu.memory_space<vmem>>, vector<1x16xf32>,
    %broadcast_in_dim3A_273 = arith.constant 0.000000e+00 : f32
    %broadcast_in_dim3A_274 = vector.broadcast %broadcast_in_dim3A_273 : f32 to vector<16xf32>
    %swap3A_275 = arith.constant 17 : i32
    %swap3A_276 = arith.index_cast %swap3A_275 : i32 to index
    %swap3A_277 = arith.constant 0 : index
    %swap3A_278 = tpu.vector_load %arg9[%swap3A_276, %swap3A_277] {strides = array<i32>} : memref<64x32xf32, #tpu.memory_space<vmem>>, vector<1x16xf32>,
    %swap3A_279 = vector.shape_cast %swap3A_278 : vector<1x16xf32> to vector<16xf32>
    %swap3A_280 = vector.shape_cast %broadcast_in_dim3A_274 : vector<16xf32> to vector<1x16xf32>
    tpu.vector_store %arg9[%swap3A_276, %swap3A_277], %swap3A_280 {strides = array<i32>} : memref<64x32xf32, #tpu.memory_space<vmem>>, vector<1x16xf32>,
    %broadcast_in_dim3A_281 = arith.constant 0.000000e+00 : f32
    %broadcast_in_dim3A_282 = vector.broadcast %broadcast_in_dim3A_281 : f32 to vector<16xf32>
    %swap3A_283 = arith.constant 17 : i32
    %swap3A_284 = arith.index_cast %swap3A_283 : i32 to index
    %swap3A_285 = arith.constant 16 : index
    %swap3A_286 = tpu.vector_load %arg9[%swap3A_284, %swap3A_285] {strides = array<i32>} : memref<64x32xf32, #tpu.memory_space<vmem>>, vector<1x16xf32>,
    %swap3A_287 = vector.shape_cast %swap3A_286 : vector<1x16xf32> to vector<16xf32>
    %swap3A_288 = vector.shape_cast %broadcast_in_dim3A_282 : vector<16xf32> to vector<1x16xf32>
    tpu.vector_store %arg9[%swap3A_284, %swap3A_285], %swap3A_288 {strides = array<i32>} : memref<64x32xf32, #tpu.memory_space<vmem>>, vector<1x16xf32>,
    %broadcast_in_dim3A_289 = arith.constant 0.000000e+00 : f32
    %broadcast_in_dim3A_290 = vector.broadcast %broadcast_in_dim3A_289 : f32 to vector<16xf32>
    %swap3A_291 = arith.constant 18 : i32
    %swap3A_292 = arith.index_cast %swap3A_291 : i32 to index
    %swap3A_293 = arith.constant 0 : index
    %swap3A_294 = tpu.vector_load %arg9[%swap3A_292, %swap3A_293] {strides = array<i32>} : memref<64x32xf32, #tpu.memory_space<vmem>>, vector<1x16xf32>,
    %swap3A_295 = vector.shape_cast %swap3A_294 : vector<1x16xf32> to vector<16xf32>
    %swap3A_296 = vector.shape_cast %broadcast_in_dim3A_290 : vector<16xf32> to vector<1x16xf32>
    tpu.vector_store %arg9[%swap3A_292, %swap3A_293], %swap3A_296 {strides = array<i32>} : memref<64x32xf32, #tpu.memory_space<vmem>>, vector<1x16xf32>,
    %broadcast_in_dim3A_297 = arith.constant 0.000000e+00 : f32
    %broadcast_in_dim3A_298 = vector.broadcast %broadcast_in_dim3A_297 : f32 to vector<16xf32>
    %swap3A_299 = arith.constant 18 : i32
    %swap3A_300 = arith.index_cast %swap3A_299 : i32 to index
    %swap3A_301 = arith.constant 16 : index
    %swap3A_302 = tpu.vector_load %arg9[%swap3A_300, %swap3A_301] {strides = array<i32>} : memref<64x32xf32, #tpu.memory_space<vmem>>, vector<1x16xf32>,
    %swap3A_303 = vector.shape_cast %swap3A_302 : vector<1x16xf32> to vector<16xf32>
    %swap3A_304 = vector.shape_cast %broadcast_in_dim3A_298 : vector<16xf32> to vector<1x16xf32>
    tpu.vector_store %arg9[%swap3A_300, %swap3A_301], %swap3A_304 {strides = array<i32>} : memref<64x32xf32, #tpu.memory_space<vmem>>, vector<1x16xf32>,
    %broadcast_in_dim3A_305 = arith.constant 0.000000e+00 : f32
    %broadcast_in_dim3A_306 = vector.broadcast %broadcast_in_dim3A_305 : f32 to vector<16xf32>
    %swap3A_307 = arith.constant 19 : i32
    %swap3A_308 = arith.index_cast %swap3A_307 : i32 to index
    %swap3A_309 = arith.constant 0 : index
    %swap3A_310 = tpu.vector_load %arg9[%swap3A_308, %swap3A_309] {strides = array<i32>} : memref<64x32xf32, #tpu.memory_space<vmem>>, vector<1x16xf32>,
    %swap3A_311 = vector.shape_cast %swap3A_310 : vector<1x16xf32> to vector<16xf32>
    %swap3A_312 = vector.shape_cast %broadcast_in_dim3A_306 : vector<16xf32> to vector<1x16xf32>
    tpu.vector_store %arg9[%swap3A_308, %swap3A_309], %swap3A_312 {strides = array<i32>} : memref<64x32xf32, #tpu.memory_space<vmem>>, vector<1x16xf32>,
    %broadcast_in_dim3A_313 = arith.constant 0.000000e+00 : f32
    %broadcast_in_dim3A_314 = vector.broadcast %broadcast_in_dim3A_313 : f32 to vector<16xf32>
    %swap3A_315 = arith.constant 19 : i32
    %swap3A_316 = arith.index_cast %swap3A_315 : i32 to index
    %swap3A_317 = arith.constant 16 : index
    %swap3A_318 = tpu.vector_load %arg9[%swap3A_316, %swap3A_317] {strides = array<i32>} : memref<64x32xf32, #tpu.memory_space<vmem>>, vector<1x16xf32>,
    %swap3A_319 = vector.shape_cast %swap3A_318 : vector<1x16xf32> to vector<16xf32>
    %swap3A_320 = vector.shape_cast %broadcast_in_dim3A_314 : vector<16xf32> to vector<1x16xf32>
    tpu.vector_store %arg9[%swap3A_316, %swap3A_317], %swap3A_320 {strides = array<i32>} : memref<64x32xf32, #tpu.memory_space<vmem>>, vector<1x16xf32>,
    %broadcast_in_dim3A_321 = arith.constant 0.000000e+00 : f32
    %broadcast_in_dim3A_322 = vector.broadcast %broadcast_in_dim3A_321 : f32 to vector<16xf32>
    %swap3A_323 = arith.constant 20 : i32
    %swap3A_324 = arith.index_cast %swap3A_323 : i32 to index
    %swap3A_325 = arith.constant 0 : index
    %swap3A_326 = tpu.vector_load %arg9[%swap3A_324, %swap3A_325] {strides = array<i32>} : memref<64x32xf32, #tpu.memory_space<vmem>>, vector<1x16xf32>,
    %swap3A_327 = vector.shape_cast %swap3A_326 : vector<1x16xf32> to vector<16xf32>
    %swap3A_328 = vector.shape_cast %broadcast_in_dim3A_322 : vector<16xf32> to vector<1x16xf32>
    tpu.vector_store %arg9[%swap3A_324, %swap3A_325], %swap3A_328 {strides = array<i32>} : memref<64x32xf32, #tpu.memory_space<vmem>>, vector<1x16xf32>,
    %broadcast_in_dim3A_329 = arith.constant 0.000000e+00 : f32
    %broadcast_in_dim3A_330 = vector.broadcast %broadcast_in_dim3A_329 : f32 to vector<16xf32>
    %swap3A_331 = arith.constant 20 : i32
    %swap3A_332 = arith.index_cast %swap3A_331 : i32 to index
    %swap3A_333 = arith.constant 16 : index
    %swap3A_334 = tpu.vector_load %arg9[%swap3A_332, %swap3A_333] {strides = array<i32>} : memref<64x32xf32, #tpu.memory_space<vmem>>, vector<1x16xf32>,
    %swap3A_335 = vector.shape_cast %swap3A_334 : vector<1x16xf32> to vector<16xf32>
    %swap3A_336 = vector.shape_cast %broadcast_in_dim3A_330 : vector<16xf32> to vector<1x16xf32>
    tpu.vector_store %arg9[%swap3A_332, %swap3A_333], %swap3A_336 {strides = array<i32>} : memref<64x32xf32, #tpu.memory_space<vmem>>, vector<1x16xf32>,
    %broadcast_in_dim3A_337 = arith.constant 0.000000e+00 : f32
    %broadcast_in_dim3A_338 = vector.broadcast %broadcast_in_dim3A_337 : f32 to vector<16xf32>
    %swap3A_339 = arith.constant 21 : i32
    %swap3A_340 = arith.index_cast %swap3A_339 : i32 to index
    %swap3A_341 = arith.constant 0 : index
    %swap3A_342 = tpu.vector_load %arg9[%swap3A_340, %swap3A_341] {strides = array<i32>} : memref<64x32xf32, #tpu.memory_space<vmem>>, vector<1x16xf32>,
    %swap3A_343 = vector.shape_cast %swap3A_342 : vector<1x16xf32> to vector<16xf32>
    %swap3A_344 = vector.shape_cast %broadcast_in_dim3A_338 : vector<16xf32> to vector<1x16xf32>
    tpu.vector_store %arg9[%swap3A_340, %swap3A_341], %swap3A_344 {strides = array<i32>} : memref<64x32xf32, #tpu.memory_space<vmem>>, vector<1x16xf32>,
    %broadcast_in_dim3A_345 = arith.constant 0.000000e+00 : f32
    %broadcast_in_dim3A_346 = vector.broadcast %broadcast_in_dim3A_345 : f32 to vector<16xf32>
    %swap3A_347 = arith.constant 21 : i32
    %swap3A_348 = arith.index_cast %swap3A_347 : i32 to index
    %swap3A_349 = arith.constant 16 : index
    %swap3A_350 = tpu.vector_load %arg9[%swap3A_348, %swap3A_349] {strides = array<i32>} : memref<64x32xf32, #tpu.memory_space<vmem>>, vector<1x16xf32>,
    %swap3A_351 = vector.shape_cast %swap3A_350 : vector<1x16xf32> to vector<16xf32>
    %swap3A_352 = vector.shape_cast %broadcast_in_dim3A_346 : vector<16xf32> to vector<1x16xf32>
    tpu.vector_store %arg9[%swap3A_348, %swap3A_349], %swap3A_352 {strides = array<i32>} : memref<64x32xf32, #tpu.memory_space<vmem>>, vector<1x16xf32>,
    %broadcast_in_dim3A_353 = arith.constant 0.000000e+00 : f32
    %broadcast_in_dim3A_354 = vector.broadcast %broadcast_in_dim3A_353 : f32 to vector<16xf32>
    %swap3A_355 = arith.constant 22 : i32
    %swap3A_356 = arith.index_cast %swap3A_355 : i32 to index
    %swap3A_357 = arith.constant 0 : index
    %swap3A_358 = tpu.vector_load %arg9[%swap3A_356, %swap3A_357] {strides = array<i32>} : memref<64x32xf32, #tpu.memory_space<vmem>>, vector<1x16xf32>,
    %swap3A_359 = vector.shape_cast %swap3A_358 : vector<1x16xf32> to vector<16xf32>
    %swap3A_360 = vector.shape_cast %broadcast_in_dim3A_354 : vector<16xf32> to vector<1x16xf32>
    tpu.vector_store %arg9[%swap3A_356, %swap3A_357], %swap3A_360 {strides = array<i32>} : memref<64x32xf32, #tpu.memory_space<vmem>>, vector<1x16xf32>,
    %broadcast_in_dim3A_361 = arith.constant 0.000000e+00 : f32
    %broadcast_in_dim3A_362 = vector.broadcast %broadcast_in_dim3A_361 : f32 to vector<16xf32>
    %swap3A_363 = arith.constant 22 : i32
    %swap3A_364 = arith.index_cast %swap3A_363 : i32 to index
    %swap3A_365 = arith.constant 16 : index
    %swap3A_366 = tpu.vector_load %arg9[%swap3A_364, %swap3A_365] {strides = array<i32>} : memref<64x32xf32, #tpu.memory_space<vmem>>, vector<1x16xf32>,
    %swap3A_367 = vector.shape_cast %swap3A_366 : vector<1x16xf32> to vector<16xf32>
    %swap3A_368 = vector.shape_cast %broadcast_in_dim3A_362 : vector<16xf32> to vector<1x16xf32>
    tpu.vector_store %arg9[%swap3A_364, %swap3A_365], %swap3A_368 {strides = array<i32>} : memref<64x32xf32, #tpu.memory_space<vmem>>, vector<1x16xf32>,
    %broadcast_in_dim3A_369 = arith.constant 0.000000e+00 : f32
    %broadcast_in_dim3A_370 = vector.broadcast %broadcast_in_dim3A_369 : f32 to vector<16xf32>
    %swap3A_371 = arith.constant 23 : i32
    %swap3A_372 = arith.index_cast %swap3A_371 : i32 to index
    %swap3A_373 = arith.constant 0 : index
    %swap3A_374 = tpu.vector_load %arg9[%swap3A_372, %swap3A_373] {strides = array<i32>} : memref<64x32xf32, #tpu.memory_space<vmem>>, vector<1x16xf32>,
    %swap3A_375 = vector.shape_cast %swap3A_374 : vector<1x16xf32> to vector<16xf32>
    %swap3A_376 = vector.shape_cast %broadcast_in_dim3A_370 : vector<16xf32> to vector<1x16xf32>
    tpu.vector_store %arg9[%swap3A_372, %swap3A_373], %swap3A_376 {strides = array<i32>} : memref<64x32xf32, #tpu.memory_space<vmem>>, vector<1x16xf32>,
    %broadcast_in_dim3A_377 = arith.constant 0.000000e+00 : f32
    %broadcast_in_dim3A_378 = vector.broadcast %broadcast_in_dim3A_377 : f32 to vector<16xf32>
    %swap3A_379 = arith.constant 23 : i32
    %swap3A_380 = arith.index_cast %swap3A_379 : i32 to index
    %swap3A_381 = arith.constant 16 : index
    %swap3A_382 = tpu.vector_load %arg9[%swap3A_380, %swap3A_381] {strides = array<i32>} : memref<64x32xf32, #tpu.memory_space<vmem>>, vector<1x16xf32>,
    %swap3A_383 = vector.shape_cast %swap3A_382 : vector<1x16xf32> to vector<16xf32>
    %swap3A_384 = vector.shape_cast %broadcast_in_dim3A_378 : vector<16xf32> to vector<1x16xf32>
    tpu.vector_store %arg9[%swap3A_380, %swap3A_381], %swap3A_384 {strides = array<i32>} : memref<64x32xf32, #tpu.memory_space<vmem>>, vector<1x16xf32>,
    %broadcast_in_dim3A_385 = arith.constant 0.000000e+00 : f32
    %broadcast_in_dim3A_386 = vector.broadcast %broadcast_in_dim3A_385 : f32 to vector<16xf32>
    %swap3A_387 = arith.constant 24 : i32
    %swap3A_388 = arith.index_cast %swap3A_387 : i32 to index
    %swap3A_389 = arith.constant 0 : index
    %swap3A_390 = tpu.vector_load %arg9[%swap3A_388, %swap3A_389] {strides = array<i32>} : memref<64x32xf32, #tpu.memory_space<vmem>>, vector<1x16xf32>,
    %swap3A_391 = vector.shape_cast %swap3A_390 : vector<1x16xf32> to vector<16xf32>
    %swap3A_392 = vector.shape_cast %broadcast_in_dim3A_386 : vector<16xf32> to vector<1x16xf32>
    tpu.vector_store %arg9[%swap3A_388, %swap3A_389], %swap3A_392 {strides = array<i32>} : memref<64x32xf32, #tpu.memory_space<vmem>>, vector<1x16xf32>,
    %broadcast_in_dim3A_393 = arith.constant 0.000000e+00 : f32
    %broadcast_in_dim3A_394 = vector.broadcast %broadcast_in_dim3A_393 : f32 to vector<16xf32>
    %swap3A_395 = arith.constant 24 : i32
    %swap3A_396 = arith.index_cast %swap3A_395 : i32 to index
    %swap3A_397 = arith.constant 16 : index
    %swap3A_398 = tpu.vector_load %arg9[%swap3A_396, %swap3A_397] {strides = array<i32>} : memref<64x32xf32, #tpu.memory_space<vmem>>, vector<1x16xf32>,
    %swap3A_399 = vector.shape_cast %swap3A_398 : vector<1x16xf32> to vector<16xf32>
    %swap3A_400 = vector.shape_cast %broadcast_in_dim3A_394 : vector<16xf32> to vector<1x16xf32>
    tpu.vector_store %arg9[%swap3A_396, %swap3A_397], %swap3A_400 {strides = array<i32>} : memref<64x32xf32, #tpu.memory_space<vmem>>, vector<1x16xf32>,
    %broadcast_in_dim3A_401 = arith.constant 0.000000e+00 : f32
    %broadcast_in_dim3A_402 = vector.broadcast %broadcast_in_dim3A_401 : f32 to vector<16xf32>
    %swap3A_403 = arith.constant 25 : i32
    %swap3A_404 = arith.index_cast %swap3A_403 : i32 to index
    %swap3A_405 = arith.constant 0 : index
    %swap3A_406 = tpu.vector_load %arg9[%swap3A_404, %swap3A_405] {strides = array<i32>} : memref<64x32xf32, #tpu.memory_space<vmem>>, vector<1x16xf32>,
    %swap3A_407 = vector.shape_cast %swap3A_406 : vector<1x16xf32> to vector<16xf32>
    %swap3A_408 = vector.shape_cast %broadcast_in_dim3A_402 : vector<16xf32> to vector<1x16xf32>
    tpu.vector_store %arg9[%swap3A_404, %swap3A_405], %swap3A_408 {strides = array<i32>} : memref<64x32xf32, #tpu.memory_space<vmem>>, vector<1x16xf32>,
    %broadcast_in_dim3A_409 = arith.constant 0.000000e+00 : f32
    %broadcast_in_dim3A_410 = vector.broadcast %broadcast_in_dim3A_409 : f32 to vector<16xf32>
    %swap3A_411 = arith.constant 25 : i32
    %swap3A_412 = arith.index_cast %swap3A_411 : i32 to index
    %swap3A_413 = arith.constant 16 : index
    %swap3A_414 = tpu.vector_load %arg9[%swap3A_412, %swap3A_413] {strides = array<i32>} : memref<64x32xf32, #tpu.memory_space<vmem>>, vector<1x16xf32>,
    %swap3A_415 = vector.shape_cast %swap3A_414 : vector<1x16xf32> to vector<16xf32>
    %swap3A_416 = vector.shape_cast %broadcast_in_dim3A_410 : vector<16xf32> to vector<1x16xf32>
    tpu.vector_store %arg9[%swap3A_412, %swap3A_413], %swap3A_416 {strides = array<i32>} : memref<64x32xf32, #tpu.memory_space<vmem>>, vector<1x16xf32>,
    %broadcast_in_dim3A_417 = arith.constant 0.000000e+00 : f32
    %broadcast_in_dim3A_418 = vector.broadcast %broadcast_in_dim3A_417 : f32 to vector<16xf32>
    %swap3A_419 = arith.constant 26 : i32
    %swap3A_420 = arith.index_cast %swap3A_419 : i32 to index
    %swap3A_421 = arith.constant 0 : index
    %swap3A_422 = tpu.vector_load %arg9[%swap3A_420, %swap3A_421] {strides = array<i32>} : memref<64x32xf32, #tpu.memory_space<vmem>>, vector<1x16xf32>,
    %swap3A_423 = vector.shape_cast %swap3A_422 : vector<1x16xf32> to vector<16xf32>
    %swap3A_424 = vector.shape_cast %broadcast_in_dim3A_418 : vector<16xf32> to vector<1x16xf32>
    tpu.vector_store %arg9[%swap3A_420, %swap3A_421], %swap3A_424 {strides = array<i32>} : memref<64x32xf32, #tpu.memory_space<vmem>>, vector<1x16xf32>,
    %broadcast_in_dim3A_425 = arith.constant 0.000000e+00 : f32
    %broadcast_in_dim3A_426 = vector.broadcast %broadcast_in_dim3A_425 : f32 to vector<16xf32>
    %swap3A_427 = arith.constant 26 : i32
    %swap3A_428 = arith.index_cast %swap3A_427 : i32 to index
    %swap3A_429 = arith.constant 16 : index
    %swap3A_430 = tpu.vector_load %arg9[%swap3A_428, %swap3A_429] {strides = array<i32>} : memref<64x32xf32, #tpu.memory_space<vmem>>, vector<1x16xf32>,
    %swap3A_431 = vector.shape_cast %swap3A_430 : vector<1x16xf32> to vector<16xf32>
    %swap3A_432 = vector.shape_cast %broadcast_in_dim3A_426 : vector<16xf32> to vector<1x16xf32>
    tpu.vector_store %arg9[%swap3A_428, %swap3A_429], %swap3A_432 {strides = array<i32>} : memref<64x32xf32, #tpu.memory_space<vmem>>, vector<1x16xf32>,
    %broadcast_in_dim3A_433 = arith.constant 0.000000e+00 : f32
    %broadcast_in_dim3A_434 = vector.broadcast %broadcast_in_dim3A_433 : f32 to vector<16xf32>
    %swap3A_435 = arith.constant 27 : i32
    %swap3A_436 = arith.index_cast %swap3A_435 : i32 to index
    %swap3A_437 = arith.constant 0 : index
    %swap3A_438 = tpu.vector_load %arg9[%swap3A_436, %swap3A_437] {strides = array<i32>} : memref<64x32xf32, #tpu.memory_space<vmem>>, vector<1x16xf32>,
    %swap3A_439 = vector.shape_cast %swap3A_438 : vector<1x16xf32> to vector<16xf32>
    %swap3A_440 = vector.shape_cast %broadcast_in_dim3A_434 : vector<16xf32> to vector<1x16xf32>
    tpu.vector_store %arg9[%swap3A_436, %swap3A_437], %swap3A_440 {strides = array<i32>} : memref<64x32xf32, #tpu.memory_space<vmem>>, vector<1x16xf32>,
    %broadcast_in_dim3A_441 = arith.constant 0.000000e+00 : f32
    %broadcast_in_dim3A_442 = vector.broadcast %broadcast_in_dim3A_441 : f32 to vector<16xf32>
    %swap3A_443 = arith.constant 27 : i32
    %swap3A_444 = arith.index_cast %swap3A_443 : i32 to index
    %swap3A_445 = arith.constant 16 : index
    %swap3A_446 = tpu.vector_load %arg9[%swap3A_444, %swap3A_445] {strides = array<i32>} : memref<64x32xf32, #tpu.memory_space<vmem>>, vector<1x16xf32>,
    %swap3A_447 = vector.shape_cast %swap3A_446 : vector<1x16xf32> to vector<16xf32>
    %swap3A_448 = vector.shape_cast %broadcast_in_dim3A_442 : vector<16xf32> to vector<1x16xf32>
    tpu.vector_store %arg9[%swap3A_444, %swap3A_445], %swap3A_448 {strides = array<i32>} : memref<64x32xf32, #tpu.memory_space<vmem>>, vector<1x16xf32>,
    %broadcast_in_dim3A_449 = arith.constant 0.000000e+00 : f32
    %broadcast_in_dim3A_450 = vector.broadcast %broadcast_in_dim3A_449 : f32 to vector<16xf32>
    %swap3A_451 = arith.constant 28 : i32
    %swap3A_452 = arith.index_cast %swap3A_451 : i32 to index
    %swap3A_453 = arith.constant 0 : index
    %swap3A_454 = tpu.vector_load %arg9[%swap3A_452, %swap3A_453] {strides = array<i32>} : memref<64x32xf32, #tpu.memory_space<vmem>>, vector<1x16xf32>,
    %swap3A_455 = vector.shape_cast %swap3A_454 : vector<1x16xf32> to vector<16xf32>
    %swap3A_456 = vector.shape_cast %broadcast_in_dim3A_450 : vector<16xf32> to vector<1x16xf32>
    tpu.vector_store %arg9[%swap3A_452, %swap3A_453], %swap3A_456 {strides = array<i32>} : memref<64x32xf32, #tpu.memory_space<vmem>>, vector<1x16xf32>,
    %broadcast_in_dim3A_457 = arith.constant 0.000000e+00 : f32
    %broadcast_in_dim3A_458 = vector.broadcast %broadcast_in_dim3A_457 : f32 to vector<16xf32>
    %swap3A_459 = arith.constant 28 : i32
    %swap3A_460 = arith.index_cast %swap3A_459 : i32 to index
    %swap3A_461 = arith.constant 16 : index
    %swap3A_462 = tpu.vector_load %arg9[%swap3A_460, %swap3A_461] {strides = array<i32>} : memref<64x32xf32, #tpu.memory_space<vmem>>, vector<1x16xf32>,
    %swap3A_463 = vector.shape_cast %swap3A_462 : vector<1x16xf32> to vector<16xf32>
    %swap3A_464 = vector.shape_cast %broadcast_in_dim3A_458 : vector<16xf32> to vector<1x16xf32>
    tpu.vector_store %arg9[%swap3A_460, %swap3A_461], %swap3A_464 {strides = array<i32>} : memref<64x32xf32, #tpu.memory_space<vmem>>, vector<1x16xf32>,
    %broadcast_in_dim3A_465 = arith.constant 0.000000e+00 : f32
    %broadcast_in_dim3A_466 = vector.broadcast %broadcast_in_dim3A_465 : f32 to vector<16xf32>
    %swap3A_467 = arith.constant 29 : i32
    %swap3A_468 = arith.index_cast %swap3A_467 : i32 to index
    %swap3A_469 = arith.constant 0 : index
    %swap3A_470 = tpu.vector_load %arg9[%swap3A_468, %swap3A_469] {strides = array<i32>} : memref<64x32xf32, #tpu.memory_space<vmem>>, vector<1x16xf32>,
    %swap3A_471 = vector.shape_cast %swap3A_470 : vector<1x16xf32> to vector<16xf32>
    %swap3A_472 = vector.shape_cast %broadcast_in_dim3A_466 : vector<16xf32> to vector<1x16xf32>
    tpu.vector_store %arg9[%swap3A_468, %swap3A_469], %swap3A_472 {strides = array<i32>} : memref<64x32xf32, #tpu.memory_space<vmem>>, vector<1x16xf32>,
    %broadcast_in_dim3A_473 = arith.constant 0.000000e+00 : f32
    %broadcast_in_dim3A_474 = vector.broadcast %broadcast_in_dim3A_473 : f32 to vector<16xf32>
    %swap3A_475 = arith.constant 29 : i32
    %swap3A_476 = arith.index_cast %swap3A_475 : i32 to index
    %swap3A_477 = arith.constant 16 : index
    %swap3A_478 = tpu.vector_load %arg9[%swap3A_476, %swap3A_477] {strides = array<i32>} : memref<64x32xf32, #tpu.memory_space<vmem>>, vector<1x16xf32>,
    %swap3A_479 = vector.shape_cast %swap3A_478 : vector<1x16xf32> to vector<16xf32>
    %swap3A_480 = vector.shape_cast %broadcast_in_dim3A_474 : vector<16xf32> to vector<1x16xf32>
    tpu.vector_store %arg9[%swap3A_476, %swap3A_477], %swap3A_480 {strides = array<i32>} : memref<64x32xf32, #tpu.memory_space<vmem>>, vector<1x16xf32>,
    %broadcast_in_dim3A_481 = arith.constant 0.000000e+00 : f32
    %broadcast_in_dim3A_482 = vector.broadcast %broadcast_in_dim3A_481 : f32 to vector<16xf32>
    %swap3A_483 = arith.constant 30 : i32
    %swap3A_484 = arith.index_cast %swap3A_483 : i32 to index
    %swap3A_485 = arith.constant 0 : index
    %swap3A_486 = tpu.vector_load %arg9[%swap3A_484, %swap3A_485] {strides = array<i32>} : memref<64x32xf32, #tpu.memory_space<vmem>>, vector<1x16xf32>,
    %swap3A_487 = vector.shape_cast %swap3A_486 : vector<1x16xf32> to vector<16xf32>
    %swap3A_488 = vector.shape_cast %broadcast_in_dim3A_482 : vector<16xf32> to vector<1x16xf32>
    tpu.vector_store %arg9[%swap3A_484, %swap3A_485], %swap3A_488 {strides = array<i32>} : memref<64x32xf32, #tpu.memory_space<vmem>>, vector<1x16xf32>,
    %broadcast_in_dim3A_489 = arith.constant 0.000000e+00 : f32
    %broadcast_in_dim3A_490 = vector.broadcast %broadcast_in_dim3A_489 : f32 to vector<16xf32>
    %swap3A_491 = arith.constant 30 : i32
    %swap3A_492 = arith.index_cast %swap3A_491 : i32 to index
    %swap3A_493 = arith.constant 16 : index
    %swap3A_494 = tpu.vector_load %arg9[%swap3A_492, %swap3A_493] {strides = array<i32>} : memref<64x32xf32, #tpu.memory_space<vmem>>, vector<1x16xf32>,
    %swap3A_495 = vector.shape_cast %swap3A_494 : vector<1x16xf32> to vector<16xf32>
    %swap3A_496 = vector.shape_cast %broadcast_in_dim3A_490 : vector<16xf32> to vector<1x16xf32>
    tpu.vector_store %arg9[%swap3A_492, %swap3A_493], %swap3A_496 {strides = array<i32>} : memref<64x32xf32, #tpu.memory_space<vmem>>, vector<1x16xf32>,
    %broadcast_in_dim3A_497 = arith.constant 0.000000e+00 : f32
    %broadcast_in_dim3A_498 = vector.broadcast %broadcast_in_dim3A_497 : f32 to vector<16xf32>
    %swap3A_499 = arith.constant 31 : i32
    %swap3A_500 = arith.index_cast %swap3A_499 : i32 to index
    %swap3A_501 = arith.constant 0 : index
    %swap3A_502 = tpu.vector_load %arg9[%swap3A_500, %swap3A_501] {strides = array<i32>} : memref<64x32xf32, #tpu.memory_space<vmem>>, vector<1x16xf32>,
    %swap3A_503 = vector.shape_cast %swap3A_502 : vector<1x16xf32> to vector<16xf32>
    %swap3A_504 = vector.shape_cast %broadcast_in_dim3A_498 : vector<16xf32> to vector<1x16xf32>
    tpu.vector_store %arg9[%swap3A_500, %swap3A_501], %swap3A_504 {strides = array<i32>} : memref<64x32xf32, #tpu.memory_space<vmem>>, vector<1x16xf32>,
    %broadcast_in_dim3A_505 = arith.constant 0.000000e+00 : f32
    %broadcast_in_dim3A_506 = vector.broadcast %broadcast_in_dim3A_505 : f32 to vector<16xf32>
    %swap3A_507 = arith.constant 31 : i32
    %swap3A_508 = arith.index_cast %swap3A_507 : i32 to index
    %swap3A_509 = arith.constant 16 : index
    %swap3A_510 = tpu.vector_load %arg9[%swap3A_508, %swap3A_509] {strides = array<i32>} : memref<64x32xf32, #tpu.memory_space<vmem>>, vector<1x16xf32>,
    %swap3A_511 = vector.shape_cast %swap3A_510 : vector<1x16xf32> to vector<16xf32>
    %swap3A_512 = vector.shape_cast %broadcast_in_dim3A_506 : vector<16xf32> to vector<1x16xf32>
    tpu.vector_store %arg9[%swap3A_508, %swap3A_509], %swap3A_512 {strides = array<i32>} : memref<64x32xf32, #tpu.memory_space<vmem>>, vector<1x16xf32>,
    %broadcast_in_dim3A_513 = arith.constant 0.000000e+00 : f32
    %broadcast_in_dim3A_514 = vector.broadcast %broadcast_in_dim3A_513 : f32 to vector<16xf32>
    %swap3A_515 = arith.constant 32 : i32
    %swap3A_516 = arith.index_cast %swap3A_515 : i32 to index
    %swap3A_517 = arith.constant 0 : index
    %swap3A_518 = tpu.vector_load %arg9[%swap3A_516, %swap3A_517] {strides = array<i32>} : memref<64x32xf32, #tpu.memory_space<vmem>>, vector<1x16xf32>,
    %swap3A_519 = vector.shape_cast %swap3A_518 : vector<1x16xf32> to vector<16xf32>
    %swap3A_520 = vector.shape_cast %broadcast_in_dim3A_514 : vector<16xf32> to vector<1x16xf32>
    tpu.vector_store %arg9[%swap3A_516, %swap3A_517], %swap3A_520 {strides = array<i32>} : memref<64x32xf32, #tpu.memory_space<vmem>>, vector<1x16xf32>,
    %broadcast_in_dim3A_521 = arith.constant 0.000000e+00 : f32
    %broadcast_in_dim3A_522 = vector.broadcast %broadcast_in_dim3A_521 : f32 to vector<16xf32>
    %swap3A_523 = arith.constant 32 : i32
    %swap3A_524 = arith.index_cast %swap3A_523 : i32 to index
    %swap3A_525 = arith.constant 16 : index
    %swap3A_526 = tpu.vector_load %arg9[%swap3A_524, %swap3A_525] {strides = array<i32>} : memref<64x32xf32, #tpu.memory_space<vmem>>, vector<1x16xf32>,
    %swap3A_527 = vector.shape_cast %swap3A_526 : vector<1x16xf32> to vector<16xf32>
    %swap3A_528 = vector.shape_cast %broadcast_in_dim3A_522 : vector<16xf32> to vector<1x16xf32>
    tpu.vector_store %arg9[%swap3A_524, %swap3A_525], %swap3A_528 {strides = array<i32>} : memref<64x32xf32, #tpu.memory_space<vmem>>, vector<1x16xf32>,
    %broadcast_in_dim3A_529 = arith.constant 0.000000e+00 : f32
    %broadcast_in_dim3A_530 = vector.broadcast %broadcast_in_dim3A_529 : f32 to vector<16xf32>
    %swap3A_531 = arith.constant 33 : i32
    %swap3A_532 = arith.index_cast %swap3A_531 : i32 to index
    %swap3A_533 = arith.constant 0 : index
    %swap3A_534 = tpu.vector_load %arg9[%swap3A_532, %swap3A_533] {strides = array<i32>} : memref<64x32xf32, #tpu.memory_space<vmem>>, vector<1x16xf32>,
    %swap3A_535 = vector.shape_cast %swap3A_534 : vector<1x16xf32> to vector<16xf32>
    %swap3A_536 = vector.shape_cast %broadcast_in_dim3A_530 : vector<16xf32> to vector<1x16xf32>
    tpu.vector_store %arg9[%swap3A_532, %swap3A_533], %swap3A_536 {strides = array<i32>} : memref<64x32xf32, #tpu.memory_space<vmem>>, vector<1x16xf32>,
    %broadcast_in_dim3A_537 = arith.constant 0.000000e+00 : f32
    %broadcast_in_dim3A_538 = vector.broadcast %broadcast_in_dim3A_537 : f32 to vector<16xf32>
    %swap3A_539 = arith.constant 33 : i32
    %swap3A_540 = arith.index_cast %swap3A_539 : i32 to index
    %swap3A_541 = arith.constant 16 : index
    %swap3A_542 = tpu.vector_load %arg9[%swap3A_540, %swap3A_541] {strides = array<i32>} : memref<64x32xf32, #tpu.memory_space<vmem>>, vector<1x16xf32>,
    %swap3A_543 = vector.shape_cast %swap3A_542 : vector<1x16xf32> to vector<16xf32>
    %swap3A_544 = vector.shape_cast %broadcast_in_dim3A_538 : vector<16xf32> to vector<1x16xf32>
    tpu.vector_store %arg9[%swap3A_540, %swap3A_541], %swap3A_544 {strides = array<i32>} : memref<64x32xf32, #tpu.memory_space<vmem>>, vector<1x16xf32>,
    %broadcast_in_dim3A_545 = arith.constant 0.000000e+00 : f32
    %broadcast_in_dim3A_546 = vector.broadcast %broadcast_in_dim3A_545 : f32 to vector<16xf32>
    %swap3A_547 = arith.constant 34 : i32
    %swap3A_548 = arith.index_cast %swap3A_547 : i32 to index
    %swap3A_549 = arith.constant 0 : index
    %swap3A_550 = tpu.vector_load %arg9[%swap3A_548, %swap3A_549] {strides = array<i32>} : memref<64x32xf32, #tpu.memory_space<vmem>>, vector<1x16xf32>,
    %swap3A_551 = vector.shape_cast %swap3A_550 : vector<1x16xf32> to vector<16xf32>
    %swap3A_552 = vector.shape_cast %broadcast_in_dim3A_546 : vector<16xf32> to vector<1x16xf32>
    tpu.vector_store %arg9[%swap3A_548, %swap3A_549], %swap3A_552 {strides = array<i32>} : memref<64x32xf32, #tpu.memory_space<vmem>>, vector<1x16xf32>,
    %broadcast_in_dim3A_553 = arith.constant 0.000000e+00 : f32
    %broadcast_in_dim3A_554 = vector.broadcast %broadcast_in_dim3A_553 : f32 to vector<16xf32>
    %swap3A_555 = arith.constant 34 : i32
    %swap3A_556 = arith.index_cast %swap3A_555 : i32 to index
    %swap3A_557 = arith.constant 16 : index
    %swap3A_558 = tpu.vector_load %arg9[%swap3A_556, %swap3A_557] {strides = array<i32>} : memref<64x32xf32, #tpu.memory_space<vmem>>, vector<1x16xf32>,
    %swap3A_559 = vector.shape_cast %swap3A_558 : vector<1x16xf32> to vector<16xf32>
    %swap3A_560 = vector.shape_cast %broadcast_in_dim3A_554 : vector<16xf32> to vector<1x16xf32>
    tpu.vector_store %arg9[%swap3A_556, %swap3A_557], %swap3A_560 {strides = array<i32>} : memref<64x32xf32, #tpu.memory_space<vmem>>, vector<1x16xf32>,
    %broadcast_in_dim3A_561 = arith.constant 0.000000e+00 : f32
    %broadcast_in_dim3A_562 = vector.broadcast %broadcast_in_dim3A_561 : f32 to vector<16xf32>
    %swap3A_563 = arith.constant 35 : i32
    %swap3A_564 = arith.index_cast %swap3A_563 : i32 to index
    %swap3A_565 = arith.constant 0 : index
    %swap3A_566 = tpu.vector_load %arg9[%swap3A_564, %swap3A_565] {strides = array<i32>} : memref<64x32xf32, #tpu.memory_space<vmem>>, vector<1x16xf32>,
    %swap3A_567 = vector.shape_cast %swap3A_566 : vector<1x16xf32> to vector<16xf32>
    %swap3A_568 = vector.shape_cast %broadcast_in_dim3A_562 : vector<16xf32> to vector<1x16xf32>
    tpu.vector_store %arg9[%swap3A_564, %swap3A_565], %swap3A_568 {strides = array<i32>} : memref<64x32xf32, #tpu.memory_space<vmem>>, vector<1x16xf32>,
    %broadcast_in_dim3A_569 = arith.constant 0.000000e+00 : f32
    %broadcast_in_dim3A_570 = vector.broadcast %broadcast_in_dim3A_569 : f32 to vector<16xf32>
    %swap3A_571 = arith.constant 35 : i32
    %swap3A_572 = arith.index_cast %swap3A_571 : i32 to index
    %swap3A_573 = arith.constant 16 : index
    %swap3A_574 = tpu.vector_load %arg9[%swap3A_572, %swap3A_573] {strides = array<i32>} : memref<64x32xf32, #tpu.memory_space<vmem>>, vector<1x16xf32>,
    %swap3A_575 = vector.shape_cast %swap3A_574 : vector<1x16xf32> to vector<16xf32>
    %swap3A_576 = vector.shape_cast %broadcast_in_dim3A_570 : vector<16xf32> to vector<1x16xf32>
    tpu.vector_store %arg9[%swap3A_572, %swap3A_573], %swap3A_576 {strides = array<i32>} : memref<64x32xf32, #tpu.memory_space<vmem>>, vector<1x16xf32>,
    %broadcast_in_dim3A_577 = arith.constant 0.000000e+00 : f32
    %broadcast_in_dim3A_578 = vector.broadcast %broadcast_in_dim3A_577 : f32 to vector<16xf32>
    %swap3A_579 = arith.constant 36 : i32
    %swap3A_580 = arith.index_cast %swap3A_579 : i32 to index
    %swap3A_581 = arith.constant 0 : index
    %swap3A_582 = tpu.vector_load %arg9[%swap3A_580, %swap3A_581] {strides = array<i32>} : memref<64x32xf32, #tpu.memory_space<vmem>>, vector<1x16xf32>,
    %swap3A_583 = vector.shape_cast %swap3A_582 : vector<1x16xf32> to vector<16xf32>
    %swap3A_584 = vector.shape_cast %broadcast_in_dim3A_578 : vector<16xf32> to vector<1x16xf32>
    tpu.vector_store %arg9[%swap3A_580, %swap3A_581], %swap3A_584 {strides = array<i32>} : memref<64x32xf32, #tpu.memory_space<vmem>>, vector<1x16xf32>,
    %broadcast_in_dim3A_585 = arith.constant 0.000000e+00 : f32
    %broadcast_in_dim3A_586 = vector.broadcast %broadcast_in_dim3A_585 : f32 to vector<16xf32>
    %swap3A_587 = arith.constant 36 : i32
    %swap3A_588 = arith.index_cast %swap3A_587 : i32 to index
    %swap3A_589 = arith.constant 16 : index
    %swap3A_590 = tpu.vector_load %arg9[%swap3A_588, %swap3A_589] {strides = array<i32>} : memref<64x32xf32, #tpu.memory_space<vmem>>, vector<1x16xf32>,
    %swap3A_591 = vector.shape_cast %swap3A_590 : vector<1x16xf32> to vector<16xf32>
    %swap3A_592 = vector.shape_cast %broadcast_in_dim3A_586 : vector<16xf32> to vector<1x16xf32>
    tpu.vector_store %arg9[%swap3A_588, %swap3A_589], %swap3A_592 {strides = array<i32>} : memref<64x32xf32, #tpu.memory_space<vmem>>, vector<1x16xf32>,
    %broadcast_in_dim3A_593 = arith.constant 0.000000e+00 : f32
    %broadcast_in_dim3A_594 = vector.broadcast %broadcast_in_dim3A_593 : f32 to vector<16xf32>
    %swap3A_595 = arith.constant 37 : i32
    %swap3A_596 = arith.index_cast %swap3A_595 : i32 to index
    %swap3A_597 = arith.constant 0 : index
    %swap3A_598 = tpu.vector_load %arg9[%swap3A_596, %swap3A_597] {strides = array<i32>} : memref<64x32xf32, #tpu.memory_space<vmem>>, vector<1x16xf32>,
    %swap3A_599 = vector.shape_cast %swap3A_598 : vector<1x16xf32> to vector<16xf32>
    %swap3A_600 = vector.shape_cast %broadcast_in_dim3A_594 : vector<16xf32> to vector<1x16xf32>
    tpu.vector_store %arg9[%swap3A_596, %swap3A_597], %swap3A_600 {strides = array<i32>} : memref<64x32xf32, #tpu.memory_space<vmem>>, vector<1x16xf32>,
    %broadcast_in_dim3A_601 = arith.constant 0.000000e+00 : f32
    %broadcast_in_dim3A_602 = vector.broadcast %broadcast_in_dim3A_601 : f32 to vector<16xf32>
    %swap3A_603 = arith.constant 37 : i32
    %swap3A_604 = arith.index_cast %swap3A_603 : i32 to index
    %swap3A_605 = arith.constant 16 : index
    %swap3A_606 = tpu.vector_load %arg9[%swap3A_604, %swap3A_605] {strides = array<i32>} : memref<64x32xf32, #tpu.memory_space<vmem>>, vector<1x16xf32>,
    %swap3A_607 = vector.shape_cast %swap3A_606 : vector<1x16xf32> to vector<16xf32>
    %swap3A_608 = vector.shape_cast %broadcast_in_dim3A_602 : vector<16xf32> to vector<1x16xf32>
    tpu.vector_store %arg9[%swap3A_604, %swap3A_605], %swap3A_608 {strides = array<i32>} : memref<64x32xf32, #tpu.memory_space<vmem>>, vector<1x16xf32>,
    %broadcast_in_dim3A_609 = arith.constant 0.000000e+00 : f32
    %broadcast_in_dim3A_610 = vector.broadcast %broadcast_in_dim3A_609 : f32 to vector<16xf32>
    %swap3A_611 = arith.constant 38 : i32
    %swap3A_612 = arith.index_cast %swap3A_611 : i32 to index
    %swap3A_613 = arith.constant 0 : index
    %swap3A_614 = tpu.vector_load %arg9[%swap3A_612, %swap3A_613] {strides = array<i32>} : memref<64x32xf32, #tpu.memory_space<vmem>>, vector<1x16xf32>,
    %swap3A_615 = vector.shape_cast %swap3A_614 : vector<1x16xf32> to vector<16xf32>
    %swap3A_616 = vector.shape_cast %broadcast_in_dim3A_610 : vector<16xf32> to vector<1x16xf32>
    tpu.vector_store %arg9[%swap3A_612, %swap3A_613], %swap3A_616 {strides = array<i32>} : memref<64x32xf32, #tpu.memory_space<vmem>>, vector<1x16xf32>,
    %broadcast_in_dim3A_617 = arith.constant 0.000000e+00 : f32
    %broadcast_in_dim3A_618 = vector.broadcast %broadcast_in_dim3A_617 : f32 to vector<16xf32>
    %swap3A_619 = arith.constant 38 : i32
    %swap3A_620 = arith.index_cast %swap3A_619 : i32 to index
    %swap3A_621 = arith.constant 16 : index
    %swap3A_622 = tpu.vector_load %arg9[%swap3A_620, %swap3A_621] {strides = array<i32>} : memref<64x32xf32, #tpu.memory_space<vmem>>, vector<1x16xf32>,
    %swap3A_623 = vector.shape_cast %swap3A_622 : vector<1x16xf32> to vector<16xf32>
    %swap3A_624 = vector.shape_cast %broadcast_in_dim3A_618 : vector<16xf32> to vector<1x16xf32>
    tpu.vector_store %arg9[%swap3A_620, %swap3A_621], %swap3A_624 {strides = array<i32>} : memref<64x32xf32, #tpu.memory_space<vmem>>, vector<1x16xf32>,
    %broadcast_in_dim3A_625 = arith.constant 0.000000e+00 : f32
    %broadcast_in_dim3A_626 = vector.broadcast %broadcast_in_dim3A_625 : f32 to vector<16xf32>
    %swap3A_627 = arith.constant 39 : i32
    %swap3A_628 = arith.index_cast %swap3A_627 : i32 to index
    %swap3A_629 = arith.constant 0 : index
    %swap3A_630 = tpu.vector_load %arg9[%swap3A_628, %swap3A_629] {strides = array<i32>} : memref<64x32xf32, #tpu.memory_space<vmem>>, vector<1x16xf32>,
    %swap3A_631 = vector.shape_cast %swap3A_630 : vector<1x16xf32> to vector<16xf32>
    %swap3A_632 = vector.shape_cast %broadcast_in_dim3A_626 : vector<16xf32> to vector<1x16xf32>
    tpu.vector_store %arg9[%swap3A_628, %swap3A_629], %swap3A_632 {strides = array<i32>} : memref<64x32xf32, #tpu.memory_space<vmem>>, vector<1x16xf32>,
    %broadcast_in_dim3A_633 = arith.constant 0.000000e+00 : f32
    %broadcast_in_dim3A_634 = vector.broadcast %broadcast_in_dim3A_633 : f32 to vector<16xf32>
    %swap3A_635 = arith.constant 39 : i32
    %swap3A_636 = arith.index_cast %swap3A_635 : i32 to index
    %swap3A_637 = arith.constant 16 : index
    %swap3A_638 = tpu.vector_load %arg9[%swap3A_636, %swap3A_637] {strides = array<i32>} : memref<64x32xf32, #tpu.memory_space<vmem>>, vector<1x16xf32>,
    %swap3A_639 = vector.shape_cast %swap3A_638 : vector<1x16xf32> to vector<16xf32>
    %swap3A_640 = vector.shape_cast %broadcast_in_dim3A_634 : vector<16xf32> to vector<1x16xf32>
    tpu.vector_store %arg9[%swap3A_636, %swap3A_637], %swap3A_640 {strides = array<i32>} : memref<64x32xf32, #tpu.memory_space<vmem>>, vector<1x16xf32>,
    %broadcast_in_dim3A_641 = arith.constant 0.000000e+00 : f32
    %broadcast_in_dim3A_642 = vector.broadcast %broadcast_in_dim3A_641 : f32 to vector<16xf32>
    %swap3A_643 = arith.constant 40 : i32
    %swap3A_644 = arith.index_cast %swap3A_643 : i32 to index
    %swap3A_645 = arith.constant 0 : index
    %swap3A_646 = tpu.vector_load %arg9[%swap3A_644, %swap3A_645] {strides = array<i32>} : memref<64x32xf32, #tpu.memory_space<vmem>>, vector<1x16xf32>,
    %swap3A_647 = vector.shape_cast %swap3A_646 : vector<1x16xf32> to vector<16xf32>
    %swap3A_648 = vector.shape_cast %broadcast_in_dim3A_642 : vector<16xf32> to vector<1x16xf32>
    tpu.vector_store %arg9[%swap3A_644, %swap3A_645], %swap3A_648 {strides = array<i32>} : memref<64x32xf32, #tpu.memory_space<vmem>>, vector<1x16xf32>,
    %broadcast_in_dim3A_649 = arith.constant 0.000000e+00 : f32
    %broadcast_in_dim3A_650 = vector.broadcast %broadcast_in_dim3A_649 : f32 to vector<16xf32>
    %swap3A_651 = arith.constant 40 : i32
    %swap3A_652 = arith.index_cast %swap3A_651 : i32 to index
    %swap3A_653 = arith.constant 16 : index
    %swap3A_654 = tpu.vector_load %arg9[%swap3A_652, %swap3A_653] {strides = array<i32>} : memref<64x32xf32, #tpu.memory_space<vmem>>, vector<1x16xf32>,
    %swap3A_655 = vector.shape_cast %swap3A_654 : vector<1x16xf32> to vector<16xf32>
    %swap3A_656 = vector.shape_cast %broadcast_in_dim3A_650 : vector<16xf32> to vector<1x16xf32>
    tpu.vector_store %arg9[%swap3A_652, %swap3A_653], %swap3A_656 {strides = array<i32>} : memref<64x32xf32, #tpu.memory_space<vmem>>, vector<1x16xf32>,
    %broadcast_in_dim3A_657 = arith.constant 0.000000e+00 : f32
    %broadcast_in_dim3A_658 = vector.broadcast %broadcast_in_dim3A_657 : f32 to vector<16xf32>
    %swap3A_659 = arith.constant 41 : i32
    %swap3A_660 = arith.index_cast %swap3A_659 : i32 to index
    %swap3A_661 = arith.constant 0 : index
    %swap3A_662 = tpu.vector_load %arg9[%swap3A_660, %swap3A_661] {strides = array<i32>} : memref<64x32xf32, #tpu.memory_space<vmem>>, vector<1x16xf32>,
    %swap3A_663 = vector.shape_cast %swap3A_662 : vector<1x16xf32> to vector<16xf32>
    %swap3A_664 = vector.shape_cast %broadcast_in_dim3A_658 : vector<16xf32> to vector<1x16xf32>
    tpu.vector_store %arg9[%swap3A_660, %swap3A_661], %swap3A_664 {strides = array<i32>} : memref<64x32xf32, #tpu.memory_space<vmem>>, vector<1x16xf32>,
    %broadcast_in_dim3A_665 = arith.constant 0.000000e+00 : f32
    %broadcast_in_dim3A_666 = vector.broadcast %broadcast_in_dim3A_665 : f32 to vector<16xf32>
    %swap3A_667 = arith.constant 41 : i32
    %swap3A_668 = arith.index_cast %swap3A_667 : i32 to index
    %swap3A_669 = arith.constant 16 : index
    %swap3A_670 = tpu.vector_load %arg9[%swap3A_668, %swap3A_669] {strides = array<i32>} : memref<64x32xf32, #tpu.memory_space<vmem>>, vector<1x16xf32>,
    %swap3A_671 = vector.shape_cast %swap3A_670 : vector<1x16xf32> to vector<16xf32>
    %swap3A_672 = vector.shape_cast %broadcast_in_dim3A_666 : vector<16xf32> to vector<1x16xf32>
    tpu.vector_store %arg9[%swap3A_668, %swap3A_669], %swap3A_672 {strides = array<i32>} : memref<64x32xf32, #tpu.memory_space<vmem>>, vector<1x16xf32>,
    %broadcast_in_dim3A_673 = arith.constant 0.000000e+00 : f32
    %broadcast_in_dim3A_674 = vector.broadcast %broadcast_in_dim3A_673 : f32 to vector<16xf32>
    %swap3A_675 = arith.constant 42 : i32
    %swap3A_676 = arith.index_cast %swap3A_675 : i32 to index
    %swap3A_677 = arith.constant 0 : index
    %swap3A_678 = tpu.vector_load %arg9[%swap3A_676, %swap3A_677] {strides = array<i32>} : memref<64x32xf32, #tpu.memory_space<vmem>>, vector<1x16xf32>,
    %swap3A_679 = vector.shape_cast %swap3A_678 : vector<1x16xf32> to vector<16xf32>
    %swap3A_680 = vector.shape_cast %broadcast_in_dim3A_674 : vector<16xf32> to vector<1x16xf32>
    tpu.vector_store %arg9[%swap3A_676, %swap3A_677], %swap3A_680 {strides = array<i32>} : memref<64x32xf32, #tpu.memory_space<vmem>>, vector<1x16xf32>,
    %broadcast_in_dim3A_681 = arith.constant 0.000000e+00 : f32
    %broadcast_in_dim3A_682 = vector.broadcast %broadcast_in_dim3A_681 : f32 to vector<16xf32>
    %swap3A_683 = arith.constant 42 : i32
    %swap3A_684 = arith.index_cast %swap3A_683 : i32 to index
    %swap3A_685 = arith.constant 16 : index
    %swap3A_686 = tpu.vector_load %arg9[%swap3A_684, %swap3A_685] {strides = array<i32>} : memref<64x32xf32, #tpu.memory_space<vmem>>, vector<1x16xf32>,
    %swap3A_687 = vector.shape_cast %swap3A_686 : vector<1x16xf32> to vector<16xf32>
    %swap3A_688 = vector.shape_cast %broadcast_in_dim3A_682 : vector<16xf32> to vector<1x16xf32>
    tpu.vector_store %arg9[%swap3A_684, %swap3A_685], %swap3A_688 {strides = array<i32>} : memref<64x32xf32, #tpu.memory_space<vmem>>, vector<1x16xf32>,
    %broadcast_in_dim3A_689 = arith.constant 0.000000e+00 : f32
    %broadcast_in_dim3A_690 = vector.broadcast %broadcast_in_dim3A_689 : f32 to vector<16xf32>
    %swap3A_691 = arith.constant 43 : i32
    %swap3A_692 = arith.index_cast %swap3A_691 : i32 to index
    %swap3A_693 = arith.constant 0 : index
    %swap3A_694 = tpu.vector_load %arg9[%swap3A_692, %swap3A_693] {strides = array<i32>} : memref<64x32xf32, #tpu.memory_space<vmem>>, vector<1x16xf32>,
    %swap3A_695 = vector.shape_cast %swap3A_694 : vector<1x16xf32> to vector<16xf32>
    %swap3A_696 = vector.shape_cast %broadcast_in_dim3A_690 : vector<16xf32> to vector<1x16xf32>
    tpu.vector_store %arg9[%swap3A_692, %swap3A_693], %swap3A_696 {strides = array<i32>} : memref<64x32xf32, #tpu.memory_space<vmem>>, vector<1x16xf32>,
    %broadcast_in_dim3A_697 = arith.constant 0.000000e+00 : f32
    %broadcast_in_dim3A_698 = vector.broadcast %broadcast_in_dim3A_697 : f32 to vector<16xf32>
    %swap3A_699 = arith.constant 43 : i32
    %swap3A_700 = arith.index_cast %swap3A_699 : i32 to index
    %swap3A_701 = arith.constant 16 : index
    %swap3A_702 = tpu.vector_load %arg9[%swap3A_700, %swap3A_701] {strides = array<i32>} : memref<64x32xf32, #tpu.memory_space<vmem>>, vector<1x16xf32>,
    %swap3A_703 = vector.shape_cast %swap3A_702 : vector<1x16xf32> to vector<16xf32>
    %swap3A_704 = vector.shape_cast %broadcast_in_dim3A_698 : vector<16xf32> to vector<1x16xf32>
    tpu.vector_store %arg9[%swap3A_700, %swap3A_701], %swap3A_704 {strides = array<i32>} : memref<64x32xf32, #tpu.memory_space<vmem>>, vector<1x16xf32>,
    %broadcast_in_dim3A_705 = arith.constant 0.000000e+00 : f32
    %broadcast_in_dim3A_706 = vector.broadcast %broadcast_in_dim3A_705 : f32 to vector<16xf32>
    %swap3A_707 = arith.constant 44 : i32
    %swap3A_708 = arith.index_cast %swap3A_707 : i32 to index
    %swap3A_709 = arith.constant 0 : index
    %swap3A_710 = tpu.vector_load %arg9[%swap3A_708, %swap3A_709] {strides = array<i32>} : memref<64x32xf32, #tpu.memory_space<vmem>>, vector<1x16xf32>,
    %swap3A_711 = vector.shape_cast %swap3A_710 : vector<1x16xf32> to vector<16xf32>
    %swap3A_712 = vector.shape_cast %broadcast_in_dim3A_706 : vector<16xf32> to vector<1x16xf32>
    tpu.vector_store %arg9[%swap3A_708, %swap3A_709], %swap3A_712 {strides = array<i32>} : memref<64x32xf32, #tpu.memory_space<vmem>>, vector<1x16xf32>,
    %broadcast_in_dim3A_713 = arith.constant 0.000000e+00 : f32
    %broadcast_in_dim3A_714 = vector.broadcast %broadcast_in_dim3A_713 : f32 to vector<16xf32>
    %swap3A_715 = arith.constant 44 : i32
    %swap3A_716 = arith.index_cast %swap3A_715 : i32 to index
    %swap3A_717 = arith.constant 16 : index
    %swap3A_718 = tpu.vector_load %arg9[%swap3A_716, %swap3A_717] {strides = array<i32>} : memref<64x32xf32, #tpu.memory_space<vmem>>, vector<1x16xf32>,
    %swap3A_719 = vector.shape_cast %swap3A_718 : vector<1x16xf32> to vector<16xf32>
    %swap3A_720 = vector.shape_cast %broadcast_in_dim3A_714 : vector<16xf32> to vector<1x16xf32>
    tpu.vector_store %arg9[%swap3A_716, %swap3A_717], %swap3A_720 {strides = array<i32>} : memref<64x32xf32, #tpu.memory_space<vmem>>, vector<1x16xf32>,
    %broadcast_in_dim3A_721 = arith.constant 0.000000e+00 : f32
    %broadcast_in_dim3A_722 = vector.broadcast %broadcast_in_dim3A_721 : f32 to vector<16xf32>
    %swap3A_723 = arith.constant 45 : i32
    %swap3A_724 = arith.index_cast %swap3A_723 : i32 to index
    %swap3A_725 = arith.constant 0 : index
    %swap3A_726 = tpu.vector_load %arg9[%swap3A_724, %swap3A_725] {strides = array<i32>} : memref<64x32xf32, #tpu.memory_space<vmem>>, vector<1x16xf32>,
    %swap3A_727 = vector.shape_cast %swap3A_726 : vector<1x16xf32> to vector<16xf32>
    %swap3A_728 = vector.shape_cast %broadcast_in_dim3A_722 : vector<16xf32> to vector<1x16xf32>
    tpu.vector_store %arg9[%swap3A_724, %swap3A_725], %swap3A_728 {strides = array<i32>} : memref<64x32xf32, #tpu.memory_space<vmem>>, vector<1x16xf32>,
    %broadcast_in_dim3A_729 = arith.constant 0.000000e+00 : f32
    %broadcast_in_dim3A_730 = vector.broadcast %broadcast_in_dim3A_729 : f32 to vector<16xf32>
    %swap3A_731 = arith.constant 45 : i32
    %swap3A_732 = arith.index_cast %swap3A_731 : i32 to index
    %swap3A_733 = arith.constant 16 : index
    %swap3A_734 = tpu.vector_load %arg9[%swap3A_732, %swap3A_733] {strides = array<i32>} : memref<64x32xf32, #tpu.memory_space<vmem>>, vector<1x16xf32>,
    %swap3A_735 = vector.shape_cast %swap3A_734 : vector<1x16xf32> to vector<16xf32>
    %swap3A_736 = vector.shape_cast %broadcast_in_dim3A_730 : vector<16xf32> to vector<1x16xf32>
    tpu.vector_store %arg9[%swap3A_732, %swap3A_733], %swap3A_736 {strides = array<i32>} : memref<64x32xf32, #tpu.memory_space<vmem>>, vector<1x16xf32>,
    %broadcast_in_dim3A_737 = arith.constant 0.000000e+00 : f32
    %broadcast_in_dim3A_738 = vector.broadcast %broadcast_in_dim3A_737 : f32 to vector<16xf32>
    %swap3A_739 = arith.constant 46 : i32
    %swap3A_740 = arith.index_cast %swap3A_739 : i32 to index
    %swap3A_741 = arith.constant 0 : index
    %swap3A_742 = tpu.vector_load %arg9[%swap3A_740, %swap3A_741] {strides = array<i32>} : memref<64x32xf32, #tpu.memory_space<vmem>>, vector<1x16xf32>,
    %swap3A_743 = vector.shape_cast %swap3A_742 : vector<1x16xf32> to vector<16xf32>
    %swap3A_744 = vector.shape_cast %broadcast_in_dim3A_738 : vector<16xf32> to vector<1x16xf32>
    tpu.vector_store %arg9[%swap3A_740, %swap3A_741], %swap3A_744 {strides = array<i32>} : memref<64x32xf32, #tpu.memory_space<vmem>>, vector<1x16xf32>,
    %broadcast_in_dim3A_745 = arith.constant 0.000000e+00 : f32
    %broadcast_in_dim3A_746 = vector.broadcast %broadcast_in_dim3A_745 : f32 to vector<16xf32>
    %swap3A_747 = arith.constant 46 : i32
    %swap3A_748 = arith.index_cast %swap3A_747 : i32 to index
    %swap3A_749 = arith.constant 16 : index
    %swap3A_750 = tpu.vector_load %arg9[%swap3A_748, %swap3A_749] {strides = array<i32>} : memref<64x32xf32, #tpu.memory_space<vmem>>, vector<1x16xf32>,
    %swap3A_751 = vector.shape_cast %swap3A_750 : vector<1x16xf32> to vector<16xf32>
    %swap3A_752 = vector.shape_cast %broadcast_in_dim3A_746 : vector<16xf32> to vector<1x16xf32>
    tpu.vector_store %arg9[%swap3A_748, %swap3A_749], %swap3A_752 {strides = array<i32>} : memref<64x32xf32, #tpu.memory_space<vmem>>, vector<1x16xf32>,
    %broadcast_in_dim3A_753 = arith.constant 0.000000e+00 : f32
    %broadcast_in_dim3A_754 = vector.broadcast %broadcast_in_dim3A_753 : f32 to vector<16xf32>
    %swap3A_755 = arith.constant 47 : i32
    %swap3A_756 = arith.index_cast %swap3A_755 : i32 to index
    %swap3A_757 = arith.constant 0 : index
    %swap3A_758 = tpu.vector_load %arg9[%swap3A_756, %swap3A_757] {strides = array<i32>} : memref<64x32xf32, #tpu.memory_space<vmem>>, vector<1x16xf32>,
    %swap3A_759 = vector.shape_cast %swap3A_758 : vector<1x16xf32> to vector<16xf32>
    %swap3A_760 = vector.shape_cast %broadcast_in_dim3A_754 : vector<16xf32> to vector<1x16xf32>
    tpu.vector_store %arg9[%swap3A_756, %swap3A_757], %swap3A_760 {strides = array<i32>} : memref<64x32xf32, #tpu.memory_space<vmem>>, vector<1x16xf32>,
    %broadcast_in_dim3A_761 = arith.constant 0.000000e+00 : f32
    %broadcast_in_dim3A_762 = vector.broadcast %broadcast_in_dim3A_761 : f32 to vector<16xf32>
    %swap3A_763 = arith.constant 47 : i32
    %swap3A_764 = arith.index_cast %swap3A_763 : i32 to index
    %swap3A_765 = arith.constant 16 : index
    %swap3A_766 = tpu.vector_load %arg9[%swap3A_764, %swap3A_765] {strides = array<i32>} : memref<64x32xf32, #tpu.memory_space<vmem>>, vector<1x16xf32>,
    %swap3A_767 = vector.shape_cast %swap3A_766 : vector<1x16xf32> to vector<16xf32>
    %swap3A_768 = vector.shape_cast %broadcast_in_dim3A_762 : vector<16xf32> to vector<1x16xf32>
    tpu.vector_store %arg9[%swap3A_764, %swap3A_765], %swap3A_768 {strides = array<i32>} : memref<64x32xf32, #tpu.memory_space<vmem>>, vector<1x16xf32>,
    %broadcast_in_dim3A_769 = arith.constant 0.000000e+00 : f32
    %broadcast_in_dim3A_770 = vector.broadcast %broadcast_in_dim3A_769 : f32 to vector<16xf32>
    %swap3A_771 = arith.constant 48 : i32
    %swap3A_772 = arith.index_cast %swap3A_771 : i32 to index
    %swap3A_773 = arith.constant 0 : index
    %swap3A_774 = tpu.vector_load %arg9[%swap3A_772, %swap3A_773] {strides = array<i32>} : memref<64x32xf32, #tpu.memory_space<vmem>>, vector<1x16xf32>,
    %swap3A_775 = vector.shape_cast %swap3A_774 : vector<1x16xf32> to vector<16xf32>
    %swap3A_776 = vector.shape_cast %broadcast_in_dim3A_770 : vector<16xf32> to vector<1x16xf32>
    tpu.vector_store %arg9[%swap3A_772, %swap3A_773], %swap3A_776 {strides = array<i32>} : memref<64x32xf32, #tpu.memory_space<vmem>>, vector<1x16xf32>,
    %broadcast_in_dim3A_777 = arith.constant 0.000000e+00 : f32
    %broadcast_in_dim3A_778 = vector.broadcast %broadcast_in_dim3A_777 : f32 to vector<16xf32>
    %swap3A_779 = arith.constant 48 : i32
    %swap3A_780 = arith.index_cast %swap3A_779 : i32 to index
    %swap3A_781 = arith.constant 16 : index
    %swap3A_782 = tpu.vector_load %arg9[%swap3A_780, %swap3A_781] {strides = array<i32>} : memref<64x32xf32, #tpu.memory_space<vmem>>, vector<1x16xf32>,
    %swap3A_783 = vector.shape_cast %swap3A_782 : vector<1x16xf32> to vector<16xf32>
    %swap3A_784 = vector.shape_cast %broadcast_in_dim3A_778 : vector<16xf32> to vector<1x16xf32>
    tpu.vector_store %arg9[%swap3A_780, %swap3A_781], %swap3A_784 {strides = array<i32>} : memref<64x32xf32, #tpu.memory_space<vmem>>, vector<1x16xf32>,
    %broadcast_in_dim3A_785 = arith.constant 0.000000e+00 : f32
    %broadcast_in_dim3A_786 = vector.broadcast %broadcast_in_dim3A_785 : f32 to vector<16xf32>
    %swap3A_787 = arith.constant 49 : i32
    %swap3A_788 = arith.index_cast %swap3A_787 : i32 to index
    %swap3A_789 = arith.constant 0 : index
    %swap3A_790 = tpu.vector_load %arg9[%swap3A_788, %swap3A_789] {strides = array<i32>} : memref<64x32xf32, #tpu.memory_space<vmem>>, vector<1x16xf32>,
    %swap3A_791 = vector.shape_cast %swap3A_790 : vector<1x16xf32> to vector<16xf32>
    %swap3A_792 = vector.shape_cast %broadcast_in_dim3A_786 : vector<16xf32> to vector<1x16xf32>
    tpu.vector_store %arg9[%swap3A_788, %swap3A_789], %swap3A_792 {strides = array<i32>} : memref<64x32xf32, #tpu.memory_space<vmem>>, vector<1x16xf32>,
    %broadcast_in_dim3A_793 = arith.constant 0.000000e+00 : f32
    %broadcast_in_dim3A_794 = vector.broadcast %broadcast_in_dim3A_793 : f32 to vector<16xf32>
    %swap3A_795 = arith.constant 49 : i32
    %swap3A_796 = arith.index_cast %swap3A_795 : i32 to index
    %swap3A_797 = arith.constant 16 : index
    %swap3A_798 = tpu.vector_load %arg9[%swap3A_796, %swap3A_797] {strides = array<i32>} : memref<64x32xf32, #tpu.memory_space<vmem>>, vector<1x16xf32>,
    %swap3A_799 = vector.shape_cast %swap3A_798 : vector<1x16xf32> to vector<16xf32>
    %swap3A_800 = vector.shape_cast %broadcast_in_dim3A_794 : vector<16xf32> to vector<1x16xf32>
    tpu.vector_store %arg9[%swap3A_796, %swap3A_797], %swap3A_800 {strides = array<i32>} : memref<64x32xf32, #tpu.memory_space<vmem>>, vector<1x16xf32>,
    %broadcast_in_dim3A_801 = arith.constant 0.000000e+00 : f32
    %broadcast_in_dim3A_802 = vector.broadcast %broadcast_in_dim3A_801 : f32 to vector<16xf32>
    %swap3A_803 = arith.constant 50 : i32
    %swap3A_804 = arith.index_cast %swap3A_803 : i32 to index
    %swap3A_805 = arith.constant 0 : index
    %swap3A_806 = tpu.vector_load %arg9[%swap3A_804, %swap3A_805] {strides = array<i32>} : memref<64x32xf32, #tpu.memory_space<vmem>>, vector<1x16xf32>,
    %swap3A_807 = vector.shape_cast %swap3A_806 : vector<1x16xf32> to vector<16xf32>
    %swap3A_808 = vector.shape_cast %broadcast_in_dim3A_802 : vector<16xf32> to vector<1x16xf32>
    tpu.vector_store %arg9[%swap3A_804, %swap3A_805], %swap3A_808 {strides = array<i32>} : memref<64x32xf32, #tpu.memory_space<vmem>>, vector<1x16xf32>,
    %broadcast_in_dim3A_809 = arith.constant 0.000000e+00 : f32
    %broadcast_in_dim3A_810 = vector.broadcast %broadcast_in_dim3A_809 : f32 to vector<16xf32>
    %swap3A_811 = arith.constant 50 : i32
    %swap3A_812 = arith.index_cast %swap3A_811 : i32 to index
    %swap3A_813 = arith.constant 16 : index
    %swap3A_814 = tpu.vector_load %arg9[%swap3A_812, %swap3A_813] {strides = array<i32>} : memref<64x32xf32, #tpu.memory_space<vmem>>, vector<1x16xf32>,
    %swap3A_815 = vector.shape_cast %swap3A_814 : vector<1x16xf32> to vector<16xf32>
    %swap3A_816 = vector.shape_cast %broadcast_in_dim3A_810 : vector<16xf32> to vector<1x16xf32>
    tpu.vector_store %arg9[%swap3A_812, %swap3A_813], %swap3A_816 {strides = array<i32>} : memref<64x32xf32, #tpu.memory_space<vmem>>, vector<1x16xf32>,
    %broadcast_in_dim3A_817 = arith.constant 0.000000e+00 : f32
    %broadcast_in_dim3A_818 = vector.broadcast %broadcast_in_dim3A_817 : f32 to vector<16xf32>
    %swap3A_819 = arith.constant 51 : i32
    %swap3A_820 = arith.index_cast %swap3A_819 : i32 to index
    %swap3A_821 = arith.constant 0 : index
    %swap3A_822 = tpu.vector_load %arg9[%swap3A_820, %swap3A_821] {strides = array<i32>} : memref<64x32xf32, #tpu.memory_space<vmem>>, vector<1x16xf32>,
    %swap3A_823 = vector.shape_cast %swap3A_822 : vector<1x16xf32> to vector<16xf32>
    %swap3A_824 = vector.shape_cast %broadcast_in_dim3A_818 : vector<16xf32> to vector<1x16xf32>
    tpu.vector_store %arg9[%swap3A_820, %swap3A_821], %swap3A_824 {strides = array<i32>} : memref<64x32xf32, #tpu.memory_space<vmem>>, vector<1x16xf32>,
    %broadcast_in_dim3A_825 = arith.constant 0.000000e+00 : f32
    %broadcast_in_dim3A_826 = vector.broadcast %broadcast_in_dim3A_825 : f32 to vector<16xf32>
    %swap3A_827 = arith.constant 51 : i32
    %swap3A_828 = arith.index_cast %swap3A_827 : i32 to index
    %swap3A_829 = arith.constant 16 : index
    %swap3A_830 = tpu.vector_load %arg9[%swap3A_828, %swap3A_829] {strides = array<i32>} : memref<64x32xf32, #tpu.memory_space<vmem>>, vector<1x16xf32>,
    %swap3A_831 = vector.shape_cast %swap3A_830 : vector<1x16xf32> to vector<16xf32>
    %swap3A_832 = vector.shape_cast %broadcast_in_dim3A_826 : vector<16xf32> to vector<1x16xf32>
    tpu.vector_store %arg9[%swap3A_828, %swap3A_829], %swap3A_832 {strides = array<i32>} : memref<64x32xf32, #tpu.memory_space<vmem>>, vector<1x16xf32>,
    %broadcast_in_dim3A_833 = arith.constant 0.000000e+00 : f32
    %broadcast_in_dim3A_834 = vector.broadcast %broadcast_in_dim3A_833 : f32 to vector<16xf32>
    %swap3A_835 = arith.constant 52 : i32
    %swap3A_836 = arith.index_cast %swap3A_835 : i32 to index
    %swap3A_837 = arith.constant 0 : index
    %swap3A_838 = tpu.vector_load %arg9[%swap3A_836, %swap3A_837] {strides = array<i32>} : memref<64x32xf32, #tpu.memory_space<vmem>>, vector<1x16xf32>,
    %swap3A_839 = vector.shape_cast %swap3A_838 : vector<1x16xf32> to vector<16xf32>
    %swap3A_840 = vector.shape_cast %broadcast_in_dim3A_834 : vector<16xf32> to vector<1x16xf32>
    tpu.vector_store %arg9[%swap3A_836, %swap3A_837], %swap3A_840 {strides = array<i32>} : memref<64x32xf32, #tpu.memory_space<vmem>>, vector<1x16xf32>,
    %broadcast_in_dim3A_841 = arith.constant 0.000000e+00 : f32
    %broadcast_in_dim3A_842 = vector.broadcast %broadcast_in_dim3A_841 : f32 to vector<16xf32>
    %swap3A_843 = arith.constant 52 : i32
    %swap3A_844 = arith.index_cast %swap3A_843 : i32 to index
    %swap3A_845 = arith.constant 16 : index
    %swap3A_846 = tpu.vector_load %arg9[%swap3A_844, %swap3A_845] {strides = array<i32>} : memref<64x32xf32, #tpu.memory_space<vmem>>, vector<1x16xf32>,
    %swap3A_847 = vector.shape_cast %swap3A_846 : vector<1x16xf32> to vector<16xf32>
    %swap3A_848 = vector.shape_cast %broadcast_in_dim3A_842 : vector<16xf32> to vector<1x16xf32>
    tpu.vector_store %arg9[%swap3A_844, %swap3A_845], %swap3A_848 {strides = array<i32>} : memref<64x32xf32, #tpu.memory_space<vmem>>, vector<1x16xf32>,
    %broadcast_in_dim3A_849 = arith.constant 0.000000e+00 : f32
    %broadcast_in_dim3A_850 = vector.broadcast %broadcast_in_dim3A_849 : f32 to vector<16xf32>
    %swap3A_851 = arith.constant 53 : i32
    %swap3A_852 = arith.index_cast %swap3A_851 : i32 to index
    %swap3A_853 = arith.constant 0 : index
    %swap3A_854 = tpu.vector_load %arg9[%swap3A_852, %swap3A_853] {strides = array<i32>} : memref<64x32xf32, #tpu.memory_space<vmem>>, vector<1x16xf32>,
    %swap3A_855 = vector.shape_cast %swap3A_854 : vector<1x16xf32> to vector<16xf32>
    %swap3A_856 = vector.shape_cast %broadcast_in_dim3A_850 : vector<16xf32> to vector<1x16xf32>
    tpu.vector_store %arg9[%swap3A_852, %swap3A_853], %swap3A_856 {strides = array<i32>} : memref<64x32xf32, #tpu.memory_space<vmem>>, vector<1x16xf32>,
    %broadcast_in_dim3A_857 = arith.constant 0.000000e+00 : f32
    %broadcast_in_dim3A_858 = vector.broadcast %broadcast_in_dim3A_857 : f32 to vector<16xf32>
    %swap3A_859 = arith.constant 53 : i32
    %swap3A_860 = arith.index_cast %swap3A_859 : i32 to index
    %swap3A_861 = arith.constant 16 : index
    %swap3A_862 = tpu.vector_load %arg9[%swap3A_860, %swap3A_861] {strides = array<i32>} : memref<64x32xf32, #tpu.memory_space<vmem>>, vector<1x16xf32>,
    %swap3A_863 = vector.shape_cast %swap3A_862 : vector<1x16xf32> to vector<16xf32>
    %swap3A_864 = vector.shape_cast %broadcast_in_dim3A_858 : vector<16xf32> to vector<1x16xf32>
    tpu.vector_store %arg9[%swap3A_860, %swap3A_861], %swap3A_864 {strides = array<i32>} : memref<64x32xf32, #tpu.memory_space<vmem>>, vector<1x16xf32>,
    %broadcast_in_dim3A_865 = arith.constant 0.000000e+00 : f32
    %broadcast_in_dim3A_866 = vector.broadcast %broadcast_in_dim3A_865 : f32 to vector<16xf32>
    %swap3A_867 = arith.constant 54 : i32
    %swap3A_868 = arith.index_cast %swap3A_867 : i32 to index
    %swap3A_869 = arith.constant 0 : index
    %swap3A_870 = tpu.vector_load %arg9[%swap3A_868, %swap3A_869] {strides = array<i32>} : memref<64x32xf32, #tpu.memory_space<vmem>>, vector<1x16xf32>,
    %swap3A_871 = vector.shape_cast %swap3A_870 : vector<1x16xf32> to vector<16xf32>
    %swap3A_872 = vector.shape_cast %broadcast_in_dim3A_866 : vector<16xf32> to vector<1x16xf32>
    tpu.vector_store %arg9[%swap3A_868, %swap3A_869], %swap3A_872 {strides = array<i32>} : memref<64x32xf32, #tpu.memory_space<vmem>>, vector<1x16xf32>,
    %broadcast_in_dim3A_873 = arith.constant 0.000000e+00 : f32
    %broadcast_in_dim3A_874 = vector.broadcast %broadcast_in_dim3A_873 : f32 to vector<16xf32>
    %swap3A_875 = arith.constant 54 : i32
    %swap3A_876 = arith.index_cast %swap3A_875 : i32 to index
    %swap3A_877 = arith.constant 16 : index
    %swap3A_878 = tpu.vector_load %arg9[%swap3A_876, %swap3A_877] {strides = array<i32>} : memref<64x32xf32, #tpu.memory_space<vmem>>, vector<1x16xf32>,
    %swap3A_879 = vector.shape_cast %swap3A_878 : vector<1x16xf32> to vector<16xf32>
    %swap3A_880 = vector.shape_cast %broadcast_in_dim3A_874 : vector<16xf32> to vector<1x16xf32>
    tpu.vector_store %arg9[%swap3A_876, %swap3A_877], %swap3A_880 {strides = array<i32>} : memref<64x32xf32, #tpu.memory_space<vmem>>, vector<1x16xf32>,
    %broadcast_in_dim3A_881 = arith.constant 0.000000e+00 : f32
    %broadcast_in_dim3A_882 = vector.broadcast %broadcast_in_dim3A_881 : f32 to vector<16xf32>
    %swap3A_883 = arith.constant 55 : i32
    %swap3A_884 = arith.index_cast %swap3A_883 : i32 to index
    %swap3A_885 = arith.constant 0 : index
    %swap3A_886 = tpu.vector_load %arg9[%swap3A_884, %swap3A_885] {strides = array<i32>} : memref<64x32xf32, #tpu.memory_space<vmem>>, vector<1x16xf32>,
    %swap3A_887 = vector.shape_cast %swap3A_886 : vector<1x16xf32> to vector<16xf32>
    %swap3A_888 = vector.shape_cast %broadcast_in_dim3A_882 : vector<16xf32> to vector<1x16xf32>
    tpu.vector_store %arg9[%swap3A_884, %swap3A_885], %swap3A_888 {strides = array<i32>} : memref<64x32xf32, #tpu.memory_space<vmem>>, vector<1x16xf32>,
    %broadcast_in_dim3A_889 = arith.constant 0.000000e+00 : f32
    %broadcast_in_dim3A_890 = vector.broadcast %broadcast_in_dim3A_889 : f32 to vector<16xf32>
    %swap3A_891 = arith.constant 55 : i32
    %swap3A_892 = arith.index_cast %swap3A_891 : i32 to index
    %swap3A_893 = arith.constant 16 : index
    %swap3A_894 = tpu.vector_load %arg9[%swap3A_892, %swap3A_893] {strides = array<i32>} : memref<64x32xf32, #tpu.memory_space<vmem>>, vector<1x16xf32>,
    %swap3A_895 = vector.shape_cast %swap3A_894 : vector<1x16xf32> to vector<16xf32>
    %swap3A_896 = vector.shape_cast %broadcast_in_dim3A_890 : vector<16xf32> to vector<1x16xf32>
    tpu.vector_store %arg9[%swap3A_892, %swap3A_893], %swap3A_896 {strides = array<i32>} : memref<64x32xf32, #tpu.memory_space<vmem>>, vector<1x16xf32>,
    %broadcast_in_dim3A_897 = arith.constant 0.000000e+00 : f32
    %broadcast_in_dim3A_898 = vector.broadcast %broadcast_in_dim3A_897 : f32 to vector<16xf32>
    %swap3A_899 = arith.constant 56 : i32
    %swap3A_900 = arith.index_cast %swap3A_899 : i32 to index
    %swap3A_901 = arith.constant 0 : index
    %swap3A_902 = tpu.vector_load %arg9[%swap3A_900, %swap3A_901] {strides = array<i32>} : memref<64x32xf32, #tpu.memory_space<vmem>>, vector<1x16xf32>,
    %swap3A_903 = vector.shape_cast %swap3A_902 : vector<1x16xf32> to vector<16xf32>
    %swap3A_904 = vector.shape_cast %broadcast_in_dim3A_898 : vector<16xf32> to vector<1x16xf32>
    tpu.vector_store %arg9[%swap3A_900, %swap3A_901], %swap3A_904 {strides = array<i32>} : memref<64x32xf32, #tpu.memory_space<vmem>>, vector<1x16xf32>,
    %broadcast_in_dim3A_905 = arith.constant 0.000000e+00 : f32
    %broadcast_in_dim3A_906 = vector.broadcast %broadcast_in_dim3A_905 : f32 to vector<16xf32>
    %swap3A_907 = arith.constant 56 : i32
    %swap3A_908 = arith.index_cast %swap3A_907 : i32 to index
    %swap3A_909 = arith.constant 16 : index
    %swap3A_910 = tpu.vector_load %arg9[%swap3A_908, %swap3A_909] {strides = array<i32>} : memref<64x32xf32, #tpu.memory_space<vmem>>, vector<1x16xf32>,
    %swap3A_911 = vector.shape_cast %swap3A_910 : vector<1x16xf32> to vector<16xf32>
    %swap3A_912 = vector.shape_cast %broadcast_in_dim3A_906 : vector<16xf32> to vector<1x16xf32>
    tpu.vector_store %arg9[%swap3A_908, %swap3A_909], %swap3A_912 {strides = array<i32>} : memref<64x32xf32, #tpu.memory_space<vmem>>, vector<1x16xf32>,
    %broadcast_in_dim3A_913 = arith.constant 0.000000e+00 : f32
    %broadcast_in_dim3A_914 = vector.broadcast %broadcast_in_dim3A_913 : f32 to vector<16xf32>
    %swap3A_915 = arith.constant 57 : i32
    %swap3A_916 = arith.index_cast %swap3A_915 : i32 to index
    %swap3A_917 = arith.constant 0 : index
    %swap3A_918 = tpu.vector_load %arg9[%swap3A_916, %swap3A_917] {strides = array<i32>} : memref<64x32xf32, #tpu.memory_space<vmem>>, vector<1x16xf32>,
    %swap3A_919 = vector.shape_cast %swap3A_918 : vector<1x16xf32> to vector<16xf32>
    %swap3A_920 = vector.shape_cast %broadcast_in_dim3A_914 : vector<16xf32> to vector<1x16xf32>
    tpu.vector_store %arg9[%swap3A_916, %swap3A_917], %swap3A_920 {strides = array<i32>} : memref<64x32xf32, #tpu.memory_space<vmem>>, vector<1x16xf32>,
    %broadcast_in_dim3A_921 = arith.constant 0.000000e+00 : f32
    %broadcast_in_dim3A_922 = vector.broadcast %broadcast_in_dim3A_921 : f32 to vector<16xf32>
    %swap3A_923 = arith.constant 57 : i32
    %swap3A_924 = arith.index_cast %swap3A_923 : i32 to index
    %swap3A_925 = arith.constant 16 : index
    %swap3A_926 = tpu.vector_load %arg9[%swap3A_924, %swap3A_925] {strides = array<i32>} : memref<64x32xf32, #tpu.memory_space<vmem>>, vector<1x16xf32>,
    %swap3A_927 = vector.shape_cast %swap3A_926 : vector<1x16xf32> to vector<16xf32>
    %swap3A_928 = vector.shape_cast %broadcast_in_dim3A_922 : vector<16xf32> to vector<1x16xf32>
    tpu.vector_store %arg9[%swap3A_924, %swap3A_925], %swap3A_928 {strides = array<i32>} : memref<64x32xf32, #tpu.memory_space<vmem>>, vector<1x16xf32>,
    %broadcast_in_dim3A_929 = arith.constant 0.000000e+00 : f32
    %broadcast_in_dim3A_930 = vector.broadcast %broadcast_in_dim3A_929 : f32 to vector<16xf32>
    %swap3A_931 = arith.constant 58 : i32
    %swap3A_932 = arith.index_cast %swap3A_931 : i32 to index
    %swap3A_933 = arith.constant 0 : index
    %swap3A_934 = tpu.vector_load %arg9[%swap3A_932, %swap3A_933] {strides = array<i32>} : memref<64x32xf32, #tpu.memory_space<vmem>>, vector<1x16xf32>,
    %swap3A_935 = vector.shape_cast %swap3A_934 : vector<1x16xf32> to vector<16xf32>
    %swap3A_936 = vector.shape_cast %broadcast_in_dim3A_930 : vector<16xf32> to vector<1x16xf32>
    tpu.vector_store %arg9[%swap3A_932, %swap3A_933], %swap3A_936 {strides = array<i32>} : memref<64x32xf32, #tpu.memory_space<vmem>>, vector<1x16xf32>,
    %broadcast_in_dim3A_937 = arith.constant 0.000000e+00 : f32
    %broadcast_in_dim3A_938 = vector.broadcast %broadcast_in_dim3A_937 : f32 to vector<16xf32>
    %swap3A_939 = arith.constant 58 : i32
    %swap3A_940 = arith.index_cast %swap3A_939 : i32 to index
    %swap3A_941 = arith.constant 16 : index
    %swap3A_942 = tpu.vector_load %arg9[%swap3A_940, %swap3A_941] {strides = array<i32>} : memref<64x32xf32, #tpu.memory_space<vmem>>, vector<1x16xf32>,
    %swap3A_943 = vector.shape_cast %swap3A_942 : vector<1x16xf32> to vector<16xf32>
    %swap3A_944 = vector.shape_cast %broadcast_in_dim3A_938 : vector<16xf32> to vector<1x16xf32>
    tpu.vector_store %arg9[%swap3A_940, %swap3A_941], %swap3A_944 {strides = array<i32>} : memref<64x32xf32, #tpu.memory_space<vmem>>, vector<1x16xf32>,
    %broadcast_in_dim3A_945 = arith.constant 0.000000e+00 : f32
    %broadcast_in_dim3A_946 = vector.broadcast %broadcast_in_dim3A_945 : f32 to vector<16xf32>
    %swap3A_947 = arith.constant 59 : i32
    %swap3A_948 = arith.index_cast %swap3A_947 : i32 to index
    %swap3A_949 = arith.constant 0 : index
    %swap3A_950 = tpu.vector_load %arg9[%swap3A_948, %swap3A_949] {strides = array<i32>} : memref<64x32xf32, #tpu.memory_space<vmem>>, vector<1x16xf32>,
    %swap3A_951 = vector.shape_cast %swap3A_950 : vector<1x16xf32> to vector<16xf32>
    %swap3A_952 = vector.shape_cast %broadcast_in_dim3A_946 : vector<16xf32> to vector<1x16xf32>
    tpu.vector_store %arg9[%swap3A_948, %swap3A_949], %swap3A_952 {strides = array<i32>} : memref<64x32xf32, #tpu.memory_space<vmem>>, vector<1x16xf32>,
    %broadcast_in_dim3A_953 = arith.constant 0.000000e+00 : f32
    %broadcast_in_dim3A_954 = vector.broadcast %broadcast_in_dim3A_953 : f32 to vector<16xf32>
    %swap3A_955 = arith.constant 59 : i32
    %swap3A_956 = arith.index_cast %swap3A_955 : i32 to index
    %swap3A_957 = arith.constant 16 : index
    %swap3A_958 = tpu.vector_load %arg9[%swap3A_956, %swap3A_957] {strides = array<i32>} : memref<64x32xf32, #tpu.memory_space<vmem>>, vector<1x16xf32>,
    %swap3A_959 = vector.shape_cast %swap3A_958 : vector<1x16xf32> to vector<16xf32>
    %swap3A_960 = vector.shape_cast %broadcast_in_dim3A_954 : vector<16xf32> to vector<1x16xf32>
    tpu.vector_store %arg9[%swap3A_956, %swap3A_957], %swap3A_960 {strides = array<i32>} : memref<64x32xf32, #tpu.memory_space<vmem>>, vector<1x16xf32>,
    %broadcast_in_dim3A_961 = arith.constant 0.000000e+00 : f32
    %broadcast_in_dim3A_962 = vector.broadcast %broadcast_in_dim3A_961 : f32 to vector<16xf32>
    %swap3A_963 = arith.constant 60 : i32
    %swap3A_964 = arith.index_cast %swap3A_963 : i32 to index
    %swap3A_965 = arith.constant 0 : index
    %swap3A_966 = tpu.vector_load %arg9[%swap3A_964, %swap3A_965] {strides = array<i32>} : memref<64x32xf32, #tpu.memory_space<vmem>>, vector<1x16xf32>,
    %swap3A_967 = vector.shape_cast %swap3A_966 : vector<1x16xf32> to vector<16xf32>
    %swap3A_968 = vector.shape_cast %broadcast_in_dim3A_962 : vector<16xf32> to vector<1x16xf32>
    tpu.vector_store %arg9[%swap3A_964, %swap3A_965], %swap3A_968 {strides = array<i32>} : memref<64x32xf32, #tpu.memory_space<vmem>>, vector<1x16xf32>,
    %broadcast_in_dim3A_969 = arith.constant 0.000000e+00 : f32
    %broadcast_in_dim3A_970 = vector.broadcast %broadcast_in_dim3A_969 : f32 to vector<16xf32>
    %swap3A_971 = arith.constant 60 : i32
    %swap3A_972 = arith.index_cast %swap3A_971 : i32 to index
    %swap3A_973 = arith.constant 16 : index
    %swap3A_974 = tpu.vector_load %arg9[%swap3A_972, %swap3A_973] {strides = array<i32>} : memref<64x32xf32, #tpu.memory_space<vmem>>, vector<1x16xf32>,
    %swap3A_975 = vector.shape_cast %swap3A_974 : vector<1x16xf32> to vector<16xf32>
    %swap3A_976 = vector.shape_cast %broadcast_in_dim3A_970 : vector<16xf32> to vector<1x16xf32>
    tpu.vector_store %arg9[%swap3A_972, %swap3A_973], %swap3A_976 {strides = array<i32>} : memref<64x32xf32, #tpu.memory_space<vmem>>, vector<1x16xf32>,
    %broadcast_in_dim3A_977 = arith.constant 0.000000e+00 : f32
    %broadcast_in_dim3A_978 = vector.broadcast %broadcast_in_dim3A_977 : f32 to vector<16xf32>
    %swap3A_979 = arith.constant 61 : i32
    %swap3A_980 = arith.index_cast %swap3A_979 : i32 to index
    %swap3A_981 = arith.constant 0 : index
    %swap3A_982 = tpu.vector_load %arg9[%swap3A_980, %swap3A_981] {strides = array<i32>} : memref<64x32xf32, #tpu.memory_space<vmem>>, vector<1x16xf32>,
    %swap3A_983 = vector.shape_cast %swap3A_982 : vector<1x16xf32> to vector<16xf32>
    %swap3A_984 = vector.shape_cast %broadcast_in_dim3A_978 : vector<16xf32> to vector<1x16xf32>
    tpu.vector_store %arg9[%swap3A_980, %swap3A_981], %swap3A_984 {strides = array<i32>} : memref<64x32xf32, #tpu.memory_space<vmem>>, vector<1x16xf32>,
    %broadcast_in_dim3A_985 = arith.constant 0.000000e+00 : f32
    %broadcast_in_dim3A_986 = vector.broadcast %broadcast_in_dim3A_985 : f32 to vector<16xf32>
    %swap3A_987 = arith.constant 61 : i32
    %swap3A_988 = arith.index_cast %swap3A_987 : i32 to index
    %swap3A_989 = arith.constant 16 : index
    %swap3A_990 = tpu.vector_load %arg9[%swap3A_988, %swap3A_989] {strides = array<i32>} : memref<64x32xf32, #tpu.memory_space<vmem>>, vector<1x16xf32>,
    %swap3A_991 = vector.shape_cast %swap3A_990 : vector<1x16xf32> to vector<16xf32>
    %swap3A_992 = vector.shape_cast %broadcast_in_dim3A_986 : vector<16xf32> to vector<1x16xf32>
    tpu.vector_store %arg9[%swap3A_988, %swap3A_989], %swap3A_992 {strides = array<i32>} : memref<64x32xf32, #tpu.memory_space<vmem>>, vector<1x16xf32>,
    %broadcast_in_dim3A_993 = arith.constant 0.000000e+00 : f32
    %broadcast_in_dim3A_994 = vector.broadcast %broadcast_in_dim3A_993 : f32 to vector<16xf32>
    %swap3A_995 = arith.constant 62 : i32
    %swap3A_996 = arith.index_cast %swap3A_995 : i32 to index
    %swap3A_997 = arith.constant 0 : index
    %swap3A_998 = tpu.vector_load %arg9[%swap3A_996, %swap3A_997] {strides = array<i32>} : memref<64x32xf32, #tpu.memory_space<vmem>>, vector<1x16xf32>,
    %swap3A_999 = vector.shape_cast %swap3A_998 : vector<1x16xf32> to vector<16xf32>
    %swap3A_1000 = vector.shape_cast %broadcast_in_dim3A_994 : vector<16xf32> to vector<1x16xf32>
    tpu.vector_store %arg9[%swap3A_996, %swap3A_997], %swap3A_1000 {strides = array<i32>} : memref<64x32xf32, #tpu.memory_space<vmem>>, vector<1x16xf32>,
    %broadcast_in_dim3A_1001 = arith.constant 0.000000e+00 : f32
    %broadcast_in_dim3A_1002 = vector.broadcast %broadcast_in_dim3A_1001 : f32 to vector<16xf32>
    %swap3A_1003 = arith.constant 62 : i32
    %swap3A_1004 = arith.index_cast %swap3A_1003 : i32 to index
    %swap3A_1005 = arith.constant 16 : index
    %swap3A_1006 = tpu.vector_load %arg9[%swap3A_1004, %swap3A_1005] {strides = array<i32>} : memref<64x32xf32, #tpu.memory_space<vmem>>, vector<1x16xf32>,
    %swap3A_1007 = vector.shape_cast %swap3A_1006 : vector<1x16xf32> to vector<16xf32>
    %swap3A_1008 = vector.shape_cast %broadcast_in_dim3A_1002 : vector<16xf32> to vector<1x16xf32>
    tpu.vector_store %arg9[%swap3A_1004, %swap3A_1005], %swap3A_1008 {strides = array<i32>} : memref<64x32xf32, #tpu.memory_space<vmem>>, vector<1x16xf32>,
    %broadcast_in_dim3A_1009 = arith.constant 0.000000e+00 : f32
    %broadcast_in_dim3A_1010 = vector.broadcast %broadcast_in_dim3A_1009 : f32 to vector<16xf32>
    %swap3A_1011 = arith.constant 63 : i32
    %swap3A_1012 = arith.index_cast %swap3A_1011 : i32 to index
    %swap3A_1013 = arith.constant 0 : index
    %swap3A_1014 = tpu.vector_load %arg9[%swap3A_1012, %swap3A_1013] {strides = array<i32>} : memref<64x32xf32, #tpu.memory_space<vmem>>, vector<1x16xf32>,
    %swap3A_1015 = vector.shape_cast %swap3A_1014 : vector<1x16xf32> to vector<16xf32>
    %swap3A_1016 = vector.shape_cast %broadcast_in_dim3A_1010 : vector<16xf32> to vector<1x16xf32>
    tpu.vector_store %arg9[%swap3A_1012, %swap3A_1013], %swap3A_1016 {strides = array<i32>} : memref<64x32xf32, #tpu.memory_space<vmem>>, vector<1x16xf32>,
    %broadcast_in_dim3A_1017 = arith.constant 0.000000e+00 : f32
    %broadcast_in_dim3A_1018 = vector.broadcast %broadcast_in_dim3A_1017 : f32 to vector<16xf32>
    %swap3A_1019 = arith.constant 63 : i32
    %swap3A_1020 = arith.index_cast %swap3A_1019 : i32 to index
    %swap3A_1021 = arith.constant 16 : index
    %swap3A_1022 = tpu.vector_load %arg9[%swap3A_1020, %swap3A_1021] {strides = array<i32>} : memref<64x32xf32, #tpu.memory_space<vmem>>, vector<1x16xf32>,
    %swap3A_1023 = vector.shape_cast %swap3A_1022 : vector<1x16xf32> to vector<16xf32>
    %swap3A_1024 = vector.shape_cast %broadcast_in_dim3A_1018 : vector<16xf32> to vector<1x16xf32>
    tpu.vector_store %arg9[%swap3A_1020, %swap3A_1021], %swap3A_1024 {strides = array<i32>} : memref<64x32xf32, #tpu.memory_space<vmem>>, vector<1x16xf32>,
    %scan3A = arith.constant 0 : i32
    %scan3A_1025 = arith.constant 0 : i32
    %scan3A_1026 = arith.constant 9 : i32
    %scan3A_1027 = arith.addi %scan3A_1025, %scan3A_1026 : i32
    %scan3A_1028 = arith.constant 1 : i32
    scf.for %scan3A_1264 = %scan3A_1025 to %scan3A_1027 step %scan3A_1028  : i32 {
      %mul3A_1265 = arith.constant 64 : i32
      %mul3A_1266 = arith.muli %scan3A_1264, %mul3A_1265 : i32
      %add3A_1267 = arith.addi %mul3A_2, %mul3A_1266 : i32
      "tpu.region"() ({
        %run_scoped3A_1268 = tpu.sem_alloc : memref<!tpu.dma_semaphore, #tpu.memory_space<semaphore_mem>>
        %dma_start3A_1269 = arith.constant 0 : i32
        %dma_start3A_1270 = tpu.memref_slice %arg10[%add3A_1267, %dma_start3A_1269] : memref<10000x32xf32, #tpu.memory_space<vmem_shared>> -> memref<64x32xf32, #tpu.memory_space<vmem_shared>>
        %dma_start3A_1271 = arith.constant 0 : i32
        %dma_start3A_1272 = tpu.memref_slice %arg10[%add3A_1267, %dma_start3A_1271] : memref<10000x32xf32, #tpu.memory_space<vmem_shared>> -> memref<64x32xf32, #tpu.memory_space<vmem_shared>>
        tpu.enqueue_dma source(%arg9 : memref<64x32xf32, #tpu.memory_space<vmem>>) target(%dma_start3A_1272 : memref<64x32xf32, #tpu.memory_space<vmem_shared>>) target_semaphore(%run_scoped3A_1268 : memref<!tpu.dma_semaphore, #tpu.memory_space<semaphore_mem>>)
        %dma_wait3A_1273 = arith.constant 0 : i32
        %dma_wait3A_1274 = tpu.memref_slice %arg10[%add3A_1267, %dma_wait3A_1273] : memref<10000x32xf32, #tpu.memory_space<vmem_shared>> -> memref<64x32xf32, #tpu.memory_space<vmem_shared>>
        %dma_wait3A_1275 = arith.constant 0 : i32
        %dma_wait3A_1276 = tpu.memref_slice %arg10[%add3A_1267, %dma_wait3A_1275] : memref<10000x32xf32, #tpu.memory_space<vmem_shared>> -> memref<64x32xf32, #tpu.memory_space<vmem_shared>>
        tpu.wait_dma2 semaphore(%run_scoped3A_1268 : memref<!tpu.dma_semaphore, #tpu.memory_space<semaphore_mem>>) src(%arg9 : memref<64x32xf32, #tpu.memory_space<vmem>>) dst(%dma_wait3A_1276 : memref<64x32xf32, #tpu.memory_space<vmem_shared>>)
        tpu.yield
      }) : () -> ()
    }
    %scan3A_1029 = arith.constant 9 : i32
    %add3A_1030 = arith.constant 576 : i32
    %add3A_1031 = arith.addi %mul3A_2, %add3A_1030 : i32
    "tpu.region"() ({
      %run_scoped3A_1264 = tpu.sem_alloc : memref<!tpu.dma_semaphore, #tpu.memory_space<semaphore_mem>>
      %dma_start3A_1265 = arith.constant 0 : i32
      %dma_start3A_1266 = arith.constant 0 : i32
      %dma_start3A_1267 = tpu.memref_slice %arg9[%dma_start3A_1265, %dma_start3A_1266] : memref<64x32xf32, #tpu.memory_space<vmem>> -> memref<49x32xf32, #tpu.memory_space<vmem>>
      %dma_start3A_1268 = arith.constant 0 : i32
      %dma_start3A_1269 = tpu.memref_slice %arg10[%add3A_1031, %dma_start3A_1268] : memref<10000x32xf32, #tpu.memory_space<vmem_shared>> -> memref<49x32xf32, #tpu.memory_space<vmem_shared>>
      %dma_start3A_1270 = arith.constant 0 : i32
      %dma_start3A_1271 = tpu.memref_slice %arg10[%add3A_1031, %dma_start3A_1270] : memref<10000x32xf32, #tpu.memory_space<vmem_shared>> -> memref<49x32xf32, #tpu.memory_space<vmem_shared>>
      %dma_start3A_1272 = arith.constant 0 : i32
      %dma_start3A_1273 = arith.constant 0 : i32
      %dma_start3A_1274 = tpu.memref_slice %arg9[%dma_start3A_1272, %dma_start3A_1273] : memref<64x32xf32, #tpu.memory_space<vmem>> -> memref<49x32xf32, #tpu.memory_space<vmem>>
      tpu.enqueue_dma source(%dma_start3A_1274 : memref<49x32xf32, #tpu.memory_space<vmem>>) target(%dma_start3A_1271 : memref<49x32xf32, #tpu.memory_space<vmem_shared>>) target_semaphore(%run_scoped3A_1264 : memref<!tpu.dma_semaphore, #tpu.memory_space<semaphore_mem>>)
      %dma_wait3A_1275 = arith.constant 0 : i32
      %dma_wait3A_1276 = arith.constant 0 : i32
      %dma_wait3A_1277 = tpu.memref_slice %arg9[%dma_wait3A_1275, %dma_wait3A_1276] : memref<64x32xf32, #tpu.memory_space<vmem>> -> memref<49x32xf32, #tpu.memory_space<vmem>>
      %dma_wait3A_1278 = arith.constant 0 : i32
      %dma_wait3A_1279 = tpu.memref_slice %arg10[%add3A_1031, %dma_wait3A_1278] : memref<10000x32xf32, #tpu.memory_space<vmem_shared>> -> memref<49x32xf32, #tpu.memory_space<vmem_shared>>
      %dma_wait3A_1280 = arith.constant 0 : i32
      %dma_wait3A_1281 = tpu.memref_slice %arg10[%add3A_1031, %dma_wait3A_1280] : memref<10000x32xf32, #tpu.memory_space<vmem_shared>> -> memref<49x32xf32, #tpu.memory_space<vmem_shared>>
      %dma_wait3A_1282 = arith.constant 0 : i32
      %dma_wait3A_1283 = arith.constant 0 : i32
      %dma_wait3A_1284 = tpu.memref_slice %arg9[%dma_wait3A_1282, %dma_wait3A_1283] : memref<64x32xf32, #tpu.memory_space<vmem>> -> memref<49x32xf32, #tpu.memory_space<vmem>>
      tpu.wait_dma2 semaphore(%run_scoped3A_1264 : memref<!tpu.dma_semaphore, #tpu.memory_space<semaphore_mem>>) src(%dma_wait3A_1284 : memref<49x32xf32, #tpu.memory_space<vmem>>) dst(%dma_wait3A_1281 : memref<49x32xf32, #tpu.memory_space<vmem_shared>>)
      tpu.yield
    }) : () -> ()
    %barrier3A = arith.constant 0 : index
    tpu.barrier barrier_id(%barrier3A)
    %mul3A_1032 = arith.constant 10000 : i32
    %mul3A_1033 = arith.muli %add3A, %mul3A_1032 : i32
    %run_scoped3A = arith.constant 0 : i32
    "tpu.region"() ({
      %run_scoped3A_1264 = tpu.sem_alloc : memref<!tpu.dma_semaphore, #tpu.memory_space<semaphore_mem>>
      %dma_start3A_1265 = tpu.memref_slice %arg3[%run_scoped3A, %mul3A_1033] : memref<2x320000xi32, #tpu.memory_space<hbm>> -> memref<1x10000xi32, #tpu.memory_space<hbm>>
      %dma_start3A_1266 = tpu.memref_squeeze %dma_start3A_1265 : memref<1x10000xi32, #tpu.memory_space<hbm>> -> memref<10000xi32, #tpu.memory_space<hbm>>
      %dma_start3A_1267 = tpu.memref_slice %arg3[%run_scoped3A, %mul3A_1033] : memref<2x320000xi32, #tpu.memory_space<hbm>> -> memref<1x10000xi32, #tpu.memory_space<hbm>>
      %dma_start3A_1268 = tpu.memref_squeeze %dma_start3A_1267 : memref<1x10000xi32, #tpu.memory_space<hbm>> -> memref<10000xi32, #tpu.memory_space<hbm>>
      tpu.enqueue_dma source(%dma_start3A_1268 : memref<10000xi32, #tpu.memory_space<hbm>>) target(%arg5 : memref<10000xi32, #tpu.memory_space<vmem>>) target_semaphore(%run_scoped3A_1264 : memref<!tpu.dma_semaphore, #tpu.memory_space<semaphore_mem>>)
      %dma_wait3A_1269 = tpu.memref_slice %arg3[%run_scoped3A, %mul3A_1033] : memref<2x320000xi32, #tpu.memory_space<hbm>> -> memref<1x10000xi32, #tpu.memory_space<hbm>>
      %dma_wait3A_1270 = tpu.memref_squeeze %dma_wait3A_1269 : memref<1x10000xi32, #tpu.memory_space<hbm>> -> memref<10000xi32, #tpu.memory_space<hbm>>
      %dma_wait3A_1271 = tpu.memref_slice %arg3[%run_scoped3A, %mul3A_1033] : memref<2x320000xi32, #tpu.memory_space<hbm>> -> memref<1x10000xi32, #tpu.memory_space<hbm>>
      %dma_wait3A_1272 = tpu.memref_squeeze %dma_wait3A_1271 : memref<1x10000xi32, #tpu.memory_space<hbm>> -> memref<10000xi32, #tpu.memory_space<hbm>>
      tpu.wait_dma2 semaphore(%run_scoped3A_1264 : memref<!tpu.dma_semaphore, #tpu.memory_space<semaphore_mem>>) src(%dma_wait3A_1272 : memref<10000xi32, #tpu.memory_space<hbm>>) dst(%arg5 : memref<10000xi32, #tpu.memory_space<vmem>>)
      tpu.yield
    }) : () -> ()
    %mul3A_1034 = arith.constant 10000 : i32
    %mul3A_1035 = arith.muli %add3A, %mul3A_1034 : i32
    %run_scoped3A_1036 = arith.constant 1 : i32
    "tpu.region"() ({
      %run_scoped3A_1264 = tpu.sem_alloc : memref<!tpu.dma_semaphore, #tpu.memory_space<semaphore_mem>>
      %dma_start3A_1265 = tpu.memref_slice %arg3[%run_scoped3A_1036, %mul3A_1035] : memref<2x320000xi32, #tpu.memory_space<hbm>> -> memref<1x10000xi32, #tpu.memory_space<hbm>>
      %dma_start3A_1266 = tpu.memref_squeeze %dma_start3A_1265 : memref<1x10000xi32, #tpu.memory_space<hbm>> -> memref<10000xi32, #tpu.memory_space<hbm>>
      %dma_start3A_1267 = tpu.memref_slice %arg3[%run_scoped3A_1036, %mul3A_1035] : memref<2x320000xi32, #tpu.memory_space<hbm>> -> memref<1x10000xi32, #tpu.memory_space<hbm>>
      %dma_start3A_1268 = tpu.memref_squeeze %dma_start3A_1267 : memref<1x10000xi32, #tpu.memory_space<hbm>> -> memref<10000xi32, #tpu.memory_space<hbm>>
      tpu.enqueue_dma source(%dma_start3A_1268 : memref<10000xi32, #tpu.memory_space<hbm>>) target(%arg6 : memref<10000xi32, #tpu.memory_space<vmem>>) target_semaphore(%run_scoped3A_1264 : memref<!tpu.dma_semaphore, #tpu.memory_space<semaphore_mem>>)
      %dma_wait3A_1269 = tpu.memref_slice %arg3[%run_scoped3A_1036, %mul3A_1035] : memref<2x320000xi32, #tpu.memory_space<hbm>> -> memref<1x10000xi32, #tpu.memory_space<hbm>>
      %dma_wait3A_1270 = tpu.memref_squeeze %dma_wait3A_1269 : memref<1x10000xi32, #tpu.memory_space<hbm>> -> memref<10000xi32, #tpu.memory_space<hbm>>
      %dma_wait3A_1271 = tpu.memref_slice %arg3[%run_scoped3A_1036, %mul3A_1035] : memref<2x320000xi32, #tpu.memory_space<hbm>> -> memref<1x10000xi32, #tpu.memory_space<hbm>>
      %dma_wait3A_1272 = tpu.memref_squeeze %dma_wait3A_1271 : memref<1x10000xi32, #tpu.memory_space<hbm>> -> memref<10000xi32, #tpu.memory_space<hbm>>
      tpu.wait_dma2 semaphore(%run_scoped3A_1264 : memref<!tpu.dma_semaphore, #tpu.memory_space<semaphore_mem>>) src(%dma_wait3A_1272 : memref<10000xi32, #tpu.memory_space<hbm>>) dst(%arg6 : memref<10000xi32, #tpu.memory_space<vmem>>)
      tpu.yield
    }) : () -> ()
    %dma_start3A = arith.constant 0 : i32
    %dma_start3A_1037 = arith.constant 0 : i32
    %dma_start3A_1038 = arith.constant 0 : i32
    %dma_start3A_1039 = arith.constant 0 : i32
    %dma_start3A_1040 = tpu.memref_slice %arg7[%dma_start3A, %dma_start3A_1038, %dma_start3A_1039] : memref<8x128x32xf32, #tpu.memory_space<vmem>> -> memref<1x128x32xf32, #tpu.memory_space<vmem>>
    %dma_start3A_1041 = tpu.memref_squeeze %dma_start3A_1040 : memref<1x128x32xf32, #tpu.memory_space<vmem>> -> memref<128x32xf32, #tpu.memory_space<vmem>>
    %dma_start3A_1042 = arith.constant 0 : i32
    %dma_start3A_1043 = tpu.memref_slice %arg5[%dma_start3A_1042] : memref<10000xi32, #tpu.memory_space<vmem>> -> memref<128xi32, #tpu.memory_space<vmem>>
    %dma_start3A_1044 = arith.constant 0 : i32
    %dma_start3A_1045 = arith.constant 0 : i32
    %dma_start3A_1046 = tpu.memref_slice %arg2[%dma_start3A_1044, %dma_start3A_1045] : memref<10000x32xf32, #tpu.memory_space<hbm>> -> memref<10000x32xf32, #tpu.memory_space<hbm>>
    %dma_start3A_1047 = tpu.memref_slice %arg11[%dma_start3A_1037] : memref<8x!tpu.dma_semaphore, #tpu.memory_space<semaphore_mem>> -> memref<1x!tpu.dma_semaphore, #tpu.memory_space<semaphore_mem>>
    %dma_start3A_1048 = tpu.memref_squeeze %dma_start3A_1047 : memref<1x!tpu.dma_semaphore, #tpu.memory_space<semaphore_mem>> -> memref<!tpu.dma_semaphore, #tpu.memory_space<semaphore_mem>>
    tpu.enqueue_indirect_dma source(%dma_start3A_1046 : memref<10000x32xf32, #tpu.memory_space<hbm>>) target(%dma_start3A_1041 : memref<128x32xf32, #tpu.memory_space<vmem>>) offsets(%dma_start3A_1043 : memref<128xi32, #tpu.memory_space<vmem>>) semaphore(%dma_start3A_1048 : memref<!tpu.dma_semaphore, #tpu.memory_space<semaphore_mem>>)
    %dma_start3A_1049 = arith.constant 1 : i32
    %dma_start3A_1050 = arith.constant 1 : i32
    %dma_start3A_1051 = arith.constant 0 : i32
    %dma_start3A_1052 = arith.constant 0 : i32
    %dma_start3A_1053 = tpu.memref_slice %arg7[%dma_start3A_1049, %dma_start3A_1051, %dma_start3A_1052] : memref<8x128x32xf32, #tpu.memory_space<vmem>> -> memref<1x128x32xf32, #tpu.memory_space<vmem>>
    %dma_start3A_1054 = tpu.memref_squeeze %dma_start3A_1053 : memref<1x128x32xf32, #tpu.memory_space<vmem>> -> memref<128x32xf32, #tpu.memory_space<vmem>>
    %dma_start3A_1055 = arith.constant 128 : i32
    %dma_start3A_1056 = tpu.memref_slice %arg5[%dma_start3A_1055] : memref<10000xi32, #tpu.memory_space<vmem>> -> memref<128xi32, #tpu.memory_space<vmem>>
    %dma_start3A_1057 = arith.constant 0 : i32
    %dma_start3A_1058 = arith.constant 0 : i32
    %dma_start3A_1059 = tpu.memref_slice %arg2[%dma_start3A_1057, %dma_start3A_1058] : memref<10000x32xf32, #tpu.memory_space<hbm>> -> memref<10000x32xf32, #tpu.memory_space<hbm>>
    %dma_start3A_1060 = tpu.memref_slice %arg11[%dma_start3A_1050] : memref<8x!tpu.dma_semaphore, #tpu.memory_space<semaphore_mem>> -> memref<1x!tpu.dma_semaphore, #tpu.memory_space<semaphore_mem>>
    %dma_start3A_1061 = tpu.memref_squeeze %dma_start3A_1060 : memref<1x!tpu.dma_semaphore, #tpu.memory_space<semaphore_mem>> -> memref<!tpu.dma_semaphore, #tpu.memory_space<semaphore_mem>>
    tpu.enqueue_indirect_dma source(%dma_start3A_1059 : memref<10000x32xf32, #tpu.memory_space<hbm>>) target(%dma_start3A_1054 : memref<128x32xf32, #tpu.memory_space<vmem>>) offsets(%dma_start3A_1056 : memref<128xi32, #tpu.memory_space<vmem>>) semaphore(%dma_start3A_1061 : memref<!tpu.dma_semaphore, #tpu.memory_space<semaphore_mem>>)
    %dma_start3A_1062 = arith.constant 2 : i32
    %dma_start3A_1063 = arith.constant 2 : i32
    %dma_start3A_1064 = arith.constant 0 : i32
    %dma_start3A_1065 = arith.constant 0 : i32
    %dma_start3A_1066 = tpu.memref_slice %arg7[%dma_start3A_1062, %dma_start3A_1064, %dma_start3A_1065] : memref<8x128x32xf32, #tpu.memory_space<vmem>> -> memref<1x128x32xf32, #tpu.memory_space<vmem>>
    %dma_start3A_1067 = tpu.memref_squeeze %dma_start3A_1066 : memref<1x128x32xf32, #tpu.memory_space<vmem>> -> memref<128x32xf32, #tpu.memory_space<vmem>>
    %dma_start3A_1068 = arith.constant 256 : i32
    %dma_start3A_1069 = tpu.memref_slice %arg5[%dma_start3A_1068] : memref<10000xi32, #tpu.memory_space<vmem>> -> memref<128xi32, #tpu.memory_space<vmem>>
    %dma_start3A_1070 = arith.constant 0 : i32
    %dma_start3A_1071 = arith.constant 0 : i32
    %dma_start3A_1072 = tpu.memref_slice %arg2[%dma_start3A_1070, %dma_start3A_1071] : memref<10000x32xf32, #tpu.memory_space<hbm>> -> memref<10000x32xf32, #tpu.memory_space<hbm>>
    %dma_start3A_1073 = tpu.memref_slice %arg11[%dma_start3A_1063] : memref<8x!tpu.dma_semaphore, #tpu.memory_space<semaphore_mem>> -> memref<1x!tpu.dma_semaphore, #tpu.memory_space<semaphore_mem>>
    %dma_start3A_1074 = tpu.memref_squeeze %dma_start3A_1073 : memref<1x!tpu.dma_semaphore, #tpu.memory_space<semaphore_mem>> -> memref<!tpu.dma_semaphore, #tpu.memory_space<semaphore_mem>>
    tpu.enqueue_indirect_dma source(%dma_start3A_1072 : memref<10000x32xf32, #tpu.memory_space<hbm>>) target(%dma_start3A_1067 : memref<128x32xf32, #tpu.memory_space<vmem>>) offsets(%dma_start3A_1069 : memref<128xi32, #tpu.memory_space<vmem>>) semaphore(%dma_start3A_1074 : memref<!tpu.dma_semaphore, #tpu.memory_space<semaphore_mem>>)
    %dma_start3A_1075 = arith.constant 3 : i32
    %dma_start3A_1076 = arith.constant 3 : i32
    %dma_start3A_1077 = arith.constant 0 : i32
    %dma_start3A_1078 = arith.constant 0 : i32
    %dma_start3A_1079 = tpu.memref_slice %arg7[%dma_start3A_1075, %dma_start3A_1077, %dma_start3A_1078] : memref<8x128x32xf32, #tpu.memory_space<vmem>> -> memref<1x128x32xf32, #tpu.memory_space<vmem>>
    %dma_start3A_1080 = tpu.memref_squeeze %dma_start3A_1079 : memref<1x128x32xf32, #tpu.memory_space<vmem>> -> memref<128x32xf32, #tpu.memory_space<vmem>>
    %dma_start3A_1081 = arith.constant 384 : i32
    %dma_start3A_1082 = tpu.memref_slice %arg5[%dma_start3A_1081] : memref<10000xi32, #tpu.memory_space<vmem>> -> memref<128xi32, #tpu.memory_space<vmem>>
    %dma_start3A_1083 = arith.constant 0 : i32
    %dma_start3A_1084 = arith.constant 0 : i32
    %dma_start3A_1085 = tpu.memref_slice %arg2[%dma_start3A_1083, %dma_start3A_1084] : memref<10000x32xf32, #tpu.memory_space<hbm>> -> memref<10000x32xf32, #tpu.memory_space<hbm>>
    %dma_start3A_1086 = tpu.memref_slice %arg11[%dma_start3A_1076] : memref<8x!tpu.dma_semaphore, #tpu.memory_space<semaphore_mem>> -> memref<1x!tpu.dma_semaphore, #tpu.memory_space<semaphore_mem>>
    %dma_start3A_1087 = tpu.memref_squeeze %dma_start3A_1086 : memref<1x!tpu.dma_semaphore, #tpu.memory_space<semaphore_mem>> -> memref<!tpu.dma_semaphore, #tpu.memory_space<semaphore_mem>>
    tpu.enqueue_indirect_dma source(%dma_start3A_1085 : memref<10000x32xf32, #tpu.memory_space<hbm>>) target(%dma_start3A_1080 : memref<128x32xf32, #tpu.memory_space<vmem>>) offsets(%dma_start3A_1082 : memref<128xi32, #tpu.memory_space<vmem>>) semaphore(%dma_start3A_1087 : memref<!tpu.dma_semaphore, #tpu.memory_space<semaphore_mem>>)
    %dma_start3A_1088 = arith.constant 4 : i32
    %dma_start3A_1089 = arith.constant 4 : i32
    %dma_start3A_1090 = arith.constant 0 : i32
    %dma_start3A_1091 = arith.constant 0 : i32
    %dma_start3A_1092 = tpu.memref_slice %arg7[%dma_start3A_1088, %dma_start3A_1090, %dma_start3A_1091] : memref<8x128x32xf32, #tpu.memory_space<vmem>> -> memref<1x128x32xf32, #tpu.memory_space<vmem>>
    %dma_start3A_1093 = tpu.memref_squeeze %dma_start3A_1092 : memref<1x128x32xf32, #tpu.memory_space<vmem>> -> memref<128x32xf32, #tpu.memory_space<vmem>>
    %dma_start3A_1094 = arith.constant 512 : i32
    %dma_start3A_1095 = tpu.memref_slice %arg5[%dma_start3A_1094] : memref<10000xi32, #tpu.memory_space<vmem>> -> memref<128xi32, #tpu.memory_space<vmem>>
    %dma_start3A_1096 = arith.constant 0 : i32
    %dma_start3A_1097 = arith.constant 0 : i32
    %dma_start3A_1098 = tpu.memref_slice %arg2[%dma_start3A_1096, %dma_start3A_1097] : memref<10000x32xf32, #tpu.memory_space<hbm>> -> memref<10000x32xf32, #tpu.memory_space<hbm>>
    %dma_start3A_1099 = tpu.memref_slice %arg11[%dma_start3A_1089] : memref<8x!tpu.dma_semaphore, #tpu.memory_space<semaphore_mem>> -> memref<1x!tpu.dma_semaphore, #tpu.memory_space<semaphore_mem>>
    %dma_start3A_1100 = tpu.memref_squeeze %dma_start3A_1099 : memref<1x!tpu.dma_semaphore, #tpu.memory_space<semaphore_mem>> -> memref<!tpu.dma_semaphore, #tpu.memory_space<semaphore_mem>>
    tpu.enqueue_indirect_dma source(%dma_start3A_1098 : memref<10000x32xf32, #tpu.memory_space<hbm>>) target(%dma_start3A_1093 : memref<128x32xf32, #tpu.memory_space<vmem>>) offsets(%dma_start3A_1095 : memref<128xi32, #tpu.memory_space<vmem>>) semaphore(%dma_start3A_1100 : memref<!tpu.dma_semaphore, #tpu.memory_space<semaphore_mem>>)
    %dma_start3A_1101 = arith.constant 5 : i32
    %dma_start3A_1102 = arith.constant 5 : i32
    %dma_start3A_1103 = arith.constant 0 : i32
    %dma_start3A_1104 = arith.constant 0 : i32
    %dma_start3A_1105 = tpu.memref_slice %arg7[%dma_start3A_1101, %dma_start3A_1103, %dma_start3A_1104] : memref<8x128x32xf32, #tpu.memory_space<vmem>> -> memref<1x128x32xf32, #tpu.memory_space<vmem>>
    %dma_start3A_1106 = tpu.memref_squeeze %dma_start3A_1105 : memref<1x128x32xf32, #tpu.memory_space<vmem>> -> memref<128x32xf32, #tpu.memory_space<vmem>>
    %dma_start3A_1107 = arith.constant 640 : i32
    %dma_start3A_1108 = tpu.memref_slice %arg5[%dma_start3A_1107] : memref<10000xi32, #tpu.memory_space<vmem>> -> memref<128xi32, #tpu.memory_space<vmem>>
    %dma_start3A_1109 = arith.constant 0 : i32
    %dma_start3A_1110 = arith.constant 0 : i32
    %dma_start3A_1111 = tpu.memref_slice %arg2[%dma_start3A_1109, %dma_start3A_1110] : memref<10000x32xf32, #tpu.memory_space<hbm>> -> memref<10000x32xf32, #tpu.memory_space<hbm>>
    %dma_start3A_1112 = tpu.memref_slice %arg11[%dma_start3A_1102] : memref<8x!tpu.dma_semaphore, #tpu.memory_space<semaphore_mem>> -> memref<1x!tpu.dma_semaphore, #tpu.memory_space<semaphore_mem>>
    %dma_start3A_1113 = tpu.memref_squeeze %dma_start3A_1112 : memref<1x!tpu.dma_semaphore, #tpu.memory_space<semaphore_mem>> -> memref<!tpu.dma_semaphore, #tpu.memory_space<semaphore_mem>>
    tpu.enqueue_indirect_dma source(%dma_start3A_1111 : memref<10000x32xf32, #tpu.memory_space<hbm>>) target(%dma_start3A_1106 : memref<128x32xf32, #tpu.memory_space<vmem>>) offsets(%dma_start3A_1108 : memref<128xi32, #tpu.memory_space<vmem>>) semaphore(%dma_start3A_1113 : memref<!tpu.dma_semaphore, #tpu.memory_space<semaphore_mem>>)
    %dma_start3A_1114 = arith.constant 6 : i32
    %dma_start3A_1115 = arith.constant 6 : i32
    %dma_start3A_1116 = arith.constant 0 : i32
    %dma_start3A_1117 = arith.constant 0 : i32
    %dma_start3A_1118 = tpu.memref_slice %arg7[%dma_start3A_1114, %dma_start3A_1116, %dma_start3A_1117] : memref<8x128x32xf32, #tpu.memory_space<vmem>> -> memref<1x128x32xf32, #tpu.memory_space<vmem>>
    %dma_start3A_1119 = tpu.memref_squeeze %dma_start3A_1118 : memref<1x128x32xf32, #tpu.memory_space<vmem>> -> memref<128x32xf32, #tpu.memory_space<vmem>>
    %dma_start3A_1120 = arith.constant 768 : i32
    %dma_start3A_1121 = tpu.memref_slice %arg5[%dma_start3A_1120] : memref<10000xi32, #tpu.memory_space<vmem>> -> memref<128xi32, #tpu.memory_space<vmem>>
    %dma_start3A_1122 = arith.constant 0 : i32
    %dma_start3A_1123 = arith.constant 0 : i32
    %dma_start3A_1124 = tpu.memref_slice %arg2[%dma_start3A_1122, %dma_start3A_1123] : memref<10000x32xf32, #tpu.memory_space<hbm>> -> memref<10000x32xf32, #tpu.memory_space<hbm>>
    %dma_start3A_1125 = tpu.memref_slice %arg11[%dma_start3A_1115] : memref<8x!tpu.dma_semaphore, #tpu.memory_space<semaphore_mem>> -> memref<1x!tpu.dma_semaphore, #tpu.memory_space<semaphore_mem>>
    %dma_start3A_1126 = tpu.memref_squeeze %dma_start3A_1125 : memref<1x!tpu.dma_semaphore, #tpu.memory_space<semaphore_mem>> -> memref<!tpu.dma_semaphore, #tpu.memory_space<semaphore_mem>>
    tpu.enqueue_indirect_dma source(%dma_start3A_1124 : memref<10000x32xf32, #tpu.memory_space<hbm>>) target(%dma_start3A_1119 : memref<128x32xf32, #tpu.memory_space<vmem>>) offsets(%dma_start3A_1121 : memref<128xi32, #tpu.memory_space<vmem>>) semaphore(%dma_start3A_1126 : memref<!tpu.dma_semaphore, #tpu.memory_space<semaphore_mem>>)
    %dma_start3A_1127 = arith.constant 7 : i32
    %dma_start3A_1128 = arith.constant 7 : i32
    %dma_start3A_1129 = arith.constant 0 : i32
    %dma_start3A_1130 = arith.constant 0 : i32
    %dma_start3A_1131 = tpu.memref_slice %arg7[%dma_start3A_1127, %dma_start3A_1129, %dma_start3A_1130] : memref<8x128x32xf32, #tpu.memory_space<vmem>> -> memref<1x128x32xf32, #tpu.memory_space<vmem>>
    %dma_start3A_1132 = tpu.memref_squeeze %dma_start3A_1131 : memref<1x128x32xf32, #tpu.memory_space<vmem>> -> memref<128x32xf32, #tpu.memory_space<vmem>>
    %dma_start3A_1133 = arith.constant 896 : i32
    %dma_start3A_1134 = tpu.memref_slice %arg5[%dma_start3A_1133] : memref<10000xi32, #tpu.memory_space<vmem>> -> memref<128xi32, #tpu.memory_space<vmem>>
    %dma_start3A_1135 = arith.constant 0 : i32
    %dma_start3A_1136 = arith.constant 0 : i32
    %dma_start3A_1137 = tpu.memref_slice %arg2[%dma_start3A_1135, %dma_start3A_1136] : memref<10000x32xf32, #tpu.memory_space<hbm>> -> memref<10000x32xf32, #tpu.memory_space<hbm>>
    %dma_start3A_1138 = tpu.memref_slice %arg11[%dma_start3A_1128] : memref<8x!tpu.dma_semaphore, #tpu.memory_space<semaphore_mem>> -> memref<1x!tpu.dma_semaphore, #tpu.memory_space<semaphore_mem>>
    %dma_start3A_1139 = tpu.memref_squeeze %dma_start3A_1138 : memref<1x!tpu.dma_semaphore, #tpu.memory_space<semaphore_mem>> -> memref<!tpu.dma_semaphore, #tpu.memory_space<semaphore_mem>>
    tpu.enqueue_indirect_dma source(%dma_start3A_1137 : memref<10000x32xf32, #tpu.memory_space<hbm>>) target(%dma_start3A_1132 : memref<128x32xf32, #tpu.memory_space<vmem>>) offsets(%dma_start3A_1134 : memref<128xi32, #tpu.memory_space<vmem>>) semaphore(%dma_start3A_1139 : memref<!tpu.dma_semaphore, #tpu.memory_space<semaphore_mem>>)
    %scan3A_1140 = arith.constant 0 : i32
    %scan3A_1141 = arith.constant 0 : i32
    %scan3A_1142 = arith.constant 10 : i32
    %scan3A_1143 = arith.addi %scan3A_1141, %scan3A_1142 : i32
    %scan3A_1144 = arith.constant 1 : i32
    scf.for %scan3A_1264 = %scan3A_1141 to %scan3A_1143 step %scan3A_1144  : i32 {
      %mul3A_1265 = arith.constant 8 : i32
      %mul3A_1266 = arith.muli %scan3A_1264, %mul3A_1265 : i32
      %add3A_1267 = arith.constant 0 : i32
      %add3A_1268 = arith.addi %mul3A_1266, %add3A_1267 : i32
      %lt3A = arith.constant 78 : i32
      %lt3A_1269 = arith.cmpi slt, %add3A_1268, %lt3A : i32
      %convert_element_type3A = arith.extui %lt3A_1269 : i1 to i32
      %cond3A = arith.constant 0 : i32
      %cond3A_1270 = arith.cmpi ne, %convert_element_type3A, %cond3A : i32
      scf.if %cond3A_1270 {
        %mul3A_1390 = arith.constant 128 : i32
        %mul3A_1391 = arith.muli %add3A_1268, %mul3A_1390 : i32
        %dma_wait3A_1392 = arith.constant 0 : i32
        %dma_wait3A_1393 = arith.constant 0 : i32
        %dma_wait3A_1394 = arith.constant 0 : i32
        %dma_wait3A_1395 = arith.constant 0 : i32
        %dma_wait3A_1396 = tpu.memref_slice %arg7[%dma_wait3A_1392, %dma_wait3A_1394, %dma_wait3A_1395] : memref<8x128x32xf32, #tpu.memory_space<vmem>> -> memref<1x128x32xf32, #tpu.memory_space<vmem>>
        %dma_wait3A_1397 = tpu.memref_squeeze %dma_wait3A_1396 : memref<1x128x32xf32, #tpu.memory_space<vmem>> -> memref<128x32xf32, #tpu.memory_space<vmem>>
        %dma_wait3A_1398 = tpu.memref_slice %arg5[%mul3A_1391] : memref<10000xi32, #tpu.memory_space<vmem>> -> memref<128xi32, #tpu.memory_space<vmem>>
        %dma_wait3A_1399 = arith.constant 0 : i32
        %dma_wait3A_1400 = arith.constant 0 : i32
        %dma_wait3A_1401 = tpu.memref_slice %arg2[%dma_wait3A_1399, %dma_wait3A_1400] : memref<10000x32xf32, #tpu.memory_space<hbm>> -> memref<10000x32xf32, #tpu.memory_space<hbm>>
        %dma_wait3A_1402 = tpu.memref_slice %arg11[%dma_wait3A_1393] : memref<8x!tpu.dma_semaphore, #tpu.memory_space<semaphore_mem>> -> memref<1x!tpu.dma_semaphore, #tpu.memory_space<semaphore_mem>>
        %dma_wait3A_1403 = tpu.memref_squeeze %dma_wait3A_1402 : memref<1x!tpu.dma_semaphore, #tpu.memory_space<semaphore_mem>> -> memref<!tpu.dma_semaphore, #tpu.memory_space<semaphore_mem>>
        tpu.wait_indirect_dma semaphore(%dma_wait3A_1403 : memref<!tpu.dma_semaphore, #tpu.memory_space<semaphore_mem>>) src(%dma_wait3A_1401 : memref<10000x32xf32, #tpu.memory_space<hbm>>) dst(%dma_wait3A_1397 : memref<128x32xf32, #tpu.memory_space<vmem>>)
        %mul3A_1404 = arith.constant 128 : i32
        %mul3A_1405 = arith.muli %add3A_1268, %mul3A_1404 : i32
        %dma_start3A_1406 = arith.constant 0 : i32
        %dma_start3A_1407 = arith.constant 0 : i32
        %dma_start3A_1408 = arith.constant 0 : i32
        %dma_start3A_1409 = arith.constant 0 : i32
        %dma_start3A_1410 = tpu.memref_slice %arg7[%dma_start3A_1406, %dma_start3A_1408, %dma_start3A_1409] : memref<8x128x32xf32, #tpu.memory_space<vmem>> -> memref<1x128x32xf32, #tpu.memory_space<vmem>>
        %dma_start3A_1411 = tpu.memref_squeeze %dma_start3A_1410 : memref<1x128x32xf32, #tpu.memory_space<vmem>> -> memref<128x32xf32, #tpu.memory_space<vmem>>
        %dma_start3A_1412 = tpu.memref_slice %arg6[%mul3A_1405] : memref<10000xi32, #tpu.memory_space<vmem>> -> memref<128xi32, #tpu.memory_space<vmem>>
        %dma_start3A_1413 = arith.constant 0 : i32
        %dma_start3A_1414 = arith.constant 0 : i32
        %dma_start3A_1415 = tpu.memref_slice %arg10[%dma_start3A_1413, %dma_start3A_1414] : memref<10000x32xf32, #tpu.memory_space<vmem_shared>> -> memref<10000x32xf32, #tpu.memory_space<vmem_shared>>
        %dma_start3A_1416 = tpu.memref_slice %arg12[%dma_start3A_1407] : memref<8x!tpu.dma_semaphore, #tpu.memory_space<semaphore_mem>> -> memref<1x!tpu.dma_semaphore, #tpu.memory_space<semaphore_mem>>
        %dma_start3A_1417 = tpu.memref_squeeze %dma_start3A_1416 : memref<1x!tpu.dma_semaphore, #tpu.memory_space<semaphore_mem>> -> memref<!tpu.dma_semaphore, #tpu.memory_space<semaphore_mem>>
        tpu.enqueue_indirect_dma source(%dma_start3A_1411 : memref<128x32xf32, #tpu.memory_space<vmem>>) target(%dma_start3A_1415 : memref<10000x32xf32, #tpu.memory_space<vmem_shared>>) offsets(%dma_start3A_1412 : memref<128xi32, #tpu.memory_space<vmem>>) semaphore(%dma_start3A_1417 : memref<!tpu.dma_semaphore, #tpu.memory_space<semaphore_mem>>) {add = true}
      } else {
      }
      %add3A_1271 = arith.constant 8 : i32
      %add3A_1272 = arith.addi %add3A_1268, %add3A_1271 : i32
      %lt3A_1273 = arith.constant 78 : i32
      %lt3A_1274 = arith.cmpi slt, %add3A_1272, %lt3A_1273 : i32
      %convert_element_type3A_1275 = arith.extui %lt3A_1274 : i1 to i32
      %cond3A_1276 = arith.constant 0 : i32
      %cond3A_1277 = arith.cmpi ne, %convert_element_type3A_1275, %cond3A_1276 : i32
      scf.if %cond3A_1277 {
        %mul3A_1390 = arith.constant 128 : i32
        %mul3A_1391 = arith.muli %add3A_1268, %mul3A_1390 : i32
        %dma_wait3A_1392 = arith.constant 0 : i32
        %dma_wait3A_1393 = arith.constant 0 : i32
        %dma_wait3A_1394 = arith.constant 0 : i32
        %dma_wait3A_1395 = arith.constant 0 : i32
        %dma_wait3A_1396 = tpu.memref_slice %arg7[%dma_wait3A_1392, %dma_wait3A_1394, %dma_wait3A_1395] : memref<8x128x32xf32, #tpu.memory_space<vmem>> -> memref<1x128x32xf32, #tpu.memory_space<vmem>>
        %dma_wait3A_1397 = tpu.memref_squeeze %dma_wait3A_1396 : memref<1x128x32xf32, #tpu.memory_space<vmem>> -> memref<128x32xf32, #tpu.memory_space<vmem>>
        %dma_wait3A_1398 = tpu.memref_slice %arg6[%mul3A_1391] : memref<10000xi32, #tpu.memory_space<vmem>> -> memref<128xi32, #tpu.memory_space<vmem>>
        %dma_wait3A_1399 = arith.constant 0 : i32
        %dma_wait3A_1400 = arith.constant 0 : i32
        %dma_wait3A_1401 = tpu.memref_slice %arg10[%dma_wait3A_1399, %dma_wait3A_1400] : memref<10000x32xf32, #tpu.memory_space<vmem_shared>> -> memref<10000x32xf32, #tpu.memory_space<vmem_shared>>
        %dma_wait3A_1402 = tpu.memref_slice %arg12[%dma_wait3A_1393] : memref<8x!tpu.dma_semaphore, #tpu.memory_space<semaphore_mem>> -> memref<1x!tpu.dma_semaphore, #tpu.memory_space<semaphore_mem>>
        %dma_wait3A_1403 = tpu.memref_squeeze %dma_wait3A_1402 : memref<1x!tpu.dma_semaphore, #tpu.memory_space<semaphore_mem>> -> memref<!tpu.dma_semaphore, #tpu.memory_space<semaphore_mem>>
        tpu.wait_indirect_dma semaphore(%dma_wait3A_1403 : memref<!tpu.dma_semaphore, #tpu.memory_space<semaphore_mem>>) src(%dma_wait3A_1397 : memref<128x32xf32, #tpu.memory_space<vmem>>) dst(%dma_wait3A_1401 : memref<10000x32xf32, #tpu.memory_space<vmem_shared>>)
        %add3A_1404 = arith.constant 8 : i32
        %add3A_1405 = arith.addi %add3A_1268, %add3A_1404 : i32
        %mul3A_1406 = arith.constant 128 : i32
        %mul3A_1407 = arith.muli %add3A_1405, %mul3A_1406 : i32
        %dma_start3A_1408 = arith.constant 0 : i32
        %dma_start3A_1409 = arith.constant 0 : i32
        %dma_start3A_1410 = arith.constant 0 : i32
        %dma_start3A_1411 = arith.constant 0 : i32
        %dma_start3A_1412 = tpu.memref_slice %arg7[%dma_start3A_1408, %dma_start3A_1410, %dma_start3A_1411] : memref<8x128x32xf32, #tpu.memory_space<vmem>> -> memref<1x128x32xf32, #tpu.memory_space<vmem>>
        %dma_start3A_1413 = tpu.memref_squeeze %dma_start3A_1412 : memref<1x128x32xf32, #tpu.memory_space<vmem>> -> memref<128x32xf32, #tpu.memory_space<vmem>>
        %dma_start3A_1414 = tpu.memref_slice %arg5[%mul3A_1407] : memref<10000xi32, #tpu.memory_space<vmem>> -> memref<128xi32, #tpu.memory_space<vmem>>
        %dma_start3A_1415 = arith.constant 0 : i32
        %dma_start3A_1416 = arith.constant 0 : i32
        %dma_start3A_1417 = tpu.memref_slice %arg2[%dma_start3A_1415, %dma_start3A_1416] : memref<10000x32xf32, #tpu.memory_space<hbm>> -> memref<10000x32xf32, #tpu.memory_space<hbm>>
        %dma_start3A_1418 = tpu.memref_slice %arg11[%dma_start3A_1409] : memref<8x!tpu.dma_semaphore, #tpu.memory_space<semaphore_mem>> -> memref<1x!tpu.dma_semaphore, #tpu.memory_space<semaphore_mem>>
        %dma_start3A_1419 = tpu.memref_squeeze %dma_start3A_1418 : memref<1x!tpu.dma_semaphore, #tpu.memory_space<semaphore_mem>> -> memref<!tpu.dma_semaphore, #tpu.memory_space<semaphore_mem>>
        tpu.enqueue_indirect_dma source(%dma_start3A_1417 : memref<10000x32xf32, #tpu.memory_space<hbm>>) target(%dma_start3A_1413 : memref<128x32xf32, #tpu.memory_space<vmem>>) offsets(%dma_start3A_1414 : memref<128xi32, #tpu.memory_space<vmem>>) semaphore(%dma_start3A_1419 : memref<!tpu.dma_semaphore, #tpu.memory_space<semaphore_mem>>)
      } else {
      }
      %mul3A_1278 = arith.constant 8 : i32
      %mul3A_1279 = arith.muli %scan3A_1264, %mul3A_1278 : i32
      %add3A_1280 = arith.constant 1 : i32
      %add3A_1281 = arith.addi %mul3A_1279, %add3A_1280 : i32
      %lt3A_1282 = arith.constant 78 : i32
      %lt3A_1283 = arith.cmpi slt, %add3A_1281, %lt3A_1282 : i32
      %convert_element_type3A_1284 = arith.extui %lt3A_1283 : i1 to i32
      %cond3A_1285 = arith.constant 0 : i32
      %cond3A_1286 = arith.cmpi ne, %convert_element_type3A_1284, %cond3A_1285 : i32
      scf.if %cond3A_1286 {
        %mul3A_1390 = arith.constant 128 : i32
        %mul3A_1391 = arith.muli %add3A_1281, %mul3A_1390 : i32
        %dma_wait3A_1392 = arith.constant 1 : i32
        %dma_wait3A_1393 = arith.constant 1 : i32
        %dma_wait3A_1394 = arith.constant 0 : i32
        %dma_wait3A_1395 = arith.constant 0 : i32
        %dma_wait3A_1396 = tpu.memref_slice %arg7[%dma_wait3A_1392, %dma_wait3A_1394, %dma_wait3A_1395] : memref<8x128x32xf32, #tpu.memory_space<vmem>> -> memref<1x128x32xf32, #tpu.memory_space<vmem>>
        %dma_wait3A_1397 = tpu.memref_squeeze %dma_wait3A_1396 : memref<1x128x32xf32, #tpu.memory_space<vmem>> -> memref<128x32xf32, #tpu.memory_space<vmem>>
        %dma_wait3A_1398 = tpu.memref_slice %arg5[%mul3A_1391] : memref<10000xi32, #tpu.memory_space<vmem>> -> memref<128xi32, #tpu.memory_space<vmem>>
        %dma_wait3A_1399 = arith.constant 0 : i32
        %dma_wait3A_1400 = arith.constant 0 : i32
        %dma_wait3A_1401 = tpu.memref_slice %arg2[%dma_wait3A_1399, %dma_wait3A_1400] : memref<10000x32xf32, #tpu.memory_space<hbm>> -> memref<10000x32xf32, #tpu.memory_space<hbm>>
        %dma_wait3A_1402 = tpu.memref_slice %arg11[%dma_wait3A_1393] : memref<8x!tpu.dma_semaphore, #tpu.memory_space<semaphore_mem>> -> memref<1x!tpu.dma_semaphore, #tpu.memory_space<semaphore_mem>>
        %dma_wait3A_1403 = tpu.memref_squeeze %dma_wait3A_1402 : memref<1x!tpu.dma_semaphore, #tpu.memory_space<semaphore_mem>> -> memref<!tpu.dma_semaphore, #tpu.memory_space<semaphore_mem>>
        tpu.wait_indirect_dma semaphore(%dma_wait3A_1403 : memref<!tpu.dma_semaphore, #tpu.memory_space<semaphore_mem>>) src(%dma_wait3A_1401 : memref<10000x32xf32, #tpu.memory_space<hbm>>) dst(%dma_wait3A_1397 : memref<128x32xf32, #tpu.memory_space<vmem>>)
        %mul3A_1404 = arith.constant 128 : i32
        %mul3A_1405 = arith.muli %add3A_1281, %mul3A_1404 : i32
        %dma_start3A_1406 = arith.constant 1 : i32
        %dma_start3A_1407 = arith.constant 1 : i32
        %dma_start3A_1408 = arith.constant 0 : i32
        %dma_start3A_1409 = arith.constant 0 : i32
        %dma_start3A_1410 = tpu.memref_slice %arg7[%dma_start3A_1406, %dma_start3A_1408, %dma_start3A_1409] : memref<8x128x32xf32, #tpu.memory_space<vmem>> -> memref<1x128x32xf32, #tpu.memory_space<vmem>>
        %dma_start3A_1411 = tpu.memref_squeeze %dma_start3A_1410 : memref<1x128x32xf32, #tpu.memory_space<vmem>> -> memref<128x32xf32, #tpu.memory_space<vmem>>
        %dma_start3A_1412 = tpu.memref_slice %arg6[%mul3A_1405] : memref<10000xi32, #tpu.memory_space<vmem>> -> memref<128xi32, #tpu.memory_space<vmem>>
        %dma_start3A_1413 = arith.constant 0 : i32
        %dma_start3A_1414 = arith.constant 0 : i32
        %dma_start3A_1415 = tpu.memref_slice %arg10[%dma_start3A_1413, %dma_start3A_1414] : memref<10000x32xf32, #tpu.memory_space<vmem_shared>> -> memref<10000x32xf32, #tpu.memory_space<vmem_shared>>
        %dma_start3A_1416 = tpu.memref_slice %arg12[%dma_start3A_1407] : memref<8x!tpu.dma_semaphore, #tpu.memory_space<semaphore_mem>> -> memref<1x!tpu.dma_semaphore, #tpu.memory_space<semaphore_mem>>
        %dma_start3A_1417 = tpu.memref_squeeze %dma_start3A_1416 : memref<1x!tpu.dma_semaphore, #tpu.memory_space<semaphore_mem>> -> memref<!tpu.dma_semaphore, #tpu.memory_space<semaphore_mem>>
        tpu.enqueue_indirect_dma source(%dma_start3A_1411 : memref<128x32xf32, #tpu.memory_space<vmem>>) target(%dma_start3A_1415 : memref<10000x32xf32, #tpu.memory_space<vmem_shared>>) offsets(%dma_start3A_1412 : memref<128xi32, #tpu.memory_space<vmem>>) semaphore(%dma_start3A_1417 : memref<!tpu.dma_semaphore, #tpu.memory_space<semaphore_mem>>) {add = true}
      } else {
      }
      %add3A_1287 = arith.constant 8 : i32
      %add3A_1288 = arith.addi %add3A_1281, %add3A_1287 : i32
      %lt3A_1289 = arith.constant 78 : i32
      %lt3A_1290 = arith.cmpi slt, %add3A_1288, %lt3A_1289 : i32
      %convert_element_type3A_1291 = arith.extui %lt3A_1290 : i1 to i32
      %cond3A_1292 = arith.constant 0 : i32
      %cond3A_1293 = arith.cmpi ne, %convert_element_type3A_1291, %cond3A_1292 : i32
      scf.if %cond3A_1293 {
        %mul3A_1390 = arith.constant 128 : i32
        %mul3A_1391 = arith.muli %add3A_1281, %mul3A_1390 : i32
        %dma_wait3A_1392 = arith.constant 1 : i32
        %dma_wait3A_1393 = arith.constant 1 : i32
        %dma_wait3A_1394 = arith.constant 0 : i32
        %dma_wait3A_1395 = arith.constant 0 : i32
        %dma_wait3A_1396 = tpu.memref_slice %arg7[%dma_wait3A_1392, %dma_wait3A_1394, %dma_wait3A_1395] : memref<8x128x32xf32, #tpu.memory_space<vmem>> -> memref<1x128x32xf32, #tpu.memory_space<vmem>>
        %dma_wait3A_1397 = tpu.memref_squeeze %dma_wait3A_1396 : memref<1x128x32xf32, #tpu.memory_space<vmem>> -> memref<128x32xf32, #tpu.memory_space<vmem>>
        %dma_wait3A_1398 = tpu.memref_slice %arg6[%mul3A_1391] : memref<10000xi32, #tpu.memory_space<vmem>> -> memref<128xi32, #tpu.memory_space<vmem>>
        %dma_wait3A_1399 = arith.constant 0 : i32
        %dma_wait3A_1400 = arith.constant 0 : i32
        %dma_wait3A_1401 = tpu.memref_slice %arg10[%dma_wait3A_1399, %dma_wait3A_1400] : memref<10000x32xf32, #tpu.memory_space<vmem_shared>> -> memref<10000x32xf32, #tpu.memory_space<vmem_shared>>
        %dma_wait3A_1402 = tpu.memref_slice %arg12[%dma_wait3A_1393] : memref<8x!tpu.dma_semaphore, #tpu.memory_space<semaphore_mem>> -> memref<1x!tpu.dma_semaphore, #tpu.memory_space<semaphore_mem>>
        %dma_wait3A_1403 = tpu.memref_squeeze %dma_wait3A_1402 : memref<1x!tpu.dma_semaphore, #tpu.memory_space<semaphore_mem>> -> memref<!tpu.dma_semaphore, #tpu.memory_space<semaphore_mem>>
        tpu.wait_indirect_dma semaphore(%dma_wait3A_1403 : memref<!tpu.dma_semaphore, #tpu.memory_space<semaphore_mem>>) src(%dma_wait3A_1397 : memref<128x32xf32, #tpu.memory_space<vmem>>) dst(%dma_wait3A_1401 : memref<10000x32xf32, #tpu.memory_space<vmem_shared>>)
        %add3A_1404 = arith.constant 8 : i32
        %add3A_1405 = arith.addi %add3A_1281, %add3A_1404 : i32
        %mul3A_1406 = arith.constant 128 : i32
        %mul3A_1407 = arith.muli %add3A_1405, %mul3A_1406 : i32
        %dma_start3A_1408 = arith.constant 1 : i32
        %dma_start3A_1409 = arith.constant 1 : i32
        %dma_start3A_1410 = arith.constant 0 : i32
        %dma_start3A_1411 = arith.constant 0 : i32
        %dma_start3A_1412 = tpu.memref_slice %arg7[%dma_start3A_1408, %dma_start3A_1410, %dma_start3A_1411] : memref<8x128x32xf32, #tpu.memory_space<vmem>> -> memref<1x128x32xf32, #tpu.memory_space<vmem>>
        %dma_start3A_1413 = tpu.memref_squeeze %dma_start3A_1412 : memref<1x128x32xf32, #tpu.memory_space<vmem>> -> memref<128x32xf32, #tpu.memory_space<vmem>>
        %dma_start3A_1414 = tpu.memref_slice %arg5[%mul3A_1407] : memref<10000xi32, #tpu.memory_space<vmem>> -> memref<128xi32, #tpu.memory_space<vmem>>
        %dma_start3A_1415 = arith.constant 0 : i32
        %dma_start3A_1416 = arith.constant 0 : i32
        %dma_start3A_1417 = tpu.memref_slice %arg2[%dma_start3A_1415, %dma_start3A_1416] : memref<10000x32xf32, #tpu.memory_space<hbm>> -> memref<10000x32xf32, #tpu.memory_space<hbm>>
        %dma_start3A_1418 = tpu.memref_slice %arg11[%dma_start3A_1409] : memref<8x!tpu.dma_semaphore, #tpu.memory_space<semaphore_mem>> -> memref<1x!tpu.dma_semaphore, #tpu.memory_space<semaphore_mem>>
        %dma_start3A_1419 = tpu.memref_squeeze %dma_start3A_1418 : memref<1x!tpu.dma_semaphore, #tpu.memory_space<semaphore_mem>> -> memref<!tpu.dma_semaphore, #tpu.memory_space<semaphore_mem>>
        tpu.enqueue_indirect_dma source(%dma_start3A_1417 : memref<10000x32xf32, #tpu.memory_space<hbm>>) target(%dma_start3A_1413 : memref<128x32xf32, #tpu.memory_space<vmem>>) offsets(%dma_start3A_1414 : memref<128xi32, #tpu.memory_space<vmem>>) semaphore(%dma_start3A_1419 : memref<!tpu.dma_semaphore, #tpu.memory_space<semaphore_mem>>)
      } else {
      }
      %mul3A_1294 = arith.constant 8 : i32
      %mul3A_1295 = arith.muli %scan3A_1264, %mul3A_1294 : i32
      %add3A_1296 = arith.constant 2 : i32
      %add3A_1297 = arith.addi %mul3A_1295, %add3A_1296 : i32
      %lt3A_1298 = arith.constant 78 : i32
      %lt3A_1299 = arith.cmpi slt, %add3A_1297, %lt3A_1298 : i32
      %convert_element_type3A_1300 = arith.extui %lt3A_1299 : i1 to i32
      %cond3A_1301 = arith.constant 0 : i32
      %cond3A_1302 = arith.cmpi ne, %convert_element_type3A_1300, %cond3A_1301 : i32
      scf.if %cond3A_1302 {
        %mul3A_1390 = arith.constant 128 : i32
        %mul3A_1391 = arith.muli %add3A_1297, %mul3A_1390 : i32
        %dma_wait3A_1392 = arith.constant 2 : i32
        %dma_wait3A_1393 = arith.constant 2 : i32
        %dma_wait3A_1394 = arith.constant 0 : i32
        %dma_wait3A_1395 = arith.constant 0 : i32
        %dma_wait3A_1396 = tpu.memref_slice %arg7[%dma_wait3A_1392, %dma_wait3A_1394, %dma_wait3A_1395] : memref<8x128x32xf32, #tpu.memory_space<vmem>> -> memref<1x128x32xf32, #tpu.memory_space<vmem>>
        %dma_wait3A_1397 = tpu.memref_squeeze %dma_wait3A_1396 : memref<1x128x32xf32, #tpu.memory_space<vmem>> -> memref<128x32xf32, #tpu.memory_space<vmem>>
        %dma_wait3A_1398 = tpu.memref_slice %arg5[%mul3A_1391] : memref<10000xi32, #tpu.memory_space<vmem>> -> memref<128xi32, #tpu.memory_space<vmem>>
        %dma_wait3A_1399 = arith.constant 0 : i32
        %dma_wait3A_1400 = arith.constant 0 : i32
        %dma_wait3A_1401 = tpu.memref_slice %arg2[%dma_wait3A_1399, %dma_wait3A_1400] : memref<10000x32xf32, #tpu.memory_space<hbm>> -> memref<10000x32xf32, #tpu.memory_space<hbm>>
        %dma_wait3A_1402 = tpu.memref_slice %arg11[%dma_wait3A_1393] : memref<8x!tpu.dma_semaphore, #tpu.memory_space<semaphore_mem>> -> memref<1x!tpu.dma_semaphore, #tpu.memory_space<semaphore_mem>>
        %dma_wait3A_1403 = tpu.memref_squeeze %dma_wait3A_1402 : memref<1x!tpu.dma_semaphore, #tpu.memory_space<semaphore_mem>> -> memref<!tpu.dma_semaphore, #tpu.memory_space<semaphore_mem>>
        tpu.wait_indirect_dma semaphore(%dma_wait3A_1403 : memref<!tpu.dma_semaphore, #tpu.memory_space<semaphore_mem>>) src(%dma_wait3A_1401 : memref<10000x32xf32, #tpu.memory_space<hbm>>) dst(%dma_wait3A_1397 : memref<128x32xf32, #tpu.memory_space<vmem>>)
        %mul3A_1404 = arith.constant 128 : i32
        %mul3A_1405 = arith.muli %add3A_1297, %mul3A_1404 : i32
        %dma_start3A_1406 = arith.constant 2 : i32
        %dma_start3A_1407 = arith.constant 2 : i32
        %dma_start3A_1408 = arith.constant 0 : i32
        %dma_start3A_1409 = arith.constant 0 : i32
        %dma_start3A_1410 = tpu.memref_slice %arg7[%dma_start3A_1406, %dma_start3A_1408, %dma_start3A_1409] : memref<8x128x32xf32, #tpu.memory_space<vmem>> -> memref<1x128x32xf32, #tpu.memory_space<vmem>>
        %dma_start3A_1411 = tpu.memref_squeeze %dma_start3A_1410 : memref<1x128x32xf32, #tpu.memory_space<vmem>> -> memref<128x32xf32, #tpu.memory_space<vmem>>
        %dma_start3A_1412 = tpu.memref_slice %arg6[%mul3A_1405] : memref<10000xi32, #tpu.memory_space<vmem>> -> memref<128xi32, #tpu.memory_space<vmem>>
        %dma_start3A_1413 = arith.constant 0 : i32
        %dma_start3A_1414 = arith.constant 0 : i32
        %dma_start3A_1415 = tpu.memref_slice %arg10[%dma_start3A_1413, %dma_start3A_1414] : memref<10000x32xf32, #tpu.memory_space<vmem_shared>> -> memref<10000x32xf32, #tpu.memory_space<vmem_shared>>
        %dma_start3A_1416 = tpu.memref_slice %arg12[%dma_start3A_1407] : memref<8x!tpu.dma_semaphore, #tpu.memory_space<semaphore_mem>> -> memref<1x!tpu.dma_semaphore, #tpu.memory_space<semaphore_mem>>
        %dma_start3A_1417 = tpu.memref_squeeze %dma_start3A_1416 : memref<1x!tpu.dma_semaphore, #tpu.memory_space<semaphore_mem>> -> memref<!tpu.dma_semaphore, #tpu.memory_space<semaphore_mem>>
        tpu.enqueue_indirect_dma source(%dma_start3A_1411 : memref<128x32xf32, #tpu.memory_space<vmem>>) target(%dma_start3A_1415 : memref<10000x32xf32, #tpu.memory_space<vmem_shared>>) offsets(%dma_start3A_1412 : memref<128xi32, #tpu.memory_space<vmem>>) semaphore(%dma_start3A_1417 : memref<!tpu.dma_semaphore, #tpu.memory_space<semaphore_mem>>) {add = true}
      } else {
      }
      %add3A_1303 = arith.constant 8 : i32
      %add3A_1304 = arith.addi %add3A_1297, %add3A_1303 : i32
      %lt3A_1305 = arith.constant 78 : i32
      %lt3A_1306 = arith.cmpi slt, %add3A_1304, %lt3A_1305 : i32
      %convert_element_type3A_1307 = arith.extui %lt3A_1306 : i1 to i32
      %cond3A_1308 = arith.constant 0 : i32
      %cond3A_1309 = arith.cmpi ne, %convert_element_type3A_1307, %cond3A_1308 : i32
      scf.if %cond3A_1309 {
        %mul3A_1390 = arith.constant 128 : i32
        %mul3A_1391 = arith.muli %add3A_1297, %mul3A_1390 : i32
        %dma_wait3A_1392 = arith.constant 2 : i32
        %dma_wait3A_1393 = arith.constant 2 : i32
        %dma_wait3A_1394 = arith.constant 0 : i32
        %dma_wait3A_1395 = arith.constant 0 : i32
        %dma_wait3A_1396 = tpu.memref_slice %arg7[%dma_wait3A_1392, %dma_wait3A_1394, %dma_wait3A_1395] : memref<8x128x32xf32, #tpu.memory_space<vmem>> -> memref<1x128x32xf32, #tpu.memory_space<vmem>>
        %dma_wait3A_1397 = tpu.memref_squeeze %dma_wait3A_1396 : memref<1x128x32xf32, #tpu.memory_space<vmem>> -> memref<128x32xf32, #tpu.memory_space<vmem>>
        %dma_wait3A_1398 = tpu.memref_slice %arg6[%mul3A_1391] : memref<10000xi32, #tpu.memory_space<vmem>> -> memref<128xi32, #tpu.memory_space<vmem>>
        %dma_wait3A_1399 = arith.constant 0 : i32
        %dma_wait3A_1400 = arith.constant 0 : i32
        %dma_wait3A_1401 = tpu.memref_slice %arg10[%dma_wait3A_1399, %dma_wait3A_1400] : memref<10000x32xf32, #tpu.memory_space<vmem_shared>> -> memref<10000x32xf32, #tpu.memory_space<vmem_shared>>
        %dma_wait3A_1402 = tpu.memref_slice %arg12[%dma_wait3A_1393] : memref<8x!tpu.dma_semaphore, #tpu.memory_space<semaphore_mem>> -> memref<1x!tpu.dma_semaphore, #tpu.memory_space<semaphore_mem>>
        %dma_wait3A_1403 = tpu.memref_squeeze %dma_wait3A_1402 : memref<1x!tpu.dma_semaphore, #tpu.memory_space<semaphore_mem>> -> memref<!tpu.dma_semaphore, #tpu.memory_space<semaphore_mem>>
        tpu.wait_indirect_dma semaphore(%dma_wait3A_1403 : memref<!tpu.dma_semaphore, #tpu.memory_space<semaphore_mem>>) src(%dma_wait3A_1397 : memref<128x32xf32, #tpu.memory_space<vmem>>) dst(%dma_wait3A_1401 : memref<10000x32xf32, #tpu.memory_space<vmem_shared>>)
        %add3A_1404 = arith.constant 8 : i32
        %add3A_1405 = arith.addi %add3A_1297, %add3A_1404 : i32
        %mul3A_1406 = arith.constant 128 : i32
        %mul3A_1407 = arith.muli %add3A_1405, %mul3A_1406 : i32
        %dma_start3A_1408 = arith.constant 2 : i32
        %dma_start3A_1409 = arith.constant 2 : i32
        %dma_start3A_1410 = arith.constant 0 : i32
        %dma_start3A_1411 = arith.constant 0 : i32
        %dma_start3A_1412 = tpu.memref_slice %arg7[%dma_start3A_1408, %dma_start3A_1410, %dma_start3A_1411] : memref<8x128x32xf32, #tpu.memory_space<vmem>> -> memref<1x128x32xf32, #tpu.memory_space<vmem>>
        %dma_start3A_1413 = tpu.memref_squeeze %dma_start3A_1412 : memref<1x128x32xf32, #tpu.memory_space<vmem>> -> memref<128x32xf32, #tpu.memory_space<vmem>>
        %dma_start3A_1414 = tpu.memref_slice %arg5[%mul3A_1407] : memref<10000xi32, #tpu.memory_space<vmem>> -> memref<128xi32, #tpu.memory_space<vmem>>
        %dma_start3A_1415 = arith.constant 0 : i32
        %dma_start3A_1416 = arith.constant 0 : i32
        %dma_start3A_1417 = tpu.memref_slice %arg2[%dma_start3A_1415, %dma_start3A_1416] : memref<10000x32xf32, #tpu.memory_space<hbm>> -> memref<10000x32xf32, #tpu.memory_space<hbm>>
        %dma_start3A_1418 = tpu.memref_slice %arg11[%dma_start3A_1409] : memref<8x!tpu.dma_semaphore, #tpu.memory_space<semaphore_mem>> -> memref<1x!tpu.dma_semaphore, #tpu.memory_space<semaphore_mem>>
        %dma_start3A_1419 = tpu.memref_squeeze %dma_start3A_1418 : memref<1x!tpu.dma_semaphore, #tpu.memory_space<semaphore_mem>> -> memref<!tpu.dma_semaphore, #tpu.memory_space<semaphore_mem>>
        tpu.enqueue_indirect_dma source(%dma_start3A_1417 : memref<10000x32xf32, #tpu.memory_space<hbm>>) target(%dma_start3A_1413 : memref<128x32xf32, #tpu.memory_space<vmem>>) offsets(%dma_start3A_1414 : memref<128xi32, #tpu.memory_space<vmem>>) semaphore(%dma_start3A_1419 : memref<!tpu.dma_semaphore, #tpu.memory_space<semaphore_mem>>)
      } else {
      }
      %mul3A_1310 = arith.constant 8 : i32
      %mul3A_1311 = arith.muli %scan3A_1264, %mul3A_1310 : i32
      %add3A_1312 = arith.constant 3 : i32
      %add3A_1313 = arith.addi %mul3A_1311, %add3A_1312 : i32
      %lt3A_1314 = arith.constant 78 : i32
      %lt3A_1315 = arith.cmpi slt, %add3A_1313, %lt3A_1314 : i32
      %convert_element_type3A_1316 = arith.extui %lt3A_1315 : i1 to i32
      %cond3A_1317 = arith.constant 0 : i32
      %cond3A_1318 = arith.cmpi ne, %convert_element_type3A_1316, %cond3A_1317 : i32
      scf.if %cond3A_1318 {
        %mul3A_1390 = arith.constant 128 : i32
        %mul3A_1391 = arith.muli %add3A_1313, %mul3A_1390 : i32
        %dma_wait3A_1392 = arith.constant 3 : i32
        %dma_wait3A_1393 = arith.constant 3 : i32
        %dma_wait3A_1394 = arith.constant 0 : i32
        %dma_wait3A_1395 = arith.constant 0 : i32
        %dma_wait3A_1396 = tpu.memref_slice %arg7[%dma_wait3A_1392, %dma_wait3A_1394, %dma_wait3A_1395] : memref<8x128x32xf32, #tpu.memory_space<vmem>> -> memref<1x128x32xf32, #tpu.memory_space<vmem>>
        %dma_wait3A_1397 = tpu.memref_squeeze %dma_wait3A_1396 : memref<1x128x32xf32, #tpu.memory_space<vmem>> -> memref<128x32xf32, #tpu.memory_space<vmem>>
        %dma_wait3A_1398 = tpu.memref_slice %arg5[%mul3A_1391] : memref<10000xi32, #tpu.memory_space<vmem>> -> memref<128xi32, #tpu.memory_space<vmem>>
        %dma_wait3A_1399 = arith.constant 0 : i32
        %dma_wait3A_1400 = arith.constant 0 : i32
        %dma_wait3A_1401 = tpu.memref_slice %arg2[%dma_wait3A_1399, %dma_wait3A_1400] : memref<10000x32xf32, #tpu.memory_space<hbm>> -> memref<10000x32xf32, #tpu.memory_space<hbm>>
        %dma_wait3A_1402 = tpu.memref_slice %arg11[%dma_wait3A_1393] : memref<8x!tpu.dma_semaphore, #tpu.memory_space<semaphore_mem>> -> memref<1x!tpu.dma_semaphore, #tpu.memory_space<semaphore_mem>>
        %dma_wait3A_1403 = tpu.memref_squeeze %dma_wait3A_1402 : memref<1x!tpu.dma_semaphore, #tpu.memory_space<semaphore_mem>> -> memref<!tpu.dma_semaphore, #tpu.memory_space<semaphore_mem>>
        tpu.wait_indirect_dma semaphore(%dma_wait3A_1403 : memref<!tpu.dma_semaphore, #tpu.memory_space<semaphore_mem>>) src(%dma_wait3A_1401 : memref<10000x32xf32, #tpu.memory_space<hbm>>) dst(%dma_wait3A_1397 : memref<128x32xf32, #tpu.memory_space<vmem>>)
        %mul3A_1404 = arith.constant 128 : i32
        %mul3A_1405 = arith.muli %add3A_1313, %mul3A_1404 : i32
        %dma_start3A_1406 = arith.constant 3 : i32
        %dma_start3A_1407 = arith.constant 3 : i32
        %dma_start3A_1408 = arith.constant 0 : i32
        %dma_start3A_1409 = arith.constant 0 : i32
        %dma_start3A_1410 = tpu.memref_slice %arg7[%dma_start3A_1406, %dma_start3A_1408, %dma_start3A_1409] : memref<8x128x32xf32, #tpu.memory_space<vmem>> -> memref<1x128x32xf32, #tpu.memory_space<vmem>>
        %dma_start3A_1411 = tpu.memref_squeeze %dma_start3A_1410 : memref<1x128x32xf32, #tpu.memory_space<vmem>> -> memref<128x32xf32, #tpu.memory_space<vmem>>
        %dma_start3A_1412 = tpu.memref_slice %arg6[%mul3A_1405] : memref<10000xi32, #tpu.memory_space<vmem>> -> memref<128xi32, #tpu.memory_space<vmem>>
        %dma_start3A_1413 = arith.constant 0 : i32
        %dma_start3A_1414 = arith.constant 0 : i32
        %dma_start3A_1415 = tpu.memref_slice %arg10[%dma_start3A_1413, %dma_start3A_1414] : memref<10000x32xf32, #tpu.memory_space<vmem_shared>> -> memref<10000x32xf32, #tpu.memory_space<vmem_shared>>
        %dma_start3A_1416 = tpu.memref_slice %arg12[%dma_start3A_1407] : memref<8x!tpu.dma_semaphore, #tpu.memory_space<semaphore_mem>> -> memref<1x!tpu.dma_semaphore, #tpu.memory_space<semaphore_mem>>
        %dma_start3A_1417 = tpu.memref_squeeze %dma_start3A_1416 : memref<1x!tpu.dma_semaphore, #tpu.memory_space<semaphore_mem>> -> memref<!tpu.dma_semaphore, #tpu.memory_space<semaphore_mem>>
        tpu.enqueue_indirect_dma source(%dma_start3A_1411 : memref<128x32xf32, #tpu.memory_space<vmem>>) target(%dma_start3A_1415 : memref<10000x32xf32, #tpu.memory_space<vmem_shared>>) offsets(%dma_start3A_1412 : memref<128xi32, #tpu.memory_space<vmem>>) semaphore(%dma_start3A_1417 : memref<!tpu.dma_semaphore, #tpu.memory_space<semaphore_mem>>) {add = true}
      } else {
      }
      %add3A_1319 = arith.constant 8 : i32
      %add3A_1320 = arith.addi %add3A_1313, %add3A_1319 : i32
      %lt3A_1321 = arith.constant 78 : i32
      %lt3A_1322 = arith.cmpi slt, %add3A_1320, %lt3A_1321 : i32
      %convert_element_type3A_1323 = arith.extui %lt3A_1322 : i1 to i32
      %cond3A_1324 = arith.constant 0 : i32
      %cond3A_1325 = arith.cmpi ne, %convert_element_type3A_1323, %cond3A_1324 : i32
      scf.if %cond3A_1325 {
        %mul3A_1390 = arith.constant 128 : i32
        %mul3A_1391 = arith.muli %add3A_1313, %mul3A_1390 : i32
        %dma_wait3A_1392 = arith.constant 3 : i32
        %dma_wait3A_1393 = arith.constant 3 : i32
        %dma_wait3A_1394 = arith.constant 0 : i32
        %dma_wait3A_1395 = arith.constant 0 : i32
        %dma_wait3A_1396 = tpu.memref_slice %arg7[%dma_wait3A_1392, %dma_wait3A_1394, %dma_wait3A_1395] : memref<8x128x32xf32, #tpu.memory_space<vmem>> -> memref<1x128x32xf32, #tpu.memory_space<vmem>>
        %dma_wait3A_1397 = tpu.memref_squeeze %dma_wait3A_1396 : memref<1x128x32xf32, #tpu.memory_space<vmem>> -> memref<128x32xf32, #tpu.memory_space<vmem>>
        %dma_wait3A_1398 = tpu.memref_slice %arg6[%mul3A_1391] : memref<10000xi32, #tpu.memory_space<vmem>> -> memref<128xi32, #tpu.memory_space<vmem>>
        %dma_wait3A_1399 = arith.constant 0 : i32
        %dma_wait3A_1400 = arith.constant 0 : i32
        %dma_wait3A_1401 = tpu.memref_slice %arg10[%dma_wait3A_1399, %dma_wait3A_1400] : memref<10000x32xf32, #tpu.memory_space<vmem_shared>> -> memref<10000x32xf32, #tpu.memory_space<vmem_shared>>
        %dma_wait3A_1402 = tpu.memref_slice %arg12[%dma_wait3A_1393] : memref<8x!tpu.dma_semaphore, #tpu.memory_space<semaphore_mem>> -> memref<1x!tpu.dma_semaphore, #tpu.memory_space<semaphore_mem>>
        %dma_wait3A_1403 = tpu.memref_squeeze %dma_wait3A_1402 : memref<1x!tpu.dma_semaphore, #tpu.memory_space<semaphore_mem>> -> memref<!tpu.dma_semaphore, #tpu.memory_space<semaphore_mem>>
        tpu.wait_indirect_dma semaphore(%dma_wait3A_1403 : memref<!tpu.dma_semaphore, #tpu.memory_space<semaphore_mem>>) src(%dma_wait3A_1397 : memref<128x32xf32, #tpu.memory_space<vmem>>) dst(%dma_wait3A_1401 : memref<10000x32xf32, #tpu.memory_space<vmem_shared>>)
        %add3A_1404 = arith.constant 8 : i32
        %add3A_1405 = arith.addi %add3A_1313, %add3A_1404 : i32
        %mul3A_1406 = arith.constant 128 : i32
        %mul3A_1407 = arith.muli %add3A_1405, %mul3A_1406 : i32
        %dma_start3A_1408 = arith.constant 3 : i32
        %dma_start3A_1409 = arith.constant 3 : i32
        %dma_start3A_1410 = arith.constant 0 : i32
        %dma_start3A_1411 = arith.constant 0 : i32
        %dma_start3A_1412 = tpu.memref_slice %arg7[%dma_start3A_1408, %dma_start3A_1410, %dma_start3A_1411] : memref<8x128x32xf32, #tpu.memory_space<vmem>> -> memref<1x128x32xf32, #tpu.memory_space<vmem>>
        %dma_start3A_1413 = tpu.memref_squeeze %dma_start3A_1412 : memref<1x128x32xf32, #tpu.memory_space<vmem>> -> memref<128x32xf32, #tpu.memory_space<vmem>>
        %dma_start3A_1414 = tpu.memref_slice %arg5[%mul3A_1407] : memref<10000xi32, #tpu.memory_space<vmem>> -> memref<128xi32, #tpu.memory_space<vmem>>
        %dma_start3A_1415 = arith.constant 0 : i32
        %dma_start3A_1416 = arith.constant 0 : i32
        %dma_start3A_1417 = tpu.memref_slice %arg2[%dma_start3A_1415, %dma_start3A_1416] : memref<10000x32xf32, #tpu.memory_space<hbm>> -> memref<10000x32xf32, #tpu.memory_space<hbm>>
        %dma_start3A_1418 = tpu.memref_slice %arg11[%dma_start3A_1409] : memref<8x!tpu.dma_semaphore, #tpu.memory_space<semaphore_mem>> -> memref<1x!tpu.dma_semaphore, #tpu.memory_space<semaphore_mem>>
        %dma_start3A_1419 = tpu.memref_squeeze %dma_start3A_1418 : memref<1x!tpu.dma_semaphore, #tpu.memory_space<semaphore_mem>> -> memref<!tpu.dma_semaphore, #tpu.memory_space<semaphore_mem>>
        tpu.enqueue_indirect_dma source(%dma_start3A_1417 : memref<10000x32xf32, #tpu.memory_space<hbm>>) target(%dma_start3A_1413 : memref<128x32xf32, #tpu.memory_space<vmem>>) offsets(%dma_start3A_1414 : memref<128xi32, #tpu.memory_space<vmem>>) semaphore(%dma_start3A_1419 : memref<!tpu.dma_semaphore, #tpu.memory_space<semaphore_mem>>)
      } else {
      }
      %mul3A_1326 = arith.constant 8 : i32
      %mul3A_1327 = arith.muli %scan3A_1264, %mul3A_1326 : i32
      %add3A_1328 = arith.constant 4 : i32
      %add3A_1329 = arith.addi %mul3A_1327, %add3A_1328 : i32
      %lt3A_1330 = arith.constant 78 : i32
      %lt3A_1331 = arith.cmpi slt, %add3A_1329, %lt3A_1330 : i32
      %convert_element_type3A_1332 = arith.extui %lt3A_1331 : i1 to i32
      %cond3A_1333 = arith.constant 0 : i32
      %cond3A_1334 = arith.cmpi ne, %convert_element_type3A_1332, %cond3A_1333 : i32
      scf.if %cond3A_1334 {
        %mul3A_1390 = arith.constant 128 : i32
        %mul3A_1391 = arith.muli %add3A_1329, %mul3A_1390 : i32
        %dma_wait3A_1392 = arith.constant 4 : i32
        %dma_wait3A_1393 = arith.constant 4 : i32
        %dma_wait3A_1394 = arith.constant 0 : i32
        %dma_wait3A_1395 = arith.constant 0 : i32
        %dma_wait3A_1396 = tpu.memref_slice %arg7[%dma_wait3A_1392, %dma_wait3A_1394, %dma_wait3A_1395] : memref<8x128x32xf32, #tpu.memory_space<vmem>> -> memref<1x128x32xf32, #tpu.memory_space<vmem>>
        %dma_wait3A_1397 = tpu.memref_squeeze %dma_wait3A_1396 : memref<1x128x32xf32, #tpu.memory_space<vmem>> -> memref<128x32xf32, #tpu.memory_space<vmem>>
        %dma_wait3A_1398 = tpu.memref_slice %arg5[%mul3A_1391] : memref<10000xi32, #tpu.memory_space<vmem>> -> memref<128xi32, #tpu.memory_space<vmem>>
        %dma_wait3A_1399 = arith.constant 0 : i32
        %dma_wait3A_1400 = arith.constant 0 : i32
        %dma_wait3A_1401 = tpu.memref_slice %arg2[%dma_wait3A_1399, %dma_wait3A_1400] : memref<10000x32xf32, #tpu.memory_space<hbm>> -> memref<10000x32xf32, #tpu.memory_space<hbm>>
        %dma_wait3A_1402 = tpu.memref_slice %arg11[%dma_wait3A_1393] : memref<8x!tpu.dma_semaphore, #tpu.memory_space<semaphore_mem>> -> memref<1x!tpu.dma_semaphore, #tpu.memory_space<semaphore_mem>>
        %dma_wait3A_1403 = tpu.memref_squeeze %dma_wait3A_1402 : memref<1x!tpu.dma_semaphore, #tpu.memory_space<semaphore_mem>> -> memref<!tpu.dma_semaphore, #tpu.memory_space<semaphore_mem>>
        tpu.wait_indirect_dma semaphore(%dma_wait3A_1403 : memref<!tpu.dma_semaphore, #tpu.memory_space<semaphore_mem>>) src(%dma_wait3A_1401 : memref<10000x32xf32, #tpu.memory_space<hbm>>) dst(%dma_wait3A_1397 : memref<128x32xf32, #tpu.memory_space<vmem>>)
        %mul3A_1404 = arith.constant 128 : i32
        %mul3A_1405 = arith.muli %add3A_1329, %mul3A_1404 : i32
        %dma_start3A_1406 = arith.constant 4 : i32
        %dma_start3A_1407 = arith.constant 4 : i32
        %dma_start3A_1408 = arith.constant 0 : i32
        %dma_start3A_1409 = arith.constant 0 : i32
        %dma_start3A_1410 = tpu.memref_slice %arg7[%dma_start3A_1406, %dma_start3A_1408, %dma_start3A_1409] : memref<8x128x32xf32, #tpu.memory_space<vmem>> -> memref<1x128x32xf32, #tpu.memory_space<vmem>>
        %dma_start3A_1411 = tpu.memref_squeeze %dma_start3A_1410 : memref<1x128x32xf32, #tpu.memory_space<vmem>> -> memref<128x32xf32, #tpu.memory_space<vmem>>
        %dma_start3A_1412 = tpu.memref_slice %arg6[%mul3A_1405] : memref<10000xi32, #tpu.memory_space<vmem>> -> memref<128xi32, #tpu.memory_space<vmem>>
        %dma_start3A_1413 = arith.constant 0 : i32
        %dma_start3A_1414 = arith.constant 0 : i32
        %dma_start3A_1415 = tpu.memref_slice %arg10[%dma_start3A_1413, %dma_start3A_1414] : memref<10000x32xf32, #tpu.memory_space<vmem_shared>> -> memref<10000x32xf32, #tpu.memory_space<vmem_shared>>
        %dma_start3A_1416 = tpu.memref_slice %arg12[%dma_start3A_1407] : memref<8x!tpu.dma_semaphore, #tpu.memory_space<semaphore_mem>> -> memref<1x!tpu.dma_semaphore, #tpu.memory_space<semaphore_mem>>
        %dma_start3A_1417 = tpu.memref_squeeze %dma_start3A_1416 : memref<1x!tpu.dma_semaphore, #tpu.memory_space<semaphore_mem>> -> memref<!tpu.dma_semaphore, #tpu.memory_space<semaphore_mem>>
        tpu.enqueue_indirect_dma source(%dma_start3A_1411 : memref<128x32xf32, #tpu.memory_space<vmem>>) target(%dma_start3A_1415 : memref<10000x32xf32, #tpu.memory_space<vmem_shared>>) offsets(%dma_start3A_1412 : memref<128xi32, #tpu.memory_space<vmem>>) semaphore(%dma_start3A_1417 : memref<!tpu.dma_semaphore, #tpu.memory_space<semaphore_mem>>) {add = true}
      } else {
      }
      %add3A_1335 = arith.constant 8 : i32
      %add3A_1336 = arith.addi %add3A_1329, %add3A_1335 : i32
      %lt3A_1337 = arith.constant 78 : i32
      %lt3A_1338 = arith.cmpi slt, %add3A_1336, %lt3A_1337 : i32
      %convert_element_type3A_1339 = arith.extui %lt3A_1338 : i1 to i32
      %cond3A_1340 = arith.constant 0 : i32
      %cond3A_1341 = arith.cmpi ne, %convert_element_type3A_1339, %cond3A_1340 : i32
      scf.if %cond3A_1341 {
        %mul3A_1390 = arith.constant 128 : i32
        %mul3A_1391 = arith.muli %add3A_1329, %mul3A_1390 : i32
        %dma_wait3A_1392 = arith.constant 4 : i32
        %dma_wait3A_1393 = arith.constant 4 : i32
        %dma_wait3A_1394 = arith.constant 0 : i32
        %dma_wait3A_1395 = arith.constant 0 : i32
        %dma_wait3A_1396 = tpu.memref_slice %arg7[%dma_wait3A_1392, %dma_wait3A_1394, %dma_wait3A_1395] : memref<8x128x32xf32, #tpu.memory_space<vmem>> -> memref<1x128x32xf32, #tpu.memory_space<vmem>>
        %dma_wait3A_1397 = tpu.memref_squeeze %dma_wait3A_1396 : memref<1x128x32xf32, #tpu.memory_space<vmem>> -> memref<128x32xf32, #tpu.memory_space<vmem>>
        %dma_wait3A_1398 = tpu.memref_slice %arg6[%mul3A_1391] : memref<10000xi32, #tpu.memory_space<vmem>> -> memref<128xi32, #tpu.memory_space<vmem>>
        %dma_wait3A_1399 = arith.constant 0 : i32
        %dma_wait3A_1400 = arith.constant 0 : i32
        %dma_wait3A_1401 = tpu.memref_slice %arg10[%dma_wait3A_1399, %dma_wait3A_1400] : memref<10000x32xf32, #tpu.memory_space<vmem_shared>> -> memref<10000x32xf32, #tpu.memory_space<vmem_shared>>
        %dma_wait3A_1402 = tpu.memref_slice %arg12[%dma_wait3A_1393] : memref<8x!tpu.dma_semaphore, #tpu.memory_space<semaphore_mem>> -> memref<1x!tpu.dma_semaphore, #tpu.memory_space<semaphore_mem>>
        %dma_wait3A_1403 = tpu.memref_squeeze %dma_wait3A_1402 : memref<1x!tpu.dma_semaphore, #tpu.memory_space<semaphore_mem>> -> memref<!tpu.dma_semaphore, #tpu.memory_space<semaphore_mem>>
        tpu.wait_indirect_dma semaphore(%dma_wait3A_1403 : memref<!tpu.dma_semaphore, #tpu.memory_space<semaphore_mem>>) src(%dma_wait3A_1397 : memref<128x32xf32, #tpu.memory_space<vmem>>) dst(%dma_wait3A_1401 : memref<10000x32xf32, #tpu.memory_space<vmem_shared>>)
        %add3A_1404 = arith.constant 8 : i32
        %add3A_1405 = arith.addi %add3A_1329, %add3A_1404 : i32
        %mul3A_1406 = arith.constant 128 : i32
        %mul3A_1407 = arith.muli %add3A_1405, %mul3A_1406 : i32
        %dma_start3A_1408 = arith.constant 4 : i32
        %dma_start3A_1409 = arith.constant 4 : i32
        %dma_start3A_1410 = arith.constant 0 : i32
        %dma_start3A_1411 = arith.constant 0 : i32
        %dma_start3A_1412 = tpu.memref_slice %arg7[%dma_start3A_1408, %dma_start3A_1410, %dma_start3A_1411] : memref<8x128x32xf32, #tpu.memory_space<vmem>> -> memref<1x128x32xf32, #tpu.memory_space<vmem>>
        %dma_start3A_1413 = tpu.memref_squeeze %dma_start3A_1412 : memref<1x128x32xf32, #tpu.memory_space<vmem>> -> memref<128x32xf32, #tpu.memory_space<vmem>>
        %dma_start3A_1414 = tpu.memref_slice %arg5[%mul3A_1407] : memref<10000xi32, #tpu.memory_space<vmem>> -> memref<128xi32, #tpu.memory_space<vmem>>
        %dma_start3A_1415 = arith.constant 0 : i32
        %dma_start3A_1416 = arith.constant 0 : i32
        %dma_start3A_1417 = tpu.memref_slice %arg2[%dma_start3A_1415, %dma_start3A_1416] : memref<10000x32xf32, #tpu.memory_space<hbm>> -> memref<10000x32xf32, #tpu.memory_space<hbm>>
        %dma_start3A_1418 = tpu.memref_slice %arg11[%dma_start3A_1409] : memref<8x!tpu.dma_semaphore, #tpu.memory_space<semaphore_mem>> -> memref<1x!tpu.dma_semaphore, #tpu.memory_space<semaphore_mem>>
        %dma_start3A_1419 = tpu.memref_squeeze %dma_start3A_1418 : memref<1x!tpu.dma_semaphore, #tpu.memory_space<semaphore_mem>> -> memref<!tpu.dma_semaphore, #tpu.memory_space<semaphore_mem>>
        tpu.enqueue_indirect_dma source(%dma_start3A_1417 : memref<10000x32xf32, #tpu.memory_space<hbm>>) target(%dma_start3A_1413 : memref<128x32xf32, #tpu.memory_space<vmem>>) offsets(%dma_start3A_1414 : memref<128xi32, #tpu.memory_space<vmem>>) semaphore(%dma_start3A_1419 : memref<!tpu.dma_semaphore, #tpu.memory_space<semaphore_mem>>)
      } else {
      }
      %mul3A_1342 = arith.constant 8 : i32
      %mul3A_1343 = arith.muli %scan3A_1264, %mul3A_1342 : i32
      %add3A_1344 = arith.constant 5 : i32
      %add3A_1345 = arith.addi %mul3A_1343, %add3A_1344 : i32
      %lt3A_1346 = arith.constant 78 : i32
      %lt3A_1347 = arith.cmpi slt, %add3A_1345, %lt3A_1346 : i32
      %convert_element_type3A_1348 = arith.extui %lt3A_1347 : i1 to i32
      %cond3A_1349 = arith.constant 0 : i32
      %cond3A_1350 = arith.cmpi ne, %convert_element_type3A_1348, %cond3A_1349 : i32
      scf.if %cond3A_1350 {
        %mul3A_1390 = arith.constant 128 : i32
        %mul3A_1391 = arith.muli %add3A_1345, %mul3A_1390 : i32
        %dma_wait3A_1392 = arith.constant 5 : i32
        %dma_wait3A_1393 = arith.constant 5 : i32
        %dma_wait3A_1394 = arith.constant 0 : i32
        %dma_wait3A_1395 = arith.constant 0 : i32
        %dma_wait3A_1396 = tpu.memref_slice %arg7[%dma_wait3A_1392, %dma_wait3A_1394, %dma_wait3A_1395] : memref<8x128x32xf32, #tpu.memory_space<vmem>> -> memref<1x128x32xf32, #tpu.memory_space<vmem>>
        %dma_wait3A_1397 = tpu.memref_squeeze %dma_wait3A_1396 : memref<1x128x32xf32, #tpu.memory_space<vmem>> -> memref<128x32xf32, #tpu.memory_space<vmem>>
        %dma_wait3A_1398 = tpu.memref_slice %arg5[%mul3A_1391] : memref<10000xi32, #tpu.memory_space<vmem>> -> memref<128xi32, #tpu.memory_space<vmem>>
        %dma_wait3A_1399 = arith.constant 0 : i32
        %dma_wait3A_1400 = arith.constant 0 : i32
        %dma_wait3A_1401 = tpu.memref_slice %arg2[%dma_wait3A_1399, %dma_wait3A_1400] : memref<10000x32xf32, #tpu.memory_space<hbm>> -> memref<10000x32xf32, #tpu.memory_space<hbm>>
        %dma_wait3A_1402 = tpu.memref_slice %arg11[%dma_wait3A_1393] : memref<8x!tpu.dma_semaphore, #tpu.memory_space<semaphore_mem>> -> memref<1x!tpu.dma_semaphore, #tpu.memory_space<semaphore_mem>>
        %dma_wait3A_1403 = tpu.memref_squeeze %dma_wait3A_1402 : memref<1x!tpu.dma_semaphore, #tpu.memory_space<semaphore_mem>> -> memref<!tpu.dma_semaphore, #tpu.memory_space<semaphore_mem>>
        tpu.wait_indirect_dma semaphore(%dma_wait3A_1403 : memref<!tpu.dma_semaphore, #tpu.memory_space<semaphore_mem>>) src(%dma_wait3A_1401 : memref<10000x32xf32, #tpu.memory_space<hbm>>) dst(%dma_wait3A_1397 : memref<128x32xf32, #tpu.memory_space<vmem>>)
        %mul3A_1404 = arith.constant 128 : i32
        %mul3A_1405 = arith.muli %add3A_1345, %mul3A_1404 : i32
        %dma_start3A_1406 = arith.constant 5 : i32
        %dma_start3A_1407 = arith.constant 5 : i32
        %dma_start3A_1408 = arith.constant 0 : i32
        %dma_start3A_1409 = arith.constant 0 : i32
        %dma_start3A_1410 = tpu.memref_slice %arg7[%dma_start3A_1406, %dma_start3A_1408, %dma_start3A_1409] : memref<8x128x32xf32, #tpu.memory_space<vmem>> -> memref<1x128x32xf32, #tpu.memory_space<vmem>>
        %dma_start3A_1411 = tpu.memref_squeeze %dma_start3A_1410 : memref<1x128x32xf32, #tpu.memory_space<vmem>> -> memref<128x32xf32, #tpu.memory_space<vmem>>
        %dma_start3A_1412 = tpu.memref_slice %arg6[%mul3A_1405] : memref<10000xi32, #tpu.memory_space<vmem>> -> memref<128xi32, #tpu.memory_space<vmem>>
        %dma_start3A_1413 = arith.constant 0 : i32
        %dma_start3A_1414 = arith.constant 0 : i32
        %dma_start3A_1415 = tpu.memref_slice %arg10[%dma_start3A_1413, %dma_start3A_1414] : memref<10000x32xf32, #tpu.memory_space<vmem_shared>> -> memref<10000x32xf32, #tpu.memory_space<vmem_shared>>
        %dma_start3A_1416 = tpu.memref_slice %arg12[%dma_start3A_1407] : memref<8x!tpu.dma_semaphore, #tpu.memory_space<semaphore_mem>> -> memref<1x!tpu.dma_semaphore, #tpu.memory_space<semaphore_mem>>
        %dma_start3A_1417 = tpu.memref_squeeze %dma_start3A_1416 : memref<1x!tpu.dma_semaphore, #tpu.memory_space<semaphore_mem>> -> memref<!tpu.dma_semaphore, #tpu.memory_space<semaphore_mem>>
        tpu.enqueue_indirect_dma source(%dma_start3A_1411 : memref<128x32xf32, #tpu.memory_space<vmem>>) target(%dma_start3A_1415 : memref<10000x32xf32, #tpu.memory_space<vmem_shared>>) offsets(%dma_start3A_1412 : memref<128xi32, #tpu.memory_space<vmem>>) semaphore(%dma_start3A_1417 : memref<!tpu.dma_semaphore, #tpu.memory_space<semaphore_mem>>) {add = true}
      } else {
      }
      %add3A_1351 = arith.constant 8 : i32
      %add3A_1352 = arith.addi %add3A_1345, %add3A_1351 : i32
      %lt3A_1353 = arith.constant 78 : i32
      %lt3A_1354 = arith.cmpi slt, %add3A_1352, %lt3A_1353 : i32
      %convert_element_type3A_1355 = arith.extui %lt3A_1354 : i1 to i32
      %cond3A_1356 = arith.constant 0 : i32
      %cond3A_1357 = arith.cmpi ne, %convert_element_type3A_1355, %cond3A_1356 : i32
      scf.if %cond3A_1357 {
        %mul3A_1390 = arith.constant 128 : i32
        %mul3A_1391 = arith.muli %add3A_1345, %mul3A_1390 : i32
        %dma_wait3A_1392 = arith.constant 5 : i32
        %dma_wait3A_1393 = arith.constant 5 : i32
        %dma_wait3A_1394 = arith.constant 0 : i32
        %dma_wait3A_1395 = arith.constant 0 : i32
        %dma_wait3A_1396 = tpu.memref_slice %arg7[%dma_wait3A_1392, %dma_wait3A_1394, %dma_wait3A_1395] : memref<8x128x32xf32, #tpu.memory_space<vmem>> -> memref<1x128x32xf32, #tpu.memory_space<vmem>>
        %dma_wait3A_1397 = tpu.memref_squeeze %dma_wait3A_1396 : memref<1x128x32xf32, #tpu.memory_space<vmem>> -> memref<128x32xf32, #tpu.memory_space<vmem>>
        %dma_wait3A_1398 = tpu.memref_slice %arg6[%mul3A_1391] : memref<10000xi32, #tpu.memory_space<vmem>> -> memref<128xi32, #tpu.memory_space<vmem>>
        %dma_wait3A_1399 = arith.constant 0 : i32
        %dma_wait3A_1400 = arith.constant 0 : i32
        %dma_wait3A_1401 = tpu.memref_slice %arg10[%dma_wait3A_1399, %dma_wait3A_1400] : memref<10000x32xf32, #tpu.memory_space<vmem_shared>> -> memref<10000x32xf32, #tpu.memory_space<vmem_shared>>
        %dma_wait3A_1402 = tpu.memref_slice %arg12[%dma_wait3A_1393] : memref<8x!tpu.dma_semaphore, #tpu.memory_space<semaphore_mem>> -> memref<1x!tpu.dma_semaphore, #tpu.memory_space<semaphore_mem>>
        %dma_wait3A_1403 = tpu.memref_squeeze %dma_wait3A_1402 : memref<1x!tpu.dma_semaphore, #tpu.memory_space<semaphore_mem>> -> memref<!tpu.dma_semaphore, #tpu.memory_space<semaphore_mem>>
        tpu.wait_indirect_dma semaphore(%dma_wait3A_1403 : memref<!tpu.dma_semaphore, #tpu.memory_space<semaphore_mem>>) src(%dma_wait3A_1397 : memref<128x32xf32, #tpu.memory_space<vmem>>) dst(%dma_wait3A_1401 : memref<10000x32xf32, #tpu.memory_space<vmem_shared>>)
        %add3A_1404 = arith.constant 8 : i32
        %add3A_1405 = arith.addi %add3A_1345, %add3A_1404 : i32
        %mul3A_1406 = arith.constant 128 : i32
        %mul3A_1407 = arith.muli %add3A_1405, %mul3A_1406 : i32
        %dma_start3A_1408 = arith.constant 5 : i32
        %dma_start3A_1409 = arith.constant 5 : i32
        %dma_start3A_1410 = arith.constant 0 : i32
        %dma_start3A_1411 = arith.constant 0 : i32
        %dma_start3A_1412 = tpu.memref_slice %arg7[%dma_start3A_1408, %dma_start3A_1410, %dma_start3A_1411] : memref<8x128x32xf32, #tpu.memory_space<vmem>> -> memref<1x128x32xf32, #tpu.memory_space<vmem>>
        %dma_start3A_1413 = tpu.memref_squeeze %dma_start3A_1412 : memref<1x128x32xf32, #tpu.memory_space<vmem>> -> memref<128x32xf32, #tpu.memory_space<vmem>>
        %dma_start3A_1414 = tpu.memref_slice %arg5[%mul3A_1407] : memref<10000xi32, #tpu.memory_space<vmem>> -> memref<128xi32, #tpu.memory_space<vmem>>
        %dma_start3A_1415 = arith.constant 0 : i32
        %dma_start3A_1416 = arith.constant 0 : i32
        %dma_start3A_1417 = tpu.memref_slice %arg2[%dma_start3A_1415, %dma_start3A_1416] : memref<10000x32xf32, #tpu.memory_space<hbm>> -> memref<10000x32xf32, #tpu.memory_space<hbm>>
        %dma_start3A_1418 = tpu.memref_slice %arg11[%dma_start3A_1409] : memref<8x!tpu.dma_semaphore, #tpu.memory_space<semaphore_mem>> -> memref<1x!tpu.dma_semaphore, #tpu.memory_space<semaphore_mem>>
        %dma_start3A_1419 = tpu.memref_squeeze %dma_start3A_1418 : memref<1x!tpu.dma_semaphore, #tpu.memory_space<semaphore_mem>> -> memref<!tpu.dma_semaphore, #tpu.memory_space<semaphore_mem>>
        tpu.enqueue_indirect_dma source(%dma_start3A_1417 : memref<10000x32xf32, #tpu.memory_space<hbm>>) target(%dma_start3A_1413 : memref<128x32xf32, #tpu.memory_space<vmem>>) offsets(%dma_start3A_1414 : memref<128xi32, #tpu.memory_space<vmem>>) semaphore(%dma_start3A_1419 : memref<!tpu.dma_semaphore, #tpu.memory_space<semaphore_mem>>)
      } else {
      }
      %mul3A_1358 = arith.constant 8 : i32
      %mul3A_1359 = arith.muli %scan3A_1264, %mul3A_1358 : i32
      %add3A_1360 = arith.constant 6 : i32
      %add3A_1361 = arith.addi %mul3A_1359, %add3A_1360 : i32
      %lt3A_1362 = arith.constant 78 : i32
      %lt3A_1363 = arith.cmpi slt, %add3A_1361, %lt3A_1362 : i32
      %convert_element_type3A_1364 = arith.extui %lt3A_1363 : i1 to i32
      %cond3A_1365 = arith.constant 0 : i32
      %cond3A_1366 = arith.cmpi ne, %convert_element_type3A_1364, %cond3A_1365 : i32
      scf.if %cond3A_1366 {
        %mul3A_1390 = arith.constant 128 : i32
        %mul3A_1391 = arith.muli %add3A_1361, %mul3A_1390 : i32
        %dma_wait3A_1392 = arith.constant 6 : i32
        %dma_wait3A_1393 = arith.constant 6 : i32
        %dma_wait3A_1394 = arith.constant 0 : i32
        %dma_wait3A_1395 = arith.constant 0 : i32
        %dma_wait3A_1396 = tpu.memref_slice %arg7[%dma_wait3A_1392, %dma_wait3A_1394, %dma_wait3A_1395] : memref<8x128x32xf32, #tpu.memory_space<vmem>> -> memref<1x128x32xf32, #tpu.memory_space<vmem>>
        %dma_wait3A_1397 = tpu.memref_squeeze %dma_wait3A_1396 : memref<1x128x32xf32, #tpu.memory_space<vmem>> -> memref<128x32xf32, #tpu.memory_space<vmem>>
        %dma_wait3A_1398 = tpu.memref_slice %arg5[%mul3A_1391] : memref<10000xi32, #tpu.memory_space<vmem>> -> memref<128xi32, #tpu.memory_space<vmem>>
        %dma_wait3A_1399 = arith.constant 0 : i32
        %dma_wait3A_1400 = arith.constant 0 : i32
        %dma_wait3A_1401 = tpu.memref_slice %arg2[%dma_wait3A_1399, %dma_wait3A_1400] : memref<10000x32xf32, #tpu.memory_space<hbm>> -> memref<10000x32xf32, #tpu.memory_space<hbm>>
        %dma_wait3A_1402 = tpu.memref_slice %arg11[%dma_wait3A_1393] : memref<8x!tpu.dma_semaphore, #tpu.memory_space<semaphore_mem>> -> memref<1x!tpu.dma_semaphore, #tpu.memory_space<semaphore_mem>>
        %dma_wait3A_1403 = tpu.memref_squeeze %dma_wait3A_1402 : memref<1x!tpu.dma_semaphore, #tpu.memory_space<semaphore_mem>> -> memref<!tpu.dma_semaphore, #tpu.memory_space<semaphore_mem>>
        tpu.wait_indirect_dma semaphore(%dma_wait3A_1403 : memref<!tpu.dma_semaphore, #tpu.memory_space<semaphore_mem>>) src(%dma_wait3A_1401 : memref<10000x32xf32, #tpu.memory_space<hbm>>) dst(%dma_wait3A_1397 : memref<128x32xf32, #tpu.memory_space<vmem>>)
        %mul3A_1404 = arith.constant 128 : i32
        %mul3A_1405 = arith.muli %add3A_1361, %mul3A_1404 : i32
        %dma_start3A_1406 = arith.constant 6 : i32
        %dma_start3A_1407 = arith.constant 6 : i32
        %dma_start3A_1408 = arith.constant 0 : i32
        %dma_start3A_1409 = arith.constant 0 : i32
        %dma_start3A_1410 = tpu.memref_slice %arg7[%dma_start3A_1406, %dma_start3A_1408, %dma_start3A_1409] : memref<8x128x32xf32, #tpu.memory_space<vmem>> -> memref<1x128x32xf32, #tpu.memory_space<vmem>>
        %dma_start3A_1411 = tpu.memref_squeeze %dma_start3A_1410 : memref<1x128x32xf32, #tpu.memory_space<vmem>> -> memref<128x32xf32, #tpu.memory_space<vmem>>
        %dma_start3A_1412 = tpu.memref_slice %arg6[%mul3A_1405] : memref<10000xi32, #tpu.memory_space<vmem>> -> memref<128xi32, #tpu.memory_space<vmem>>
        %dma_start3A_1413 = arith.constant 0 : i32
        %dma_start3A_1414 = arith.constant 0 : i32
        %dma_start3A_1415 = tpu.memref_slice %arg10[%dma_start3A_1413, %dma_start3A_1414] : memref<10000x32xf32, #tpu.memory_space<vmem_shared>> -> memref<10000x32xf32, #tpu.memory_space<vmem_shared>>
        %dma_start3A_1416 = tpu.memref_slice %arg12[%dma_start3A_1407] : memref<8x!tpu.dma_semaphore, #tpu.memory_space<semaphore_mem>> -> memref<1x!tpu.dma_semaphore, #tpu.memory_space<semaphore_mem>>
        %dma_start3A_1417 = tpu.memref_squeeze %dma_start3A_1416 : memref<1x!tpu.dma_semaphore, #tpu.memory_space<semaphore_mem>> -> memref<!tpu.dma_semaphore, #tpu.memory_space<semaphore_mem>>
        tpu.enqueue_indirect_dma source(%dma_start3A_1411 : memref<128x32xf32, #tpu.memory_space<vmem>>) target(%dma_start3A_1415 : memref<10000x32xf32, #tpu.memory_space<vmem_shared>>) offsets(%dma_start3A_1412 : memref<128xi32, #tpu.memory_space<vmem>>) semaphore(%dma_start3A_1417 : memref<!tpu.dma_semaphore, #tpu.memory_space<semaphore_mem>>) {add = true}
      } else {
      }
      %add3A_1367 = arith.constant 8 : i32
      %add3A_1368 = arith.addi %add3A_1361, %add3A_1367 : i32
      %lt3A_1369 = arith.constant 78 : i32
      %lt3A_1370 = arith.cmpi slt, %add3A_1368, %lt3A_1369 : i32
      %convert_element_type3A_1371 = arith.extui %lt3A_1370 : i1 to i32
      %cond3A_1372 = arith.constant 0 : i32
      %cond3A_1373 = arith.cmpi ne, %convert_element_type3A_1371, %cond3A_1372 : i32
      scf.if %cond3A_1373 {
        %mul3A_1390 = arith.constant 128 : i32
        %mul3A_1391 = arith.muli %add3A_1361, %mul3A_1390 : i32
        %dma_wait3A_1392 = arith.constant 6 : i32
        %dma_wait3A_1393 = arith.constant 6 : i32
        %dma_wait3A_1394 = arith.constant 0 : i32
        %dma_wait3A_1395 = arith.constant 0 : i32
        %dma_wait3A_1396 = tpu.memref_slice %arg7[%dma_wait3A_1392, %dma_wait3A_1394, %dma_wait3A_1395] : memref<8x128x32xf32, #tpu.memory_space<vmem>> -> memref<1x128x32xf32, #tpu.memory_space<vmem>>
        %dma_wait3A_1397 = tpu.memref_squeeze %dma_wait3A_1396 : memref<1x128x32xf32, #tpu.memory_space<vmem>> -> memref<128x32xf32, #tpu.memory_space<vmem>>
        %dma_wait3A_1398 = tpu.memref_slice %arg6[%mul3A_1391] : memref<10000xi32, #tpu.memory_space<vmem>> -> memref<128xi32, #tpu.memory_space<vmem>>
        %dma_wait3A_1399 = arith.constant 0 : i32
        %dma_wait3A_1400 = arith.constant 0 : i32
        %dma_wait3A_1401 = tpu.memref_slice %arg10[%dma_wait3A_1399, %dma_wait3A_1400] : memref<10000x32xf32, #tpu.memory_space<vmem_shared>> -> memref<10000x32xf32, #tpu.memory_space<vmem_shared>>
        %dma_wait3A_1402 = tpu.memref_slice %arg12[%dma_wait3A_1393] : memref<8x!tpu.dma_semaphore, #tpu.memory_space<semaphore_mem>> -> memref<1x!tpu.dma_semaphore, #tpu.memory_space<semaphore_mem>>
        %dma_wait3A_1403 = tpu.memref_squeeze %dma_wait3A_1402 : memref<1x!tpu.dma_semaphore, #tpu.memory_space<semaphore_mem>> -> memref<!tpu.dma_semaphore, #tpu.memory_space<semaphore_mem>>
        tpu.wait_indirect_dma semaphore(%dma_wait3A_1403 : memref<!tpu.dma_semaphore, #tpu.memory_space<semaphore_mem>>) src(%dma_wait3A_1397 : memref<128x32xf32, #tpu.memory_space<vmem>>) dst(%dma_wait3A_1401 : memref<10000x32xf32, #tpu.memory_space<vmem_shared>>)
        %add3A_1404 = arith.constant 8 : i32
        %add3A_1405 = arith.addi %add3A_1361, %add3A_1404 : i32
        %mul3A_1406 = arith.constant 128 : i32
        %mul3A_1407 = arith.muli %add3A_1405, %mul3A_1406 : i32
        %dma_start3A_1408 = arith.constant 6 : i32
        %dma_start3A_1409 = arith.constant 6 : i32
        %dma_start3A_1410 = arith.constant 0 : i32
        %dma_start3A_1411 = arith.constant 0 : i32
        %dma_start3A_1412 = tpu.memref_slice %arg7[%dma_start3A_1408, %dma_start3A_1410, %dma_start3A_1411] : memref<8x128x32xf32, #tpu.memory_space<vmem>> -> memref<1x128x32xf32, #tpu.memory_space<vmem>>
        %dma_start3A_1413 = tpu.memref_squeeze %dma_start3A_1412 : memref<1x128x32xf32, #tpu.memory_space<vmem>> -> memref<128x32xf32, #tpu.memory_space<vmem>>
        %dma_start3A_1414 = tpu.memref_slice %arg5[%mul3A_1407] : memref<10000xi32, #tpu.memory_space<vmem>> -> memref<128xi32, #tpu.memory_space<vmem>>
        %dma_start3A_1415 = arith.constant 0 : i32
        %dma_start3A_1416 = arith.constant 0 : i32
        %dma_start3A_1417 = tpu.memref_slice %arg2[%dma_start3A_1415, %dma_start3A_1416] : memref<10000x32xf32, #tpu.memory_space<hbm>> -> memref<10000x32xf32, #tpu.memory_space<hbm>>
        %dma_start3A_1418 = tpu.memref_slice %arg11[%dma_start3A_1409] : memref<8x!tpu.dma_semaphore, #tpu.memory_space<semaphore_mem>> -> memref<1x!tpu.dma_semaphore, #tpu.memory_space<semaphore_mem>>
        %dma_start3A_1419 = tpu.memref_squeeze %dma_start3A_1418 : memref<1x!tpu.dma_semaphore, #tpu.memory_space<semaphore_mem>> -> memref<!tpu.dma_semaphore, #tpu.memory_space<semaphore_mem>>
        tpu.enqueue_indirect_dma source(%dma_start3A_1417 : memref<10000x32xf32, #tpu.memory_space<hbm>>) target(%dma_start3A_1413 : memref<128x32xf32, #tpu.memory_space<vmem>>) offsets(%dma_start3A_1414 : memref<128xi32, #tpu.memory_space<vmem>>) semaphore(%dma_start3A_1419 : memref<!tpu.dma_semaphore, #tpu.memory_space<semaphore_mem>>)
      } else {
      }
      %mul3A_1374 = arith.constant 8 : i32
      %mul3A_1375 = arith.muli %scan3A_1264, %mul3A_1374 : i32
      %add3A_1376 = arith.constant 7 : i32
      %add3A_1377 = arith.addi %mul3A_1375, %add3A_1376 : i32
      %lt3A_1378 = arith.constant 78 : i32
      %lt3A_1379 = arith.cmpi slt, %add3A_1377, %lt3A_1378 : i32
      %convert_element_type3A_1380 = arith.extui %lt3A_1379 : i1 to i32
      %cond3A_1381 = arith.constant 0 : i32
      %cond3A_1382 = arith.cmpi ne, %convert_element_type3A_1380, %cond3A_1381 : i32
      scf.if %cond3A_1382 {
        %mul3A_1390 = arith.constant 128 : i32
        %mul3A_1391 = arith.muli %add3A_1377, %mul3A_1390 : i32
        %dma_wait3A_1392 = arith.constant 7 : i32
        %dma_wait3A_1393 = arith.constant 7 : i32
        %dma_wait3A_1394 = arith.constant 0 : i32
        %dma_wait3A_1395 = arith.constant 0 : i32
        %dma_wait3A_1396 = tpu.memref_slice %arg7[%dma_wait3A_1392, %dma_wait3A_1394, %dma_wait3A_1395] : memref<8x128x32xf32, #tpu.memory_space<vmem>> -> memref<1x128x32xf32, #tpu.memory_space<vmem>>
        %dma_wait3A_1397 = tpu.memref_squeeze %dma_wait3A_1396 : memref<1x128x32xf32, #tpu.memory_space<vmem>> -> memref<128x32xf32, #tpu.memory_space<vmem>>
        %dma_wait3A_1398 = tpu.memref_slice %arg5[%mul3A_1391] : memref<10000xi32, #tpu.memory_space<vmem>> -> memref<128xi32, #tpu.memory_space<vmem>>
        %dma_wait3A_1399 = arith.constant 0 : i32
        %dma_wait3A_1400 = arith.constant 0 : i32
        %dma_wait3A_1401 = tpu.memref_slice %arg2[%dma_wait3A_1399, %dma_wait3A_1400] : memref<10000x32xf32, #tpu.memory_space<hbm>> -> memref<10000x32xf32, #tpu.memory_space<hbm>>
        %dma_wait3A_1402 = tpu.memref_slice %arg11[%dma_wait3A_1393] : memref<8x!tpu.dma_semaphore, #tpu.memory_space<semaphore_mem>> -> memref<1x!tpu.dma_semaphore, #tpu.memory_space<semaphore_mem>>
        %dma_wait3A_1403 = tpu.memref_squeeze %dma_wait3A_1402 : memref<1x!tpu.dma_semaphore, #tpu.memory_space<semaphore_mem>> -> memref<!tpu.dma_semaphore, #tpu.memory_space<semaphore_mem>>
        tpu.wait_indirect_dma semaphore(%dma_wait3A_1403 : memref<!tpu.dma_semaphore, #tpu.memory_space<semaphore_mem>>) src(%dma_wait3A_1401 : memref<10000x32xf32, #tpu.memory_space<hbm>>) dst(%dma_wait3A_1397 : memref<128x32xf32, #tpu.memory_space<vmem>>)
        %mul3A_1404 = arith.constant 128 : i32
        %mul3A_1405 = arith.muli %add3A_1377, %mul3A_1404 : i32
        %dma_start3A_1406 = arith.constant 7 : i32
        %dma_start3A_1407 = arith.constant 7 : i32
        %dma_start3A_1408 = arith.constant 0 : i32
        %dma_start3A_1409 = arith.constant 0 : i32
        %dma_start3A_1410 = tpu.memref_slice %arg7[%dma_start3A_1406, %dma_start3A_1408, %dma_start3A_1409] : memref<8x128x32xf32, #tpu.memory_space<vmem>> -> memref<1x128x32xf32, #tpu.memory_space<vmem>>
        %dma_start3A_1411 = tpu.memref_squeeze %dma_start3A_1410 : memref<1x128x32xf32, #tpu.memory_space<vmem>> -> memref<128x32xf32, #tpu.memory_space<vmem>>
        %dma_start3A_1412 = tpu.memref_slice %arg6[%mul3A_1405] : memref<10000xi32, #tpu.memory_space<vmem>> -> memref<128xi32, #tpu.memory_space<vmem>>
        %dma_start3A_1413 = arith.constant 0 : i32
        %dma_start3A_1414 = arith.constant 0 : i32
        %dma_start3A_1415 = tpu.memref_slice %arg10[%dma_start3A_1413, %dma_start3A_1414] : memref<10000x32xf32, #tpu.memory_space<vmem_shared>> -> memref<10000x32xf32, #tpu.memory_space<vmem_shared>>
        %dma_start3A_1416 = tpu.memref_slice %arg12[%dma_start3A_1407] : memref<8x!tpu.dma_semaphore, #tpu.memory_space<semaphore_mem>> -> memref<1x!tpu.dma_semaphore, #tpu.memory_space<semaphore_mem>>
        %dma_start3A_1417 = tpu.memref_squeeze %dma_start3A_1416 : memref<1x!tpu.dma_semaphore, #tpu.memory_space<semaphore_mem>> -> memref<!tpu.dma_semaphore, #tpu.memory_space<semaphore_mem>>
        tpu.enqueue_indirect_dma source(%dma_start3A_1411 : memref<128x32xf32, #tpu.memory_space<vmem>>) target(%dma_start3A_1415 : memref<10000x32xf32, #tpu.memory_space<vmem_shared>>) offsets(%dma_start3A_1412 : memref<128xi32, #tpu.memory_space<vmem>>) semaphore(%dma_start3A_1417 : memref<!tpu.dma_semaphore, #tpu.memory_space<semaphore_mem>>) {add = true}
      } else {
      }
      %add3A_1383 = arith.constant 8 : i32
      %add3A_1384 = arith.addi %add3A_1377, %add3A_1383 : i32
      %lt3A_1385 = arith.constant 78 : i32
      %lt3A_1386 = arith.cmpi slt, %add3A_1384, %lt3A_1385 : i32
      %convert_element_type3A_1387 = arith.extui %lt3A_1386 : i1 to i32
      %cond3A_1388 = arith.constant 0 : i32
      %cond3A_1389 = arith.cmpi ne, %convert_element_type3A_1387, %cond3A_1388 : i32
      scf.if %cond3A_1389 {
        %mul3A_1390 = arith.constant 128 : i32
        %mul3A_1391 = arith.muli %add3A_1377, %mul3A_1390 : i32
        %dma_wait3A_1392 = arith.constant 7 : i32
        %dma_wait3A_1393 = arith.constant 7 : i32
        %dma_wait3A_1394 = arith.constant 0 : i32
        %dma_wait3A_1395 = arith.constant 0 : i32
        %dma_wait3A_1396 = tpu.memref_slice %arg7[%dma_wait3A_1392, %dma_wait3A_1394, %dma_wait3A_1395] : memref<8x128x32xf32, #tpu.memory_space<vmem>> -> memref<1x128x32xf32, #tpu.memory_space<vmem>>
        %dma_wait3A_1397 = tpu.memref_squeeze %dma_wait3A_1396 : memref<1x128x32xf32, #tpu.memory_space<vmem>> -> memref<128x32xf32, #tpu.memory_space<vmem>>
        %dma_wait3A_1398 = tpu.memref_slice %arg6[%mul3A_1391] : memref<10000xi32, #tpu.memory_space<vmem>> -> memref<128xi32, #tpu.memory_space<vmem>>
        %dma_wait3A_1399 = arith.constant 0 : i32
        %dma_wait3A_1400 = arith.constant 0 : i32
        %dma_wait3A_1401 = tpu.memref_slice %arg10[%dma_wait3A_1399, %dma_wait3A_1400] : memref<10000x32xf32, #tpu.memory_space<vmem_shared>> -> memref<10000x32xf32, #tpu.memory_space<vmem_shared>>
        %dma_wait3A_1402 = tpu.memref_slice %arg12[%dma_wait3A_1393] : memref<8x!tpu.dma_semaphore, #tpu.memory_space<semaphore_mem>> -> memref<1x!tpu.dma_semaphore, #tpu.memory_space<semaphore_mem>>
        %dma_wait3A_1403 = tpu.memref_squeeze %dma_wait3A_1402 : memref<1x!tpu.dma_semaphore, #tpu.memory_space<semaphore_mem>> -> memref<!tpu.dma_semaphore, #tpu.memory_space<semaphore_mem>>
        tpu.wait_indirect_dma semaphore(%dma_wait3A_1403 : memref<!tpu.dma_semaphore, #tpu.memory_space<semaphore_mem>>) src(%dma_wait3A_1397 : memref<128x32xf32, #tpu.memory_space<vmem>>) dst(%dma_wait3A_1401 : memref<10000x32xf32, #tpu.memory_space<vmem_shared>>)
        %add3A_1404 = arith.constant 8 : i32
        %add3A_1405 = arith.addi %add3A_1377, %add3A_1404 : i32
        %mul3A_1406 = arith.constant 128 : i32
        %mul3A_1407 = arith.muli %add3A_1405, %mul3A_1406 : i32
        %dma_start3A_1408 = arith.constant 7 : i32
        %dma_start3A_1409 = arith.constant 7 : i32
        %dma_start3A_1410 = arith.constant 0 : i32
        %dma_start3A_1411 = arith.constant 0 : i32
        %dma_start3A_1412 = tpu.memref_slice %arg7[%dma_start3A_1408, %dma_start3A_1410, %dma_start3A_1411] : memref<8x128x32xf32, #tpu.memory_space<vmem>> -> memref<1x128x32xf32, #tpu.memory_space<vmem>>
        %dma_start3A_1413 = tpu.memref_squeeze %dma_start3A_1412 : memref<1x128x32xf32, #tpu.memory_space<vmem>> -> memref<128x32xf32, #tpu.memory_space<vmem>>
        %dma_start3A_1414 = tpu.memref_slice %arg5[%mul3A_1407] : memref<10000xi32, #tpu.memory_space<vmem>> -> memref<128xi32, #tpu.memory_space<vmem>>
        %dma_start3A_1415 = arith.constant 0 : i32
        %dma_start3A_1416 = arith.constant 0 : i32
        %dma_start3A_1417 = tpu.memref_slice %arg2[%dma_start3A_1415, %dma_start3A_1416] : memref<10000x32xf32, #tpu.memory_space<hbm>> -> memref<10000x32xf32, #tpu.memory_space<hbm>>
        %dma_start3A_1418 = tpu.memref_slice %arg11[%dma_start3A_1409] : memref<8x!tpu.dma_semaphore, #tpu.memory_space<semaphore_mem>> -> memref<1x!tpu.dma_semaphore, #tpu.memory_space<semaphore_mem>>
        %dma_start3A_1419 = tpu.memref_squeeze %dma_start3A_1418 : memref<1x!tpu.dma_semaphore, #tpu.memory_space<semaphore_mem>> -> memref<!tpu.dma_semaphore, #tpu.memory_space<semaphore_mem>>
        tpu.enqueue_indirect_dma source(%dma_start3A_1417 : memref<10000x32xf32, #tpu.memory_space<hbm>>) target(%dma_start3A_1413 : memref<128x32xf32, #tpu.memory_space<vmem>>) offsets(%dma_start3A_1414 : memref<128xi32, #tpu.memory_space<vmem>>) semaphore(%dma_start3A_1419 : memref<!tpu.dma_semaphore, #tpu.memory_space<semaphore_mem>>)
      } else {
      }
    }
    %scan3A_1145 = arith.constant 10 : i32
    %dma_wait3A = arith.constant 6 : i32
    %dma_wait3A_1146 = arith.constant 6 : i32
    %dma_wait3A_1147 = arith.constant 0 : i32
    %dma_wait3A_1148 = arith.constant 0 : i32
    %dma_wait3A_1149 = tpu.memref_slice %arg7[%dma_wait3A, %dma_wait3A_1147, %dma_wait3A_1148] : memref<8x128x32xf32, #tpu.memory_space<vmem>> -> memref<1x128x32xf32, #tpu.memory_space<vmem>>
    %dma_wait3A_1150 = tpu.memref_squeeze %dma_wait3A_1149 : memref<1x128x32xf32, #tpu.memory_space<vmem>> -> memref<128x32xf32, #tpu.memory_space<vmem>>
    %dma_wait3A_1151 = arith.constant 8960 : i32
    %dma_wait3A_1152 = tpu.memref_slice %arg6[%dma_wait3A_1151] : memref<10000xi32, #tpu.memory_space<vmem>> -> memref<128xi32, #tpu.memory_space<vmem>>
    %dma_wait3A_1153 = arith.constant 0 : i32
    %dma_wait3A_1154 = arith.constant 0 : i32
    %dma_wait3A_1155 = tpu.memref_slice %arg10[%dma_wait3A_1153, %dma_wait3A_1154] : memref<10000x32xf32, #tpu.memory_space<vmem_shared>> -> memref<10000x32xf32, #tpu.memory_space<vmem_shared>>
    %dma_wait3A_1156 = tpu.memref_slice %arg12[%dma_wait3A_1146] : memref<8x!tpu.dma_semaphore, #tpu.memory_space<semaphore_mem>> -> memref<1x!tpu.dma_semaphore, #tpu.memory_space<semaphore_mem>>
    %dma_wait3A_1157 = tpu.memref_squeeze %dma_wait3A_1156 : memref<1x!tpu.dma_semaphore, #tpu.memory_space<semaphore_mem>> -> memref<!tpu.dma_semaphore, #tpu.memory_space<semaphore_mem>>
    tpu.wait_indirect_dma semaphore(%dma_wait3A_1157 : memref<!tpu.dma_semaphore, #tpu.memory_space<semaphore_mem>>) src(%dma_wait3A_1150 : memref<128x32xf32, #tpu.memory_space<vmem>>) dst(%dma_wait3A_1155 : memref<10000x32xf32, #tpu.memory_space<vmem_shared>>)
    %dma_wait3A_1158 = arith.constant 7 : i32
    %dma_wait3A_1159 = arith.constant 7 : i32
    %dma_wait3A_1160 = arith.constant 0 : i32
    %dma_wait3A_1161 = arith.constant 0 : i32
    %dma_wait3A_1162 = tpu.memref_slice %arg7[%dma_wait3A_1158, %dma_wait3A_1160, %dma_wait3A_1161] : memref<8x128x32xf32, #tpu.memory_space<vmem>> -> memref<1x128x32xf32, #tpu.memory_space<vmem>>
    %dma_wait3A_1163 = tpu.memref_squeeze %dma_wait3A_1162 : memref<1x128x32xf32, #tpu.memory_space<vmem>> -> memref<128x32xf32, #tpu.memory_space<vmem>>
    %dma_wait3A_1164 = arith.constant 9088 : i32
    %dma_wait3A_1165 = tpu.memref_slice %arg6[%dma_wait3A_1164] : memref<10000xi32, #tpu.memory_space<vmem>> -> memref<128xi32, #tpu.memory_space<vmem>>
    %dma_wait3A_1166 = arith.constant 0 : i32
    %dma_wait3A_1167 = arith.constant 0 : i32
    %dma_wait3A_1168 = tpu.memref_slice %arg10[%dma_wait3A_1166, %dma_wait3A_1167] : memref<10000x32xf32, #tpu.memory_space<vmem_shared>> -> memref<10000x32xf32, #tpu.memory_space<vmem_shared>>
    %dma_wait3A_1169 = tpu.memref_slice %arg12[%dma_wait3A_1159] : memref<8x!tpu.dma_semaphore, #tpu.memory_space<semaphore_mem>> -> memref<1x!tpu.dma_semaphore, #tpu.memory_space<semaphore_mem>>
    %dma_wait3A_1170 = tpu.memref_squeeze %dma_wait3A_1169 : memref<1x!tpu.dma_semaphore, #tpu.memory_space<semaphore_mem>> -> memref<!tpu.dma_semaphore, #tpu.memory_space<semaphore_mem>>
    tpu.wait_indirect_dma semaphore(%dma_wait3A_1170 : memref<!tpu.dma_semaphore, #tpu.memory_space<semaphore_mem>>) src(%dma_wait3A_1163 : memref<128x32xf32, #tpu.memory_space<vmem>>) dst(%dma_wait3A_1168 : memref<10000x32xf32, #tpu.memory_space<vmem_shared>>)
    %dma_wait3A_1171 = arith.constant 0 : i32
    %dma_wait3A_1172 = arith.constant 0 : i32
    %dma_wait3A_1173 = arith.constant 0 : i32
    %dma_wait3A_1174 = arith.constant 0 : i32
    %dma_wait3A_1175 = tpu.memref_slice %arg7[%dma_wait3A_1171, %dma_wait3A_1173, %dma_wait3A_1174] : memref<8x128x32xf32, #tpu.memory_space<vmem>> -> memref<1x128x32xf32, #tpu.memory_space<vmem>>
    %dma_wait3A_1176 = tpu.memref_squeeze %dma_wait3A_1175 : memref<1x128x32xf32, #tpu.memory_space<vmem>> -> memref<128x32xf32, #tpu.memory_space<vmem>>
    %dma_wait3A_1177 = arith.constant 9216 : i32
    %dma_wait3A_1178 = tpu.memref_slice %arg6[%dma_wait3A_1177] : memref<10000xi32, #tpu.memory_space<vmem>> -> memref<128xi32, #tpu.memory_space<vmem>>
    %dma_wait3A_1179 = arith.constant 0 : i32
    %dma_wait3A_1180 = arith.constant 0 : i32
    %dma_wait3A_1181 = tpu.memref_slice %arg10[%dma_wait3A_1179, %dma_wait3A_1180] : memref<10000x32xf32, #tpu.memory_space<vmem_shared>> -> memref<10000x32xf32, #tpu.memory_space<vmem_shared>>
    %dma_wait3A_1182 = tpu.memref_slice %arg12[%dma_wait3A_1172] : memref<8x!tpu.dma_semaphore, #tpu.memory_space<semaphore_mem>> -> memref<1x!tpu.dma_semaphore, #tpu.memory_space<semaphore_mem>>
    %dma_wait3A_1183 = tpu.memref_squeeze %dma_wait3A_1182 : memref<1x!tpu.dma_semaphore, #tpu.memory_space<semaphore_mem>> -> memref<!tpu.dma_semaphore, #tpu.memory_space<semaphore_mem>>
    tpu.wait_indirect_dma semaphore(%dma_wait3A_1183 : memref<!tpu.dma_semaphore, #tpu.memory_space<semaphore_mem>>) src(%dma_wait3A_1176 : memref<128x32xf32, #tpu.memory_space<vmem>>) dst(%dma_wait3A_1181 : memref<10000x32xf32, #tpu.memory_space<vmem_shared>>)
    %dma_wait3A_1184 = arith.constant 1 : i32
    %dma_wait3A_1185 = arith.constant 1 : i32
    %dma_wait3A_1186 = arith.constant 0 : i32
    %dma_wait3A_1187 = arith.constant 0 : i32
    %dma_wait3A_1188 = tpu.memref_slice %arg7[%dma_wait3A_1184, %dma_wait3A_1186, %dma_wait3A_1187] : memref<8x128x32xf32, #tpu.memory_space<vmem>> -> memref<1x128x32xf32, #tpu.memory_space<vmem>>
    %dma_wait3A_1189 = tpu.memref_squeeze %dma_wait3A_1188 : memref<1x128x32xf32, #tpu.memory_space<vmem>> -> memref<128x32xf32, #tpu.memory_space<vmem>>
    %dma_wait3A_1190 = arith.constant 9344 : i32
    %dma_wait3A_1191 = tpu.memref_slice %arg6[%dma_wait3A_1190] : memref<10000xi32, #tpu.memory_space<vmem>> -> memref<128xi32, #tpu.memory_space<vmem>>
    %dma_wait3A_1192 = arith.constant 0 : i32
    %dma_wait3A_1193 = arith.constant 0 : i32
    %dma_wait3A_1194 = tpu.memref_slice %arg10[%dma_wait3A_1192, %dma_wait3A_1193] : memref<10000x32xf32, #tpu.memory_space<vmem_shared>> -> memref<10000x32xf32, #tpu.memory_space<vmem_shared>>
    %dma_wait3A_1195 = tpu.memref_slice %arg12[%dma_wait3A_1185] : memref<8x!tpu.dma_semaphore, #tpu.memory_space<semaphore_mem>> -> memref<1x!tpu.dma_semaphore, #tpu.memory_space<semaphore_mem>>
    %dma_wait3A_1196 = tpu.memref_squeeze %dma_wait3A_1195 : memref<1x!tpu.dma_semaphore, #tpu.memory_space<semaphore_mem>> -> memref<!tpu.dma_semaphore, #tpu.memory_space<semaphore_mem>>
    tpu.wait_indirect_dma semaphore(%dma_wait3A_1196 : memref<!tpu.dma_semaphore, #tpu.memory_space<semaphore_mem>>) src(%dma_wait3A_1189 : memref<128x32xf32, #tpu.memory_space<vmem>>) dst(%dma_wait3A_1194 : memref<10000x32xf32, #tpu.memory_space<vmem_shared>>)
    %dma_wait3A_1197 = arith.constant 2 : i32
    %dma_wait3A_1198 = arith.constant 2 : i32
    %dma_wait3A_1199 = arith.constant 0 : i32
    %dma_wait3A_1200 = arith.constant 0 : i32
    %dma_wait3A_1201 = tpu.memref_slice %arg7[%dma_wait3A_1197, %dma_wait3A_1199, %dma_wait3A_1200] : memref<8x128x32xf32, #tpu.memory_space<vmem>> -> memref<1x128x32xf32, #tpu.memory_space<vmem>>
    %dma_wait3A_1202 = tpu.memref_squeeze %dma_wait3A_1201 : memref<1x128x32xf32, #tpu.memory_space<vmem>> -> memref<128x32xf32, #tpu.memory_space<vmem>>
    %dma_wait3A_1203 = arith.constant 9472 : i32
    %dma_wait3A_1204 = tpu.memref_slice %arg6[%dma_wait3A_1203] : memref<10000xi32, #tpu.memory_space<vmem>> -> memref<128xi32, #tpu.memory_space<vmem>>
    %dma_wait3A_1205 = arith.constant 0 : i32
    %dma_wait3A_1206 = arith.constant 0 : i32
    %dma_wait3A_1207 = tpu.memref_slice %arg10[%dma_wait3A_1205, %dma_wait3A_1206] : memref<10000x32xf32, #tpu.memory_space<vmem_shared>> -> memref<10000x32xf32, #tpu.memory_space<vmem_shared>>
    %dma_wait3A_1208 = tpu.memref_slice %arg12[%dma_wait3A_1198] : memref<8x!tpu.dma_semaphore, #tpu.memory_space<semaphore_mem>> -> memref<1x!tpu.dma_semaphore, #tpu.memory_space<semaphore_mem>>
    %dma_wait3A_1209 = tpu.memref_squeeze %dma_wait3A_1208 : memref<1x!tpu.dma_semaphore, #tpu.memory_space<semaphore_mem>> -> memref<!tpu.dma_semaphore, #tpu.memory_space<semaphore_mem>>
    tpu.wait_indirect_dma semaphore(%dma_wait3A_1209 : memref<!tpu.dma_semaphore, #tpu.memory_space<semaphore_mem>>) src(%dma_wait3A_1202 : memref<128x32xf32, #tpu.memory_space<vmem>>) dst(%dma_wait3A_1207 : memref<10000x32xf32, #tpu.memory_space<vmem_shared>>)
    %dma_wait3A_1210 = arith.constant 3 : i32
    %dma_wait3A_1211 = arith.constant 3 : i32
    %dma_wait3A_1212 = arith.constant 0 : i32
    %dma_wait3A_1213 = arith.constant 0 : i32
    %dma_wait3A_1214 = tpu.memref_slice %arg7[%dma_wait3A_1210, %dma_wait3A_1212, %dma_wait3A_1213] : memref<8x128x32xf32, #tpu.memory_space<vmem>> -> memref<1x128x32xf32, #tpu.memory_space<vmem>>
    %dma_wait3A_1215 = tpu.memref_squeeze %dma_wait3A_1214 : memref<1x128x32xf32, #tpu.memory_space<vmem>> -> memref<128x32xf32, #tpu.memory_space<vmem>>
    %dma_wait3A_1216 = arith.constant 9600 : i32
    %dma_wait3A_1217 = tpu.memref_slice %arg6[%dma_wait3A_1216] : memref<10000xi32, #tpu.memory_space<vmem>> -> memref<128xi32, #tpu.memory_space<vmem>>
    %dma_wait3A_1218 = arith.constant 0 : i32
    %dma_wait3A_1219 = arith.constant 0 : i32
    %dma_wait3A_1220 = tpu.memref_slice %arg10[%dma_wait3A_1218, %dma_wait3A_1219] : memref<10000x32xf32, #tpu.memory_space<vmem_shared>> -> memref<10000x32xf32, #tpu.memory_space<vmem_shared>>
    %dma_wait3A_1221 = tpu.memref_slice %arg12[%dma_wait3A_1211] : memref<8x!tpu.dma_semaphore, #tpu.memory_space<semaphore_mem>> -> memref<1x!tpu.dma_semaphore, #tpu.memory_space<semaphore_mem>>
    %dma_wait3A_1222 = tpu.memref_squeeze %dma_wait3A_1221 : memref<1x!tpu.dma_semaphore, #tpu.memory_space<semaphore_mem>> -> memref<!tpu.dma_semaphore, #tpu.memory_space<semaphore_mem>>
    tpu.wait_indirect_dma semaphore(%dma_wait3A_1222 : memref<!tpu.dma_semaphore, #tpu.memory_space<semaphore_mem>>) src(%dma_wait3A_1215 : memref<128x32xf32, #tpu.memory_space<vmem>>) dst(%dma_wait3A_1220 : memref<10000x32xf32, #tpu.memory_space<vmem_shared>>)
    %dma_wait3A_1223 = arith.constant 4 : i32
    %dma_wait3A_1224 = arith.constant 4 : i32
    %dma_wait3A_1225 = arith.constant 0 : i32
    %dma_wait3A_1226 = arith.constant 0 : i32
    %dma_wait3A_1227 = tpu.memref_slice %arg7[%dma_wait3A_1223, %dma_wait3A_1225, %dma_wait3A_1226] : memref<8x128x32xf32, #tpu.memory_space<vmem>> -> memref<1x128x32xf32, #tpu.memory_space<vmem>>
    %dma_wait3A_1228 = tpu.memref_squeeze %dma_wait3A_1227 : memref<1x128x32xf32, #tpu.memory_space<vmem>> -> memref<128x32xf32, #tpu.memory_space<vmem>>
    %dma_wait3A_1229 = arith.constant 9728 : i32
    %dma_wait3A_1230 = tpu.memref_slice %arg6[%dma_wait3A_1229] : memref<10000xi32, #tpu.memory_space<vmem>> -> memref<128xi32, #tpu.memory_space<vmem>>
    %dma_wait3A_1231 = arith.constant 0 : i32
    %dma_wait3A_1232 = arith.constant 0 : i32
    %dma_wait3A_1233 = tpu.memref_slice %arg10[%dma_wait3A_1231, %dma_wait3A_1232] : memref<10000x32xf32, #tpu.memory_space<vmem_shared>> -> memref<10000x32xf32, #tpu.memory_space<vmem_shared>>
    %dma_wait3A_1234 = tpu.memref_slice %arg12[%dma_wait3A_1224] : memref<8x!tpu.dma_semaphore, #tpu.memory_space<semaphore_mem>> -> memref<1x!tpu.dma_semaphore, #tpu.memory_space<semaphore_mem>>
    %dma_wait3A_1235 = tpu.memref_squeeze %dma_wait3A_1234 : memref<1x!tpu.dma_semaphore, #tpu.memory_space<semaphore_mem>> -> memref<!tpu.dma_semaphore, #tpu.memory_space<semaphore_mem>>
    tpu.wait_indirect_dma semaphore(%dma_wait3A_1235 : memref<!tpu.dma_semaphore, #tpu.memory_space<semaphore_mem>>) src(%dma_wait3A_1228 : memref<128x32xf32, #tpu.memory_space<vmem>>) dst(%dma_wait3A_1233 : memref<10000x32xf32, #tpu.memory_space<vmem_shared>>)
    %dma_wait3A_1236 = arith.constant 5 : i32
    %dma_wait3A_1237 = arith.constant 5 : i32
    %dma_wait3A_1238 = arith.constant 0 : i32
    %dma_wait3A_1239 = arith.constant 0 : i32
    %dma_wait3A_1240 = tpu.memref_slice %arg7[%dma_wait3A_1236, %dma_wait3A_1238, %dma_wait3A_1239] : memref<8x128x32xf32, #tpu.memory_space<vmem>> -> memref<1x128x32xf32, #tpu.memory_space<vmem>>
    %dma_wait3A_1241 = tpu.memref_squeeze %dma_wait3A_1240 : memref<1x128x32xf32, #tpu.memory_space<vmem>> -> memref<128x32xf32, #tpu.memory_space<vmem>>
    %dma_wait3A_1242 = arith.constant 9856 : i32
    %dma_wait3A_1243 = tpu.memref_slice %arg6[%dma_wait3A_1242] : memref<10000xi32, #tpu.memory_space<vmem>> -> memref<128xi32, #tpu.memory_space<vmem>>
    %dma_wait3A_1244 = arith.constant 0 : i32
    %dma_wait3A_1245 = arith.constant 0 : i32
    %dma_wait3A_1246 = tpu.memref_slice %arg10[%dma_wait3A_1244, %dma_wait3A_1245] : memref<10000x32xf32, #tpu.memory_space<vmem_shared>> -> memref<10000x32xf32, #tpu.memory_space<vmem_shared>>
    %dma_wait3A_1247 = tpu.memref_slice %arg12[%dma_wait3A_1237] : memref<8x!tpu.dma_semaphore, #tpu.memory_space<semaphore_mem>> -> memref<1x!tpu.dma_semaphore, #tpu.memory_space<semaphore_mem>>
    %dma_wait3A_1248 = tpu.memref_squeeze %dma_wait3A_1247 : memref<1x!tpu.dma_semaphore, #tpu.memory_space<semaphore_mem>> -> memref<!tpu.dma_semaphore, #tpu.memory_space<semaphore_mem>>
    tpu.wait_indirect_dma semaphore(%dma_wait3A_1248 : memref<!tpu.dma_semaphore, #tpu.memory_space<semaphore_mem>>) src(%dma_wait3A_1241 : memref<128x32xf32, #tpu.memory_space<vmem>>) dst(%dma_wait3A_1246 : memref<10000x32xf32, #tpu.memory_space<vmem_shared>>)
    %dma_start3A_1249 = arith.constant 9984 : i32
    %dma_start3A_1250 = tpu.memref_slice %arg5[%dma_start3A_1249] : memref<10000xi32, #tpu.memory_space<vmem>> -> memref<16xi32, #tpu.memory_space<vmem>>
    %dma_start3A_1251 = arith.constant 0 : i32
    %dma_start3A_1252 = arith.constant 0 : i32
    %dma_start3A_1253 = tpu.memref_slice %arg2[%dma_start3A_1251, %dma_start3A_1252] : memref<10000x32xf32, #tpu.memory_space<hbm>> -> memref<10000x32xf32, #tpu.memory_space<hbm>>
    tpu.enqueue_indirect_dma source(%dma_start3A_1253 : memref<10000x32xf32, #tpu.memory_space<hbm>>) target(%arg8 : memref<16x32xf32, #tpu.memory_space<vmem>>) offsets(%dma_start3A_1250 : memref<16xi32, #tpu.memory_space<vmem>>) semaphore(%arg13 : memref<!tpu.dma_semaphore, #tpu.memory_space<semaphore_mem>>)
    %dma_wait3A_1254 = arith.constant 9984 : i32
    %dma_wait3A_1255 = tpu.memref_slice %arg5[%dma_wait3A_1254] : memref<10000xi32, #tpu.memory_space<vmem>> -> memref<16xi32, #tpu.memory_space<vmem>>
    %dma_wait3A_1256 = arith.constant 0 : i32
    %dma_wait3A_1257 = arith.constant 0 : i32
    %dma_wait3A_1258 = tpu.memref_slice %arg2[%dma_wait3A_1256, %dma_wait3A_1257] : memref<10000x32xf32, #tpu.memory_space<hbm>> -> memref<10000x32xf32, #tpu.memory_space<hbm>>
    tpu.wait_indirect_dma semaphore(%arg13 : memref<!tpu.dma_semaphore, #tpu.memory_space<semaphore_mem>>) src(%dma_wait3A_1258 : memref<10000x32xf32, #tpu.memory_space<hbm>>) dst(%arg8 : memref<16x32xf32, #tpu.memory_space<vmem>>)
    "tpu.region"() ({
      %run_scoped3A_1264 = tpu.sem_alloc : memref<!tpu.dma_semaphore, #tpu.memory_space<semaphore_mem>>
      %dma_start3A_1265 = arith.constant 9984 : i32
      %dma_start3A_1266 = tpu.memref_slice %arg6[%dma_start3A_1265] : memref<10000xi32, #tpu.memory_space<vmem>> -> memref<16xi32, #tpu.memory_space<vmem>>
      %dma_start3A_1267 = arith.constant 0 : i32
      %dma_start3A_1268 = arith.constant 0 : i32
      %dma_start3A_1269 = tpu.memref_slice %arg10[%dma_start3A_1267, %dma_start3A_1268] : memref<10000x32xf32, #tpu.memory_space<vmem_shared>> -> memref<10000x32xf32, #tpu.memory_space<vmem_shared>>
      tpu.enqueue_indirect_dma source(%arg8 : memref<16x32xf32, #tpu.memory_space<vmem>>) target(%dma_start3A_1269 : memref<10000x32xf32, #tpu.memory_space<vmem_shared>>) offsets(%dma_start3A_1266 : memref<16xi32, #tpu.memory_space<vmem>>) semaphore(%run_scoped3A_1264 : memref<!tpu.dma_semaphore, #tpu.memory_space<semaphore_mem>>) {add = true}
      %dma_wait3A_1270 = arith.constant 9984 : i32
      %dma_wait3A_1271 = tpu.memref_slice %arg6[%dma_wait3A_1270] : memref<10000xi32, #tpu.memory_space<vmem>> -> memref<16xi32, #tpu.memory_space<vmem>>
      %dma_wait3A_1272 = arith.constant 0 : i32
      %dma_wait3A_1273 = arith.constant 0 : i32
      %dma_wait3A_1274 = tpu.memref_slice %arg10[%dma_wait3A_1272, %dma_wait3A_1273] : memref<10000x32xf32, #tpu.memory_space<vmem_shared>> -> memref<10000x32xf32, #tpu.memory_space<vmem_shared>>
      tpu.wait_indirect_dma semaphore(%run_scoped3A_1264 : memref<!tpu.dma_semaphore, #tpu.memory_space<semaphore_mem>>) src(%arg8 : memref<16x32xf32, #tpu.memory_space<vmem>>) dst(%dma_wait3A_1274 : memref<10000x32xf32, #tpu.memory_space<vmem_shared>>)
      tpu.yield
    }) : () -> ()
    %barrier3A_1259 = arith.constant 0 : index
    tpu.barrier barrier_id(%barrier3A_1259)
    %mul3A_1260 = arith.constant 625 : i32
    %mul3A_1261 = arith.muli %arg1, %mul3A_1260 : i32
    %mul3A_1262 = arith.constant 625 : i32
    %mul3A_1263 = arith.muli %arg1, %mul3A_1262 : i32
    "tpu.region"() ({
      %run_scoped3A_1264 = tpu.sem_alloc : memref<!tpu.dma_semaphore, #tpu.memory_space<semaphore_mem>>
      %dma_start3A_1265 = arith.constant 0 : i32
      %dma_start3A_1266 = arith.constant 0 : i32
      %dma_start3A_1267 = tpu.memref_slice %arg4[%arg0, %dma_start3A_1265, %dma_start3A_1266] : memref<2x10000x32xf32, #tpu.memory_space<hbm>> -> memref<1x10000x32xf32, #tpu.memory_space<hbm>>
      %dma_start3A_1268 = tpu.memref_squeeze %dma_start3A_1267 : memref<1x10000x32xf32, #tpu.memory_space<hbm>> -> memref<10000x32xf32, #tpu.memory_space<hbm>>
      %dma_start3A_1269 = arith.constant 0 : i32
      %dma_start3A_1270 = tpu.memref_slice %dma_start3A_1268[%mul3A_1263, %dma_start3A_1269] : memref<10000x32xf32, #tpu.memory_space<hbm>> -> memref<625x32xf32, #tpu.memory_space<hbm>>
      %dma_start3A_1271 = arith.constant 0 : i32
      %dma_start3A_1272 = tpu.memref_slice %arg10[%mul3A_1261, %dma_start3A_1271] : memref<10000x32xf32, #tpu.memory_space<vmem_shared>> -> memref<625x32xf32, #tpu.memory_space<vmem_shared>>
      tpu.enqueue_dma source(%dma_start3A_1272 : memref<625x32xf32, #tpu.memory_space<vmem_shared>>) target(%dma_start3A_1270 : memref<625x32xf32, #tpu.memory_space<hbm>>) target_semaphore(%run_scoped3A_1264 : memref<!tpu.dma_semaphore, #tpu.memory_space<semaphore_mem>>)
      %dma_wait3A_1273 = arith.constant 0 : i32
      %dma_wait3A_1274 = arith.constant 0 : i32
      %dma_wait3A_1275 = tpu.memref_slice %arg4[%arg0, %dma_wait3A_1273, %dma_wait3A_1274] : memref<2x10000x32xf32, #tpu.memory_space<hbm>> -> memref<1x10000x32xf32, #tpu.memory_space<hbm>>
      %dma_wait3A_1276 = tpu.memref_squeeze %dma_wait3A_1275 : memref<1x10000x32xf32, #tpu.memory_space<hbm>> -> memref<10000x32xf32, #tpu.memory_space<hbm>>
      %dma_wait3A_1277 = arith.constant 0 : i32
      %dma_wait3A_1278 = tpu.memref_slice %dma_wait3A_1276[%mul3A_1263, %dma_wait3A_1277] : memref<10000x32xf32, #tpu.memory_space<hbm>> -> memref<625x32xf32, #tpu.memory_space<hbm>>
      %dma_wait3A_1279 = arith.constant 0 : i32
      %dma_wait3A_1280 = tpu.memref_slice %arg10[%mul3A_1261, %dma_wait3A_1279] : memref<10000x32xf32, #tpu.memory_space<vmem_shared>> -> memref<625x32xf32, #tpu.memory_space<vmem_shared>>
      tpu.wait_dma2 semaphore(%run_scoped3A_1264 : memref<!tpu.dma_semaphore, #tpu.memory_space<semaphore_mem>>) src(%dma_wait3A_1280 : memref<625x32xf32, #tpu.memory_space<vmem_shared>>) dst(%dma_wait3A_1278 : memref<625x32xf32, #tpu.memory_space<hbm>>)
      tpu.yield
    }) : () -> ()
    return
  }
}

#map = affine_map<(d0, d1) -> (0, 0)>
#map1 = affine_map<(d0, d1) -> (0, 0, 0)>
module attributes {stable_mosaic.version = 14 : i64} {
  func.func @body(%arg0: i32, %arg1: i32, %arg2: memref<10000x16xf32, #tpu.memory_space<hbm>>, %arg3: memref<2x320000xi32, #tpu.memory_space<hbm>>, %arg4: memref<2x10000x16xf32, #tpu.memory_space<hbm>>, %arg5: memref<10000xi32, #tpu.memory_space<vmem>>, %arg6: memref<10000xi32, #tpu.memory_space<vmem>>, %arg7: memref<8x128x16xf32, #tpu.memory_space<vmem>>, %arg8: memref<16x16xf32, #tpu.memory_space<vmem>>, %arg9: memref<64x16xf32, #tpu.memory_space<vmem>>, %arg10: memref<10000x16xf32, #tpu.memory_space<vmem_shared>>, %arg11: memref<8x!tpu.dma_semaphore, #tpu.memory_space<semaphore_mem>>, %arg12: memref<8x!tpu.dma_semaphore, #tpu.memory_space<semaphore_mem>>, %arg13: memref<!tpu.dma_semaphore, #tpu.memory_space<semaphore_mem>>) attributes {dimension_semantics = [#tpu.dimension_semantics<core_parallel>, #tpu.dimension_semantics<subcore_parallel>], iteration_bounds = array<i64: 2, 16>, scalar_prefetch = 0 : i64, scratch_operands = 9 : i64, tpu.core_type = #tpu.core_type<sc_vector_subcore>, window_params = [{transform_indices = #map}, {transform_indices = #map}, {transform_indices = #map1}]} {
    %mul3A = arith.constant 2 : i32
    %mul3A_0 = arith.muli %arg1, %mul3A : i32
    %add3A = arith.addi %mul3A_0, %arg0 : i32
    %mul3A_1 = arith.constant 625 : i32
    %mul3A_2 = arith.muli %arg1, %mul3A_1 : i32
    %broadcast_in_dim3A = arith.constant 0.000000e+00 : f32
    %broadcast_in_dim3A_3 = vector.broadcast %broadcast_in_dim3A : f32 to vector<16xf32>
    %swap3A = arith.constant 0 : i32
    %swap3A_4 = arith.index_cast %swap3A : i32 to index
    %swap3A_5 = arith.constant 0 : index
    %swap3A_6 = tpu.vector_load %arg9[%swap3A_4, %swap3A_5] {strides = array<i32>} : memref<64x16xf32, #tpu.memory_space<vmem>>, vector<1x16xf32>,
    %swap3A_7 = vector.shape_cast %swap3A_6 : vector<1x16xf32> to vector<16xf32>
    %swap3A_8 = vector.shape_cast %broadcast_in_dim3A_3 : vector<16xf32> to vector<1x16xf32>
    tpu.vector_store %arg9[%swap3A_4, %swap3A_5], %swap3A_8 {strides = array<i32>} : memref<64x16xf32, #tpu.memory_space<vmem>>, vector<1x16xf32>,
    %broadcast_in_dim3A_9 = arith.constant 0.000000e+00 : f32
    %broadcast_in_dim3A_10 = vector.broadcast %broadcast_in_dim3A_9 : f32 to vector<16xf32>
    %swap3A_11 = arith.constant 1 : i32
    %swap3A_12 = arith.index_cast %swap3A_11 : i32 to index
    %swap3A_13 = arith.constant 0 : index
    %swap3A_14 = tpu.vector_load %arg9[%swap3A_12, %swap3A_13] {strides = array<i32>} : memref<64x16xf32, #tpu.memory_space<vmem>>, vector<1x16xf32>,
    %swap3A_15 = vector.shape_cast %swap3A_14 : vector<1x16xf32> to vector<16xf32>
    %swap3A_16 = vector.shape_cast %broadcast_in_dim3A_10 : vector<16xf32> to vector<1x16xf32>
    tpu.vector_store %arg9[%swap3A_12, %swap3A_13], %swap3A_16 {strides = array<i32>} : memref<64x16xf32, #tpu.memory_space<vmem>>, vector<1x16xf32>,
    %broadcast_in_dim3A_17 = arith.constant 0.000000e+00 : f32
    %broadcast_in_dim3A_18 = vector.broadcast %broadcast_in_dim3A_17 : f32 to vector<16xf32>
    %swap3A_19 = arith.constant 2 : i32
    %swap3A_20 = arith.index_cast %swap3A_19 : i32 to index
    %swap3A_21 = arith.constant 0 : index
    %swap3A_22 = tpu.vector_load %arg9[%swap3A_20, %swap3A_21] {strides = array<i32>} : memref<64x16xf32, #tpu.memory_space<vmem>>, vector<1x16xf32>,
    %swap3A_23 = vector.shape_cast %swap3A_22 : vector<1x16xf32> to vector<16xf32>
    %swap3A_24 = vector.shape_cast %broadcast_in_dim3A_18 : vector<16xf32> to vector<1x16xf32>
    tpu.vector_store %arg9[%swap3A_20, %swap3A_21], %swap3A_24 {strides = array<i32>} : memref<64x16xf32, #tpu.memory_space<vmem>>, vector<1x16xf32>,
    %broadcast_in_dim3A_25 = arith.constant 0.000000e+00 : f32
    %broadcast_in_dim3A_26 = vector.broadcast %broadcast_in_dim3A_25 : f32 to vector<16xf32>
    %swap3A_27 = arith.constant 3 : i32
    %swap3A_28 = arith.index_cast %swap3A_27 : i32 to index
    %swap3A_29 = arith.constant 0 : index
    %swap3A_30 = tpu.vector_load %arg9[%swap3A_28, %swap3A_29] {strides = array<i32>} : memref<64x16xf32, #tpu.memory_space<vmem>>, vector<1x16xf32>,
    %swap3A_31 = vector.shape_cast %swap3A_30 : vector<1x16xf32> to vector<16xf32>
    %swap3A_32 = vector.shape_cast %broadcast_in_dim3A_26 : vector<16xf32> to vector<1x16xf32>
    tpu.vector_store %arg9[%swap3A_28, %swap3A_29], %swap3A_32 {strides = array<i32>} : memref<64x16xf32, #tpu.memory_space<vmem>>, vector<1x16xf32>,
    %broadcast_in_dim3A_33 = arith.constant 0.000000e+00 : f32
    %broadcast_in_dim3A_34 = vector.broadcast %broadcast_in_dim3A_33 : f32 to vector<16xf32>
    %swap3A_35 = arith.constant 4 : i32
    %swap3A_36 = arith.index_cast %swap3A_35 : i32 to index
    %swap3A_37 = arith.constant 0 : index
    %swap3A_38 = tpu.vector_load %arg9[%swap3A_36, %swap3A_37] {strides = array<i32>} : memref<64x16xf32, #tpu.memory_space<vmem>>, vector<1x16xf32>,
    %swap3A_39 = vector.shape_cast %swap3A_38 : vector<1x16xf32> to vector<16xf32>
    %swap3A_40 = vector.shape_cast %broadcast_in_dim3A_34 : vector<16xf32> to vector<1x16xf32>
    tpu.vector_store %arg9[%swap3A_36, %swap3A_37], %swap3A_40 {strides = array<i32>} : memref<64x16xf32, #tpu.memory_space<vmem>>, vector<1x16xf32>,
    %broadcast_in_dim3A_41 = arith.constant 0.000000e+00 : f32
    %broadcast_in_dim3A_42 = vector.broadcast %broadcast_in_dim3A_41 : f32 to vector<16xf32>
    %swap3A_43 = arith.constant 5 : i32
    %swap3A_44 = arith.index_cast %swap3A_43 : i32 to index
    %swap3A_45 = arith.constant 0 : index
    %swap3A_46 = tpu.vector_load %arg9[%swap3A_44, %swap3A_45] {strides = array<i32>} : memref<64x16xf32, #tpu.memory_space<vmem>>, vector<1x16xf32>,
    %swap3A_47 = vector.shape_cast %swap3A_46 : vector<1x16xf32> to vector<16xf32>
    %swap3A_48 = vector.shape_cast %broadcast_in_dim3A_42 : vector<16xf32> to vector<1x16xf32>
    tpu.vector_store %arg9[%swap3A_44, %swap3A_45], %swap3A_48 {strides = array<i32>} : memref<64x16xf32, #tpu.memory_space<vmem>>, vector<1x16xf32>,
    %broadcast_in_dim3A_49 = arith.constant 0.000000e+00 : f32
    %broadcast_in_dim3A_50 = vector.broadcast %broadcast_in_dim3A_49 : f32 to vector<16xf32>
    %swap3A_51 = arith.constant 6 : i32
    %swap3A_52 = arith.index_cast %swap3A_51 : i32 to index
    %swap3A_53 = arith.constant 0 : index
    %swap3A_54 = tpu.vector_load %arg9[%swap3A_52, %swap3A_53] {strides = array<i32>} : memref<64x16xf32, #tpu.memory_space<vmem>>, vector<1x16xf32>,
    %swap3A_55 = vector.shape_cast %swap3A_54 : vector<1x16xf32> to vector<16xf32>
    %swap3A_56 = vector.shape_cast %broadcast_in_dim3A_50 : vector<16xf32> to vector<1x16xf32>
    tpu.vector_store %arg9[%swap3A_52, %swap3A_53], %swap3A_56 {strides = array<i32>} : memref<64x16xf32, #tpu.memory_space<vmem>>, vector<1x16xf32>,
    %broadcast_in_dim3A_57 = arith.constant 0.000000e+00 : f32
    %broadcast_in_dim3A_58 = vector.broadcast %broadcast_in_dim3A_57 : f32 to vector<16xf32>
    %swap3A_59 = arith.constant 7 : i32
    %swap3A_60 = arith.index_cast %swap3A_59 : i32 to index
    %swap3A_61 = arith.constant 0 : index
    %swap3A_62 = tpu.vector_load %arg9[%swap3A_60, %swap3A_61] {strides = array<i32>} : memref<64x16xf32, #tpu.memory_space<vmem>>, vector<1x16xf32>,
    %swap3A_63 = vector.shape_cast %swap3A_62 : vector<1x16xf32> to vector<16xf32>
    %swap3A_64 = vector.shape_cast %broadcast_in_dim3A_58 : vector<16xf32> to vector<1x16xf32>
    tpu.vector_store %arg9[%swap3A_60, %swap3A_61], %swap3A_64 {strides = array<i32>} : memref<64x16xf32, #tpu.memory_space<vmem>>, vector<1x16xf32>,
    %broadcast_in_dim3A_65 = arith.constant 0.000000e+00 : f32
    %broadcast_in_dim3A_66 = vector.broadcast %broadcast_in_dim3A_65 : f32 to vector<16xf32>
    %swap3A_67 = arith.constant 8 : i32
    %swap3A_68 = arith.index_cast %swap3A_67 : i32 to index
    %swap3A_69 = arith.constant 0 : index
    %swap3A_70 = tpu.vector_load %arg9[%swap3A_68, %swap3A_69] {strides = array<i32>} : memref<64x16xf32, #tpu.memory_space<vmem>>, vector<1x16xf32>,
    %swap3A_71 = vector.shape_cast %swap3A_70 : vector<1x16xf32> to vector<16xf32>
    %swap3A_72 = vector.shape_cast %broadcast_in_dim3A_66 : vector<16xf32> to vector<1x16xf32>
    tpu.vector_store %arg9[%swap3A_68, %swap3A_69], %swap3A_72 {strides = array<i32>} : memref<64x16xf32, #tpu.memory_space<vmem>>, vector<1x16xf32>,
    %broadcast_in_dim3A_73 = arith.constant 0.000000e+00 : f32
    %broadcast_in_dim3A_74 = vector.broadcast %broadcast_in_dim3A_73 : f32 to vector<16xf32>
    %swap3A_75 = arith.constant 9 : i32
    %swap3A_76 = arith.index_cast %swap3A_75 : i32 to index
    %swap3A_77 = arith.constant 0 : index
    %swap3A_78 = tpu.vector_load %arg9[%swap3A_76, %swap3A_77] {strides = array<i32>} : memref<64x16xf32, #tpu.memory_space<vmem>>, vector<1x16xf32>,
    %swap3A_79 = vector.shape_cast %swap3A_78 : vector<1x16xf32> to vector<16xf32>
    %swap3A_80 = vector.shape_cast %broadcast_in_dim3A_74 : vector<16xf32> to vector<1x16xf32>
    tpu.vector_store %arg9[%swap3A_76, %swap3A_77], %swap3A_80 {strides = array<i32>} : memref<64x16xf32, #tpu.memory_space<vmem>>, vector<1x16xf32>,
    %broadcast_in_dim3A_81 = arith.constant 0.000000e+00 : f32
    %broadcast_in_dim3A_82 = vector.broadcast %broadcast_in_dim3A_81 : f32 to vector<16xf32>
    %swap3A_83 = arith.constant 10 : i32
    %swap3A_84 = arith.index_cast %swap3A_83 : i32 to index
    %swap3A_85 = arith.constant 0 : index
    %swap3A_86 = tpu.vector_load %arg9[%swap3A_84, %swap3A_85] {strides = array<i32>} : memref<64x16xf32, #tpu.memory_space<vmem>>, vector<1x16xf32>,
    %swap3A_87 = vector.shape_cast %swap3A_86 : vector<1x16xf32> to vector<16xf32>
    %swap3A_88 = vector.shape_cast %broadcast_in_dim3A_82 : vector<16xf32> to vector<1x16xf32>
    tpu.vector_store %arg9[%swap3A_84, %swap3A_85], %swap3A_88 {strides = array<i32>} : memref<64x16xf32, #tpu.memory_space<vmem>>, vector<1x16xf32>,
    %broadcast_in_dim3A_89 = arith.constant 0.000000e+00 : f32
    %broadcast_in_dim3A_90 = vector.broadcast %broadcast_in_dim3A_89 : f32 to vector<16xf32>
    %swap3A_91 = arith.constant 11 : i32
    %swap3A_92 = arith.index_cast %swap3A_91 : i32 to index
    %swap3A_93 = arith.constant 0 : index
    %swap3A_94 = tpu.vector_load %arg9[%swap3A_92, %swap3A_93] {strides = array<i32>} : memref<64x16xf32, #tpu.memory_space<vmem>>, vector<1x16xf32>,
    %swap3A_95 = vector.shape_cast %swap3A_94 : vector<1x16xf32> to vector<16xf32>
    %swap3A_96 = vector.shape_cast %broadcast_in_dim3A_90 : vector<16xf32> to vector<1x16xf32>
    tpu.vector_store %arg9[%swap3A_92, %swap3A_93], %swap3A_96 {strides = array<i32>} : memref<64x16xf32, #tpu.memory_space<vmem>>, vector<1x16xf32>,
    %broadcast_in_dim3A_97 = arith.constant 0.000000e+00 : f32
    %broadcast_in_dim3A_98 = vector.broadcast %broadcast_in_dim3A_97 : f32 to vector<16xf32>
    %swap3A_99 = arith.constant 12 : i32
    %swap3A_100 = arith.index_cast %swap3A_99 : i32 to index
    %swap3A_101 = arith.constant 0 : index
    %swap3A_102 = tpu.vector_load %arg9[%swap3A_100, %swap3A_101] {strides = array<i32>} : memref<64x16xf32, #tpu.memory_space<vmem>>, vector<1x16xf32>,
    %swap3A_103 = vector.shape_cast %swap3A_102 : vector<1x16xf32> to vector<16xf32>
    %swap3A_104 = vector.shape_cast %broadcast_in_dim3A_98 : vector<16xf32> to vector<1x16xf32>
    tpu.vector_store %arg9[%swap3A_100, %swap3A_101], %swap3A_104 {strides = array<i32>} : memref<64x16xf32, #tpu.memory_space<vmem>>, vector<1x16xf32>,
    %broadcast_in_dim3A_105 = arith.constant 0.000000e+00 : f32
    %broadcast_in_dim3A_106 = vector.broadcast %broadcast_in_dim3A_105 : f32 to vector<16xf32>
    %swap3A_107 = arith.constant 13 : i32
    %swap3A_108 = arith.index_cast %swap3A_107 : i32 to index
    %swap3A_109 = arith.constant 0 : index
    %swap3A_110 = tpu.vector_load %arg9[%swap3A_108, %swap3A_109] {strides = array<i32>} : memref<64x16xf32, #tpu.memory_space<vmem>>, vector<1x16xf32>,
    %swap3A_111 = vector.shape_cast %swap3A_110 : vector<1x16xf32> to vector<16xf32>
    %swap3A_112 = vector.shape_cast %broadcast_in_dim3A_106 : vector<16xf32> to vector<1x16xf32>
    tpu.vector_store %arg9[%swap3A_108, %swap3A_109], %swap3A_112 {strides = array<i32>} : memref<64x16xf32, #tpu.memory_space<vmem>>, vector<1x16xf32>,
    %broadcast_in_dim3A_113 = arith.constant 0.000000e+00 : f32
    %broadcast_in_dim3A_114 = vector.broadcast %broadcast_in_dim3A_113 : f32 to vector<16xf32>
    %swap3A_115 = arith.constant 14 : i32
    %swap3A_116 = arith.index_cast %swap3A_115 : i32 to index
    %swap3A_117 = arith.constant 0 : index
    %swap3A_118 = tpu.vector_load %arg9[%swap3A_116, %swap3A_117] {strides = array<i32>} : memref<64x16xf32, #tpu.memory_space<vmem>>, vector<1x16xf32>,
    %swap3A_119 = vector.shape_cast %swap3A_118 : vector<1x16xf32> to vector<16xf32>
    %swap3A_120 = vector.shape_cast %broadcast_in_dim3A_114 : vector<16xf32> to vector<1x16xf32>
    tpu.vector_store %arg9[%swap3A_116, %swap3A_117], %swap3A_120 {strides = array<i32>} : memref<64x16xf32, #tpu.memory_space<vmem>>, vector<1x16xf32>,
    %broadcast_in_dim3A_121 = arith.constant 0.000000e+00 : f32
    %broadcast_in_dim3A_122 = vector.broadcast %broadcast_in_dim3A_121 : f32 to vector<16xf32>
    %swap3A_123 = arith.constant 15 : i32
    %swap3A_124 = arith.index_cast %swap3A_123 : i32 to index
    %swap3A_125 = arith.constant 0 : index
    %swap3A_126 = tpu.vector_load %arg9[%swap3A_124, %swap3A_125] {strides = array<i32>} : memref<64x16xf32, #tpu.memory_space<vmem>>, vector<1x16xf32>,
    %swap3A_127 = vector.shape_cast %swap3A_126 : vector<1x16xf32> to vector<16xf32>
    %swap3A_128 = vector.shape_cast %broadcast_in_dim3A_122 : vector<16xf32> to vector<1x16xf32>
    tpu.vector_store %arg9[%swap3A_124, %swap3A_125], %swap3A_128 {strides = array<i32>} : memref<64x16xf32, #tpu.memory_space<vmem>>, vector<1x16xf32>,
    %broadcast_in_dim3A_129 = arith.constant 0.000000e+00 : f32
    %broadcast_in_dim3A_130 = vector.broadcast %broadcast_in_dim3A_129 : f32 to vector<16xf32>
    %swap3A_131 = arith.constant 16 : i32
    %swap3A_132 = arith.index_cast %swap3A_131 : i32 to index
    %swap3A_133 = arith.constant 0 : index
    %swap3A_134 = tpu.vector_load %arg9[%swap3A_132, %swap3A_133] {strides = array<i32>} : memref<64x16xf32, #tpu.memory_space<vmem>>, vector<1x16xf32>,
    %swap3A_135 = vector.shape_cast %swap3A_134 : vector<1x16xf32> to vector<16xf32>
    %swap3A_136 = vector.shape_cast %broadcast_in_dim3A_130 : vector<16xf32> to vector<1x16xf32>
    tpu.vector_store %arg9[%swap3A_132, %swap3A_133], %swap3A_136 {strides = array<i32>} : memref<64x16xf32, #tpu.memory_space<vmem>>, vector<1x16xf32>,
    %broadcast_in_dim3A_137 = arith.constant 0.000000e+00 : f32
    %broadcast_in_dim3A_138 = vector.broadcast %broadcast_in_dim3A_137 : f32 to vector<16xf32>
    %swap3A_139 = arith.constant 17 : i32
    %swap3A_140 = arith.index_cast %swap3A_139 : i32 to index
    %swap3A_141 = arith.constant 0 : index
    %swap3A_142 = tpu.vector_load %arg9[%swap3A_140, %swap3A_141] {strides = array<i32>} : memref<64x16xf32, #tpu.memory_space<vmem>>, vector<1x16xf32>,
    %swap3A_143 = vector.shape_cast %swap3A_142 : vector<1x16xf32> to vector<16xf32>
    %swap3A_144 = vector.shape_cast %broadcast_in_dim3A_138 : vector<16xf32> to vector<1x16xf32>
    tpu.vector_store %arg9[%swap3A_140, %swap3A_141], %swap3A_144 {strides = array<i32>} : memref<64x16xf32, #tpu.memory_space<vmem>>, vector<1x16xf32>,
    %broadcast_in_dim3A_145 = arith.constant 0.000000e+00 : f32
    %broadcast_in_dim3A_146 = vector.broadcast %broadcast_in_dim3A_145 : f32 to vector<16xf32>
    %swap3A_147 = arith.constant 18 : i32
    %swap3A_148 = arith.index_cast %swap3A_147 : i32 to index
    %swap3A_149 = arith.constant 0 : index
    %swap3A_150 = tpu.vector_load %arg9[%swap3A_148, %swap3A_149] {strides = array<i32>} : memref<64x16xf32, #tpu.memory_space<vmem>>, vector<1x16xf32>,
    %swap3A_151 = vector.shape_cast %swap3A_150 : vector<1x16xf32> to vector<16xf32>
    %swap3A_152 = vector.shape_cast %broadcast_in_dim3A_146 : vector<16xf32> to vector<1x16xf32>
    tpu.vector_store %arg9[%swap3A_148, %swap3A_149], %swap3A_152 {strides = array<i32>} : memref<64x16xf32, #tpu.memory_space<vmem>>, vector<1x16xf32>,
    %broadcast_in_dim3A_153 = arith.constant 0.000000e+00 : f32
    %broadcast_in_dim3A_154 = vector.broadcast %broadcast_in_dim3A_153 : f32 to vector<16xf32>
    %swap3A_155 = arith.constant 19 : i32
    %swap3A_156 = arith.index_cast %swap3A_155 : i32 to index
    %swap3A_157 = arith.constant 0 : index
    %swap3A_158 = tpu.vector_load %arg9[%swap3A_156, %swap3A_157] {strides = array<i32>} : memref<64x16xf32, #tpu.memory_space<vmem>>, vector<1x16xf32>,
    %swap3A_159 = vector.shape_cast %swap3A_158 : vector<1x16xf32> to vector<16xf32>
    %swap3A_160 = vector.shape_cast %broadcast_in_dim3A_154 : vector<16xf32> to vector<1x16xf32>
    tpu.vector_store %arg9[%swap3A_156, %swap3A_157], %swap3A_160 {strides = array<i32>} : memref<64x16xf32, #tpu.memory_space<vmem>>, vector<1x16xf32>,
    %broadcast_in_dim3A_161 = arith.constant 0.000000e+00 : f32
    %broadcast_in_dim3A_162 = vector.broadcast %broadcast_in_dim3A_161 : f32 to vector<16xf32>
    %swap3A_163 = arith.constant 20 : i32
    %swap3A_164 = arith.index_cast %swap3A_163 : i32 to index
    %swap3A_165 = arith.constant 0 : index
    %swap3A_166 = tpu.vector_load %arg9[%swap3A_164, %swap3A_165] {strides = array<i32>} : memref<64x16xf32, #tpu.memory_space<vmem>>, vector<1x16xf32>,
    %swap3A_167 = vector.shape_cast %swap3A_166 : vector<1x16xf32> to vector<16xf32>
    %swap3A_168 = vector.shape_cast %broadcast_in_dim3A_162 : vector<16xf32> to vector<1x16xf32>
    tpu.vector_store %arg9[%swap3A_164, %swap3A_165], %swap3A_168 {strides = array<i32>} : memref<64x16xf32, #tpu.memory_space<vmem>>, vector<1x16xf32>,
    %broadcast_in_dim3A_169 = arith.constant 0.000000e+00 : f32
    %broadcast_in_dim3A_170 = vector.broadcast %broadcast_in_dim3A_169 : f32 to vector<16xf32>
    %swap3A_171 = arith.constant 21 : i32
    %swap3A_172 = arith.index_cast %swap3A_171 : i32 to index
    %swap3A_173 = arith.constant 0 : index
    %swap3A_174 = tpu.vector_load %arg9[%swap3A_172, %swap3A_173] {strides = array<i32>} : memref<64x16xf32, #tpu.memory_space<vmem>>, vector<1x16xf32>,
    %swap3A_175 = vector.shape_cast %swap3A_174 : vector<1x16xf32> to vector<16xf32>
    %swap3A_176 = vector.shape_cast %broadcast_in_dim3A_170 : vector<16xf32> to vector<1x16xf32>
    tpu.vector_store %arg9[%swap3A_172, %swap3A_173], %swap3A_176 {strides = array<i32>} : memref<64x16xf32, #tpu.memory_space<vmem>>, vector<1x16xf32>,
    %broadcast_in_dim3A_177 = arith.constant 0.000000e+00 : f32
    %broadcast_in_dim3A_178 = vector.broadcast %broadcast_in_dim3A_177 : f32 to vector<16xf32>
    %swap3A_179 = arith.constant 22 : i32
    %swap3A_180 = arith.index_cast %swap3A_179 : i32 to index
    %swap3A_181 = arith.constant 0 : index
    %swap3A_182 = tpu.vector_load %arg9[%swap3A_180, %swap3A_181] {strides = array<i32>} : memref<64x16xf32, #tpu.memory_space<vmem>>, vector<1x16xf32>,
    %swap3A_183 = vector.shape_cast %swap3A_182 : vector<1x16xf32> to vector<16xf32>
    %swap3A_184 = vector.shape_cast %broadcast_in_dim3A_178 : vector<16xf32> to vector<1x16xf32>
    tpu.vector_store %arg9[%swap3A_180, %swap3A_181], %swap3A_184 {strides = array<i32>} : memref<64x16xf32, #tpu.memory_space<vmem>>, vector<1x16xf32>,
    %broadcast_in_dim3A_185 = arith.constant 0.000000e+00 : f32
    %broadcast_in_dim3A_186 = vector.broadcast %broadcast_in_dim3A_185 : f32 to vector<16xf32>
    %swap3A_187 = arith.constant 23 : i32
    %swap3A_188 = arith.index_cast %swap3A_187 : i32 to index
    %swap3A_189 = arith.constant 0 : index
    %swap3A_190 = tpu.vector_load %arg9[%swap3A_188, %swap3A_189] {strides = array<i32>} : memref<64x16xf32, #tpu.memory_space<vmem>>, vector<1x16xf32>,
    %swap3A_191 = vector.shape_cast %swap3A_190 : vector<1x16xf32> to vector<16xf32>
    %swap3A_192 = vector.shape_cast %broadcast_in_dim3A_186 : vector<16xf32> to vector<1x16xf32>
    tpu.vector_store %arg9[%swap3A_188, %swap3A_189], %swap3A_192 {strides = array<i32>} : memref<64x16xf32, #tpu.memory_space<vmem>>, vector<1x16xf32>,
    %broadcast_in_dim3A_193 = arith.constant 0.000000e+00 : f32
    %broadcast_in_dim3A_194 = vector.broadcast %broadcast_in_dim3A_193 : f32 to vector<16xf32>
    %swap3A_195 = arith.constant 24 : i32
    %swap3A_196 = arith.index_cast %swap3A_195 : i32 to index
    %swap3A_197 = arith.constant 0 : index
    %swap3A_198 = tpu.vector_load %arg9[%swap3A_196, %swap3A_197] {strides = array<i32>} : memref<64x16xf32, #tpu.memory_space<vmem>>, vector<1x16xf32>,
    %swap3A_199 = vector.shape_cast %swap3A_198 : vector<1x16xf32> to vector<16xf32>
    %swap3A_200 = vector.shape_cast %broadcast_in_dim3A_194 : vector<16xf32> to vector<1x16xf32>
    tpu.vector_store %arg9[%swap3A_196, %swap3A_197], %swap3A_200 {strides = array<i32>} : memref<64x16xf32, #tpu.memory_space<vmem>>, vector<1x16xf32>,
    %broadcast_in_dim3A_201 = arith.constant 0.000000e+00 : f32
    %broadcast_in_dim3A_202 = vector.broadcast %broadcast_in_dim3A_201 : f32 to vector<16xf32>
    %swap3A_203 = arith.constant 25 : i32
    %swap3A_204 = arith.index_cast %swap3A_203 : i32 to index
    %swap3A_205 = arith.constant 0 : index
    %swap3A_206 = tpu.vector_load %arg9[%swap3A_204, %swap3A_205] {strides = array<i32>} : memref<64x16xf32, #tpu.memory_space<vmem>>, vector<1x16xf32>,
    %swap3A_207 = vector.shape_cast %swap3A_206 : vector<1x16xf32> to vector<16xf32>
    %swap3A_208 = vector.shape_cast %broadcast_in_dim3A_202 : vector<16xf32> to vector<1x16xf32>
    tpu.vector_store %arg9[%swap3A_204, %swap3A_205], %swap3A_208 {strides = array<i32>} : memref<64x16xf32, #tpu.memory_space<vmem>>, vector<1x16xf32>,
    %broadcast_in_dim3A_209 = arith.constant 0.000000e+00 : f32
    %broadcast_in_dim3A_210 = vector.broadcast %broadcast_in_dim3A_209 : f32 to vector<16xf32>
    %swap3A_211 = arith.constant 26 : i32
    %swap3A_212 = arith.index_cast %swap3A_211 : i32 to index
    %swap3A_213 = arith.constant 0 : index
    %swap3A_214 = tpu.vector_load %arg9[%swap3A_212, %swap3A_213] {strides = array<i32>} : memref<64x16xf32, #tpu.memory_space<vmem>>, vector<1x16xf32>,
    %swap3A_215 = vector.shape_cast %swap3A_214 : vector<1x16xf32> to vector<16xf32>
    %swap3A_216 = vector.shape_cast %broadcast_in_dim3A_210 : vector<16xf32> to vector<1x16xf32>
    tpu.vector_store %arg9[%swap3A_212, %swap3A_213], %swap3A_216 {strides = array<i32>} : memref<64x16xf32, #tpu.memory_space<vmem>>, vector<1x16xf32>,
    %broadcast_in_dim3A_217 = arith.constant 0.000000e+00 : f32
    %broadcast_in_dim3A_218 = vector.broadcast %broadcast_in_dim3A_217 : f32 to vector<16xf32>
    %swap3A_219 = arith.constant 27 : i32
    %swap3A_220 = arith.index_cast %swap3A_219 : i32 to index
    %swap3A_221 = arith.constant 0 : index
    %swap3A_222 = tpu.vector_load %arg9[%swap3A_220, %swap3A_221] {strides = array<i32>} : memref<64x16xf32, #tpu.memory_space<vmem>>, vector<1x16xf32>,
    %swap3A_223 = vector.shape_cast %swap3A_222 : vector<1x16xf32> to vector<16xf32>
    %swap3A_224 = vector.shape_cast %broadcast_in_dim3A_218 : vector<16xf32> to vector<1x16xf32>
    tpu.vector_store %arg9[%swap3A_220, %swap3A_221], %swap3A_224 {strides = array<i32>} : memref<64x16xf32, #tpu.memory_space<vmem>>, vector<1x16xf32>,
    %broadcast_in_dim3A_225 = arith.constant 0.000000e+00 : f32
    %broadcast_in_dim3A_226 = vector.broadcast %broadcast_in_dim3A_225 : f32 to vector<16xf32>
    %swap3A_227 = arith.constant 28 : i32
    %swap3A_228 = arith.index_cast %swap3A_227 : i32 to index
    %swap3A_229 = arith.constant 0 : index
    %swap3A_230 = tpu.vector_load %arg9[%swap3A_228, %swap3A_229] {strides = array<i32>} : memref<64x16xf32, #tpu.memory_space<vmem>>, vector<1x16xf32>,
    %swap3A_231 = vector.shape_cast %swap3A_230 : vector<1x16xf32> to vector<16xf32>
    %swap3A_232 = vector.shape_cast %broadcast_in_dim3A_226 : vector<16xf32> to vector<1x16xf32>
    tpu.vector_store %arg9[%swap3A_228, %swap3A_229], %swap3A_232 {strides = array<i32>} : memref<64x16xf32, #tpu.memory_space<vmem>>, vector<1x16xf32>,
    %broadcast_in_dim3A_233 = arith.constant 0.000000e+00 : f32
    %broadcast_in_dim3A_234 = vector.broadcast %broadcast_in_dim3A_233 : f32 to vector<16xf32>
    %swap3A_235 = arith.constant 29 : i32
    %swap3A_236 = arith.index_cast %swap3A_235 : i32 to index
    %swap3A_237 = arith.constant 0 : index
    %swap3A_238 = tpu.vector_load %arg9[%swap3A_236, %swap3A_237] {strides = array<i32>} : memref<64x16xf32, #tpu.memory_space<vmem>>, vector<1x16xf32>,
    %swap3A_239 = vector.shape_cast %swap3A_238 : vector<1x16xf32> to vector<16xf32>
    %swap3A_240 = vector.shape_cast %broadcast_in_dim3A_234 : vector<16xf32> to vector<1x16xf32>
    tpu.vector_store %arg9[%swap3A_236, %swap3A_237], %swap3A_240 {strides = array<i32>} : memref<64x16xf32, #tpu.memory_space<vmem>>, vector<1x16xf32>,
    %broadcast_in_dim3A_241 = arith.constant 0.000000e+00 : f32
    %broadcast_in_dim3A_242 = vector.broadcast %broadcast_in_dim3A_241 : f32 to vector<16xf32>
    %swap3A_243 = arith.constant 30 : i32
    %swap3A_244 = arith.index_cast %swap3A_243 : i32 to index
    %swap3A_245 = arith.constant 0 : index
    %swap3A_246 = tpu.vector_load %arg9[%swap3A_244, %swap3A_245] {strides = array<i32>} : memref<64x16xf32, #tpu.memory_space<vmem>>, vector<1x16xf32>,
    %swap3A_247 = vector.shape_cast %swap3A_246 : vector<1x16xf32> to vector<16xf32>
    %swap3A_248 = vector.shape_cast %broadcast_in_dim3A_242 : vector<16xf32> to vector<1x16xf32>
    tpu.vector_store %arg9[%swap3A_244, %swap3A_245], %swap3A_248 {strides = array<i32>} : memref<64x16xf32, #tpu.memory_space<vmem>>, vector<1x16xf32>,
    %broadcast_in_dim3A_249 = arith.constant 0.000000e+00 : f32
    %broadcast_in_dim3A_250 = vector.broadcast %broadcast_in_dim3A_249 : f32 to vector<16xf32>
    %swap3A_251 = arith.constant 31 : i32
    %swap3A_252 = arith.index_cast %swap3A_251 : i32 to index
    %swap3A_253 = arith.constant 0 : index
    %swap3A_254 = tpu.vector_load %arg9[%swap3A_252, %swap3A_253] {strides = array<i32>} : memref<64x16xf32, #tpu.memory_space<vmem>>, vector<1x16xf32>,
    %swap3A_255 = vector.shape_cast %swap3A_254 : vector<1x16xf32> to vector<16xf32>
    %swap3A_256 = vector.shape_cast %broadcast_in_dim3A_250 : vector<16xf32> to vector<1x16xf32>
    tpu.vector_store %arg9[%swap3A_252, %swap3A_253], %swap3A_256 {strides = array<i32>} : memref<64x16xf32, #tpu.memory_space<vmem>>, vector<1x16xf32>,
    %broadcast_in_dim3A_257 = arith.constant 0.000000e+00 : f32
    %broadcast_in_dim3A_258 = vector.broadcast %broadcast_in_dim3A_257 : f32 to vector<16xf32>
    %swap3A_259 = arith.constant 32 : i32
    %swap3A_260 = arith.index_cast %swap3A_259 : i32 to index
    %swap3A_261 = arith.constant 0 : index
    %swap3A_262 = tpu.vector_load %arg9[%swap3A_260, %swap3A_261] {strides = array<i32>} : memref<64x16xf32, #tpu.memory_space<vmem>>, vector<1x16xf32>,
    %swap3A_263 = vector.shape_cast %swap3A_262 : vector<1x16xf32> to vector<16xf32>
    %swap3A_264 = vector.shape_cast %broadcast_in_dim3A_258 : vector<16xf32> to vector<1x16xf32>
    tpu.vector_store %arg9[%swap3A_260, %swap3A_261], %swap3A_264 {strides = array<i32>} : memref<64x16xf32, #tpu.memory_space<vmem>>, vector<1x16xf32>,
    %broadcast_in_dim3A_265 = arith.constant 0.000000e+00 : f32
    %broadcast_in_dim3A_266 = vector.broadcast %broadcast_in_dim3A_265 : f32 to vector<16xf32>
    %swap3A_267 = arith.constant 33 : i32
    %swap3A_268 = arith.index_cast %swap3A_267 : i32 to index
    %swap3A_269 = arith.constant 0 : index
    %swap3A_270 = tpu.vector_load %arg9[%swap3A_268, %swap3A_269] {strides = array<i32>} : memref<64x16xf32, #tpu.memory_space<vmem>>, vector<1x16xf32>,
    %swap3A_271 = vector.shape_cast %swap3A_270 : vector<1x16xf32> to vector<16xf32>
    %swap3A_272 = vector.shape_cast %broadcast_in_dim3A_266 : vector<16xf32> to vector<1x16xf32>
    tpu.vector_store %arg9[%swap3A_268, %swap3A_269], %swap3A_272 {strides = array<i32>} : memref<64x16xf32, #tpu.memory_space<vmem>>, vector<1x16xf32>,
    %broadcast_in_dim3A_273 = arith.constant 0.000000e+00 : f32
    %broadcast_in_dim3A_274 = vector.broadcast %broadcast_in_dim3A_273 : f32 to vector<16xf32>
    %swap3A_275 = arith.constant 34 : i32
    %swap3A_276 = arith.index_cast %swap3A_275 : i32 to index
    %swap3A_277 = arith.constant 0 : index
    %swap3A_278 = tpu.vector_load %arg9[%swap3A_276, %swap3A_277] {strides = array<i32>} : memref<64x16xf32, #tpu.memory_space<vmem>>, vector<1x16xf32>,
    %swap3A_279 = vector.shape_cast %swap3A_278 : vector<1x16xf32> to vector<16xf32>
    %swap3A_280 = vector.shape_cast %broadcast_in_dim3A_274 : vector<16xf32> to vector<1x16xf32>
    tpu.vector_store %arg9[%swap3A_276, %swap3A_277], %swap3A_280 {strides = array<i32>} : memref<64x16xf32, #tpu.memory_space<vmem>>, vector<1x16xf32>,
    %broadcast_in_dim3A_281 = arith.constant 0.000000e+00 : f32
    %broadcast_in_dim3A_282 = vector.broadcast %broadcast_in_dim3A_281 : f32 to vector<16xf32>
    %swap3A_283 = arith.constant 35 : i32
    %swap3A_284 = arith.index_cast %swap3A_283 : i32 to index
    %swap3A_285 = arith.constant 0 : index
    %swap3A_286 = tpu.vector_load %arg9[%swap3A_284, %swap3A_285] {strides = array<i32>} : memref<64x16xf32, #tpu.memory_space<vmem>>, vector<1x16xf32>,
    %swap3A_287 = vector.shape_cast %swap3A_286 : vector<1x16xf32> to vector<16xf32>
    %swap3A_288 = vector.shape_cast %broadcast_in_dim3A_282 : vector<16xf32> to vector<1x16xf32>
    tpu.vector_store %arg9[%swap3A_284, %swap3A_285], %swap3A_288 {strides = array<i32>} : memref<64x16xf32, #tpu.memory_space<vmem>>, vector<1x16xf32>,
    %broadcast_in_dim3A_289 = arith.constant 0.000000e+00 : f32
    %broadcast_in_dim3A_290 = vector.broadcast %broadcast_in_dim3A_289 : f32 to vector<16xf32>
    %swap3A_291 = arith.constant 36 : i32
    %swap3A_292 = arith.index_cast %swap3A_291 : i32 to index
    %swap3A_293 = arith.constant 0 : index
    %swap3A_294 = tpu.vector_load %arg9[%swap3A_292, %swap3A_293] {strides = array<i32>} : memref<64x16xf32, #tpu.memory_space<vmem>>, vector<1x16xf32>,
    %swap3A_295 = vector.shape_cast %swap3A_294 : vector<1x16xf32> to vector<16xf32>
    %swap3A_296 = vector.shape_cast %broadcast_in_dim3A_290 : vector<16xf32> to vector<1x16xf32>
    tpu.vector_store %arg9[%swap3A_292, %swap3A_293], %swap3A_296 {strides = array<i32>} : memref<64x16xf32, #tpu.memory_space<vmem>>, vector<1x16xf32>,
    %broadcast_in_dim3A_297 = arith.constant 0.000000e+00 : f32
    %broadcast_in_dim3A_298 = vector.broadcast %broadcast_in_dim3A_297 : f32 to vector<16xf32>
    %swap3A_299 = arith.constant 37 : i32
    %swap3A_300 = arith.index_cast %swap3A_299 : i32 to index
    %swap3A_301 = arith.constant 0 : index
    %swap3A_302 = tpu.vector_load %arg9[%swap3A_300, %swap3A_301] {strides = array<i32>} : memref<64x16xf32, #tpu.memory_space<vmem>>, vector<1x16xf32>,
    %swap3A_303 = vector.shape_cast %swap3A_302 : vector<1x16xf32> to vector<16xf32>
    %swap3A_304 = vector.shape_cast %broadcast_in_dim3A_298 : vector<16xf32> to vector<1x16xf32>
    tpu.vector_store %arg9[%swap3A_300, %swap3A_301], %swap3A_304 {strides = array<i32>} : memref<64x16xf32, #tpu.memory_space<vmem>>, vector<1x16xf32>,
    %broadcast_in_dim3A_305 = arith.constant 0.000000e+00 : f32
    %broadcast_in_dim3A_306 = vector.broadcast %broadcast_in_dim3A_305 : f32 to vector<16xf32>
    %swap3A_307 = arith.constant 38 : i32
    %swap3A_308 = arith.index_cast %swap3A_307 : i32 to index
    %swap3A_309 = arith.constant 0 : index
    %swap3A_310 = tpu.vector_load %arg9[%swap3A_308, %swap3A_309] {strides = array<i32>} : memref<64x16xf32, #tpu.memory_space<vmem>>, vector<1x16xf32>,
    %swap3A_311 = vector.shape_cast %swap3A_310 : vector<1x16xf32> to vector<16xf32>
    %swap3A_312 = vector.shape_cast %broadcast_in_dim3A_306 : vector<16xf32> to vector<1x16xf32>
    tpu.vector_store %arg9[%swap3A_308, %swap3A_309], %swap3A_312 {strides = array<i32>} : memref<64x16xf32, #tpu.memory_space<vmem>>, vector<1x16xf32>,
    %broadcast_in_dim3A_313 = arith.constant 0.000000e+00 : f32
    %broadcast_in_dim3A_314 = vector.broadcast %broadcast_in_dim3A_313 : f32 to vector<16xf32>
    %swap3A_315 = arith.constant 39 : i32
    %swap3A_316 = arith.index_cast %swap3A_315 : i32 to index
    %swap3A_317 = arith.constant 0 : index
    %swap3A_318 = tpu.vector_load %arg9[%swap3A_316, %swap3A_317] {strides = array<i32>} : memref<64x16xf32, #tpu.memory_space<vmem>>, vector<1x16xf32>,
    %swap3A_319 = vector.shape_cast %swap3A_318 : vector<1x16xf32> to vector<16xf32>
    %swap3A_320 = vector.shape_cast %broadcast_in_dim3A_314 : vector<16xf32> to vector<1x16xf32>
    tpu.vector_store %arg9[%swap3A_316, %swap3A_317], %swap3A_320 {strides = array<i32>} : memref<64x16xf32, #tpu.memory_space<vmem>>, vector<1x16xf32>,
    %broadcast_in_dim3A_321 = arith.constant 0.000000e+00 : f32
    %broadcast_in_dim3A_322 = vector.broadcast %broadcast_in_dim3A_321 : f32 to vector<16xf32>
    %swap3A_323 = arith.constant 40 : i32
    %swap3A_324 = arith.index_cast %swap3A_323 : i32 to index
    %swap3A_325 = arith.constant 0 : index
    %swap3A_326 = tpu.vector_load %arg9[%swap3A_324, %swap3A_325] {strides = array<i32>} : memref<64x16xf32, #tpu.memory_space<vmem>>, vector<1x16xf32>,
    %swap3A_327 = vector.shape_cast %swap3A_326 : vector<1x16xf32> to vector<16xf32>
    %swap3A_328 = vector.shape_cast %broadcast_in_dim3A_322 : vector<16xf32> to vector<1x16xf32>
    tpu.vector_store %arg9[%swap3A_324, %swap3A_325], %swap3A_328 {strides = array<i32>} : memref<64x16xf32, #tpu.memory_space<vmem>>, vector<1x16xf32>,
    %broadcast_in_dim3A_329 = arith.constant 0.000000e+00 : f32
    %broadcast_in_dim3A_330 = vector.broadcast %broadcast_in_dim3A_329 : f32 to vector<16xf32>
    %swap3A_331 = arith.constant 41 : i32
    %swap3A_332 = arith.index_cast %swap3A_331 : i32 to index
    %swap3A_333 = arith.constant 0 : index
    %swap3A_334 = tpu.vector_load %arg9[%swap3A_332, %swap3A_333] {strides = array<i32>} : memref<64x16xf32, #tpu.memory_space<vmem>>, vector<1x16xf32>,
    %swap3A_335 = vector.shape_cast %swap3A_334 : vector<1x16xf32> to vector<16xf32>
    %swap3A_336 = vector.shape_cast %broadcast_in_dim3A_330 : vector<16xf32> to vector<1x16xf32>
    tpu.vector_store %arg9[%swap3A_332, %swap3A_333], %swap3A_336 {strides = array<i32>} : memref<64x16xf32, #tpu.memory_space<vmem>>, vector<1x16xf32>,
    %broadcast_in_dim3A_337 = arith.constant 0.000000e+00 : f32
    %broadcast_in_dim3A_338 = vector.broadcast %broadcast_in_dim3A_337 : f32 to vector<16xf32>
    %swap3A_339 = arith.constant 42 : i32
    %swap3A_340 = arith.index_cast %swap3A_339 : i32 to index
    %swap3A_341 = arith.constant 0 : index
    %swap3A_342 = tpu.vector_load %arg9[%swap3A_340, %swap3A_341] {strides = array<i32>} : memref<64x16xf32, #tpu.memory_space<vmem>>, vector<1x16xf32>,
    %swap3A_343 = vector.shape_cast %swap3A_342 : vector<1x16xf32> to vector<16xf32>
    %swap3A_344 = vector.shape_cast %broadcast_in_dim3A_338 : vector<16xf32> to vector<1x16xf32>
    tpu.vector_store %arg9[%swap3A_340, %swap3A_341], %swap3A_344 {strides = array<i32>} : memref<64x16xf32, #tpu.memory_space<vmem>>, vector<1x16xf32>,
    %broadcast_in_dim3A_345 = arith.constant 0.000000e+00 : f32
    %broadcast_in_dim3A_346 = vector.broadcast %broadcast_in_dim3A_345 : f32 to vector<16xf32>
    %swap3A_347 = arith.constant 43 : i32
    %swap3A_348 = arith.index_cast %swap3A_347 : i32 to index
    %swap3A_349 = arith.constant 0 : index
    %swap3A_350 = tpu.vector_load %arg9[%swap3A_348, %swap3A_349] {strides = array<i32>} : memref<64x16xf32, #tpu.memory_space<vmem>>, vector<1x16xf32>,
    %swap3A_351 = vector.shape_cast %swap3A_350 : vector<1x16xf32> to vector<16xf32>
    %swap3A_352 = vector.shape_cast %broadcast_in_dim3A_346 : vector<16xf32> to vector<1x16xf32>
    tpu.vector_store %arg9[%swap3A_348, %swap3A_349], %swap3A_352 {strides = array<i32>} : memref<64x16xf32, #tpu.memory_space<vmem>>, vector<1x16xf32>,
    %broadcast_in_dim3A_353 = arith.constant 0.000000e+00 : f32
    %broadcast_in_dim3A_354 = vector.broadcast %broadcast_in_dim3A_353 : f32 to vector<16xf32>
    %swap3A_355 = arith.constant 44 : i32
    %swap3A_356 = arith.index_cast %swap3A_355 : i32 to index
    %swap3A_357 = arith.constant 0 : index
    %swap3A_358 = tpu.vector_load %arg9[%swap3A_356, %swap3A_357] {strides = array<i32>} : memref<64x16xf32, #tpu.memory_space<vmem>>, vector<1x16xf32>,
    %swap3A_359 = vector.shape_cast %swap3A_358 : vector<1x16xf32> to vector<16xf32>
    %swap3A_360 = vector.shape_cast %broadcast_in_dim3A_354 : vector<16xf32> to vector<1x16xf32>
    tpu.vector_store %arg9[%swap3A_356, %swap3A_357], %swap3A_360 {strides = array<i32>} : memref<64x16xf32, #tpu.memory_space<vmem>>, vector<1x16xf32>,
    %broadcast_in_dim3A_361 = arith.constant 0.000000e+00 : f32
    %broadcast_in_dim3A_362 = vector.broadcast %broadcast_in_dim3A_361 : f32 to vector<16xf32>
    %swap3A_363 = arith.constant 45 : i32
    %swap3A_364 = arith.index_cast %swap3A_363 : i32 to index
    %swap3A_365 = arith.constant 0 : index
    %swap3A_366 = tpu.vector_load %arg9[%swap3A_364, %swap3A_365] {strides = array<i32>} : memref<64x16xf32, #tpu.memory_space<vmem>>, vector<1x16xf32>,
    %swap3A_367 = vector.shape_cast %swap3A_366 : vector<1x16xf32> to vector<16xf32>
    %swap3A_368 = vector.shape_cast %broadcast_in_dim3A_362 : vector<16xf32> to vector<1x16xf32>
    tpu.vector_store %arg9[%swap3A_364, %swap3A_365], %swap3A_368 {strides = array<i32>} : memref<64x16xf32, #tpu.memory_space<vmem>>, vector<1x16xf32>,
    %broadcast_in_dim3A_369 = arith.constant 0.000000e+00 : f32
    %broadcast_in_dim3A_370 = vector.broadcast %broadcast_in_dim3A_369 : f32 to vector<16xf32>
    %swap3A_371 = arith.constant 46 : i32
    %swap3A_372 = arith.index_cast %swap3A_371 : i32 to index
    %swap3A_373 = arith.constant 0 : index
    %swap3A_374 = tpu.vector_load %arg9[%swap3A_372, %swap3A_373] {strides = array<i32>} : memref<64x16xf32, #tpu.memory_space<vmem>>, vector<1x16xf32>,
    %swap3A_375 = vector.shape_cast %swap3A_374 : vector<1x16xf32> to vector<16xf32>
    %swap3A_376 = vector.shape_cast %broadcast_in_dim3A_370 : vector<16xf32> to vector<1x16xf32>
    tpu.vector_store %arg9[%swap3A_372, %swap3A_373], %swap3A_376 {strides = array<i32>} : memref<64x16xf32, #tpu.memory_space<vmem>>, vector<1x16xf32>,
    %broadcast_in_dim3A_377 = arith.constant 0.000000e+00 : f32
    %broadcast_in_dim3A_378 = vector.broadcast %broadcast_in_dim3A_377 : f32 to vector<16xf32>
    %swap3A_379 = arith.constant 47 : i32
    %swap3A_380 = arith.index_cast %swap3A_379 : i32 to index
    %swap3A_381 = arith.constant 0 : index
    %swap3A_382 = tpu.vector_load %arg9[%swap3A_380, %swap3A_381] {strides = array<i32>} : memref<64x16xf32, #tpu.memory_space<vmem>>, vector<1x16xf32>,
    %swap3A_383 = vector.shape_cast %swap3A_382 : vector<1x16xf32> to vector<16xf32>
    %swap3A_384 = vector.shape_cast %broadcast_in_dim3A_378 : vector<16xf32> to vector<1x16xf32>
    tpu.vector_store %arg9[%swap3A_380, %swap3A_381], %swap3A_384 {strides = array<i32>} : memref<64x16xf32, #tpu.memory_space<vmem>>, vector<1x16xf32>,
    %broadcast_in_dim3A_385 = arith.constant 0.000000e+00 : f32
    %broadcast_in_dim3A_386 = vector.broadcast %broadcast_in_dim3A_385 : f32 to vector<16xf32>
    %swap3A_387 = arith.constant 48 : i32
    %swap3A_388 = arith.index_cast %swap3A_387 : i32 to index
    %swap3A_389 = arith.constant 0 : index
    %swap3A_390 = tpu.vector_load %arg9[%swap3A_388, %swap3A_389] {strides = array<i32>} : memref<64x16xf32, #tpu.memory_space<vmem>>, vector<1x16xf32>,
    %swap3A_391 = vector.shape_cast %swap3A_390 : vector<1x16xf32> to vector<16xf32>
    %swap3A_392 = vector.shape_cast %broadcast_in_dim3A_386 : vector<16xf32> to vector<1x16xf32>
    tpu.vector_store %arg9[%swap3A_388, %swap3A_389], %swap3A_392 {strides = array<i32>} : memref<64x16xf32, #tpu.memory_space<vmem>>, vector<1x16xf32>,
    %broadcast_in_dim3A_393 = arith.constant 0.000000e+00 : f32
    %broadcast_in_dim3A_394 = vector.broadcast %broadcast_in_dim3A_393 : f32 to vector<16xf32>
    %swap3A_395 = arith.constant 49 : i32
    %swap3A_396 = arith.index_cast %swap3A_395 : i32 to index
    %swap3A_397 = arith.constant 0 : index
    %swap3A_398 = tpu.vector_load %arg9[%swap3A_396, %swap3A_397] {strides = array<i32>} : memref<64x16xf32, #tpu.memory_space<vmem>>, vector<1x16xf32>,
    %swap3A_399 = vector.shape_cast %swap3A_398 : vector<1x16xf32> to vector<16xf32>
    %swap3A_400 = vector.shape_cast %broadcast_in_dim3A_394 : vector<16xf32> to vector<1x16xf32>
    tpu.vector_store %arg9[%swap3A_396, %swap3A_397], %swap3A_400 {strides = array<i32>} : memref<64x16xf32, #tpu.memory_space<vmem>>, vector<1x16xf32>,
    %broadcast_in_dim3A_401 = arith.constant 0.000000e+00 : f32
    %broadcast_in_dim3A_402 = vector.broadcast %broadcast_in_dim3A_401 : f32 to vector<16xf32>
    %swap3A_403 = arith.constant 50 : i32
    %swap3A_404 = arith.index_cast %swap3A_403 : i32 to index
    %swap3A_405 = arith.constant 0 : index
    %swap3A_406 = tpu.vector_load %arg9[%swap3A_404, %swap3A_405] {strides = array<i32>} : memref<64x16xf32, #tpu.memory_space<vmem>>, vector<1x16xf32>,
    %swap3A_407 = vector.shape_cast %swap3A_406 : vector<1x16xf32> to vector<16xf32>
    %swap3A_408 = vector.shape_cast %broadcast_in_dim3A_402 : vector<16xf32> to vector<1x16xf32>
    tpu.vector_store %arg9[%swap3A_404, %swap3A_405], %swap3A_408 {strides = array<i32>} : memref<64x16xf32, #tpu.memory_space<vmem>>, vector<1x16xf32>,
    %broadcast_in_dim3A_409 = arith.constant 0.000000e+00 : f32
    %broadcast_in_dim3A_410 = vector.broadcast %broadcast_in_dim3A_409 : f32 to vector<16xf32>
    %swap3A_411 = arith.constant 51 : i32
    %swap3A_412 = arith.index_cast %swap3A_411 : i32 to index
    %swap3A_413 = arith.constant 0 : index
    %swap3A_414 = tpu.vector_load %arg9[%swap3A_412, %swap3A_413] {strides = array<i32>} : memref<64x16xf32, #tpu.memory_space<vmem>>, vector<1x16xf32>,
    %swap3A_415 = vector.shape_cast %swap3A_414 : vector<1x16xf32> to vector<16xf32>
    %swap3A_416 = vector.shape_cast %broadcast_in_dim3A_410 : vector<16xf32> to vector<1x16xf32>
    tpu.vector_store %arg9[%swap3A_412, %swap3A_413], %swap3A_416 {strides = array<i32>} : memref<64x16xf32, #tpu.memory_space<vmem>>, vector<1x16xf32>,
    %broadcast_in_dim3A_417 = arith.constant 0.000000e+00 : f32
    %broadcast_in_dim3A_418 = vector.broadcast %broadcast_in_dim3A_417 : f32 to vector<16xf32>
    %swap3A_419 = arith.constant 52 : i32
    %swap3A_420 = arith.index_cast %swap3A_419 : i32 to index
    %swap3A_421 = arith.constant 0 : index
    %swap3A_422 = tpu.vector_load %arg9[%swap3A_420, %swap3A_421] {strides = array<i32>} : memref<64x16xf32, #tpu.memory_space<vmem>>, vector<1x16xf32>,
    %swap3A_423 = vector.shape_cast %swap3A_422 : vector<1x16xf32> to vector<16xf32>
    %swap3A_424 = vector.shape_cast %broadcast_in_dim3A_418 : vector<16xf32> to vector<1x16xf32>
    tpu.vector_store %arg9[%swap3A_420, %swap3A_421], %swap3A_424 {strides = array<i32>} : memref<64x16xf32, #tpu.memory_space<vmem>>, vector<1x16xf32>,
    %broadcast_in_dim3A_425 = arith.constant 0.000000e+00 : f32
    %broadcast_in_dim3A_426 = vector.broadcast %broadcast_in_dim3A_425 : f32 to vector<16xf32>
    %swap3A_427 = arith.constant 53 : i32
    %swap3A_428 = arith.index_cast %swap3A_427 : i32 to index
    %swap3A_429 = arith.constant 0 : index
    %swap3A_430 = tpu.vector_load %arg9[%swap3A_428, %swap3A_429] {strides = array<i32>} : memref<64x16xf32, #tpu.memory_space<vmem>>, vector<1x16xf32>,
    %swap3A_431 = vector.shape_cast %swap3A_430 : vector<1x16xf32> to vector<16xf32>
    %swap3A_432 = vector.shape_cast %broadcast_in_dim3A_426 : vector<16xf32> to vector<1x16xf32>
    tpu.vector_store %arg9[%swap3A_428, %swap3A_429], %swap3A_432 {strides = array<i32>} : memref<64x16xf32, #tpu.memory_space<vmem>>, vector<1x16xf32>,
    %broadcast_in_dim3A_433 = arith.constant 0.000000e+00 : f32
    %broadcast_in_dim3A_434 = vector.broadcast %broadcast_in_dim3A_433 : f32 to vector<16xf32>
    %swap3A_435 = arith.constant 54 : i32
    %swap3A_436 = arith.index_cast %swap3A_435 : i32 to index
    %swap3A_437 = arith.constant 0 : index
    %swap3A_438 = tpu.vector_load %arg9[%swap3A_436, %swap3A_437] {strides = array<i32>} : memref<64x16xf32, #tpu.memory_space<vmem>>, vector<1x16xf32>,
    %swap3A_439 = vector.shape_cast %swap3A_438 : vector<1x16xf32> to vector<16xf32>
    %swap3A_440 = vector.shape_cast %broadcast_in_dim3A_434 : vector<16xf32> to vector<1x16xf32>
    tpu.vector_store %arg9[%swap3A_436, %swap3A_437], %swap3A_440 {strides = array<i32>} : memref<64x16xf32, #tpu.memory_space<vmem>>, vector<1x16xf32>,
    %broadcast_in_dim3A_441 = arith.constant 0.000000e+00 : f32
    %broadcast_in_dim3A_442 = vector.broadcast %broadcast_in_dim3A_441 : f32 to vector<16xf32>
    %swap3A_443 = arith.constant 55 : i32
    %swap3A_444 = arith.index_cast %swap3A_443 : i32 to index
    %swap3A_445 = arith.constant 0 : index
    %swap3A_446 = tpu.vector_load %arg9[%swap3A_444, %swap3A_445] {strides = array<i32>} : memref<64x16xf32, #tpu.memory_space<vmem>>, vector<1x16xf32>,
    %swap3A_447 = vector.shape_cast %swap3A_446 : vector<1x16xf32> to vector<16xf32>
    %swap3A_448 = vector.shape_cast %broadcast_in_dim3A_442 : vector<16xf32> to vector<1x16xf32>
    tpu.vector_store %arg9[%swap3A_444, %swap3A_445], %swap3A_448 {strides = array<i32>} : memref<64x16xf32, #tpu.memory_space<vmem>>, vector<1x16xf32>,
    %broadcast_in_dim3A_449 = arith.constant 0.000000e+00 : f32
    %broadcast_in_dim3A_450 = vector.broadcast %broadcast_in_dim3A_449 : f32 to vector<16xf32>
    %swap3A_451 = arith.constant 56 : i32
    %swap3A_452 = arith.index_cast %swap3A_451 : i32 to index
    %swap3A_453 = arith.constant 0 : index
    %swap3A_454 = tpu.vector_load %arg9[%swap3A_452, %swap3A_453] {strides = array<i32>} : memref<64x16xf32, #tpu.memory_space<vmem>>, vector<1x16xf32>,
    %swap3A_455 = vector.shape_cast %swap3A_454 : vector<1x16xf32> to vector<16xf32>
    %swap3A_456 = vector.shape_cast %broadcast_in_dim3A_450 : vector<16xf32> to vector<1x16xf32>
    tpu.vector_store %arg9[%swap3A_452, %swap3A_453], %swap3A_456 {strides = array<i32>} : memref<64x16xf32, #tpu.memory_space<vmem>>, vector<1x16xf32>,
    %broadcast_in_dim3A_457 = arith.constant 0.000000e+00 : f32
    %broadcast_in_dim3A_458 = vector.broadcast %broadcast_in_dim3A_457 : f32 to vector<16xf32>
    %swap3A_459 = arith.constant 57 : i32
    %swap3A_460 = arith.index_cast %swap3A_459 : i32 to index
    %swap3A_461 = arith.constant 0 : index
    %swap3A_462 = tpu.vector_load %arg9[%swap3A_460, %swap3A_461] {strides = array<i32>} : memref<64x16xf32, #tpu.memory_space<vmem>>, vector<1x16xf32>,
    %swap3A_463 = vector.shape_cast %swap3A_462 : vector<1x16xf32> to vector<16xf32>
    %swap3A_464 = vector.shape_cast %broadcast_in_dim3A_458 : vector<16xf32> to vector<1x16xf32>
    tpu.vector_store %arg9[%swap3A_460, %swap3A_461], %swap3A_464 {strides = array<i32>} : memref<64x16xf32, #tpu.memory_space<vmem>>, vector<1x16xf32>,
    %broadcast_in_dim3A_465 = arith.constant 0.000000e+00 : f32
    %broadcast_in_dim3A_466 = vector.broadcast %broadcast_in_dim3A_465 : f32 to vector<16xf32>
    %swap3A_467 = arith.constant 58 : i32
    %swap3A_468 = arith.index_cast %swap3A_467 : i32 to index
    %swap3A_469 = arith.constant 0 : index
    %swap3A_470 = tpu.vector_load %arg9[%swap3A_468, %swap3A_469] {strides = array<i32>} : memref<64x16xf32, #tpu.memory_space<vmem>>, vector<1x16xf32>,
    %swap3A_471 = vector.shape_cast %swap3A_470 : vector<1x16xf32> to vector<16xf32>
    %swap3A_472 = vector.shape_cast %broadcast_in_dim3A_466 : vector<16xf32> to vector<1x16xf32>
    tpu.vector_store %arg9[%swap3A_468, %swap3A_469], %swap3A_472 {strides = array<i32>} : memref<64x16xf32, #tpu.memory_space<vmem>>, vector<1x16xf32>,
    %broadcast_in_dim3A_473 = arith.constant 0.000000e+00 : f32
    %broadcast_in_dim3A_474 = vector.broadcast %broadcast_in_dim3A_473 : f32 to vector<16xf32>
    %swap3A_475 = arith.constant 59 : i32
    %swap3A_476 = arith.index_cast %swap3A_475 : i32 to index
    %swap3A_477 = arith.constant 0 : index
    %swap3A_478 = tpu.vector_load %arg9[%swap3A_476, %swap3A_477] {strides = array<i32>} : memref<64x16xf32, #tpu.memory_space<vmem>>, vector<1x16xf32>,
    %swap3A_479 = vector.shape_cast %swap3A_478 : vector<1x16xf32> to vector<16xf32>
    %swap3A_480 = vector.shape_cast %broadcast_in_dim3A_474 : vector<16xf32> to vector<1x16xf32>
    tpu.vector_store %arg9[%swap3A_476, %swap3A_477], %swap3A_480 {strides = array<i32>} : memref<64x16xf32, #tpu.memory_space<vmem>>, vector<1x16xf32>,
    %broadcast_in_dim3A_481 = arith.constant 0.000000e+00 : f32
    %broadcast_in_dim3A_482 = vector.broadcast %broadcast_in_dim3A_481 : f32 to vector<16xf32>
    %swap3A_483 = arith.constant 60 : i32
    %swap3A_484 = arith.index_cast %swap3A_483 : i32 to index
    %swap3A_485 = arith.constant 0 : index
    %swap3A_486 = tpu.vector_load %arg9[%swap3A_484, %swap3A_485] {strides = array<i32>} : memref<64x16xf32, #tpu.memory_space<vmem>>, vector<1x16xf32>,
    %swap3A_487 = vector.shape_cast %swap3A_486 : vector<1x16xf32> to vector<16xf32>
    %swap3A_488 = vector.shape_cast %broadcast_in_dim3A_482 : vector<16xf32> to vector<1x16xf32>
    tpu.vector_store %arg9[%swap3A_484, %swap3A_485], %swap3A_488 {strides = array<i32>} : memref<64x16xf32, #tpu.memory_space<vmem>>, vector<1x16xf32>,
    %broadcast_in_dim3A_489 = arith.constant 0.000000e+00 : f32
    %broadcast_in_dim3A_490 = vector.broadcast %broadcast_in_dim3A_489 : f32 to vector<16xf32>
    %swap3A_491 = arith.constant 61 : i32
    %swap3A_492 = arith.index_cast %swap3A_491 : i32 to index
    %swap3A_493 = arith.constant 0 : index
    %swap3A_494 = tpu.vector_load %arg9[%swap3A_492, %swap3A_493] {strides = array<i32>} : memref<64x16xf32, #tpu.memory_space<vmem>>, vector<1x16xf32>,
    %swap3A_495 = vector.shape_cast %swap3A_494 : vector<1x16xf32> to vector<16xf32>
    %swap3A_496 = vector.shape_cast %broadcast_in_dim3A_490 : vector<16xf32> to vector<1x16xf32>
    tpu.vector_store %arg9[%swap3A_492, %swap3A_493], %swap3A_496 {strides = array<i32>} : memref<64x16xf32, #tpu.memory_space<vmem>>, vector<1x16xf32>,
    %broadcast_in_dim3A_497 = arith.constant 0.000000e+00 : f32
    %broadcast_in_dim3A_498 = vector.broadcast %broadcast_in_dim3A_497 : f32 to vector<16xf32>
    %swap3A_499 = arith.constant 62 : i32
    %swap3A_500 = arith.index_cast %swap3A_499 : i32 to index
    %swap3A_501 = arith.constant 0 : index
    %swap3A_502 = tpu.vector_load %arg9[%swap3A_500, %swap3A_501] {strides = array<i32>} : memref<64x16xf32, #tpu.memory_space<vmem>>, vector<1x16xf32>,
    %swap3A_503 = vector.shape_cast %swap3A_502 : vector<1x16xf32> to vector<16xf32>
    %swap3A_504 = vector.shape_cast %broadcast_in_dim3A_498 : vector<16xf32> to vector<1x16xf32>
    tpu.vector_store %arg9[%swap3A_500, %swap3A_501], %swap3A_504 {strides = array<i32>} : memref<64x16xf32, #tpu.memory_space<vmem>>, vector<1x16xf32>,
    %broadcast_in_dim3A_505 = arith.constant 0.000000e+00 : f32
    %broadcast_in_dim3A_506 = vector.broadcast %broadcast_in_dim3A_505 : f32 to vector<16xf32>
    %swap3A_507 = arith.constant 63 : i32
    %swap3A_508 = arith.index_cast %swap3A_507 : i32 to index
    %swap3A_509 = arith.constant 0 : index
    %swap3A_510 = tpu.vector_load %arg9[%swap3A_508, %swap3A_509] {strides = array<i32>} : memref<64x16xf32, #tpu.memory_space<vmem>>, vector<1x16xf32>,
    %swap3A_511 = vector.shape_cast %swap3A_510 : vector<1x16xf32> to vector<16xf32>
    %swap3A_512 = vector.shape_cast %broadcast_in_dim3A_506 : vector<16xf32> to vector<1x16xf32>
    tpu.vector_store %arg9[%swap3A_508, %swap3A_509], %swap3A_512 {strides = array<i32>} : memref<64x16xf32, #tpu.memory_space<vmem>>, vector<1x16xf32>,
    %scan3A = arith.constant 0 : i32
    %scan3A_513 = arith.constant 0 : i32
    %scan3A_514 = arith.constant 9 : i32
    %scan3A_515 = arith.addi %scan3A_513, %scan3A_514 : i32
    %scan3A_516 = arith.constant 1 : i32
    scf.for %scan3A_752 = %scan3A_513 to %scan3A_515 step %scan3A_516  : i32 {
      %mul3A_753 = arith.constant 64 : i32
      %mul3A_754 = arith.muli %scan3A_752, %mul3A_753 : i32
      %add3A_755 = arith.addi %mul3A_2, %mul3A_754 : i32
      "tpu.region"() ({
        %run_scoped3A_756 = tpu.sem_alloc : memref<!tpu.dma_semaphore, #tpu.memory_space<semaphore_mem>>
        %dma_start3A_757 = arith.constant 0 : i32
        %dma_start3A_758 = tpu.memref_slice %arg10[%add3A_755, %dma_start3A_757] : memref<10000x16xf32, #tpu.memory_space<vmem_shared>> -> memref<64x16xf32, #tpu.memory_space<vmem_shared>>
        %dma_start3A_759 = arith.constant 0 : i32
        %dma_start3A_760 = tpu.memref_slice %arg10[%add3A_755, %dma_start3A_759] : memref<10000x16xf32, #tpu.memory_space<vmem_shared>> -> memref<64x16xf32, #tpu.memory_space<vmem_shared>>
        tpu.enqueue_dma source(%arg9 : memref<64x16xf32, #tpu.memory_space<vmem>>) target(%dma_start3A_760 : memref<64x16xf32, #tpu.memory_space<vmem_shared>>) target_semaphore(%run_scoped3A_756 : memref<!tpu.dma_semaphore, #tpu.memory_space<semaphore_mem>>)
        %dma_wait3A_761 = arith.constant 0 : i32
        %dma_wait3A_762 = tpu.memref_slice %arg10[%add3A_755, %dma_wait3A_761] : memref<10000x16xf32, #tpu.memory_space<vmem_shared>> -> memref<64x16xf32, #tpu.memory_space<vmem_shared>>
        %dma_wait3A_763 = arith.constant 0 : i32
        %dma_wait3A_764 = tpu.memref_slice %arg10[%add3A_755, %dma_wait3A_763] : memref<10000x16xf32, #tpu.memory_space<vmem_shared>> -> memref<64x16xf32, #tpu.memory_space<vmem_shared>>
        tpu.wait_dma2 semaphore(%run_scoped3A_756 : memref<!tpu.dma_semaphore, #tpu.memory_space<semaphore_mem>>) src(%arg9 : memref<64x16xf32, #tpu.memory_space<vmem>>) dst(%dma_wait3A_764 : memref<64x16xf32, #tpu.memory_space<vmem_shared>>)
        tpu.yield
      }) : () -> ()
    }
    %scan3A_517 = arith.constant 9 : i32
    %add3A_518 = arith.constant 576 : i32
    %add3A_519 = arith.addi %mul3A_2, %add3A_518 : i32
    "tpu.region"() ({
      %run_scoped3A_752 = tpu.sem_alloc : memref<!tpu.dma_semaphore, #tpu.memory_space<semaphore_mem>>
      %dma_start3A_753 = arith.constant 0 : i32
      %dma_start3A_754 = arith.constant 0 : i32
      %dma_start3A_755 = tpu.memref_slice %arg9[%dma_start3A_753, %dma_start3A_754] : memref<64x16xf32, #tpu.memory_space<vmem>> -> memref<49x16xf32, #tpu.memory_space<vmem>>
      %dma_start3A_756 = arith.constant 0 : i32
      %dma_start3A_757 = tpu.memref_slice %arg10[%add3A_519, %dma_start3A_756] : memref<10000x16xf32, #tpu.memory_space<vmem_shared>> -> memref<49x16xf32, #tpu.memory_space<vmem_shared>>
      %dma_start3A_758 = arith.constant 0 : i32
      %dma_start3A_759 = tpu.memref_slice %arg10[%add3A_519, %dma_start3A_758] : memref<10000x16xf32, #tpu.memory_space<vmem_shared>> -> memref<49x16xf32, #tpu.memory_space<vmem_shared>>
      %dma_start3A_760 = arith.constant 0 : i32
      %dma_start3A_761 = arith.constant 0 : i32
      %dma_start3A_762 = tpu.memref_slice %arg9[%dma_start3A_760, %dma_start3A_761] : memref<64x16xf32, #tpu.memory_space<vmem>> -> memref<49x16xf32, #tpu.memory_space<vmem>>
      tpu.enqueue_dma source(%dma_start3A_762 : memref<49x16xf32, #tpu.memory_space<vmem>>) target(%dma_start3A_759 : memref<49x16xf32, #tpu.memory_space<vmem_shared>>) target_semaphore(%run_scoped3A_752 : memref<!tpu.dma_semaphore, #tpu.memory_space<semaphore_mem>>)
      %dma_wait3A_763 = arith.constant 0 : i32
      %dma_wait3A_764 = arith.constant 0 : i32
      %dma_wait3A_765 = tpu.memref_slice %arg9[%dma_wait3A_763, %dma_wait3A_764] : memref<64x16xf32, #tpu.memory_space<vmem>> -> memref<49x16xf32, #tpu.memory_space<vmem>>
      %dma_wait3A_766 = arith.constant 0 : i32
      %dma_wait3A_767 = tpu.memref_slice %arg10[%add3A_519, %dma_wait3A_766] : memref<10000x16xf32, #tpu.memory_space<vmem_shared>> -> memref<49x16xf32, #tpu.memory_space<vmem_shared>>
      %dma_wait3A_768 = arith.constant 0 : i32
      %dma_wait3A_769 = tpu.memref_slice %arg10[%add3A_519, %dma_wait3A_768] : memref<10000x16xf32, #tpu.memory_space<vmem_shared>> -> memref<49x16xf32, #tpu.memory_space<vmem_shared>>
      %dma_wait3A_770 = arith.constant 0 : i32
      %dma_wait3A_771 = arith.constant 0 : i32
      %dma_wait3A_772 = tpu.memref_slice %arg9[%dma_wait3A_770, %dma_wait3A_771] : memref<64x16xf32, #tpu.memory_space<vmem>> -> memref<49x16xf32, #tpu.memory_space<vmem>>
      tpu.wait_dma2 semaphore(%run_scoped3A_752 : memref<!tpu.dma_semaphore, #tpu.memory_space<semaphore_mem>>) src(%dma_wait3A_772 : memref<49x16xf32, #tpu.memory_space<vmem>>) dst(%dma_wait3A_769 : memref<49x16xf32, #tpu.memory_space<vmem_shared>>)
      tpu.yield
    }) : () -> ()
    %barrier3A = arith.constant 0 : index
    tpu.barrier barrier_id(%barrier3A)
    %mul3A_520 = arith.constant 10000 : i32
    %mul3A_521 = arith.muli %add3A, %mul3A_520 : i32
    %run_scoped3A = arith.constant 0 : i32
    "tpu.region"() ({
      %run_scoped3A_752 = tpu.sem_alloc : memref<!tpu.dma_semaphore, #tpu.memory_space<semaphore_mem>>
      %dma_start3A_753 = tpu.memref_slice %arg3[%run_scoped3A, %mul3A_521] : memref<2x320000xi32, #tpu.memory_space<hbm>> -> memref<1x10000xi32, #tpu.memory_space<hbm>>
      %dma_start3A_754 = tpu.memref_squeeze %dma_start3A_753 : memref<1x10000xi32, #tpu.memory_space<hbm>> -> memref<10000xi32, #tpu.memory_space<hbm>>
      %dma_start3A_755 = tpu.memref_slice %arg3[%run_scoped3A, %mul3A_521] : memref<2x320000xi32, #tpu.memory_space<hbm>> -> memref<1x10000xi32, #tpu.memory_space<hbm>>
      %dma_start3A_756 = tpu.memref_squeeze %dma_start3A_755 : memref<1x10000xi32, #tpu.memory_space<hbm>> -> memref<10000xi32, #tpu.memory_space<hbm>>
      tpu.enqueue_dma source(%dma_start3A_756 : memref<10000xi32, #tpu.memory_space<hbm>>) target(%arg5 : memref<10000xi32, #tpu.memory_space<vmem>>) target_semaphore(%run_scoped3A_752 : memref<!tpu.dma_semaphore, #tpu.memory_space<semaphore_mem>>)
      %dma_wait3A_757 = tpu.memref_slice %arg3[%run_scoped3A, %mul3A_521] : memref<2x320000xi32, #tpu.memory_space<hbm>> -> memref<1x10000xi32, #tpu.memory_space<hbm>>
      %dma_wait3A_758 = tpu.memref_squeeze %dma_wait3A_757 : memref<1x10000xi32, #tpu.memory_space<hbm>> -> memref<10000xi32, #tpu.memory_space<hbm>>
      %dma_wait3A_759 = tpu.memref_slice %arg3[%run_scoped3A, %mul3A_521] : memref<2x320000xi32, #tpu.memory_space<hbm>> -> memref<1x10000xi32, #tpu.memory_space<hbm>>
      %dma_wait3A_760 = tpu.memref_squeeze %dma_wait3A_759 : memref<1x10000xi32, #tpu.memory_space<hbm>> -> memref<10000xi32, #tpu.memory_space<hbm>>
      tpu.wait_dma2 semaphore(%run_scoped3A_752 : memref<!tpu.dma_semaphore, #tpu.memory_space<semaphore_mem>>) src(%dma_wait3A_760 : memref<10000xi32, #tpu.memory_space<hbm>>) dst(%arg5 : memref<10000xi32, #tpu.memory_space<vmem>>)
      tpu.yield
    }) : () -> ()
    %mul3A_522 = arith.constant 10000 : i32
    %mul3A_523 = arith.muli %add3A, %mul3A_522 : i32
    %run_scoped3A_524 = arith.constant 1 : i32
    "tpu.region"() ({
      %run_scoped3A_752 = tpu.sem_alloc : memref<!tpu.dma_semaphore, #tpu.memory_space<semaphore_mem>>
      %dma_start3A_753 = tpu.memref_slice %arg3[%run_scoped3A_524, %mul3A_523] : memref<2x320000xi32, #tpu.memory_space<hbm>> -> memref<1x10000xi32, #tpu.memory_space<hbm>>
      %dma_start3A_754 = tpu.memref_squeeze %dma_start3A_753 : memref<1x10000xi32, #tpu.memory_space<hbm>> -> memref<10000xi32, #tpu.memory_space<hbm>>
      %dma_start3A_755 = tpu.memref_slice %arg3[%run_scoped3A_524, %mul3A_523] : memref<2x320000xi32, #tpu.memory_space<hbm>> -> memref<1x10000xi32, #tpu.memory_space<hbm>>
      %dma_start3A_756 = tpu.memref_squeeze %dma_start3A_755 : memref<1x10000xi32, #tpu.memory_space<hbm>> -> memref<10000xi32, #tpu.memory_space<hbm>>
      tpu.enqueue_dma source(%dma_start3A_756 : memref<10000xi32, #tpu.memory_space<hbm>>) target(%arg6 : memref<10000xi32, #tpu.memory_space<vmem>>) target_semaphore(%run_scoped3A_752 : memref<!tpu.dma_semaphore, #tpu.memory_space<semaphore_mem>>)
      %dma_wait3A_757 = tpu.memref_slice %arg3[%run_scoped3A_524, %mul3A_523] : memref<2x320000xi32, #tpu.memory_space<hbm>> -> memref<1x10000xi32, #tpu.memory_space<hbm>>
      %dma_wait3A_758 = tpu.memref_squeeze %dma_wait3A_757 : memref<1x10000xi32, #tpu.memory_space<hbm>> -> memref<10000xi32, #tpu.memory_space<hbm>>
      %dma_wait3A_759 = tpu.memref_slice %arg3[%run_scoped3A_524, %mul3A_523] : memref<2x320000xi32, #tpu.memory_space<hbm>> -> memref<1x10000xi32, #tpu.memory_space<hbm>>
      %dma_wait3A_760 = tpu.memref_squeeze %dma_wait3A_759 : memref<1x10000xi32, #tpu.memory_space<hbm>> -> memref<10000xi32, #tpu.memory_space<hbm>>
      tpu.wait_dma2 semaphore(%run_scoped3A_752 : memref<!tpu.dma_semaphore, #tpu.memory_space<semaphore_mem>>) src(%dma_wait3A_760 : memref<10000xi32, #tpu.memory_space<hbm>>) dst(%arg6 : memref<10000xi32, #tpu.memory_space<vmem>>)
      tpu.yield
    }) : () -> ()
    %dma_start3A = arith.constant 0 : i32
    %dma_start3A_525 = arith.constant 0 : i32
    %dma_start3A_526 = arith.constant 0 : i32
    %dma_start3A_527 = arith.constant 0 : i32
    %dma_start3A_528 = tpu.memref_slice %arg7[%dma_start3A, %dma_start3A_526, %dma_start3A_527] : memref<8x128x16xf32, #tpu.memory_space<vmem>> -> memref<1x128x16xf32, #tpu.memory_space<vmem>>
    %dma_start3A_529 = tpu.memref_squeeze %dma_start3A_528 : memref<1x128x16xf32, #tpu.memory_space<vmem>> -> memref<128x16xf32, #tpu.memory_space<vmem>>
    %dma_start3A_530 = arith.constant 0 : i32
    %dma_start3A_531 = tpu.memref_slice %arg5[%dma_start3A_530] : memref<10000xi32, #tpu.memory_space<vmem>> -> memref<128xi32, #tpu.memory_space<vmem>>
    %dma_start3A_532 = arith.constant 0 : i32
    %dma_start3A_533 = arith.constant 0 : i32
    %dma_start3A_534 = tpu.memref_slice %arg2[%dma_start3A_532, %dma_start3A_533] : memref<10000x16xf32, #tpu.memory_space<hbm>> -> memref<10000x16xf32, #tpu.memory_space<hbm>>
    %dma_start3A_535 = tpu.memref_slice %arg11[%dma_start3A_525] : memref<8x!tpu.dma_semaphore, #tpu.memory_space<semaphore_mem>> -> memref<1x!tpu.dma_semaphore, #tpu.memory_space<semaphore_mem>>
    %dma_start3A_536 = tpu.memref_squeeze %dma_start3A_535 : memref<1x!tpu.dma_semaphore, #tpu.memory_space<semaphore_mem>> -> memref<!tpu.dma_semaphore, #tpu.memory_space<semaphore_mem>>
    tpu.enqueue_indirect_dma source(%dma_start3A_534 : memref<10000x16xf32, #tpu.memory_space<hbm>>) target(%dma_start3A_529 : memref<128x16xf32, #tpu.memory_space<vmem>>) offsets(%dma_start3A_531 : memref<128xi32, #tpu.memory_space<vmem>>) semaphore(%dma_start3A_536 : memref<!tpu.dma_semaphore, #tpu.memory_space<semaphore_mem>>)
    %dma_start3A_537 = arith.constant 1 : i32
    %dma_start3A_538 = arith.constant 1 : i32
    %dma_start3A_539 = arith.constant 0 : i32
    %dma_start3A_540 = arith.constant 0 : i32
    %dma_start3A_541 = tpu.memref_slice %arg7[%dma_start3A_537, %dma_start3A_539, %dma_start3A_540] : memref<8x128x16xf32, #tpu.memory_space<vmem>> -> memref<1x128x16xf32, #tpu.memory_space<vmem>>
    %dma_start3A_542 = tpu.memref_squeeze %dma_start3A_541 : memref<1x128x16xf32, #tpu.memory_space<vmem>> -> memref<128x16xf32, #tpu.memory_space<vmem>>
    %dma_start3A_543 = arith.constant 128 : i32
    %dma_start3A_544 = tpu.memref_slice %arg5[%dma_start3A_543] : memref<10000xi32, #tpu.memory_space<vmem>> -> memref<128xi32, #tpu.memory_space<vmem>>
    %dma_start3A_545 = arith.constant 0 : i32
    %dma_start3A_546 = arith.constant 0 : i32
    %dma_start3A_547 = tpu.memref_slice %arg2[%dma_start3A_545, %dma_start3A_546] : memref<10000x16xf32, #tpu.memory_space<hbm>> -> memref<10000x16xf32, #tpu.memory_space<hbm>>
    %dma_start3A_548 = tpu.memref_slice %arg11[%dma_start3A_538] : memref<8x!tpu.dma_semaphore, #tpu.memory_space<semaphore_mem>> -> memref<1x!tpu.dma_semaphore, #tpu.memory_space<semaphore_mem>>
    %dma_start3A_549 = tpu.memref_squeeze %dma_start3A_548 : memref<1x!tpu.dma_semaphore, #tpu.memory_space<semaphore_mem>> -> memref<!tpu.dma_semaphore, #tpu.memory_space<semaphore_mem>>
    tpu.enqueue_indirect_dma source(%dma_start3A_547 : memref<10000x16xf32, #tpu.memory_space<hbm>>) target(%dma_start3A_542 : memref<128x16xf32, #tpu.memory_space<vmem>>) offsets(%dma_start3A_544 : memref<128xi32, #tpu.memory_space<vmem>>) semaphore(%dma_start3A_549 : memref<!tpu.dma_semaphore, #tpu.memory_space<semaphore_mem>>)
    %dma_start3A_550 = arith.constant 2 : i32
    %dma_start3A_551 = arith.constant 2 : i32
    %dma_start3A_552 = arith.constant 0 : i32
    %dma_start3A_553 = arith.constant 0 : i32
    %dma_start3A_554 = tpu.memref_slice %arg7[%dma_start3A_550, %dma_start3A_552, %dma_start3A_553] : memref<8x128x16xf32, #tpu.memory_space<vmem>> -> memref<1x128x16xf32, #tpu.memory_space<vmem>>
    %dma_start3A_555 = tpu.memref_squeeze %dma_start3A_554 : memref<1x128x16xf32, #tpu.memory_space<vmem>> -> memref<128x16xf32, #tpu.memory_space<vmem>>
    %dma_start3A_556 = arith.constant 256 : i32
    %dma_start3A_557 = tpu.memref_slice %arg5[%dma_start3A_556] : memref<10000xi32, #tpu.memory_space<vmem>> -> memref<128xi32, #tpu.memory_space<vmem>>
    %dma_start3A_558 = arith.constant 0 : i32
    %dma_start3A_559 = arith.constant 0 : i32
    %dma_start3A_560 = tpu.memref_slice %arg2[%dma_start3A_558, %dma_start3A_559] : memref<10000x16xf32, #tpu.memory_space<hbm>> -> memref<10000x16xf32, #tpu.memory_space<hbm>>
    %dma_start3A_561 = tpu.memref_slice %arg11[%dma_start3A_551] : memref<8x!tpu.dma_semaphore, #tpu.memory_space<semaphore_mem>> -> memref<1x!tpu.dma_semaphore, #tpu.memory_space<semaphore_mem>>
    %dma_start3A_562 = tpu.memref_squeeze %dma_start3A_561 : memref<1x!tpu.dma_semaphore, #tpu.memory_space<semaphore_mem>> -> memref<!tpu.dma_semaphore, #tpu.memory_space<semaphore_mem>>
    tpu.enqueue_indirect_dma source(%dma_start3A_560 : memref<10000x16xf32, #tpu.memory_space<hbm>>) target(%dma_start3A_555 : memref<128x16xf32, #tpu.memory_space<vmem>>) offsets(%dma_start3A_557 : memref<128xi32, #tpu.memory_space<vmem>>) semaphore(%dma_start3A_562 : memref<!tpu.dma_semaphore, #tpu.memory_space<semaphore_mem>>)
    %dma_start3A_563 = arith.constant 3 : i32
    %dma_start3A_564 = arith.constant 3 : i32
    %dma_start3A_565 = arith.constant 0 : i32
    %dma_start3A_566 = arith.constant 0 : i32
    %dma_start3A_567 = tpu.memref_slice %arg7[%dma_start3A_563, %dma_start3A_565, %dma_start3A_566] : memref<8x128x16xf32, #tpu.memory_space<vmem>> -> memref<1x128x16xf32, #tpu.memory_space<vmem>>
    %dma_start3A_568 = tpu.memref_squeeze %dma_start3A_567 : memref<1x128x16xf32, #tpu.memory_space<vmem>> -> memref<128x16xf32, #tpu.memory_space<vmem>>
    %dma_start3A_569 = arith.constant 384 : i32
    %dma_start3A_570 = tpu.memref_slice %arg5[%dma_start3A_569] : memref<10000xi32, #tpu.memory_space<vmem>> -> memref<128xi32, #tpu.memory_space<vmem>>
    %dma_start3A_571 = arith.constant 0 : i32
    %dma_start3A_572 = arith.constant 0 : i32
    %dma_start3A_573 = tpu.memref_slice %arg2[%dma_start3A_571, %dma_start3A_572] : memref<10000x16xf32, #tpu.memory_space<hbm>> -> memref<10000x16xf32, #tpu.memory_space<hbm>>
    %dma_start3A_574 = tpu.memref_slice %arg11[%dma_start3A_564] : memref<8x!tpu.dma_semaphore, #tpu.memory_space<semaphore_mem>> -> memref<1x!tpu.dma_semaphore, #tpu.memory_space<semaphore_mem>>
    %dma_start3A_575 = tpu.memref_squeeze %dma_start3A_574 : memref<1x!tpu.dma_semaphore, #tpu.memory_space<semaphore_mem>> -> memref<!tpu.dma_semaphore, #tpu.memory_space<semaphore_mem>>
    tpu.enqueue_indirect_dma source(%dma_start3A_573 : memref<10000x16xf32, #tpu.memory_space<hbm>>) target(%dma_start3A_568 : memref<128x16xf32, #tpu.memory_space<vmem>>) offsets(%dma_start3A_570 : memref<128xi32, #tpu.memory_space<vmem>>) semaphore(%dma_start3A_575 : memref<!tpu.dma_semaphore, #tpu.memory_space<semaphore_mem>>)
    %dma_start3A_576 = arith.constant 4 : i32
    %dma_start3A_577 = arith.constant 4 : i32
    %dma_start3A_578 = arith.constant 0 : i32
    %dma_start3A_579 = arith.constant 0 : i32
    %dma_start3A_580 = tpu.memref_slice %arg7[%dma_start3A_576, %dma_start3A_578, %dma_start3A_579] : memref<8x128x16xf32, #tpu.memory_space<vmem>> -> memref<1x128x16xf32, #tpu.memory_space<vmem>>
    %dma_start3A_581 = tpu.memref_squeeze %dma_start3A_580 : memref<1x128x16xf32, #tpu.memory_space<vmem>> -> memref<128x16xf32, #tpu.memory_space<vmem>>
    %dma_start3A_582 = arith.constant 512 : i32
    %dma_start3A_583 = tpu.memref_slice %arg5[%dma_start3A_582] : memref<10000xi32, #tpu.memory_space<vmem>> -> memref<128xi32, #tpu.memory_space<vmem>>
    %dma_start3A_584 = arith.constant 0 : i32
    %dma_start3A_585 = arith.constant 0 : i32
    %dma_start3A_586 = tpu.memref_slice %arg2[%dma_start3A_584, %dma_start3A_585] : memref<10000x16xf32, #tpu.memory_space<hbm>> -> memref<10000x16xf32, #tpu.memory_space<hbm>>
    %dma_start3A_587 = tpu.memref_slice %arg11[%dma_start3A_577] : memref<8x!tpu.dma_semaphore, #tpu.memory_space<semaphore_mem>> -> memref<1x!tpu.dma_semaphore, #tpu.memory_space<semaphore_mem>>
    %dma_start3A_588 = tpu.memref_squeeze %dma_start3A_587 : memref<1x!tpu.dma_semaphore, #tpu.memory_space<semaphore_mem>> -> memref<!tpu.dma_semaphore, #tpu.memory_space<semaphore_mem>>
    tpu.enqueue_indirect_dma source(%dma_start3A_586 : memref<10000x16xf32, #tpu.memory_space<hbm>>) target(%dma_start3A_581 : memref<128x16xf32, #tpu.memory_space<vmem>>) offsets(%dma_start3A_583 : memref<128xi32, #tpu.memory_space<vmem>>) semaphore(%dma_start3A_588 : memref<!tpu.dma_semaphore, #tpu.memory_space<semaphore_mem>>)
    %dma_start3A_589 = arith.constant 5 : i32
    %dma_start3A_590 = arith.constant 5 : i32
    %dma_start3A_591 = arith.constant 0 : i32
    %dma_start3A_592 = arith.constant 0 : i32
    %dma_start3A_593 = tpu.memref_slice %arg7[%dma_start3A_589, %dma_start3A_591, %dma_start3A_592] : memref<8x128x16xf32, #tpu.memory_space<vmem>> -> memref<1x128x16xf32, #tpu.memory_space<vmem>>
    %dma_start3A_594 = tpu.memref_squeeze %dma_start3A_593 : memref<1x128x16xf32, #tpu.memory_space<vmem>> -> memref<128x16xf32, #tpu.memory_space<vmem>>
    %dma_start3A_595 = arith.constant 640 : i32
    %dma_start3A_596 = tpu.memref_slice %arg5[%dma_start3A_595] : memref<10000xi32, #tpu.memory_space<vmem>> -> memref<128xi32, #tpu.memory_space<vmem>>
    %dma_start3A_597 = arith.constant 0 : i32
    %dma_start3A_598 = arith.constant 0 : i32
    %dma_start3A_599 = tpu.memref_slice %arg2[%dma_start3A_597, %dma_start3A_598] : memref<10000x16xf32, #tpu.memory_space<hbm>> -> memref<10000x16xf32, #tpu.memory_space<hbm>>
    %dma_start3A_600 = tpu.memref_slice %arg11[%dma_start3A_590] : memref<8x!tpu.dma_semaphore, #tpu.memory_space<semaphore_mem>> -> memref<1x!tpu.dma_semaphore, #tpu.memory_space<semaphore_mem>>
    %dma_start3A_601 = tpu.memref_squeeze %dma_start3A_600 : memref<1x!tpu.dma_semaphore, #tpu.memory_space<semaphore_mem>> -> memref<!tpu.dma_semaphore, #tpu.memory_space<semaphore_mem>>
    tpu.enqueue_indirect_dma source(%dma_start3A_599 : memref<10000x16xf32, #tpu.memory_space<hbm>>) target(%dma_start3A_594 : memref<128x16xf32, #tpu.memory_space<vmem>>) offsets(%dma_start3A_596 : memref<128xi32, #tpu.memory_space<vmem>>) semaphore(%dma_start3A_601 : memref<!tpu.dma_semaphore, #tpu.memory_space<semaphore_mem>>)
    %dma_start3A_602 = arith.constant 6 : i32
    %dma_start3A_603 = arith.constant 6 : i32
    %dma_start3A_604 = arith.constant 0 : i32
    %dma_start3A_605 = arith.constant 0 : i32
    %dma_start3A_606 = tpu.memref_slice %arg7[%dma_start3A_602, %dma_start3A_604, %dma_start3A_605] : memref<8x128x16xf32, #tpu.memory_space<vmem>> -> memref<1x128x16xf32, #tpu.memory_space<vmem>>
    %dma_start3A_607 = tpu.memref_squeeze %dma_start3A_606 : memref<1x128x16xf32, #tpu.memory_space<vmem>> -> memref<128x16xf32, #tpu.memory_space<vmem>>
    %dma_start3A_608 = arith.constant 768 : i32
    %dma_start3A_609 = tpu.memref_slice %arg5[%dma_start3A_608] : memref<10000xi32, #tpu.memory_space<vmem>> -> memref<128xi32, #tpu.memory_space<vmem>>
    %dma_start3A_610 = arith.constant 0 : i32
    %dma_start3A_611 = arith.constant 0 : i32
    %dma_start3A_612 = tpu.memref_slice %arg2[%dma_start3A_610, %dma_start3A_611] : memref<10000x16xf32, #tpu.memory_space<hbm>> -> memref<10000x16xf32, #tpu.memory_space<hbm>>
    %dma_start3A_613 = tpu.memref_slice %arg11[%dma_start3A_603] : memref<8x!tpu.dma_semaphore, #tpu.memory_space<semaphore_mem>> -> memref<1x!tpu.dma_semaphore, #tpu.memory_space<semaphore_mem>>
    %dma_start3A_614 = tpu.memref_squeeze %dma_start3A_613 : memref<1x!tpu.dma_semaphore, #tpu.memory_space<semaphore_mem>> -> memref<!tpu.dma_semaphore, #tpu.memory_space<semaphore_mem>>
    tpu.enqueue_indirect_dma source(%dma_start3A_612 : memref<10000x16xf32, #tpu.memory_space<hbm>>) target(%dma_start3A_607 : memref<128x16xf32, #tpu.memory_space<vmem>>) offsets(%dma_start3A_609 : memref<128xi32, #tpu.memory_space<vmem>>) semaphore(%dma_start3A_614 : memref<!tpu.dma_semaphore, #tpu.memory_space<semaphore_mem>>)
    %dma_start3A_615 = arith.constant 7 : i32
    %dma_start3A_616 = arith.constant 7 : i32
    %dma_start3A_617 = arith.constant 0 : i32
    %dma_start3A_618 = arith.constant 0 : i32
    %dma_start3A_619 = tpu.memref_slice %arg7[%dma_start3A_615, %dma_start3A_617, %dma_start3A_618] : memref<8x128x16xf32, #tpu.memory_space<vmem>> -> memref<1x128x16xf32, #tpu.memory_space<vmem>>
    %dma_start3A_620 = tpu.memref_squeeze %dma_start3A_619 : memref<1x128x16xf32, #tpu.memory_space<vmem>> -> memref<128x16xf32, #tpu.memory_space<vmem>>
    %dma_start3A_621 = arith.constant 896 : i32
    %dma_start3A_622 = tpu.memref_slice %arg5[%dma_start3A_621] : memref<10000xi32, #tpu.memory_space<vmem>> -> memref<128xi32, #tpu.memory_space<vmem>>
    %dma_start3A_623 = arith.constant 0 : i32
    %dma_start3A_624 = arith.constant 0 : i32
    %dma_start3A_625 = tpu.memref_slice %arg2[%dma_start3A_623, %dma_start3A_624] : memref<10000x16xf32, #tpu.memory_space<hbm>> -> memref<10000x16xf32, #tpu.memory_space<hbm>>
    %dma_start3A_626 = tpu.memref_slice %arg11[%dma_start3A_616] : memref<8x!tpu.dma_semaphore, #tpu.memory_space<semaphore_mem>> -> memref<1x!tpu.dma_semaphore, #tpu.memory_space<semaphore_mem>>
    %dma_start3A_627 = tpu.memref_squeeze %dma_start3A_626 : memref<1x!tpu.dma_semaphore, #tpu.memory_space<semaphore_mem>> -> memref<!tpu.dma_semaphore, #tpu.memory_space<semaphore_mem>>
    tpu.enqueue_indirect_dma source(%dma_start3A_625 : memref<10000x16xf32, #tpu.memory_space<hbm>>) target(%dma_start3A_620 : memref<128x16xf32, #tpu.memory_space<vmem>>) offsets(%dma_start3A_622 : memref<128xi32, #tpu.memory_space<vmem>>) semaphore(%dma_start3A_627 : memref<!tpu.dma_semaphore, #tpu.memory_space<semaphore_mem>>)
    %scan3A_628 = arith.constant 0 : i32
    %scan3A_629 = arith.constant 0 : i32
    %scan3A_630 = arith.constant 10 : i32
    %scan3A_631 = arith.addi %scan3A_629, %scan3A_630 : i32
    %scan3A_632 = arith.constant 1 : i32
    scf.for %scan3A_752 = %scan3A_629 to %scan3A_631 step %scan3A_632  : i32 {
      %mul3A_753 = arith.constant 8 : i32
      %mul3A_754 = arith.muli %scan3A_752, %mul3A_753 : i32
      %add3A_755 = arith.constant 0 : i32
      %add3A_756 = arith.addi %mul3A_754, %add3A_755 : i32
      %lt3A = arith.constant 78 : i32
      %lt3A_757 = arith.cmpi slt, %add3A_756, %lt3A : i32
      %convert_element_type3A = arith.extui %lt3A_757 : i1 to i32
      %cond3A = arith.constant 0 : i32
      %cond3A_758 = arith.cmpi ne, %convert_element_type3A, %cond3A : i32
      scf.if %cond3A_758 {
        %mul3A_878 = arith.constant 128 : i32
        %mul3A_879 = arith.muli %add3A_756, %mul3A_878 : i32
        %dma_wait3A_880 = arith.constant 0 : i32
        %dma_wait3A_881 = arith.constant 0 : i32
        %dma_wait3A_882 = arith.constant 0 : i32
        %dma_wait3A_883 = arith.constant 0 : i32
        %dma_wait3A_884 = tpu.memref_slice %arg7[%dma_wait3A_880, %dma_wait3A_882, %dma_wait3A_883] : memref<8x128x16xf32, #tpu.memory_space<vmem>> -> memref<1x128x16xf32, #tpu.memory_space<vmem>>
        %dma_wait3A_885 = tpu.memref_squeeze %dma_wait3A_884 : memref<1x128x16xf32, #tpu.memory_space<vmem>> -> memref<128x16xf32, #tpu.memory_space<vmem>>
        %dma_wait3A_886 = tpu.memref_slice %arg5[%mul3A_879] : memref<10000xi32, #tpu.memory_space<vmem>> -> memref<128xi32, #tpu.memory_space<vmem>>
        %dma_wait3A_887 = arith.constant 0 : i32
        %dma_wait3A_888 = arith.constant 0 : i32
        %dma_wait3A_889 = tpu.memref_slice %arg2[%dma_wait3A_887, %dma_wait3A_888] : memref<10000x16xf32, #tpu.memory_space<hbm>> -> memref<10000x16xf32, #tpu.memory_space<hbm>>
        %dma_wait3A_890 = tpu.memref_slice %arg11[%dma_wait3A_881] : memref<8x!tpu.dma_semaphore, #tpu.memory_space<semaphore_mem>> -> memref<1x!tpu.dma_semaphore, #tpu.memory_space<semaphore_mem>>
        %dma_wait3A_891 = tpu.memref_squeeze %dma_wait3A_890 : memref<1x!tpu.dma_semaphore, #tpu.memory_space<semaphore_mem>> -> memref<!tpu.dma_semaphore, #tpu.memory_space<semaphore_mem>>
        tpu.wait_indirect_dma semaphore(%dma_wait3A_891 : memref<!tpu.dma_semaphore, #tpu.memory_space<semaphore_mem>>) src(%dma_wait3A_889 : memref<10000x16xf32, #tpu.memory_space<hbm>>) dst(%dma_wait3A_885 : memref<128x16xf32, #tpu.memory_space<vmem>>)
        %mul3A_892 = arith.constant 128 : i32
        %mul3A_893 = arith.muli %add3A_756, %mul3A_892 : i32
        %dma_start3A_894 = arith.constant 0 : i32
        %dma_start3A_895 = arith.constant 0 : i32
        %dma_start3A_896 = arith.constant 0 : i32
        %dma_start3A_897 = arith.constant 0 : i32
        %dma_start3A_898 = tpu.memref_slice %arg7[%dma_start3A_894, %dma_start3A_896, %dma_start3A_897] : memref<8x128x16xf32, #tpu.memory_space<vmem>> -> memref<1x128x16xf32, #tpu.memory_space<vmem>>
        %dma_start3A_899 = tpu.memref_squeeze %dma_start3A_898 : memref<1x128x16xf32, #tpu.memory_space<vmem>> -> memref<128x16xf32, #tpu.memory_space<vmem>>
        %dma_start3A_900 = tpu.memref_slice %arg6[%mul3A_893] : memref<10000xi32, #tpu.memory_space<vmem>> -> memref<128xi32, #tpu.memory_space<vmem>>
        %dma_start3A_901 = arith.constant 0 : i32
        %dma_start3A_902 = arith.constant 0 : i32
        %dma_start3A_903 = tpu.memref_slice %arg10[%dma_start3A_901, %dma_start3A_902] : memref<10000x16xf32, #tpu.memory_space<vmem_shared>> -> memref<10000x16xf32, #tpu.memory_space<vmem_shared>>
        %dma_start3A_904 = tpu.memref_slice %arg12[%dma_start3A_895] : memref<8x!tpu.dma_semaphore, #tpu.memory_space<semaphore_mem>> -> memref<1x!tpu.dma_semaphore, #tpu.memory_space<semaphore_mem>>
        %dma_start3A_905 = tpu.memref_squeeze %dma_start3A_904 : memref<1x!tpu.dma_semaphore, #tpu.memory_space<semaphore_mem>> -> memref<!tpu.dma_semaphore, #tpu.memory_space<semaphore_mem>>
        tpu.enqueue_indirect_dma source(%dma_start3A_899 : memref<128x16xf32, #tpu.memory_space<vmem>>) target(%dma_start3A_903 : memref<10000x16xf32, #tpu.memory_space<vmem_shared>>) offsets(%dma_start3A_900 : memref<128xi32, #tpu.memory_space<vmem>>) semaphore(%dma_start3A_905 : memref<!tpu.dma_semaphore, #tpu.memory_space<semaphore_mem>>) {add = true}
      } else {
      }
      %add3A_759 = arith.constant 8 : i32
      %add3A_760 = arith.addi %add3A_756, %add3A_759 : i32
      %lt3A_761 = arith.constant 78 : i32
      %lt3A_762 = arith.cmpi slt, %add3A_760, %lt3A_761 : i32
      %convert_element_type3A_763 = arith.extui %lt3A_762 : i1 to i32
      %cond3A_764 = arith.constant 0 : i32
      %cond3A_765 = arith.cmpi ne, %convert_element_type3A_763, %cond3A_764 : i32
      scf.if %cond3A_765 {
        %mul3A_878 = arith.constant 128 : i32
        %mul3A_879 = arith.muli %add3A_756, %mul3A_878 : i32
        %dma_wait3A_880 = arith.constant 0 : i32
        %dma_wait3A_881 = arith.constant 0 : i32
        %dma_wait3A_882 = arith.constant 0 : i32
        %dma_wait3A_883 = arith.constant 0 : i32
        %dma_wait3A_884 = tpu.memref_slice %arg7[%dma_wait3A_880, %dma_wait3A_882, %dma_wait3A_883] : memref<8x128x16xf32, #tpu.memory_space<vmem>> -> memref<1x128x16xf32, #tpu.memory_space<vmem>>
        %dma_wait3A_885 = tpu.memref_squeeze %dma_wait3A_884 : memref<1x128x16xf32, #tpu.memory_space<vmem>> -> memref<128x16xf32, #tpu.memory_space<vmem>>
        %dma_wait3A_886 = tpu.memref_slice %arg6[%mul3A_879] : memref<10000xi32, #tpu.memory_space<vmem>> -> memref<128xi32, #tpu.memory_space<vmem>>
        %dma_wait3A_887 = arith.constant 0 : i32
        %dma_wait3A_888 = arith.constant 0 : i32
        %dma_wait3A_889 = tpu.memref_slice %arg10[%dma_wait3A_887, %dma_wait3A_888] : memref<10000x16xf32, #tpu.memory_space<vmem_shared>> -> memref<10000x16xf32, #tpu.memory_space<vmem_shared>>
        %dma_wait3A_890 = tpu.memref_slice %arg12[%dma_wait3A_881] : memref<8x!tpu.dma_semaphore, #tpu.memory_space<semaphore_mem>> -> memref<1x!tpu.dma_semaphore, #tpu.memory_space<semaphore_mem>>
        %dma_wait3A_891 = tpu.memref_squeeze %dma_wait3A_890 : memref<1x!tpu.dma_semaphore, #tpu.memory_space<semaphore_mem>> -> memref<!tpu.dma_semaphore, #tpu.memory_space<semaphore_mem>>
        tpu.wait_indirect_dma semaphore(%dma_wait3A_891 : memref<!tpu.dma_semaphore, #tpu.memory_space<semaphore_mem>>) src(%dma_wait3A_885 : memref<128x16xf32, #tpu.memory_space<vmem>>) dst(%dma_wait3A_889 : memref<10000x16xf32, #tpu.memory_space<vmem_shared>>)
        %add3A_892 = arith.constant 8 : i32
        %add3A_893 = arith.addi %add3A_756, %add3A_892 : i32
        %mul3A_894 = arith.constant 128 : i32
        %mul3A_895 = arith.muli %add3A_893, %mul3A_894 : i32
        %dma_start3A_896 = arith.constant 0 : i32
        %dma_start3A_897 = arith.constant 0 : i32
        %dma_start3A_898 = arith.constant 0 : i32
        %dma_start3A_899 = arith.constant 0 : i32
        %dma_start3A_900 = tpu.memref_slice %arg7[%dma_start3A_896, %dma_start3A_898, %dma_start3A_899] : memref<8x128x16xf32, #tpu.memory_space<vmem>> -> memref<1x128x16xf32, #tpu.memory_space<vmem>>
        %dma_start3A_901 = tpu.memref_squeeze %dma_start3A_900 : memref<1x128x16xf32, #tpu.memory_space<vmem>> -> memref<128x16xf32, #tpu.memory_space<vmem>>
        %dma_start3A_902 = tpu.memref_slice %arg5[%mul3A_895] : memref<10000xi32, #tpu.memory_space<vmem>> -> memref<128xi32, #tpu.memory_space<vmem>>
        %dma_start3A_903 = arith.constant 0 : i32
        %dma_start3A_904 = arith.constant 0 : i32
        %dma_start3A_905 = tpu.memref_slice %arg2[%dma_start3A_903, %dma_start3A_904] : memref<10000x16xf32, #tpu.memory_space<hbm>> -> memref<10000x16xf32, #tpu.memory_space<hbm>>
        %dma_start3A_906 = tpu.memref_slice %arg11[%dma_start3A_897] : memref<8x!tpu.dma_semaphore, #tpu.memory_space<semaphore_mem>> -> memref<1x!tpu.dma_semaphore, #tpu.memory_space<semaphore_mem>>
        %dma_start3A_907 = tpu.memref_squeeze %dma_start3A_906 : memref<1x!tpu.dma_semaphore, #tpu.memory_space<semaphore_mem>> -> memref<!tpu.dma_semaphore, #tpu.memory_space<semaphore_mem>>
        tpu.enqueue_indirect_dma source(%dma_start3A_905 : memref<10000x16xf32, #tpu.memory_space<hbm>>) target(%dma_start3A_901 : memref<128x16xf32, #tpu.memory_space<vmem>>) offsets(%dma_start3A_902 : memref<128xi32, #tpu.memory_space<vmem>>) semaphore(%dma_start3A_907 : memref<!tpu.dma_semaphore, #tpu.memory_space<semaphore_mem>>)
      } else {
      }
      %mul3A_766 = arith.constant 8 : i32
      %mul3A_767 = arith.muli %scan3A_752, %mul3A_766 : i32
      %add3A_768 = arith.constant 1 : i32
      %add3A_769 = arith.addi %mul3A_767, %add3A_768 : i32
      %lt3A_770 = arith.constant 78 : i32
      %lt3A_771 = arith.cmpi slt, %add3A_769, %lt3A_770 : i32
      %convert_element_type3A_772 = arith.extui %lt3A_771 : i1 to i32
      %cond3A_773 = arith.constant 0 : i32
      %cond3A_774 = arith.cmpi ne, %convert_element_type3A_772, %cond3A_773 : i32
      scf.if %cond3A_774 {
        %mul3A_878 = arith.constant 128 : i32
        %mul3A_879 = arith.muli %add3A_769, %mul3A_878 : i32
        %dma_wait3A_880 = arith.constant 1 : i32
        %dma_wait3A_881 = arith.constant 1 : i32
        %dma_wait3A_882 = arith.constant 0 : i32
        %dma_wait3A_883 = arith.constant 0 : i32
        %dma_wait3A_884 = tpu.memref_slice %arg7[%dma_wait3A_880, %dma_wait3A_882, %dma_wait3A_883] : memref<8x128x16xf32, #tpu.memory_space<vmem>> -> memref<1x128x16xf32, #tpu.memory_space<vmem>>
        %dma_wait3A_885 = tpu.memref_squeeze %dma_wait3A_884 : memref<1x128x16xf32, #tpu.memory_space<vmem>> -> memref<128x16xf32, #tpu.memory_space<vmem>>
        %dma_wait3A_886 = tpu.memref_slice %arg5[%mul3A_879] : memref<10000xi32, #tpu.memory_space<vmem>> -> memref<128xi32, #tpu.memory_space<vmem>>
        %dma_wait3A_887 = arith.constant 0 : i32
        %dma_wait3A_888 = arith.constant 0 : i32
        %dma_wait3A_889 = tpu.memref_slice %arg2[%dma_wait3A_887, %dma_wait3A_888] : memref<10000x16xf32, #tpu.memory_space<hbm>> -> memref<10000x16xf32, #tpu.memory_space<hbm>>
        %dma_wait3A_890 = tpu.memref_slice %arg11[%dma_wait3A_881] : memref<8x!tpu.dma_semaphore, #tpu.memory_space<semaphore_mem>> -> memref<1x!tpu.dma_semaphore, #tpu.memory_space<semaphore_mem>>
        %dma_wait3A_891 = tpu.memref_squeeze %dma_wait3A_890 : memref<1x!tpu.dma_semaphore, #tpu.memory_space<semaphore_mem>> -> memref<!tpu.dma_semaphore, #tpu.memory_space<semaphore_mem>>
        tpu.wait_indirect_dma semaphore(%dma_wait3A_891 : memref<!tpu.dma_semaphore, #tpu.memory_space<semaphore_mem>>) src(%dma_wait3A_889 : memref<10000x16xf32, #tpu.memory_space<hbm>>) dst(%dma_wait3A_885 : memref<128x16xf32, #tpu.memory_space<vmem>>)
        %mul3A_892 = arith.constant 128 : i32
        %mul3A_893 = arith.muli %add3A_769, %mul3A_892 : i32
        %dma_start3A_894 = arith.constant 1 : i32
        %dma_start3A_895 = arith.constant 1 : i32
        %dma_start3A_896 = arith.constant 0 : i32
        %dma_start3A_897 = arith.constant 0 : i32
        %dma_start3A_898 = tpu.memref_slice %arg7[%dma_start3A_894, %dma_start3A_896, %dma_start3A_897] : memref<8x128x16xf32, #tpu.memory_space<vmem>> -> memref<1x128x16xf32, #tpu.memory_space<vmem>>
        %dma_start3A_899 = tpu.memref_squeeze %dma_start3A_898 : memref<1x128x16xf32, #tpu.memory_space<vmem>> -> memref<128x16xf32, #tpu.memory_space<vmem>>
        %dma_start3A_900 = tpu.memref_slice %arg6[%mul3A_893] : memref<10000xi32, #tpu.memory_space<vmem>> -> memref<128xi32, #tpu.memory_space<vmem>>
        %dma_start3A_901 = arith.constant 0 : i32
        %dma_start3A_902 = arith.constant 0 : i32
        %dma_start3A_903 = tpu.memref_slice %arg10[%dma_start3A_901, %dma_start3A_902] : memref<10000x16xf32, #tpu.memory_space<vmem_shared>> -> memref<10000x16xf32, #tpu.memory_space<vmem_shared>>
        %dma_start3A_904 = tpu.memref_slice %arg12[%dma_start3A_895] : memref<8x!tpu.dma_semaphore, #tpu.memory_space<semaphore_mem>> -> memref<1x!tpu.dma_semaphore, #tpu.memory_space<semaphore_mem>>
        %dma_start3A_905 = tpu.memref_squeeze %dma_start3A_904 : memref<1x!tpu.dma_semaphore, #tpu.memory_space<semaphore_mem>> -> memref<!tpu.dma_semaphore, #tpu.memory_space<semaphore_mem>>
        tpu.enqueue_indirect_dma source(%dma_start3A_899 : memref<128x16xf32, #tpu.memory_space<vmem>>) target(%dma_start3A_903 : memref<10000x16xf32, #tpu.memory_space<vmem_shared>>) offsets(%dma_start3A_900 : memref<128xi32, #tpu.memory_space<vmem>>) semaphore(%dma_start3A_905 : memref<!tpu.dma_semaphore, #tpu.memory_space<semaphore_mem>>) {add = true}
      } else {
      }
      %add3A_775 = arith.constant 8 : i32
      %add3A_776 = arith.addi %add3A_769, %add3A_775 : i32
      %lt3A_777 = arith.constant 78 : i32
      %lt3A_778 = arith.cmpi slt, %add3A_776, %lt3A_777 : i32
      %convert_element_type3A_779 = arith.extui %lt3A_778 : i1 to i32
      %cond3A_780 = arith.constant 0 : i32
      %cond3A_781 = arith.cmpi ne, %convert_element_type3A_779, %cond3A_780 : i32
      scf.if %cond3A_781 {
        %mul3A_878 = arith.constant 128 : i32
        %mul3A_879 = arith.muli %add3A_769, %mul3A_878 : i32
        %dma_wait3A_880 = arith.constant 1 : i32
        %dma_wait3A_881 = arith.constant 1 : i32
        %dma_wait3A_882 = arith.constant 0 : i32
        %dma_wait3A_883 = arith.constant 0 : i32
        %dma_wait3A_884 = tpu.memref_slice %arg7[%dma_wait3A_880, %dma_wait3A_882, %dma_wait3A_883] : memref<8x128x16xf32, #tpu.memory_space<vmem>> -> memref<1x128x16xf32, #tpu.memory_space<vmem>>
        %dma_wait3A_885 = tpu.memref_squeeze %dma_wait3A_884 : memref<1x128x16xf32, #tpu.memory_space<vmem>> -> memref<128x16xf32, #tpu.memory_space<vmem>>
        %dma_wait3A_886 = tpu.memref_slice %arg6[%mul3A_879] : memref<10000xi32, #tpu.memory_space<vmem>> -> memref<128xi32, #tpu.memory_space<vmem>>
        %dma_wait3A_887 = arith.constant 0 : i32
        %dma_wait3A_888 = arith.constant 0 : i32
        %dma_wait3A_889 = tpu.memref_slice %arg10[%dma_wait3A_887, %dma_wait3A_888] : memref<10000x16xf32, #tpu.memory_space<vmem_shared>> -> memref<10000x16xf32, #tpu.memory_space<vmem_shared>>
        %dma_wait3A_890 = tpu.memref_slice %arg12[%dma_wait3A_881] : memref<8x!tpu.dma_semaphore, #tpu.memory_space<semaphore_mem>> -> memref<1x!tpu.dma_semaphore, #tpu.memory_space<semaphore_mem>>
        %dma_wait3A_891 = tpu.memref_squeeze %dma_wait3A_890 : memref<1x!tpu.dma_semaphore, #tpu.memory_space<semaphore_mem>> -> memref<!tpu.dma_semaphore, #tpu.memory_space<semaphore_mem>>
        tpu.wait_indirect_dma semaphore(%dma_wait3A_891 : memref<!tpu.dma_semaphore, #tpu.memory_space<semaphore_mem>>) src(%dma_wait3A_885 : memref<128x16xf32, #tpu.memory_space<vmem>>) dst(%dma_wait3A_889 : memref<10000x16xf32, #tpu.memory_space<vmem_shared>>)
        %add3A_892 = arith.constant 8 : i32
        %add3A_893 = arith.addi %add3A_769, %add3A_892 : i32
        %mul3A_894 = arith.constant 128 : i32
        %mul3A_895 = arith.muli %add3A_893, %mul3A_894 : i32
        %dma_start3A_896 = arith.constant 1 : i32
        %dma_start3A_897 = arith.constant 1 : i32
        %dma_start3A_898 = arith.constant 0 : i32
        %dma_start3A_899 = arith.constant 0 : i32
        %dma_start3A_900 = tpu.memref_slice %arg7[%dma_start3A_896, %dma_start3A_898, %dma_start3A_899] : memref<8x128x16xf32, #tpu.memory_space<vmem>> -> memref<1x128x16xf32, #tpu.memory_space<vmem>>
        %dma_start3A_901 = tpu.memref_squeeze %dma_start3A_900 : memref<1x128x16xf32, #tpu.memory_space<vmem>> -> memref<128x16xf32, #tpu.memory_space<vmem>>
        %dma_start3A_902 = tpu.memref_slice %arg5[%mul3A_895] : memref<10000xi32, #tpu.memory_space<vmem>> -> memref<128xi32, #tpu.memory_space<vmem>>
        %dma_start3A_903 = arith.constant 0 : i32
        %dma_start3A_904 = arith.constant 0 : i32
        %dma_start3A_905 = tpu.memref_slice %arg2[%dma_start3A_903, %dma_start3A_904] : memref<10000x16xf32, #tpu.memory_space<hbm>> -> memref<10000x16xf32, #tpu.memory_space<hbm>>
        %dma_start3A_906 = tpu.memref_slice %arg11[%dma_start3A_897] : memref<8x!tpu.dma_semaphore, #tpu.memory_space<semaphore_mem>> -> memref<1x!tpu.dma_semaphore, #tpu.memory_space<semaphore_mem>>
        %dma_start3A_907 = tpu.memref_squeeze %dma_start3A_906 : memref<1x!tpu.dma_semaphore, #tpu.memory_space<semaphore_mem>> -> memref<!tpu.dma_semaphore, #tpu.memory_space<semaphore_mem>>
        tpu.enqueue_indirect_dma source(%dma_start3A_905 : memref<10000x16xf32, #tpu.memory_space<hbm>>) target(%dma_start3A_901 : memref<128x16xf32, #tpu.memory_space<vmem>>) offsets(%dma_start3A_902 : memref<128xi32, #tpu.memory_space<vmem>>) semaphore(%dma_start3A_907 : memref<!tpu.dma_semaphore, #tpu.memory_space<semaphore_mem>>)
      } else {
      }
      %mul3A_782 = arith.constant 8 : i32
      %mul3A_783 = arith.muli %scan3A_752, %mul3A_782 : i32
      %add3A_784 = arith.constant 2 : i32
      %add3A_785 = arith.addi %mul3A_783, %add3A_784 : i32
      %lt3A_786 = arith.constant 78 : i32
      %lt3A_787 = arith.cmpi slt, %add3A_785, %lt3A_786 : i32
      %convert_element_type3A_788 = arith.extui %lt3A_787 : i1 to i32
      %cond3A_789 = arith.constant 0 : i32
      %cond3A_790 = arith.cmpi ne, %convert_element_type3A_788, %cond3A_789 : i32
      scf.if %cond3A_790 {
        %mul3A_878 = arith.constant 128 : i32
        %mul3A_879 = arith.muli %add3A_785, %mul3A_878 : i32
        %dma_wait3A_880 = arith.constant 2 : i32
        %dma_wait3A_881 = arith.constant 2 : i32
        %dma_wait3A_882 = arith.constant 0 : i32
        %dma_wait3A_883 = arith.constant 0 : i32
        %dma_wait3A_884 = tpu.memref_slice %arg7[%dma_wait3A_880, %dma_wait3A_882, %dma_wait3A_883] : memref<8x128x16xf32, #tpu.memory_space<vmem>> -> memref<1x128x16xf32, #tpu.memory_space<vmem>>
        %dma_wait3A_885 = tpu.memref_squeeze %dma_wait3A_884 : memref<1x128x16xf32, #tpu.memory_space<vmem>> -> memref<128x16xf32, #tpu.memory_space<vmem>>
        %dma_wait3A_886 = tpu.memref_slice %arg5[%mul3A_879] : memref<10000xi32, #tpu.memory_space<vmem>> -> memref<128xi32, #tpu.memory_space<vmem>>
        %dma_wait3A_887 = arith.constant 0 : i32
        %dma_wait3A_888 = arith.constant 0 : i32
        %dma_wait3A_889 = tpu.memref_slice %arg2[%dma_wait3A_887, %dma_wait3A_888] : memref<10000x16xf32, #tpu.memory_space<hbm>> -> memref<10000x16xf32, #tpu.memory_space<hbm>>
        %dma_wait3A_890 = tpu.memref_slice %arg11[%dma_wait3A_881] : memref<8x!tpu.dma_semaphore, #tpu.memory_space<semaphore_mem>> -> memref<1x!tpu.dma_semaphore, #tpu.memory_space<semaphore_mem>>
        %dma_wait3A_891 = tpu.memref_squeeze %dma_wait3A_890 : memref<1x!tpu.dma_semaphore, #tpu.memory_space<semaphore_mem>> -> memref<!tpu.dma_semaphore, #tpu.memory_space<semaphore_mem>>
        tpu.wait_indirect_dma semaphore(%dma_wait3A_891 : memref<!tpu.dma_semaphore, #tpu.memory_space<semaphore_mem>>) src(%dma_wait3A_889 : memref<10000x16xf32, #tpu.memory_space<hbm>>) dst(%dma_wait3A_885 : memref<128x16xf32, #tpu.memory_space<vmem>>)
        %mul3A_892 = arith.constant 128 : i32
        %mul3A_893 = arith.muli %add3A_785, %mul3A_892 : i32
        %dma_start3A_894 = arith.constant 2 : i32
        %dma_start3A_895 = arith.constant 2 : i32
        %dma_start3A_896 = arith.constant 0 : i32
        %dma_start3A_897 = arith.constant 0 : i32
        %dma_start3A_898 = tpu.memref_slice %arg7[%dma_start3A_894, %dma_start3A_896, %dma_start3A_897] : memref<8x128x16xf32, #tpu.memory_space<vmem>> -> memref<1x128x16xf32, #tpu.memory_space<vmem>>
        %dma_start3A_899 = tpu.memref_squeeze %dma_start3A_898 : memref<1x128x16xf32, #tpu.memory_space<vmem>> -> memref<128x16xf32, #tpu.memory_space<vmem>>
        %dma_start3A_900 = tpu.memref_slice %arg6[%mul3A_893] : memref<10000xi32, #tpu.memory_space<vmem>> -> memref<128xi32, #tpu.memory_space<vmem>>
        %dma_start3A_901 = arith.constant 0 : i32
        %dma_start3A_902 = arith.constant 0 : i32
        %dma_start3A_903 = tpu.memref_slice %arg10[%dma_start3A_901, %dma_start3A_902] : memref<10000x16xf32, #tpu.memory_space<vmem_shared>> -> memref<10000x16xf32, #tpu.memory_space<vmem_shared>>
        %dma_start3A_904 = tpu.memref_slice %arg12[%dma_start3A_895] : memref<8x!tpu.dma_semaphore, #tpu.memory_space<semaphore_mem>> -> memref<1x!tpu.dma_semaphore, #tpu.memory_space<semaphore_mem>>
        %dma_start3A_905 = tpu.memref_squeeze %dma_start3A_904 : memref<1x!tpu.dma_semaphore, #tpu.memory_space<semaphore_mem>> -> memref<!tpu.dma_semaphore, #tpu.memory_space<semaphore_mem>>
        tpu.enqueue_indirect_dma source(%dma_start3A_899 : memref<128x16xf32, #tpu.memory_space<vmem>>) target(%dma_start3A_903 : memref<10000x16xf32, #tpu.memory_space<vmem_shared>>) offsets(%dma_start3A_900 : memref<128xi32, #tpu.memory_space<vmem>>) semaphore(%dma_start3A_905 : memref<!tpu.dma_semaphore, #tpu.memory_space<semaphore_mem>>) {add = true}
      } else {
      }
      %add3A_791 = arith.constant 8 : i32
      %add3A_792 = arith.addi %add3A_785, %add3A_791 : i32
      %lt3A_793 = arith.constant 78 : i32
      %lt3A_794 = arith.cmpi slt, %add3A_792, %lt3A_793 : i32
      %convert_element_type3A_795 = arith.extui %lt3A_794 : i1 to i32
      %cond3A_796 = arith.constant 0 : i32
      %cond3A_797 = arith.cmpi ne, %convert_element_type3A_795, %cond3A_796 : i32
      scf.if %cond3A_797 {
        %mul3A_878 = arith.constant 128 : i32
        %mul3A_879 = arith.muli %add3A_785, %mul3A_878 : i32
        %dma_wait3A_880 = arith.constant 2 : i32
        %dma_wait3A_881 = arith.constant 2 : i32
        %dma_wait3A_882 = arith.constant 0 : i32
        %dma_wait3A_883 = arith.constant 0 : i32
        %dma_wait3A_884 = tpu.memref_slice %arg7[%dma_wait3A_880, %dma_wait3A_882, %dma_wait3A_883] : memref<8x128x16xf32, #tpu.memory_space<vmem>> -> memref<1x128x16xf32, #tpu.memory_space<vmem>>
        %dma_wait3A_885 = tpu.memref_squeeze %dma_wait3A_884 : memref<1x128x16xf32, #tpu.memory_space<vmem>> -> memref<128x16xf32, #tpu.memory_space<vmem>>
        %dma_wait3A_886 = tpu.memref_slice %arg6[%mul3A_879] : memref<10000xi32, #tpu.memory_space<vmem>> -> memref<128xi32, #tpu.memory_space<vmem>>
        %dma_wait3A_887 = arith.constant 0 : i32
        %dma_wait3A_888 = arith.constant 0 : i32
        %dma_wait3A_889 = tpu.memref_slice %arg10[%dma_wait3A_887, %dma_wait3A_888] : memref<10000x16xf32, #tpu.memory_space<vmem_shared>> -> memref<10000x16xf32, #tpu.memory_space<vmem_shared>>
        %dma_wait3A_890 = tpu.memref_slice %arg12[%dma_wait3A_881] : memref<8x!tpu.dma_semaphore, #tpu.memory_space<semaphore_mem>> -> memref<1x!tpu.dma_semaphore, #tpu.memory_space<semaphore_mem>>
        %dma_wait3A_891 = tpu.memref_squeeze %dma_wait3A_890 : memref<1x!tpu.dma_semaphore, #tpu.memory_space<semaphore_mem>> -> memref<!tpu.dma_semaphore, #tpu.memory_space<semaphore_mem>>
        tpu.wait_indirect_dma semaphore(%dma_wait3A_891 : memref<!tpu.dma_semaphore, #tpu.memory_space<semaphore_mem>>) src(%dma_wait3A_885 : memref<128x16xf32, #tpu.memory_space<vmem>>) dst(%dma_wait3A_889 : memref<10000x16xf32, #tpu.memory_space<vmem_shared>>)
        %add3A_892 = arith.constant 8 : i32
        %add3A_893 = arith.addi %add3A_785, %add3A_892 : i32
        %mul3A_894 = arith.constant 128 : i32
        %mul3A_895 = arith.muli %add3A_893, %mul3A_894 : i32
        %dma_start3A_896 = arith.constant 2 : i32
        %dma_start3A_897 = arith.constant 2 : i32
        %dma_start3A_898 = arith.constant 0 : i32
        %dma_start3A_899 = arith.constant 0 : i32
        %dma_start3A_900 = tpu.memref_slice %arg7[%dma_start3A_896, %dma_start3A_898, %dma_start3A_899] : memref<8x128x16xf32, #tpu.memory_space<vmem>> -> memref<1x128x16xf32, #tpu.memory_space<vmem>>
        %dma_start3A_901 = tpu.memref_squeeze %dma_start3A_900 : memref<1x128x16xf32, #tpu.memory_space<vmem>> -> memref<128x16xf32, #tpu.memory_space<vmem>>
        %dma_start3A_902 = tpu.memref_slice %arg5[%mul3A_895] : memref<10000xi32, #tpu.memory_space<vmem>> -> memref<128xi32, #tpu.memory_space<vmem>>
        %dma_start3A_903 = arith.constant 0 : i32
        %dma_start3A_904 = arith.constant 0 : i32
        %dma_start3A_905 = tpu.memref_slice %arg2[%dma_start3A_903, %dma_start3A_904] : memref<10000x16xf32, #tpu.memory_space<hbm>> -> memref<10000x16xf32, #tpu.memory_space<hbm>>
        %dma_start3A_906 = tpu.memref_slice %arg11[%dma_start3A_897] : memref<8x!tpu.dma_semaphore, #tpu.memory_space<semaphore_mem>> -> memref<1x!tpu.dma_semaphore, #tpu.memory_space<semaphore_mem>>
        %dma_start3A_907 = tpu.memref_squeeze %dma_start3A_906 : memref<1x!tpu.dma_semaphore, #tpu.memory_space<semaphore_mem>> -> memref<!tpu.dma_semaphore, #tpu.memory_space<semaphore_mem>>
        tpu.enqueue_indirect_dma source(%dma_start3A_905 : memref<10000x16xf32, #tpu.memory_space<hbm>>) target(%dma_start3A_901 : memref<128x16xf32, #tpu.memory_space<vmem>>) offsets(%dma_start3A_902 : memref<128xi32, #tpu.memory_space<vmem>>) semaphore(%dma_start3A_907 : memref<!tpu.dma_semaphore, #tpu.memory_space<semaphore_mem>>)
      } else {
      }
      %mul3A_798 = arith.constant 8 : i32
      %mul3A_799 = arith.muli %scan3A_752, %mul3A_798 : i32
      %add3A_800 = arith.constant 3 : i32
      %add3A_801 = arith.addi %mul3A_799, %add3A_800 : i32
      %lt3A_802 = arith.constant 78 : i32
      %lt3A_803 = arith.cmpi slt, %add3A_801, %lt3A_802 : i32
      %convert_element_type3A_804 = arith.extui %lt3A_803 : i1 to i32
      %cond3A_805 = arith.constant 0 : i32
      %cond3A_806 = arith.cmpi ne, %convert_element_type3A_804, %cond3A_805 : i32
      scf.if %cond3A_806 {
        %mul3A_878 = arith.constant 128 : i32
        %mul3A_879 = arith.muli %add3A_801, %mul3A_878 : i32
        %dma_wait3A_880 = arith.constant 3 : i32
        %dma_wait3A_881 = arith.constant 3 : i32
        %dma_wait3A_882 = arith.constant 0 : i32
        %dma_wait3A_883 = arith.constant 0 : i32
        %dma_wait3A_884 = tpu.memref_slice %arg7[%dma_wait3A_880, %dma_wait3A_882, %dma_wait3A_883] : memref<8x128x16xf32, #tpu.memory_space<vmem>> -> memref<1x128x16xf32, #tpu.memory_space<vmem>>
        %dma_wait3A_885 = tpu.memref_squeeze %dma_wait3A_884 : memref<1x128x16xf32, #tpu.memory_space<vmem>> -> memref<128x16xf32, #tpu.memory_space<vmem>>
        %dma_wait3A_886 = tpu.memref_slice %arg5[%mul3A_879] : memref<10000xi32, #tpu.memory_space<vmem>> -> memref<128xi32, #tpu.memory_space<vmem>>
        %dma_wait3A_887 = arith.constant 0 : i32
        %dma_wait3A_888 = arith.constant 0 : i32
        %dma_wait3A_889 = tpu.memref_slice %arg2[%dma_wait3A_887, %dma_wait3A_888] : memref<10000x16xf32, #tpu.memory_space<hbm>> -> memref<10000x16xf32, #tpu.memory_space<hbm>>
        %dma_wait3A_890 = tpu.memref_slice %arg11[%dma_wait3A_881] : memref<8x!tpu.dma_semaphore, #tpu.memory_space<semaphore_mem>> -> memref<1x!tpu.dma_semaphore, #tpu.memory_space<semaphore_mem>>
        %dma_wait3A_891 = tpu.memref_squeeze %dma_wait3A_890 : memref<1x!tpu.dma_semaphore, #tpu.memory_space<semaphore_mem>> -> memref<!tpu.dma_semaphore, #tpu.memory_space<semaphore_mem>>
        tpu.wait_indirect_dma semaphore(%dma_wait3A_891 : memref<!tpu.dma_semaphore, #tpu.memory_space<semaphore_mem>>) src(%dma_wait3A_889 : memref<10000x16xf32, #tpu.memory_space<hbm>>) dst(%dma_wait3A_885 : memref<128x16xf32, #tpu.memory_space<vmem>>)
        %mul3A_892 = arith.constant 128 : i32
        %mul3A_893 = arith.muli %add3A_801, %mul3A_892 : i32
        %dma_start3A_894 = arith.constant 3 : i32
        %dma_start3A_895 = arith.constant 3 : i32
        %dma_start3A_896 = arith.constant 0 : i32
        %dma_start3A_897 = arith.constant 0 : i32
        %dma_start3A_898 = tpu.memref_slice %arg7[%dma_start3A_894, %dma_start3A_896, %dma_start3A_897] : memref<8x128x16xf32, #tpu.memory_space<vmem>> -> memref<1x128x16xf32, #tpu.memory_space<vmem>>
        %dma_start3A_899 = tpu.memref_squeeze %dma_start3A_898 : memref<1x128x16xf32, #tpu.memory_space<vmem>> -> memref<128x16xf32, #tpu.memory_space<vmem>>
        %dma_start3A_900 = tpu.memref_slice %arg6[%mul3A_893] : memref<10000xi32, #tpu.memory_space<vmem>> -> memref<128xi32, #tpu.memory_space<vmem>>
        %dma_start3A_901 = arith.constant 0 : i32
        %dma_start3A_902 = arith.constant 0 : i32
        %dma_start3A_903 = tpu.memref_slice %arg10[%dma_start3A_901, %dma_start3A_902] : memref<10000x16xf32, #tpu.memory_space<vmem_shared>> -> memref<10000x16xf32, #tpu.memory_space<vmem_shared>>
        %dma_start3A_904 = tpu.memref_slice %arg12[%dma_start3A_895] : memref<8x!tpu.dma_semaphore, #tpu.memory_space<semaphore_mem>> -> memref<1x!tpu.dma_semaphore, #tpu.memory_space<semaphore_mem>>
        %dma_start3A_905 = tpu.memref_squeeze %dma_start3A_904 : memref<1x!tpu.dma_semaphore, #tpu.memory_space<semaphore_mem>> -> memref<!tpu.dma_semaphore, #tpu.memory_space<semaphore_mem>>
        tpu.enqueue_indirect_dma source(%dma_start3A_899 : memref<128x16xf32, #tpu.memory_space<vmem>>) target(%dma_start3A_903 : memref<10000x16xf32, #tpu.memory_space<vmem_shared>>) offsets(%dma_start3A_900 : memref<128xi32, #tpu.memory_space<vmem>>) semaphore(%dma_start3A_905 : memref<!tpu.dma_semaphore, #tpu.memory_space<semaphore_mem>>) {add = true}
      } else {
      }
      %add3A_807 = arith.constant 8 : i32
      %add3A_808 = arith.addi %add3A_801, %add3A_807 : i32
      %lt3A_809 = arith.constant 78 : i32
      %lt3A_810 = arith.cmpi slt, %add3A_808, %lt3A_809 : i32
      %convert_element_type3A_811 = arith.extui %lt3A_810 : i1 to i32
      %cond3A_812 = arith.constant 0 : i32
      %cond3A_813 = arith.cmpi ne, %convert_element_type3A_811, %cond3A_812 : i32
      scf.if %cond3A_813 {
        %mul3A_878 = arith.constant 128 : i32
        %mul3A_879 = arith.muli %add3A_801, %mul3A_878 : i32
        %dma_wait3A_880 = arith.constant 3 : i32
        %dma_wait3A_881 = arith.constant 3 : i32
        %dma_wait3A_882 = arith.constant 0 : i32
        %dma_wait3A_883 = arith.constant 0 : i32
        %dma_wait3A_884 = tpu.memref_slice %arg7[%dma_wait3A_880, %dma_wait3A_882, %dma_wait3A_883] : memref<8x128x16xf32, #tpu.memory_space<vmem>> -> memref<1x128x16xf32, #tpu.memory_space<vmem>>
        %dma_wait3A_885 = tpu.memref_squeeze %dma_wait3A_884 : memref<1x128x16xf32, #tpu.memory_space<vmem>> -> memref<128x16xf32, #tpu.memory_space<vmem>>
        %dma_wait3A_886 = tpu.memref_slice %arg6[%mul3A_879] : memref<10000xi32, #tpu.memory_space<vmem>> -> memref<128xi32, #tpu.memory_space<vmem>>
        %dma_wait3A_887 = arith.constant 0 : i32
        %dma_wait3A_888 = arith.constant 0 : i32
        %dma_wait3A_889 = tpu.memref_slice %arg10[%dma_wait3A_887, %dma_wait3A_888] : memref<10000x16xf32, #tpu.memory_space<vmem_shared>> -> memref<10000x16xf32, #tpu.memory_space<vmem_shared>>
        %dma_wait3A_890 = tpu.memref_slice %arg12[%dma_wait3A_881] : memref<8x!tpu.dma_semaphore, #tpu.memory_space<semaphore_mem>> -> memref<1x!tpu.dma_semaphore, #tpu.memory_space<semaphore_mem>>
        %dma_wait3A_891 = tpu.memref_squeeze %dma_wait3A_890 : memref<1x!tpu.dma_semaphore, #tpu.memory_space<semaphore_mem>> -> memref<!tpu.dma_semaphore, #tpu.memory_space<semaphore_mem>>
        tpu.wait_indirect_dma semaphore(%dma_wait3A_891 : memref<!tpu.dma_semaphore, #tpu.memory_space<semaphore_mem>>) src(%dma_wait3A_885 : memref<128x16xf32, #tpu.memory_space<vmem>>) dst(%dma_wait3A_889 : memref<10000x16xf32, #tpu.memory_space<vmem_shared>>)
        %add3A_892 = arith.constant 8 : i32
        %add3A_893 = arith.addi %add3A_801, %add3A_892 : i32
        %mul3A_894 = arith.constant 128 : i32
        %mul3A_895 = arith.muli %add3A_893, %mul3A_894 : i32
        %dma_start3A_896 = arith.constant 3 : i32
        %dma_start3A_897 = arith.constant 3 : i32
        %dma_start3A_898 = arith.constant 0 : i32
        %dma_start3A_899 = arith.constant 0 : i32
        %dma_start3A_900 = tpu.memref_slice %arg7[%dma_start3A_896, %dma_start3A_898, %dma_start3A_899] : memref<8x128x16xf32, #tpu.memory_space<vmem>> -> memref<1x128x16xf32, #tpu.memory_space<vmem>>
        %dma_start3A_901 = tpu.memref_squeeze %dma_start3A_900 : memref<1x128x16xf32, #tpu.memory_space<vmem>> -> memref<128x16xf32, #tpu.memory_space<vmem>>
        %dma_start3A_902 = tpu.memref_slice %arg5[%mul3A_895] : memref<10000xi32, #tpu.memory_space<vmem>> -> memref<128xi32, #tpu.memory_space<vmem>>
        %dma_start3A_903 = arith.constant 0 : i32
        %dma_start3A_904 = arith.constant 0 : i32
        %dma_start3A_905 = tpu.memref_slice %arg2[%dma_start3A_903, %dma_start3A_904] : memref<10000x16xf32, #tpu.memory_space<hbm>> -> memref<10000x16xf32, #tpu.memory_space<hbm>>
        %dma_start3A_906 = tpu.memref_slice %arg11[%dma_start3A_897] : memref<8x!tpu.dma_semaphore, #tpu.memory_space<semaphore_mem>> -> memref<1x!tpu.dma_semaphore, #tpu.memory_space<semaphore_mem>>
        %dma_start3A_907 = tpu.memref_squeeze %dma_start3A_906 : memref<1x!tpu.dma_semaphore, #tpu.memory_space<semaphore_mem>> -> memref<!tpu.dma_semaphore, #tpu.memory_space<semaphore_mem>>
        tpu.enqueue_indirect_dma source(%dma_start3A_905 : memref<10000x16xf32, #tpu.memory_space<hbm>>) target(%dma_start3A_901 : memref<128x16xf32, #tpu.memory_space<vmem>>) offsets(%dma_start3A_902 : memref<128xi32, #tpu.memory_space<vmem>>) semaphore(%dma_start3A_907 : memref<!tpu.dma_semaphore, #tpu.memory_space<semaphore_mem>>)
      } else {
      }
      %mul3A_814 = arith.constant 8 : i32
      %mul3A_815 = arith.muli %scan3A_752, %mul3A_814 : i32
      %add3A_816 = arith.constant 4 : i32
      %add3A_817 = arith.addi %mul3A_815, %add3A_816 : i32
      %lt3A_818 = arith.constant 78 : i32
      %lt3A_819 = arith.cmpi slt, %add3A_817, %lt3A_818 : i32
      %convert_element_type3A_820 = arith.extui %lt3A_819 : i1 to i32
      %cond3A_821 = arith.constant 0 : i32
      %cond3A_822 = arith.cmpi ne, %convert_element_type3A_820, %cond3A_821 : i32
      scf.if %cond3A_822 {
        %mul3A_878 = arith.constant 128 : i32
        %mul3A_879 = arith.muli %add3A_817, %mul3A_878 : i32
        %dma_wait3A_880 = arith.constant 4 : i32
        %dma_wait3A_881 = arith.constant 4 : i32
        %dma_wait3A_882 = arith.constant 0 : i32
        %dma_wait3A_883 = arith.constant 0 : i32
        %dma_wait3A_884 = tpu.memref_slice %arg7[%dma_wait3A_880, %dma_wait3A_882, %dma_wait3A_883] : memref<8x128x16xf32, #tpu.memory_space<vmem>> -> memref<1x128x16xf32, #tpu.memory_space<vmem>>
        %dma_wait3A_885 = tpu.memref_squeeze %dma_wait3A_884 : memref<1x128x16xf32, #tpu.memory_space<vmem>> -> memref<128x16xf32, #tpu.memory_space<vmem>>
        %dma_wait3A_886 = tpu.memref_slice %arg5[%mul3A_879] : memref<10000xi32, #tpu.memory_space<vmem>> -> memref<128xi32, #tpu.memory_space<vmem>>
        %dma_wait3A_887 = arith.constant 0 : i32
        %dma_wait3A_888 = arith.constant 0 : i32
        %dma_wait3A_889 = tpu.memref_slice %arg2[%dma_wait3A_887, %dma_wait3A_888] : memref<10000x16xf32, #tpu.memory_space<hbm>> -> memref<10000x16xf32, #tpu.memory_space<hbm>>
        %dma_wait3A_890 = tpu.memref_slice %arg11[%dma_wait3A_881] : memref<8x!tpu.dma_semaphore, #tpu.memory_space<semaphore_mem>> -> memref<1x!tpu.dma_semaphore, #tpu.memory_space<semaphore_mem>>
        %dma_wait3A_891 = tpu.memref_squeeze %dma_wait3A_890 : memref<1x!tpu.dma_semaphore, #tpu.memory_space<semaphore_mem>> -> memref<!tpu.dma_semaphore, #tpu.memory_space<semaphore_mem>>
        tpu.wait_indirect_dma semaphore(%dma_wait3A_891 : memref<!tpu.dma_semaphore, #tpu.memory_space<semaphore_mem>>) src(%dma_wait3A_889 : memref<10000x16xf32, #tpu.memory_space<hbm>>) dst(%dma_wait3A_885 : memref<128x16xf32, #tpu.memory_space<vmem>>)
        %mul3A_892 = arith.constant 128 : i32
        %mul3A_893 = arith.muli %add3A_817, %mul3A_892 : i32
        %dma_start3A_894 = arith.constant 4 : i32
        %dma_start3A_895 = arith.constant 4 : i32
        %dma_start3A_896 = arith.constant 0 : i32
        %dma_start3A_897 = arith.constant 0 : i32
        %dma_start3A_898 = tpu.memref_slice %arg7[%dma_start3A_894, %dma_start3A_896, %dma_start3A_897] : memref<8x128x16xf32, #tpu.memory_space<vmem>> -> memref<1x128x16xf32, #tpu.memory_space<vmem>>
        %dma_start3A_899 = tpu.memref_squeeze %dma_start3A_898 : memref<1x128x16xf32, #tpu.memory_space<vmem>> -> memref<128x16xf32, #tpu.memory_space<vmem>>
        %dma_start3A_900 = tpu.memref_slice %arg6[%mul3A_893] : memref<10000xi32, #tpu.memory_space<vmem>> -> memref<128xi32, #tpu.memory_space<vmem>>
        %dma_start3A_901 = arith.constant 0 : i32
        %dma_start3A_902 = arith.constant 0 : i32
        %dma_start3A_903 = tpu.memref_slice %arg10[%dma_start3A_901, %dma_start3A_902] : memref<10000x16xf32, #tpu.memory_space<vmem_shared>> -> memref<10000x16xf32, #tpu.memory_space<vmem_shared>>
        %dma_start3A_904 = tpu.memref_slice %arg12[%dma_start3A_895] : memref<8x!tpu.dma_semaphore, #tpu.memory_space<semaphore_mem>> -> memref<1x!tpu.dma_semaphore, #tpu.memory_space<semaphore_mem>>
        %dma_start3A_905 = tpu.memref_squeeze %dma_start3A_904 : memref<1x!tpu.dma_semaphore, #tpu.memory_space<semaphore_mem>> -> memref<!tpu.dma_semaphore, #tpu.memory_space<semaphore_mem>>
        tpu.enqueue_indirect_dma source(%dma_start3A_899 : memref<128x16xf32, #tpu.memory_space<vmem>>) target(%dma_start3A_903 : memref<10000x16xf32, #tpu.memory_space<vmem_shared>>) offsets(%dma_start3A_900 : memref<128xi32, #tpu.memory_space<vmem>>) semaphore(%dma_start3A_905 : memref<!tpu.dma_semaphore, #tpu.memory_space<semaphore_mem>>) {add = true}
      } else {
      }
      %add3A_823 = arith.constant 8 : i32
      %add3A_824 = arith.addi %add3A_817, %add3A_823 : i32
      %lt3A_825 = arith.constant 78 : i32
      %lt3A_826 = arith.cmpi slt, %add3A_824, %lt3A_825 : i32
      %convert_element_type3A_827 = arith.extui %lt3A_826 : i1 to i32
      %cond3A_828 = arith.constant 0 : i32
      %cond3A_829 = arith.cmpi ne, %convert_element_type3A_827, %cond3A_828 : i32
      scf.if %cond3A_829 {
        %mul3A_878 = arith.constant 128 : i32
        %mul3A_879 = arith.muli %add3A_817, %mul3A_878 : i32
        %dma_wait3A_880 = arith.constant 4 : i32
        %dma_wait3A_881 = arith.constant 4 : i32
        %dma_wait3A_882 = arith.constant 0 : i32
        %dma_wait3A_883 = arith.constant 0 : i32
        %dma_wait3A_884 = tpu.memref_slice %arg7[%dma_wait3A_880, %dma_wait3A_882, %dma_wait3A_883] : memref<8x128x16xf32, #tpu.memory_space<vmem>> -> memref<1x128x16xf32, #tpu.memory_space<vmem>>
        %dma_wait3A_885 = tpu.memref_squeeze %dma_wait3A_884 : memref<1x128x16xf32, #tpu.memory_space<vmem>> -> memref<128x16xf32, #tpu.memory_space<vmem>>
        %dma_wait3A_886 = tpu.memref_slice %arg6[%mul3A_879] : memref<10000xi32, #tpu.memory_space<vmem>> -> memref<128xi32, #tpu.memory_space<vmem>>
        %dma_wait3A_887 = arith.constant 0 : i32
        %dma_wait3A_888 = arith.constant 0 : i32
        %dma_wait3A_889 = tpu.memref_slice %arg10[%dma_wait3A_887, %dma_wait3A_888] : memref<10000x16xf32, #tpu.memory_space<vmem_shared>> -> memref<10000x16xf32, #tpu.memory_space<vmem_shared>>
        %dma_wait3A_890 = tpu.memref_slice %arg12[%dma_wait3A_881] : memref<8x!tpu.dma_semaphore, #tpu.memory_space<semaphore_mem>> -> memref<1x!tpu.dma_semaphore, #tpu.memory_space<semaphore_mem>>
        %dma_wait3A_891 = tpu.memref_squeeze %dma_wait3A_890 : memref<1x!tpu.dma_semaphore, #tpu.memory_space<semaphore_mem>> -> memref<!tpu.dma_semaphore, #tpu.memory_space<semaphore_mem>>
        tpu.wait_indirect_dma semaphore(%dma_wait3A_891 : memref<!tpu.dma_semaphore, #tpu.memory_space<semaphore_mem>>) src(%dma_wait3A_885 : memref<128x16xf32, #tpu.memory_space<vmem>>) dst(%dma_wait3A_889 : memref<10000x16xf32, #tpu.memory_space<vmem_shared>>)
        %add3A_892 = arith.constant 8 : i32
        %add3A_893 = arith.addi %add3A_817, %add3A_892 : i32
        %mul3A_894 = arith.constant 128 : i32
        %mul3A_895 = arith.muli %add3A_893, %mul3A_894 : i32
        %dma_start3A_896 = arith.constant 4 : i32
        %dma_start3A_897 = arith.constant 4 : i32
        %dma_start3A_898 = arith.constant 0 : i32
        %dma_start3A_899 = arith.constant 0 : i32
        %dma_start3A_900 = tpu.memref_slice %arg7[%dma_start3A_896, %dma_start3A_898, %dma_start3A_899] : memref<8x128x16xf32, #tpu.memory_space<vmem>> -> memref<1x128x16xf32, #tpu.memory_space<vmem>>
        %dma_start3A_901 = tpu.memref_squeeze %dma_start3A_900 : memref<1x128x16xf32, #tpu.memory_space<vmem>> -> memref<128x16xf32, #tpu.memory_space<vmem>>
        %dma_start3A_902 = tpu.memref_slice %arg5[%mul3A_895] : memref<10000xi32, #tpu.memory_space<vmem>> -> memref<128xi32, #tpu.memory_space<vmem>>
        %dma_start3A_903 = arith.constant 0 : i32
        %dma_start3A_904 = arith.constant 0 : i32
        %dma_start3A_905 = tpu.memref_slice %arg2[%dma_start3A_903, %dma_start3A_904] : memref<10000x16xf32, #tpu.memory_space<hbm>> -> memref<10000x16xf32, #tpu.memory_space<hbm>>
        %dma_start3A_906 = tpu.memref_slice %arg11[%dma_start3A_897] : memref<8x!tpu.dma_semaphore, #tpu.memory_space<semaphore_mem>> -> memref<1x!tpu.dma_semaphore, #tpu.memory_space<semaphore_mem>>
        %dma_start3A_907 = tpu.memref_squeeze %dma_start3A_906 : memref<1x!tpu.dma_semaphore, #tpu.memory_space<semaphore_mem>> -> memref<!tpu.dma_semaphore, #tpu.memory_space<semaphore_mem>>
        tpu.enqueue_indirect_dma source(%dma_start3A_905 : memref<10000x16xf32, #tpu.memory_space<hbm>>) target(%dma_start3A_901 : memref<128x16xf32, #tpu.memory_space<vmem>>) offsets(%dma_start3A_902 : memref<128xi32, #tpu.memory_space<vmem>>) semaphore(%dma_start3A_907 : memref<!tpu.dma_semaphore, #tpu.memory_space<semaphore_mem>>)
      } else {
      }
      %mul3A_830 = arith.constant 8 : i32
      %mul3A_831 = arith.muli %scan3A_752, %mul3A_830 : i32
      %add3A_832 = arith.constant 5 : i32
      %add3A_833 = arith.addi %mul3A_831, %add3A_832 : i32
      %lt3A_834 = arith.constant 78 : i32
      %lt3A_835 = arith.cmpi slt, %add3A_833, %lt3A_834 : i32
      %convert_element_type3A_836 = arith.extui %lt3A_835 : i1 to i32
      %cond3A_837 = arith.constant 0 : i32
      %cond3A_838 = arith.cmpi ne, %convert_element_type3A_836, %cond3A_837 : i32
      scf.if %cond3A_838 {
        %mul3A_878 = arith.constant 128 : i32
        %mul3A_879 = arith.muli %add3A_833, %mul3A_878 : i32
        %dma_wait3A_880 = arith.constant 5 : i32
        %dma_wait3A_881 = arith.constant 5 : i32
        %dma_wait3A_882 = arith.constant 0 : i32
        %dma_wait3A_883 = arith.constant 0 : i32
        %dma_wait3A_884 = tpu.memref_slice %arg7[%dma_wait3A_880, %dma_wait3A_882, %dma_wait3A_883] : memref<8x128x16xf32, #tpu.memory_space<vmem>> -> memref<1x128x16xf32, #tpu.memory_space<vmem>>
        %dma_wait3A_885 = tpu.memref_squeeze %dma_wait3A_884 : memref<1x128x16xf32, #tpu.memory_space<vmem>> -> memref<128x16xf32, #tpu.memory_space<vmem>>
        %dma_wait3A_886 = tpu.memref_slice %arg5[%mul3A_879] : memref<10000xi32, #tpu.memory_space<vmem>> -> memref<128xi32, #tpu.memory_space<vmem>>
        %dma_wait3A_887 = arith.constant 0 : i32
        %dma_wait3A_888 = arith.constant 0 : i32
        %dma_wait3A_889 = tpu.memref_slice %arg2[%dma_wait3A_887, %dma_wait3A_888] : memref<10000x16xf32, #tpu.memory_space<hbm>> -> memref<10000x16xf32, #tpu.memory_space<hbm>>
        %dma_wait3A_890 = tpu.memref_slice %arg11[%dma_wait3A_881] : memref<8x!tpu.dma_semaphore, #tpu.memory_space<semaphore_mem>> -> memref<1x!tpu.dma_semaphore, #tpu.memory_space<semaphore_mem>>
        %dma_wait3A_891 = tpu.memref_squeeze %dma_wait3A_890 : memref<1x!tpu.dma_semaphore, #tpu.memory_space<semaphore_mem>> -> memref<!tpu.dma_semaphore, #tpu.memory_space<semaphore_mem>>
        tpu.wait_indirect_dma semaphore(%dma_wait3A_891 : memref<!tpu.dma_semaphore, #tpu.memory_space<semaphore_mem>>) src(%dma_wait3A_889 : memref<10000x16xf32, #tpu.memory_space<hbm>>) dst(%dma_wait3A_885 : memref<128x16xf32, #tpu.memory_space<vmem>>)
        %mul3A_892 = arith.constant 128 : i32
        %mul3A_893 = arith.muli %add3A_833, %mul3A_892 : i32
        %dma_start3A_894 = arith.constant 5 : i32
        %dma_start3A_895 = arith.constant 5 : i32
        %dma_start3A_896 = arith.constant 0 : i32
        %dma_start3A_897 = arith.constant 0 : i32
        %dma_start3A_898 = tpu.memref_slice %arg7[%dma_start3A_894, %dma_start3A_896, %dma_start3A_897] : memref<8x128x16xf32, #tpu.memory_space<vmem>> -> memref<1x128x16xf32, #tpu.memory_space<vmem>>
        %dma_start3A_899 = tpu.memref_squeeze %dma_start3A_898 : memref<1x128x16xf32, #tpu.memory_space<vmem>> -> memref<128x16xf32, #tpu.memory_space<vmem>>
        %dma_start3A_900 = tpu.memref_slice %arg6[%mul3A_893] : memref<10000xi32, #tpu.memory_space<vmem>> -> memref<128xi32, #tpu.memory_space<vmem>>
        %dma_start3A_901 = arith.constant 0 : i32
        %dma_start3A_902 = arith.constant 0 : i32
        %dma_start3A_903 = tpu.memref_slice %arg10[%dma_start3A_901, %dma_start3A_902] : memref<10000x16xf32, #tpu.memory_space<vmem_shared>> -> memref<10000x16xf32, #tpu.memory_space<vmem_shared>>
        %dma_start3A_904 = tpu.memref_slice %arg12[%dma_start3A_895] : memref<8x!tpu.dma_semaphore, #tpu.memory_space<semaphore_mem>> -> memref<1x!tpu.dma_semaphore, #tpu.memory_space<semaphore_mem>>
        %dma_start3A_905 = tpu.memref_squeeze %dma_start3A_904 : memref<1x!tpu.dma_semaphore, #tpu.memory_space<semaphore_mem>> -> memref<!tpu.dma_semaphore, #tpu.memory_space<semaphore_mem>>
        tpu.enqueue_indirect_dma source(%dma_start3A_899 : memref<128x16xf32, #tpu.memory_space<vmem>>) target(%dma_start3A_903 : memref<10000x16xf32, #tpu.memory_space<vmem_shared>>) offsets(%dma_start3A_900 : memref<128xi32, #tpu.memory_space<vmem>>) semaphore(%dma_start3A_905 : memref<!tpu.dma_semaphore, #tpu.memory_space<semaphore_mem>>) {add = true}
      } else {
      }
      %add3A_839 = arith.constant 8 : i32
      %add3A_840 = arith.addi %add3A_833, %add3A_839 : i32
      %lt3A_841 = arith.constant 78 : i32
      %lt3A_842 = arith.cmpi slt, %add3A_840, %lt3A_841 : i32
      %convert_element_type3A_843 = arith.extui %lt3A_842 : i1 to i32
      %cond3A_844 = arith.constant 0 : i32
      %cond3A_845 = arith.cmpi ne, %convert_element_type3A_843, %cond3A_844 : i32
      scf.if %cond3A_845 {
        %mul3A_878 = arith.constant 128 : i32
        %mul3A_879 = arith.muli %add3A_833, %mul3A_878 : i32
        %dma_wait3A_880 = arith.constant 5 : i32
        %dma_wait3A_881 = arith.constant 5 : i32
        %dma_wait3A_882 = arith.constant 0 : i32
        %dma_wait3A_883 = arith.constant 0 : i32
        %dma_wait3A_884 = tpu.memref_slice %arg7[%dma_wait3A_880, %dma_wait3A_882, %dma_wait3A_883] : memref<8x128x16xf32, #tpu.memory_space<vmem>> -> memref<1x128x16xf32, #tpu.memory_space<vmem>>
        %dma_wait3A_885 = tpu.memref_squeeze %dma_wait3A_884 : memref<1x128x16xf32, #tpu.memory_space<vmem>> -> memref<128x16xf32, #tpu.memory_space<vmem>>
        %dma_wait3A_886 = tpu.memref_slice %arg6[%mul3A_879] : memref<10000xi32, #tpu.memory_space<vmem>> -> memref<128xi32, #tpu.memory_space<vmem>>
        %dma_wait3A_887 = arith.constant 0 : i32
        %dma_wait3A_888 = arith.constant 0 : i32
        %dma_wait3A_889 = tpu.memref_slice %arg10[%dma_wait3A_887, %dma_wait3A_888] : memref<10000x16xf32, #tpu.memory_space<vmem_shared>> -> memref<10000x16xf32, #tpu.memory_space<vmem_shared>>
        %dma_wait3A_890 = tpu.memref_slice %arg12[%dma_wait3A_881] : memref<8x!tpu.dma_semaphore, #tpu.memory_space<semaphore_mem>> -> memref<1x!tpu.dma_semaphore, #tpu.memory_space<semaphore_mem>>
        %dma_wait3A_891 = tpu.memref_squeeze %dma_wait3A_890 : memref<1x!tpu.dma_semaphore, #tpu.memory_space<semaphore_mem>> -> memref<!tpu.dma_semaphore, #tpu.memory_space<semaphore_mem>>
        tpu.wait_indirect_dma semaphore(%dma_wait3A_891 : memref<!tpu.dma_semaphore, #tpu.memory_space<semaphore_mem>>) src(%dma_wait3A_885 : memref<128x16xf32, #tpu.memory_space<vmem>>) dst(%dma_wait3A_889 : memref<10000x16xf32, #tpu.memory_space<vmem_shared>>)
        %add3A_892 = arith.constant 8 : i32
        %add3A_893 = arith.addi %add3A_833, %add3A_892 : i32
        %mul3A_894 = arith.constant 128 : i32
        %mul3A_895 = arith.muli %add3A_893, %mul3A_894 : i32
        %dma_start3A_896 = arith.constant 5 : i32
        %dma_start3A_897 = arith.constant 5 : i32
        %dma_start3A_898 = arith.constant 0 : i32
        %dma_start3A_899 = arith.constant 0 : i32
        %dma_start3A_900 = tpu.memref_slice %arg7[%dma_start3A_896, %dma_start3A_898, %dma_start3A_899] : memref<8x128x16xf32, #tpu.memory_space<vmem>> -> memref<1x128x16xf32, #tpu.memory_space<vmem>>
        %dma_start3A_901 = tpu.memref_squeeze %dma_start3A_900 : memref<1x128x16xf32, #tpu.memory_space<vmem>> -> memref<128x16xf32, #tpu.memory_space<vmem>>
        %dma_start3A_902 = tpu.memref_slice %arg5[%mul3A_895] : memref<10000xi32, #tpu.memory_space<vmem>> -> memref<128xi32, #tpu.memory_space<vmem>>
        %dma_start3A_903 = arith.constant 0 : i32
        %dma_start3A_904 = arith.constant 0 : i32
        %dma_start3A_905 = tpu.memref_slice %arg2[%dma_start3A_903, %dma_start3A_904] : memref<10000x16xf32, #tpu.memory_space<hbm>> -> memref<10000x16xf32, #tpu.memory_space<hbm>>
        %dma_start3A_906 = tpu.memref_slice %arg11[%dma_start3A_897] : memref<8x!tpu.dma_semaphore, #tpu.memory_space<semaphore_mem>> -> memref<1x!tpu.dma_semaphore, #tpu.memory_space<semaphore_mem>>
        %dma_start3A_907 = tpu.memref_squeeze %dma_start3A_906 : memref<1x!tpu.dma_semaphore, #tpu.memory_space<semaphore_mem>> -> memref<!tpu.dma_semaphore, #tpu.memory_space<semaphore_mem>>
        tpu.enqueue_indirect_dma source(%dma_start3A_905 : memref<10000x16xf32, #tpu.memory_space<hbm>>) target(%dma_start3A_901 : memref<128x16xf32, #tpu.memory_space<vmem>>) offsets(%dma_start3A_902 : memref<128xi32, #tpu.memory_space<vmem>>) semaphore(%dma_start3A_907 : memref<!tpu.dma_semaphore, #tpu.memory_space<semaphore_mem>>)
      } else {
      }
      %mul3A_846 = arith.constant 8 : i32
      %mul3A_847 = arith.muli %scan3A_752, %mul3A_846 : i32
      %add3A_848 = arith.constant 6 : i32
      %add3A_849 = arith.addi %mul3A_847, %add3A_848 : i32
      %lt3A_850 = arith.constant 78 : i32
      %lt3A_851 = arith.cmpi slt, %add3A_849, %lt3A_850 : i32
      %convert_element_type3A_852 = arith.extui %lt3A_851 : i1 to i32
      %cond3A_853 = arith.constant 0 : i32
      %cond3A_854 = arith.cmpi ne, %convert_element_type3A_852, %cond3A_853 : i32
      scf.if %cond3A_854 {
        %mul3A_878 = arith.constant 128 : i32
        %mul3A_879 = arith.muli %add3A_849, %mul3A_878 : i32
        %dma_wait3A_880 = arith.constant 6 : i32
        %dma_wait3A_881 = arith.constant 6 : i32
        %dma_wait3A_882 = arith.constant 0 : i32
        %dma_wait3A_883 = arith.constant 0 : i32
        %dma_wait3A_884 = tpu.memref_slice %arg7[%dma_wait3A_880, %dma_wait3A_882, %dma_wait3A_883] : memref<8x128x16xf32, #tpu.memory_space<vmem>> -> memref<1x128x16xf32, #tpu.memory_space<vmem>>
        %dma_wait3A_885 = tpu.memref_squeeze %dma_wait3A_884 : memref<1x128x16xf32, #tpu.memory_space<vmem>> -> memref<128x16xf32, #tpu.memory_space<vmem>>
        %dma_wait3A_886 = tpu.memref_slice %arg5[%mul3A_879] : memref<10000xi32, #tpu.memory_space<vmem>> -> memref<128xi32, #tpu.memory_space<vmem>>
        %dma_wait3A_887 = arith.constant 0 : i32
        %dma_wait3A_888 = arith.constant 0 : i32
        %dma_wait3A_889 = tpu.memref_slice %arg2[%dma_wait3A_887, %dma_wait3A_888] : memref<10000x16xf32, #tpu.memory_space<hbm>> -> memref<10000x16xf32, #tpu.memory_space<hbm>>
        %dma_wait3A_890 = tpu.memref_slice %arg11[%dma_wait3A_881] : memref<8x!tpu.dma_semaphore, #tpu.memory_space<semaphore_mem>> -> memref<1x!tpu.dma_semaphore, #tpu.memory_space<semaphore_mem>>
        %dma_wait3A_891 = tpu.memref_squeeze %dma_wait3A_890 : memref<1x!tpu.dma_semaphore, #tpu.memory_space<semaphore_mem>> -> memref<!tpu.dma_semaphore, #tpu.memory_space<semaphore_mem>>
        tpu.wait_indirect_dma semaphore(%dma_wait3A_891 : memref<!tpu.dma_semaphore, #tpu.memory_space<semaphore_mem>>) src(%dma_wait3A_889 : memref<10000x16xf32, #tpu.memory_space<hbm>>) dst(%dma_wait3A_885 : memref<128x16xf32, #tpu.memory_space<vmem>>)
        %mul3A_892 = arith.constant 128 : i32
        %mul3A_893 = arith.muli %add3A_849, %mul3A_892 : i32
        %dma_start3A_894 = arith.constant 6 : i32
        %dma_start3A_895 = arith.constant 6 : i32
        %dma_start3A_896 = arith.constant 0 : i32
        %dma_start3A_897 = arith.constant 0 : i32
        %dma_start3A_898 = tpu.memref_slice %arg7[%dma_start3A_894, %dma_start3A_896, %dma_start3A_897] : memref<8x128x16xf32, #tpu.memory_space<vmem>> -> memref<1x128x16xf32, #tpu.memory_space<vmem>>
        %dma_start3A_899 = tpu.memref_squeeze %dma_start3A_898 : memref<1x128x16xf32, #tpu.memory_space<vmem>> -> memref<128x16xf32, #tpu.memory_space<vmem>>
        %dma_start3A_900 = tpu.memref_slice %arg6[%mul3A_893] : memref<10000xi32, #tpu.memory_space<vmem>> -> memref<128xi32, #tpu.memory_space<vmem>>
        %dma_start3A_901 = arith.constant 0 : i32
        %dma_start3A_902 = arith.constant 0 : i32
        %dma_start3A_903 = tpu.memref_slice %arg10[%dma_start3A_901, %dma_start3A_902] : memref<10000x16xf32, #tpu.memory_space<vmem_shared>> -> memref<10000x16xf32, #tpu.memory_space<vmem_shared>>
        %dma_start3A_904 = tpu.memref_slice %arg12[%dma_start3A_895] : memref<8x!tpu.dma_semaphore, #tpu.memory_space<semaphore_mem>> -> memref<1x!tpu.dma_semaphore, #tpu.memory_space<semaphore_mem>>
        %dma_start3A_905 = tpu.memref_squeeze %dma_start3A_904 : memref<1x!tpu.dma_semaphore, #tpu.memory_space<semaphore_mem>> -> memref<!tpu.dma_semaphore, #tpu.memory_space<semaphore_mem>>
        tpu.enqueue_indirect_dma source(%dma_start3A_899 : memref<128x16xf32, #tpu.memory_space<vmem>>) target(%dma_start3A_903 : memref<10000x16xf32, #tpu.memory_space<vmem_shared>>) offsets(%dma_start3A_900 : memref<128xi32, #tpu.memory_space<vmem>>) semaphore(%dma_start3A_905 : memref<!tpu.dma_semaphore, #tpu.memory_space<semaphore_mem>>) {add = true}
      } else {
      }
      %add3A_855 = arith.constant 8 : i32
      %add3A_856 = arith.addi %add3A_849, %add3A_855 : i32
      %lt3A_857 = arith.constant 78 : i32
      %lt3A_858 = arith.cmpi slt, %add3A_856, %lt3A_857 : i32
      %convert_element_type3A_859 = arith.extui %lt3A_858 : i1 to i32
      %cond3A_860 = arith.constant 0 : i32
      %cond3A_861 = arith.cmpi ne, %convert_element_type3A_859, %cond3A_860 : i32
      scf.if %cond3A_861 {
        %mul3A_878 = arith.constant 128 : i32
        %mul3A_879 = arith.muli %add3A_849, %mul3A_878 : i32
        %dma_wait3A_880 = arith.constant 6 : i32
        %dma_wait3A_881 = arith.constant 6 : i32
        %dma_wait3A_882 = arith.constant 0 : i32
        %dma_wait3A_883 = arith.constant 0 : i32
        %dma_wait3A_884 = tpu.memref_slice %arg7[%dma_wait3A_880, %dma_wait3A_882, %dma_wait3A_883] : memref<8x128x16xf32, #tpu.memory_space<vmem>> -> memref<1x128x16xf32, #tpu.memory_space<vmem>>
        %dma_wait3A_885 = tpu.memref_squeeze %dma_wait3A_884 : memref<1x128x16xf32, #tpu.memory_space<vmem>> -> memref<128x16xf32, #tpu.memory_space<vmem>>
        %dma_wait3A_886 = tpu.memref_slice %arg6[%mul3A_879] : memref<10000xi32, #tpu.memory_space<vmem>> -> memref<128xi32, #tpu.memory_space<vmem>>
        %dma_wait3A_887 = arith.constant 0 : i32
        %dma_wait3A_888 = arith.constant 0 : i32
        %dma_wait3A_889 = tpu.memref_slice %arg10[%dma_wait3A_887, %dma_wait3A_888] : memref<10000x16xf32, #tpu.memory_space<vmem_shared>> -> memref<10000x16xf32, #tpu.memory_space<vmem_shared>>
        %dma_wait3A_890 = tpu.memref_slice %arg12[%dma_wait3A_881] : memref<8x!tpu.dma_semaphore, #tpu.memory_space<semaphore_mem>> -> memref<1x!tpu.dma_semaphore, #tpu.memory_space<semaphore_mem>>
        %dma_wait3A_891 = tpu.memref_squeeze %dma_wait3A_890 : memref<1x!tpu.dma_semaphore, #tpu.memory_space<semaphore_mem>> -> memref<!tpu.dma_semaphore, #tpu.memory_space<semaphore_mem>>
        tpu.wait_indirect_dma semaphore(%dma_wait3A_891 : memref<!tpu.dma_semaphore, #tpu.memory_space<semaphore_mem>>) src(%dma_wait3A_885 : memref<128x16xf32, #tpu.memory_space<vmem>>) dst(%dma_wait3A_889 : memref<10000x16xf32, #tpu.memory_space<vmem_shared>>)
        %add3A_892 = arith.constant 8 : i32
        %add3A_893 = arith.addi %add3A_849, %add3A_892 : i32
        %mul3A_894 = arith.constant 128 : i32
        %mul3A_895 = arith.muli %add3A_893, %mul3A_894 : i32
        %dma_start3A_896 = arith.constant 6 : i32
        %dma_start3A_897 = arith.constant 6 : i32
        %dma_start3A_898 = arith.constant 0 : i32
        %dma_start3A_899 = arith.constant 0 : i32
        %dma_start3A_900 = tpu.memref_slice %arg7[%dma_start3A_896, %dma_start3A_898, %dma_start3A_899] : memref<8x128x16xf32, #tpu.memory_space<vmem>> -> memref<1x128x16xf32, #tpu.memory_space<vmem>>
        %dma_start3A_901 = tpu.memref_squeeze %dma_start3A_900 : memref<1x128x16xf32, #tpu.memory_space<vmem>> -> memref<128x16xf32, #tpu.memory_space<vmem>>
        %dma_start3A_902 = tpu.memref_slice %arg5[%mul3A_895] : memref<10000xi32, #tpu.memory_space<vmem>> -> memref<128xi32, #tpu.memory_space<vmem>>
        %dma_start3A_903 = arith.constant 0 : i32
        %dma_start3A_904 = arith.constant 0 : i32
        %dma_start3A_905 = tpu.memref_slice %arg2[%dma_start3A_903, %dma_start3A_904] : memref<10000x16xf32, #tpu.memory_space<hbm>> -> memref<10000x16xf32, #tpu.memory_space<hbm>>
        %dma_start3A_906 = tpu.memref_slice %arg11[%dma_start3A_897] : memref<8x!tpu.dma_semaphore, #tpu.memory_space<semaphore_mem>> -> memref<1x!tpu.dma_semaphore, #tpu.memory_space<semaphore_mem>>
        %dma_start3A_907 = tpu.memref_squeeze %dma_start3A_906 : memref<1x!tpu.dma_semaphore, #tpu.memory_space<semaphore_mem>> -> memref<!tpu.dma_semaphore, #tpu.memory_space<semaphore_mem>>
        tpu.enqueue_indirect_dma source(%dma_start3A_905 : memref<10000x16xf32, #tpu.memory_space<hbm>>) target(%dma_start3A_901 : memref<128x16xf32, #tpu.memory_space<vmem>>) offsets(%dma_start3A_902 : memref<128xi32, #tpu.memory_space<vmem>>) semaphore(%dma_start3A_907 : memref<!tpu.dma_semaphore, #tpu.memory_space<semaphore_mem>>)
      } else {
      }
      %mul3A_862 = arith.constant 8 : i32
      %mul3A_863 = arith.muli %scan3A_752, %mul3A_862 : i32
      %add3A_864 = arith.constant 7 : i32
      %add3A_865 = arith.addi %mul3A_863, %add3A_864 : i32
      %lt3A_866 = arith.constant 78 : i32
      %lt3A_867 = arith.cmpi slt, %add3A_865, %lt3A_866 : i32
      %convert_element_type3A_868 = arith.extui %lt3A_867 : i1 to i32
      %cond3A_869 = arith.constant 0 : i32
      %cond3A_870 = arith.cmpi ne, %convert_element_type3A_868, %cond3A_869 : i32
      scf.if %cond3A_870 {
        %mul3A_878 = arith.constant 128 : i32
        %mul3A_879 = arith.muli %add3A_865, %mul3A_878 : i32
        %dma_wait3A_880 = arith.constant 7 : i32
        %dma_wait3A_881 = arith.constant 7 : i32
        %dma_wait3A_882 = arith.constant 0 : i32
        %dma_wait3A_883 = arith.constant 0 : i32
        %dma_wait3A_884 = tpu.memref_slice %arg7[%dma_wait3A_880, %dma_wait3A_882, %dma_wait3A_883] : memref<8x128x16xf32, #tpu.memory_space<vmem>> -> memref<1x128x16xf32, #tpu.memory_space<vmem>>
        %dma_wait3A_885 = tpu.memref_squeeze %dma_wait3A_884 : memref<1x128x16xf32, #tpu.memory_space<vmem>> -> memref<128x16xf32, #tpu.memory_space<vmem>>
        %dma_wait3A_886 = tpu.memref_slice %arg5[%mul3A_879] : memref<10000xi32, #tpu.memory_space<vmem>> -> memref<128xi32, #tpu.memory_space<vmem>>
        %dma_wait3A_887 = arith.constant 0 : i32
        %dma_wait3A_888 = arith.constant 0 : i32
        %dma_wait3A_889 = tpu.memref_slice %arg2[%dma_wait3A_887, %dma_wait3A_888] : memref<10000x16xf32, #tpu.memory_space<hbm>> -> memref<10000x16xf32, #tpu.memory_space<hbm>>
        %dma_wait3A_890 = tpu.memref_slice %arg11[%dma_wait3A_881] : memref<8x!tpu.dma_semaphore, #tpu.memory_space<semaphore_mem>> -> memref<1x!tpu.dma_semaphore, #tpu.memory_space<semaphore_mem>>
        %dma_wait3A_891 = tpu.memref_squeeze %dma_wait3A_890 : memref<1x!tpu.dma_semaphore, #tpu.memory_space<semaphore_mem>> -> memref<!tpu.dma_semaphore, #tpu.memory_space<semaphore_mem>>
        tpu.wait_indirect_dma semaphore(%dma_wait3A_891 : memref<!tpu.dma_semaphore, #tpu.memory_space<semaphore_mem>>) src(%dma_wait3A_889 : memref<10000x16xf32, #tpu.memory_space<hbm>>) dst(%dma_wait3A_885 : memref<128x16xf32, #tpu.memory_space<vmem>>)
        %mul3A_892 = arith.constant 128 : i32
        %mul3A_893 = arith.muli %add3A_865, %mul3A_892 : i32
        %dma_start3A_894 = arith.constant 7 : i32
        %dma_start3A_895 = arith.constant 7 : i32
        %dma_start3A_896 = arith.constant 0 : i32
        %dma_start3A_897 = arith.constant 0 : i32
        %dma_start3A_898 = tpu.memref_slice %arg7[%dma_start3A_894, %dma_start3A_896, %dma_start3A_897] : memref<8x128x16xf32, #tpu.memory_space<vmem>> -> memref<1x128x16xf32, #tpu.memory_space<vmem>>
        %dma_start3A_899 = tpu.memref_squeeze %dma_start3A_898 : memref<1x128x16xf32, #tpu.memory_space<vmem>> -> memref<128x16xf32, #tpu.memory_space<vmem>>
        %dma_start3A_900 = tpu.memref_slice %arg6[%mul3A_893] : memref<10000xi32, #tpu.memory_space<vmem>> -> memref<128xi32, #tpu.memory_space<vmem>>
        %dma_start3A_901 = arith.constant 0 : i32
        %dma_start3A_902 = arith.constant 0 : i32
        %dma_start3A_903 = tpu.memref_slice %arg10[%dma_start3A_901, %dma_start3A_902] : memref<10000x16xf32, #tpu.memory_space<vmem_shared>> -> memref<10000x16xf32, #tpu.memory_space<vmem_shared>>
        %dma_start3A_904 = tpu.memref_slice %arg12[%dma_start3A_895] : memref<8x!tpu.dma_semaphore, #tpu.memory_space<semaphore_mem>> -> memref<1x!tpu.dma_semaphore, #tpu.memory_space<semaphore_mem>>
        %dma_start3A_905 = tpu.memref_squeeze %dma_start3A_904 : memref<1x!tpu.dma_semaphore, #tpu.memory_space<semaphore_mem>> -> memref<!tpu.dma_semaphore, #tpu.memory_space<semaphore_mem>>
        tpu.enqueue_indirect_dma source(%dma_start3A_899 : memref<128x16xf32, #tpu.memory_space<vmem>>) target(%dma_start3A_903 : memref<10000x16xf32, #tpu.memory_space<vmem_shared>>) offsets(%dma_start3A_900 : memref<128xi32, #tpu.memory_space<vmem>>) semaphore(%dma_start3A_905 : memref<!tpu.dma_semaphore, #tpu.memory_space<semaphore_mem>>) {add = true}
      } else {
      }
      %add3A_871 = arith.constant 8 : i32
      %add3A_872 = arith.addi %add3A_865, %add3A_871 : i32
      %lt3A_873 = arith.constant 78 : i32
      %lt3A_874 = arith.cmpi slt, %add3A_872, %lt3A_873 : i32
      %convert_element_type3A_875 = arith.extui %lt3A_874 : i1 to i32
      %cond3A_876 = arith.constant 0 : i32
      %cond3A_877 = arith.cmpi ne, %convert_element_type3A_875, %cond3A_876 : i32
      scf.if %cond3A_877 {
        %mul3A_878 = arith.constant 128 : i32
        %mul3A_879 = arith.muli %add3A_865, %mul3A_878 : i32
        %dma_wait3A_880 = arith.constant 7 : i32
        %dma_wait3A_881 = arith.constant 7 : i32
        %dma_wait3A_882 = arith.constant 0 : i32
        %dma_wait3A_883 = arith.constant 0 : i32
        %dma_wait3A_884 = tpu.memref_slice %arg7[%dma_wait3A_880, %dma_wait3A_882, %dma_wait3A_883] : memref<8x128x16xf32, #tpu.memory_space<vmem>> -> memref<1x128x16xf32, #tpu.memory_space<vmem>>
        %dma_wait3A_885 = tpu.memref_squeeze %dma_wait3A_884 : memref<1x128x16xf32, #tpu.memory_space<vmem>> -> memref<128x16xf32, #tpu.memory_space<vmem>>
        %dma_wait3A_886 = tpu.memref_slice %arg6[%mul3A_879] : memref<10000xi32, #tpu.memory_space<vmem>> -> memref<128xi32, #tpu.memory_space<vmem>>
        %dma_wait3A_887 = arith.constant 0 : i32
        %dma_wait3A_888 = arith.constant 0 : i32
        %dma_wait3A_889 = tpu.memref_slice %arg10[%dma_wait3A_887, %dma_wait3A_888] : memref<10000x16xf32, #tpu.memory_space<vmem_shared>> -> memref<10000x16xf32, #tpu.memory_space<vmem_shared>>
        %dma_wait3A_890 = tpu.memref_slice %arg12[%dma_wait3A_881] : memref<8x!tpu.dma_semaphore, #tpu.memory_space<semaphore_mem>> -> memref<1x!tpu.dma_semaphore, #tpu.memory_space<semaphore_mem>>
        %dma_wait3A_891 = tpu.memref_squeeze %dma_wait3A_890 : memref<1x!tpu.dma_semaphore, #tpu.memory_space<semaphore_mem>> -> memref<!tpu.dma_semaphore, #tpu.memory_space<semaphore_mem>>
        tpu.wait_indirect_dma semaphore(%dma_wait3A_891 : memref<!tpu.dma_semaphore, #tpu.memory_space<semaphore_mem>>) src(%dma_wait3A_885 : memref<128x16xf32, #tpu.memory_space<vmem>>) dst(%dma_wait3A_889 : memref<10000x16xf32, #tpu.memory_space<vmem_shared>>)
        %add3A_892 = arith.constant 8 : i32
        %add3A_893 = arith.addi %add3A_865, %add3A_892 : i32
        %mul3A_894 = arith.constant 128 : i32
        %mul3A_895 = arith.muli %add3A_893, %mul3A_894 : i32
        %dma_start3A_896 = arith.constant 7 : i32
        %dma_start3A_897 = arith.constant 7 : i32
        %dma_start3A_898 = arith.constant 0 : i32
        %dma_start3A_899 = arith.constant 0 : i32
        %dma_start3A_900 = tpu.memref_slice %arg7[%dma_start3A_896, %dma_start3A_898, %dma_start3A_899] : memref<8x128x16xf32, #tpu.memory_space<vmem>> -> memref<1x128x16xf32, #tpu.memory_space<vmem>>
        %dma_start3A_901 = tpu.memref_squeeze %dma_start3A_900 : memref<1x128x16xf32, #tpu.memory_space<vmem>> -> memref<128x16xf32, #tpu.memory_space<vmem>>
        %dma_start3A_902 = tpu.memref_slice %arg5[%mul3A_895] : memref<10000xi32, #tpu.memory_space<vmem>> -> memref<128xi32, #tpu.memory_space<vmem>>
        %dma_start3A_903 = arith.constant 0 : i32
        %dma_start3A_904 = arith.constant 0 : i32
        %dma_start3A_905 = tpu.memref_slice %arg2[%dma_start3A_903, %dma_start3A_904] : memref<10000x16xf32, #tpu.memory_space<hbm>> -> memref<10000x16xf32, #tpu.memory_space<hbm>>
        %dma_start3A_906 = tpu.memref_slice %arg11[%dma_start3A_897] : memref<8x!tpu.dma_semaphore, #tpu.memory_space<semaphore_mem>> -> memref<1x!tpu.dma_semaphore, #tpu.memory_space<semaphore_mem>>
        %dma_start3A_907 = tpu.memref_squeeze %dma_start3A_906 : memref<1x!tpu.dma_semaphore, #tpu.memory_space<semaphore_mem>> -> memref<!tpu.dma_semaphore, #tpu.memory_space<semaphore_mem>>
        tpu.enqueue_indirect_dma source(%dma_start3A_905 : memref<10000x16xf32, #tpu.memory_space<hbm>>) target(%dma_start3A_901 : memref<128x16xf32, #tpu.memory_space<vmem>>) offsets(%dma_start3A_902 : memref<128xi32, #tpu.memory_space<vmem>>) semaphore(%dma_start3A_907 : memref<!tpu.dma_semaphore, #tpu.memory_space<semaphore_mem>>)
      } else {
      }
    }
    %scan3A_633 = arith.constant 10 : i32
    %dma_wait3A = arith.constant 6 : i32
    %dma_wait3A_634 = arith.constant 6 : i32
    %dma_wait3A_635 = arith.constant 0 : i32
    %dma_wait3A_636 = arith.constant 0 : i32
    %dma_wait3A_637 = tpu.memref_slice %arg7[%dma_wait3A, %dma_wait3A_635, %dma_wait3A_636] : memref<8x128x16xf32, #tpu.memory_space<vmem>> -> memref<1x128x16xf32, #tpu.memory_space<vmem>>
    %dma_wait3A_638 = tpu.memref_squeeze %dma_wait3A_637 : memref<1x128x16xf32, #tpu.memory_space<vmem>> -> memref<128x16xf32, #tpu.memory_space<vmem>>
    %dma_wait3A_639 = arith.constant 8960 : i32
    %dma_wait3A_640 = tpu.memref_slice %arg6[%dma_wait3A_639] : memref<10000xi32, #tpu.memory_space<vmem>> -> memref<128xi32, #tpu.memory_space<vmem>>
    %dma_wait3A_641 = arith.constant 0 : i32
    %dma_wait3A_642 = arith.constant 0 : i32
    %dma_wait3A_643 = tpu.memref_slice %arg10[%dma_wait3A_641, %dma_wait3A_642] : memref<10000x16xf32, #tpu.memory_space<vmem_shared>> -> memref<10000x16xf32, #tpu.memory_space<vmem_shared>>
    %dma_wait3A_644 = tpu.memref_slice %arg12[%dma_wait3A_634] : memref<8x!tpu.dma_semaphore, #tpu.memory_space<semaphore_mem>> -> memref<1x!tpu.dma_semaphore, #tpu.memory_space<semaphore_mem>>
    %dma_wait3A_645 = tpu.memref_squeeze %dma_wait3A_644 : memref<1x!tpu.dma_semaphore, #tpu.memory_space<semaphore_mem>> -> memref<!tpu.dma_semaphore, #tpu.memory_space<semaphore_mem>>
    tpu.wait_indirect_dma semaphore(%dma_wait3A_645 : memref<!tpu.dma_semaphore, #tpu.memory_space<semaphore_mem>>) src(%dma_wait3A_638 : memref<128x16xf32, #tpu.memory_space<vmem>>) dst(%dma_wait3A_643 : memref<10000x16xf32, #tpu.memory_space<vmem_shared>>)
    %dma_wait3A_646 = arith.constant 7 : i32
    %dma_wait3A_647 = arith.constant 7 : i32
    %dma_wait3A_648 = arith.constant 0 : i32
    %dma_wait3A_649 = arith.constant 0 : i32
    %dma_wait3A_650 = tpu.memref_slice %arg7[%dma_wait3A_646, %dma_wait3A_648, %dma_wait3A_649] : memref<8x128x16xf32, #tpu.memory_space<vmem>> -> memref<1x128x16xf32, #tpu.memory_space<vmem>>
    %dma_wait3A_651 = tpu.memref_squeeze %dma_wait3A_650 : memref<1x128x16xf32, #tpu.memory_space<vmem>> -> memref<128x16xf32, #tpu.memory_space<vmem>>
    %dma_wait3A_652 = arith.constant 9088 : i32
    %dma_wait3A_653 = tpu.memref_slice %arg6[%dma_wait3A_652] : memref<10000xi32, #tpu.memory_space<vmem>> -> memref<128xi32, #tpu.memory_space<vmem>>
    %dma_wait3A_654 = arith.constant 0 : i32
    %dma_wait3A_655 = arith.constant 0 : i32
    %dma_wait3A_656 = tpu.memref_slice %arg10[%dma_wait3A_654, %dma_wait3A_655] : memref<10000x16xf32, #tpu.memory_space<vmem_shared>> -> memref<10000x16xf32, #tpu.memory_space<vmem_shared>>
    %dma_wait3A_657 = tpu.memref_slice %arg12[%dma_wait3A_647] : memref<8x!tpu.dma_semaphore, #tpu.memory_space<semaphore_mem>> -> memref<1x!tpu.dma_semaphore, #tpu.memory_space<semaphore_mem>>
    %dma_wait3A_658 = tpu.memref_squeeze %dma_wait3A_657 : memref<1x!tpu.dma_semaphore, #tpu.memory_space<semaphore_mem>> -> memref<!tpu.dma_semaphore, #tpu.memory_space<semaphore_mem>>
    tpu.wait_indirect_dma semaphore(%dma_wait3A_658 : memref<!tpu.dma_semaphore, #tpu.memory_space<semaphore_mem>>) src(%dma_wait3A_651 : memref<128x16xf32, #tpu.memory_space<vmem>>) dst(%dma_wait3A_656 : memref<10000x16xf32, #tpu.memory_space<vmem_shared>>)
    %dma_wait3A_659 = arith.constant 0 : i32
    %dma_wait3A_660 = arith.constant 0 : i32
    %dma_wait3A_661 = arith.constant 0 : i32
    %dma_wait3A_662 = arith.constant 0 : i32
    %dma_wait3A_663 = tpu.memref_slice %arg7[%dma_wait3A_659, %dma_wait3A_661, %dma_wait3A_662] : memref<8x128x16xf32, #tpu.memory_space<vmem>> -> memref<1x128x16xf32, #tpu.memory_space<vmem>>
    %dma_wait3A_664 = tpu.memref_squeeze %dma_wait3A_663 : memref<1x128x16xf32, #tpu.memory_space<vmem>> -> memref<128x16xf32, #tpu.memory_space<vmem>>
    %dma_wait3A_665 = arith.constant 9216 : i32
    %dma_wait3A_666 = tpu.memref_slice %arg6[%dma_wait3A_665] : memref<10000xi32, #tpu.memory_space<vmem>> -> memref<128xi32, #tpu.memory_space<vmem>>
    %dma_wait3A_667 = arith.constant 0 : i32
    %dma_wait3A_668 = arith.constant 0 : i32
    %dma_wait3A_669 = tpu.memref_slice %arg10[%dma_wait3A_667, %dma_wait3A_668] : memref<10000x16xf32, #tpu.memory_space<vmem_shared>> -> memref<10000x16xf32, #tpu.memory_space<vmem_shared>>
    %dma_wait3A_670 = tpu.memref_slice %arg12[%dma_wait3A_660] : memref<8x!tpu.dma_semaphore, #tpu.memory_space<semaphore_mem>> -> memref<1x!tpu.dma_semaphore, #tpu.memory_space<semaphore_mem>>
    %dma_wait3A_671 = tpu.memref_squeeze %dma_wait3A_670 : memref<1x!tpu.dma_semaphore, #tpu.memory_space<semaphore_mem>> -> memref<!tpu.dma_semaphore, #tpu.memory_space<semaphore_mem>>
    tpu.wait_indirect_dma semaphore(%dma_wait3A_671 : memref<!tpu.dma_semaphore, #tpu.memory_space<semaphore_mem>>) src(%dma_wait3A_664 : memref<128x16xf32, #tpu.memory_space<vmem>>) dst(%dma_wait3A_669 : memref<10000x16xf32, #tpu.memory_space<vmem_shared>>)
    %dma_wait3A_672 = arith.constant 1 : i32
    %dma_wait3A_673 = arith.constant 1 : i32
    %dma_wait3A_674 = arith.constant 0 : i32
    %dma_wait3A_675 = arith.constant 0 : i32
    %dma_wait3A_676 = tpu.memref_slice %arg7[%dma_wait3A_672, %dma_wait3A_674, %dma_wait3A_675] : memref<8x128x16xf32, #tpu.memory_space<vmem>> -> memref<1x128x16xf32, #tpu.memory_space<vmem>>
    %dma_wait3A_677 = tpu.memref_squeeze %dma_wait3A_676 : memref<1x128x16xf32, #tpu.memory_space<vmem>> -> memref<128x16xf32, #tpu.memory_space<vmem>>
    %dma_wait3A_678 = arith.constant 9344 : i32
    %dma_wait3A_679 = tpu.memref_slice %arg6[%dma_wait3A_678] : memref<10000xi32, #tpu.memory_space<vmem>> -> memref<128xi32, #tpu.memory_space<vmem>>
    %dma_wait3A_680 = arith.constant 0 : i32
    %dma_wait3A_681 = arith.constant 0 : i32
    %dma_wait3A_682 = tpu.memref_slice %arg10[%dma_wait3A_680, %dma_wait3A_681] : memref<10000x16xf32, #tpu.memory_space<vmem_shared>> -> memref<10000x16xf32, #tpu.memory_space<vmem_shared>>
    %dma_wait3A_683 = tpu.memref_slice %arg12[%dma_wait3A_673] : memref<8x!tpu.dma_semaphore, #tpu.memory_space<semaphore_mem>> -> memref<1x!tpu.dma_semaphore, #tpu.memory_space<semaphore_mem>>
    %dma_wait3A_684 = tpu.memref_squeeze %dma_wait3A_683 : memref<1x!tpu.dma_semaphore, #tpu.memory_space<semaphore_mem>> -> memref<!tpu.dma_semaphore, #tpu.memory_space<semaphore_mem>>
    tpu.wait_indirect_dma semaphore(%dma_wait3A_684 : memref<!tpu.dma_semaphore, #tpu.memory_space<semaphore_mem>>) src(%dma_wait3A_677 : memref<128x16xf32, #tpu.memory_space<vmem>>) dst(%dma_wait3A_682 : memref<10000x16xf32, #tpu.memory_space<vmem_shared>>)
    %dma_wait3A_685 = arith.constant 2 : i32
    %dma_wait3A_686 = arith.constant 2 : i32
    %dma_wait3A_687 = arith.constant 0 : i32
    %dma_wait3A_688 = arith.constant 0 : i32
    %dma_wait3A_689 = tpu.memref_slice %arg7[%dma_wait3A_685, %dma_wait3A_687, %dma_wait3A_688] : memref<8x128x16xf32, #tpu.memory_space<vmem>> -> memref<1x128x16xf32, #tpu.memory_space<vmem>>
    %dma_wait3A_690 = tpu.memref_squeeze %dma_wait3A_689 : memref<1x128x16xf32, #tpu.memory_space<vmem>> -> memref<128x16xf32, #tpu.memory_space<vmem>>
    %dma_wait3A_691 = arith.constant 9472 : i32
    %dma_wait3A_692 = tpu.memref_slice %arg6[%dma_wait3A_691] : memref<10000xi32, #tpu.memory_space<vmem>> -> memref<128xi32, #tpu.memory_space<vmem>>
    %dma_wait3A_693 = arith.constant 0 : i32
    %dma_wait3A_694 = arith.constant 0 : i32
    %dma_wait3A_695 = tpu.memref_slice %arg10[%dma_wait3A_693, %dma_wait3A_694] : memref<10000x16xf32, #tpu.memory_space<vmem_shared>> -> memref<10000x16xf32, #tpu.memory_space<vmem_shared>>
    %dma_wait3A_696 = tpu.memref_slice %arg12[%dma_wait3A_686] : memref<8x!tpu.dma_semaphore, #tpu.memory_space<semaphore_mem>> -> memref<1x!tpu.dma_semaphore, #tpu.memory_space<semaphore_mem>>
    %dma_wait3A_697 = tpu.memref_squeeze %dma_wait3A_696 : memref<1x!tpu.dma_semaphore, #tpu.memory_space<semaphore_mem>> -> memref<!tpu.dma_semaphore, #tpu.memory_space<semaphore_mem>>
    tpu.wait_indirect_dma semaphore(%dma_wait3A_697 : memref<!tpu.dma_semaphore, #tpu.memory_space<semaphore_mem>>) src(%dma_wait3A_690 : memref<128x16xf32, #tpu.memory_space<vmem>>) dst(%dma_wait3A_695 : memref<10000x16xf32, #tpu.memory_space<vmem_shared>>)
    %dma_wait3A_698 = arith.constant 3 : i32
    %dma_wait3A_699 = arith.constant 3 : i32
    %dma_wait3A_700 = arith.constant 0 : i32
    %dma_wait3A_701 = arith.constant 0 : i32
    %dma_wait3A_702 = tpu.memref_slice %arg7[%dma_wait3A_698, %dma_wait3A_700, %dma_wait3A_701] : memref<8x128x16xf32, #tpu.memory_space<vmem>> -> memref<1x128x16xf32, #tpu.memory_space<vmem>>
    %dma_wait3A_703 = tpu.memref_squeeze %dma_wait3A_702 : memref<1x128x16xf32, #tpu.memory_space<vmem>> -> memref<128x16xf32, #tpu.memory_space<vmem>>
    %dma_wait3A_704 = arith.constant 9600 : i32
    %dma_wait3A_705 = tpu.memref_slice %arg6[%dma_wait3A_704] : memref<10000xi32, #tpu.memory_space<vmem>> -> memref<128xi32, #tpu.memory_space<vmem>>
    %dma_wait3A_706 = arith.constant 0 : i32
    %dma_wait3A_707 = arith.constant 0 : i32
    %dma_wait3A_708 = tpu.memref_slice %arg10[%dma_wait3A_706, %dma_wait3A_707] : memref<10000x16xf32, #tpu.memory_space<vmem_shared>> -> memref<10000x16xf32, #tpu.memory_space<vmem_shared>>
    %dma_wait3A_709 = tpu.memref_slice %arg12[%dma_wait3A_699] : memref<8x!tpu.dma_semaphore, #tpu.memory_space<semaphore_mem>> -> memref<1x!tpu.dma_semaphore, #tpu.memory_space<semaphore_mem>>
    %dma_wait3A_710 = tpu.memref_squeeze %dma_wait3A_709 : memref<1x!tpu.dma_semaphore, #tpu.memory_space<semaphore_mem>> -> memref<!tpu.dma_semaphore, #tpu.memory_space<semaphore_mem>>
    tpu.wait_indirect_dma semaphore(%dma_wait3A_710 : memref<!tpu.dma_semaphore, #tpu.memory_space<semaphore_mem>>) src(%dma_wait3A_703 : memref<128x16xf32, #tpu.memory_space<vmem>>) dst(%dma_wait3A_708 : memref<10000x16xf32, #tpu.memory_space<vmem_shared>>)
    %dma_wait3A_711 = arith.constant 4 : i32
    %dma_wait3A_712 = arith.constant 4 : i32
    %dma_wait3A_713 = arith.constant 0 : i32
    %dma_wait3A_714 = arith.constant 0 : i32
    %dma_wait3A_715 = tpu.memref_slice %arg7[%dma_wait3A_711, %dma_wait3A_713, %dma_wait3A_714] : memref<8x128x16xf32, #tpu.memory_space<vmem>> -> memref<1x128x16xf32, #tpu.memory_space<vmem>>
    %dma_wait3A_716 = tpu.memref_squeeze %dma_wait3A_715 : memref<1x128x16xf32, #tpu.memory_space<vmem>> -> memref<128x16xf32, #tpu.memory_space<vmem>>
    %dma_wait3A_717 = arith.constant 9728 : i32
    %dma_wait3A_718 = tpu.memref_slice %arg6[%dma_wait3A_717] : memref<10000xi32, #tpu.memory_space<vmem>> -> memref<128xi32, #tpu.memory_space<vmem>>
    %dma_wait3A_719 = arith.constant 0 : i32
    %dma_wait3A_720 = arith.constant 0 : i32
    %dma_wait3A_721 = tpu.memref_slice %arg10[%dma_wait3A_719, %dma_wait3A_720] : memref<10000x16xf32, #tpu.memory_space<vmem_shared>> -> memref<10000x16xf32, #tpu.memory_space<vmem_shared>>
    %dma_wait3A_722 = tpu.memref_slice %arg12[%dma_wait3A_712] : memref<8x!tpu.dma_semaphore, #tpu.memory_space<semaphore_mem>> -> memref<1x!tpu.dma_semaphore, #tpu.memory_space<semaphore_mem>>
    %dma_wait3A_723 = tpu.memref_squeeze %dma_wait3A_722 : memref<1x!tpu.dma_semaphore, #tpu.memory_space<semaphore_mem>> -> memref<!tpu.dma_semaphore, #tpu.memory_space<semaphore_mem>>
    tpu.wait_indirect_dma semaphore(%dma_wait3A_723 : memref<!tpu.dma_semaphore, #tpu.memory_space<semaphore_mem>>) src(%dma_wait3A_716 : memref<128x16xf32, #tpu.memory_space<vmem>>) dst(%dma_wait3A_721 : memref<10000x16xf32, #tpu.memory_space<vmem_shared>>)
    %dma_wait3A_724 = arith.constant 5 : i32
    %dma_wait3A_725 = arith.constant 5 : i32
    %dma_wait3A_726 = arith.constant 0 : i32
    %dma_wait3A_727 = arith.constant 0 : i32
    %dma_wait3A_728 = tpu.memref_slice %arg7[%dma_wait3A_724, %dma_wait3A_726, %dma_wait3A_727] : memref<8x128x16xf32, #tpu.memory_space<vmem>> -> memref<1x128x16xf32, #tpu.memory_space<vmem>>
    %dma_wait3A_729 = tpu.memref_squeeze %dma_wait3A_728 : memref<1x128x16xf32, #tpu.memory_space<vmem>> -> memref<128x16xf32, #tpu.memory_space<vmem>>
    %dma_wait3A_730 = arith.constant 9856 : i32
    %dma_wait3A_731 = tpu.memref_slice %arg6[%dma_wait3A_730] : memref<10000xi32, #tpu.memory_space<vmem>> -> memref<128xi32, #tpu.memory_space<vmem>>
    %dma_wait3A_732 = arith.constant 0 : i32
    %dma_wait3A_733 = arith.constant 0 : i32
    %dma_wait3A_734 = tpu.memref_slice %arg10[%dma_wait3A_732, %dma_wait3A_733] : memref<10000x16xf32, #tpu.memory_space<vmem_shared>> -> memref<10000x16xf32, #tpu.memory_space<vmem_shared>>
    %dma_wait3A_735 = tpu.memref_slice %arg12[%dma_wait3A_725] : memref<8x!tpu.dma_semaphore, #tpu.memory_space<semaphore_mem>> -> memref<1x!tpu.dma_semaphore, #tpu.memory_space<semaphore_mem>>
    %dma_wait3A_736 = tpu.memref_squeeze %dma_wait3A_735 : memref<1x!tpu.dma_semaphore, #tpu.memory_space<semaphore_mem>> -> memref<!tpu.dma_semaphore, #tpu.memory_space<semaphore_mem>>
    tpu.wait_indirect_dma semaphore(%dma_wait3A_736 : memref<!tpu.dma_semaphore, #tpu.memory_space<semaphore_mem>>) src(%dma_wait3A_729 : memref<128x16xf32, #tpu.memory_space<vmem>>) dst(%dma_wait3A_734 : memref<10000x16xf32, #tpu.memory_space<vmem_shared>>)
    %dma_start3A_737 = arith.constant 9984 : i32
    %dma_start3A_738 = tpu.memref_slice %arg5[%dma_start3A_737] : memref<10000xi32, #tpu.memory_space<vmem>> -> memref<16xi32, #tpu.memory_space<vmem>>
    %dma_start3A_739 = arith.constant 0 : i32
    %dma_start3A_740 = arith.constant 0 : i32
    %dma_start3A_741 = tpu.memref_slice %arg2[%dma_start3A_739, %dma_start3A_740] : memref<10000x16xf32, #tpu.memory_space<hbm>> -> memref<10000x16xf32, #tpu.memory_space<hbm>>
    tpu.enqueue_indirect_dma source(%dma_start3A_741 : memref<10000x16xf32, #tpu.memory_space<hbm>>) target(%arg8 : memref<16x16xf32, #tpu.memory_space<vmem>>) offsets(%dma_start3A_738 : memref<16xi32, #tpu.memory_space<vmem>>) semaphore(%arg13 : memref<!tpu.dma_semaphore, #tpu.memory_space<semaphore_mem>>)
    %dma_wait3A_742 = arith.constant 9984 : i32
    %dma_wait3A_743 = tpu.memref_slice %arg5[%dma_wait3A_742] : memref<10000xi32, #tpu.memory_space<vmem>> -> memref<16xi32, #tpu.memory_space<vmem>>
    %dma_wait3A_744 = arith.constant 0 : i32
    %dma_wait3A_745 = arith.constant 0 : i32
    %dma_wait3A_746 = tpu.memref_slice %arg2[%dma_wait3A_744, %dma_wait3A_745] : memref<10000x16xf32, #tpu.memory_space<hbm>> -> memref<10000x16xf32, #tpu.memory_space<hbm>>
    tpu.wait_indirect_dma semaphore(%arg13 : memref<!tpu.dma_semaphore, #tpu.memory_space<semaphore_mem>>) src(%dma_wait3A_746 : memref<10000x16xf32, #tpu.memory_space<hbm>>) dst(%arg8 : memref<16x16xf32, #tpu.memory_space<vmem>>)
    "tpu.region"() ({
      %run_scoped3A_752 = tpu.sem_alloc : memref<!tpu.dma_semaphore, #tpu.memory_space<semaphore_mem>>
      %dma_start3A_753 = arith.constant 9984 : i32
      %dma_start3A_754 = tpu.memref_slice %arg6[%dma_start3A_753] : memref<10000xi32, #tpu.memory_space<vmem>> -> memref<16xi32, #tpu.memory_space<vmem>>
      %dma_start3A_755 = arith.constant 0 : i32
      %dma_start3A_756 = arith.constant 0 : i32
      %dma_start3A_757 = tpu.memref_slice %arg10[%dma_start3A_755, %dma_start3A_756] : memref<10000x16xf32, #tpu.memory_space<vmem_shared>> -> memref<10000x16xf32, #tpu.memory_space<vmem_shared>>
      tpu.enqueue_indirect_dma source(%arg8 : memref<16x16xf32, #tpu.memory_space<vmem>>) target(%dma_start3A_757 : memref<10000x16xf32, #tpu.memory_space<vmem_shared>>) offsets(%dma_start3A_754 : memref<16xi32, #tpu.memory_space<vmem>>) semaphore(%run_scoped3A_752 : memref<!tpu.dma_semaphore, #tpu.memory_space<semaphore_mem>>) {add = true}
      %dma_wait3A_758 = arith.constant 9984 : i32
      %dma_wait3A_759 = tpu.memref_slice %arg6[%dma_wait3A_758] : memref<10000xi32, #tpu.memory_space<vmem>> -> memref<16xi32, #tpu.memory_space<vmem>>
      %dma_wait3A_760 = arith.constant 0 : i32
      %dma_wait3A_761 = arith.constant 0 : i32
      %dma_wait3A_762 = tpu.memref_slice %arg10[%dma_wait3A_760, %dma_wait3A_761] : memref<10000x16xf32, #tpu.memory_space<vmem_shared>> -> memref<10000x16xf32, #tpu.memory_space<vmem_shared>>
      tpu.wait_indirect_dma semaphore(%run_scoped3A_752 : memref<!tpu.dma_semaphore, #tpu.memory_space<semaphore_mem>>) src(%arg8 : memref<16x16xf32, #tpu.memory_space<vmem>>) dst(%dma_wait3A_762 : memref<10000x16xf32, #tpu.memory_space<vmem_shared>>)
      tpu.yield
    }) : () -> ()
    %barrier3A_747 = arith.constant 0 : index
    tpu.barrier barrier_id(%barrier3A_747)
    %mul3A_748 = arith.constant 625 : i32
    %mul3A_749 = arith.muli %arg1, %mul3A_748 : i32
    %mul3A_750 = arith.constant 625 : i32
    %mul3A_751 = arith.muli %arg1, %mul3A_750 : i32
    "tpu.region"() ({
      %run_scoped3A_752 = tpu.sem_alloc : memref<!tpu.dma_semaphore, #tpu.memory_space<semaphore_mem>>
      %dma_start3A_753 = arith.constant 0 : i32
      %dma_start3A_754 = arith.constant 0 : i32
      %dma_start3A_755 = tpu.memref_slice %arg4[%arg0, %dma_start3A_753, %dma_start3A_754] : memref<2x10000x16xf32, #tpu.memory_space<hbm>> -> memref<1x10000x16xf32, #tpu.memory_space<hbm>>
      %dma_start3A_756 = tpu.memref_squeeze %dma_start3A_755 : memref<1x10000x16xf32, #tpu.memory_space<hbm>> -> memref<10000x16xf32, #tpu.memory_space<hbm>>
      %dma_start3A_757 = arith.constant 0 : i32
      %dma_start3A_758 = tpu.memref_slice %dma_start3A_756[%mul3A_751, %dma_start3A_757] : memref<10000x16xf32, #tpu.memory_space<hbm>> -> memref<625x16xf32, #tpu.memory_space<hbm>>
      %dma_start3A_759 = arith.constant 0 : i32
      %dma_start3A_760 = tpu.memref_slice %arg10[%mul3A_749, %dma_start3A_759] : memref<10000x16xf32, #tpu.memory_space<vmem_shared>> -> memref<625x16xf32, #tpu.memory_space<vmem_shared>>
      tpu.enqueue_dma source(%dma_start3A_760 : memref<625x16xf32, #tpu.memory_space<vmem_shared>>) target(%dma_start3A_758 : memref<625x16xf32, #tpu.memory_space<hbm>>) target_semaphore(%run_scoped3A_752 : memref<!tpu.dma_semaphore, #tpu.memory_space<semaphore_mem>>)
      %dma_wait3A_761 = arith.constant 0 : i32
      %dma_wait3A_762 = arith.constant 0 : i32
      %dma_wait3A_763 = tpu.memref_slice %arg4[%arg0, %dma_wait3A_761, %dma_wait3A_762] : memref<2x10000x16xf32, #tpu.memory_space<hbm>> -> memref<1x10000x16xf32, #tpu.memory_space<hbm>>
      %dma_wait3A_764 = tpu.memref_squeeze %dma_wait3A_763 : memref<1x10000x16xf32, #tpu.memory_space<hbm>> -> memref<10000x16xf32, #tpu.memory_space<hbm>>
      %dma_wait3A_765 = arith.constant 0 : i32
      %dma_wait3A_766 = tpu.memref_slice %dma_wait3A_764[%mul3A_751, %dma_wait3A_765] : memref<10000x16xf32, #tpu.memory_space<hbm>> -> memref<625x16xf32, #tpu.memory_space<hbm>>
      %dma_wait3A_767 = arith.constant 0 : i32
      %dma_wait3A_768 = tpu.memref_slice %arg10[%mul3A_749, %dma_wait3A_767] : memref<10000x16xf32, #tpu.memory_space<vmem_shared>> -> memref<625x16xf32, #tpu.memory_space<vmem_shared>>
      tpu.wait_dma2 semaphore(%run_scoped3A_752 : memref<!tpu.dma_semaphore, #tpu.memory_space<semaphore_mem>>) src(%dma_wait3A_768 : memref<625x16xf32, #tpu.memory_space<vmem_shared>>) dst(%dma_wait3A_766 : memref<625x16xf32, #tpu.memory_space<hbm>>)
      tpu.yield
    }) : () -> ()
    return
  }
}

module attributes {stable_mosaic.version = 14 : i64} {
  func.func @_tc_mm1_body(%arg0: i32, %arg1: memref<5000x128xf32, #tpu.memory_space<vmem>>, %arg2: memref<128x16xf32, #tpu.memory_space<vmem>>, %arg3: memref<5000x16xf32, #tpu.memory_space<vmem>>) attributes {dimension_semantics = [#tpu.dimension_semantics<arbitrary>], iteration_bounds = array<i64: 2>, scalar_prefetch = 0 : i64, scratch_operands = 0 : i64, tpu.core_type = #tpu.core_type<tc>, window_params = [{transform_indices = @transform_0, window_bounds = array<i64: 5000, 128>}, {pipeline_mode = #tpu.pipeline_mode<synchronous>, transform_indices = @transform_1, window_bounds = array<i64: 128, 16>}, {transform_indices = @transform_2, window_bounds = array<i64: 5000, 16>}]} {
    %get3A = arith.constant 0 : index
    %get3A_0 = arith.constant 0 : index
    %get3A_1 = vector.load %arg1[%get3A, %get3A_0] : memref<5000x128xf32, #tpu.memory_space<vmem>>, vector<5000x128xf32>
    %get3A_2 = arith.constant 0 : index
    %get3A_3 = arith.constant 0 : index
    %get3A_4 = vector.load %arg2[%get3A_2, %get3A_3] : memref<128x16xf32, #tpu.memory_space<vmem>>, vector<128x16xf32>
    %dot_general3A = arith.constant dense<0.000000e+00> : vector<5000x16xf32>
    %dot_general3A_5 = tpu.matmul %get3A_1, %get3A_4, %dot_general3A {dimension_numbers = #tpu.dot_dimension_numbers<[1], [0], [0], [1], [0, 0, 1, 1], [], []>, transpose_lhs_hint = false} : vector<5000x128xf32>, vector<128x16xf32>, vector<5000x16xf32> -> vector<5000x16xf32>
    %swap3A = arith.constant 0 : index
    %swap3A_6 = arith.constant 0 : index
    %swap3A_7 = vector.load %arg3[%swap3A, %swap3A_6] : memref<5000x16xf32, #tpu.memory_space<vmem>>, vector<5000x16xf32>
    tpu.vector_store %arg3[%swap3A, %swap3A_6], %dot_general3A_5 {strides = array<i32>} : memref<5000x16xf32, #tpu.memory_space<vmem>>, vector<5000x16xf32>,
    return
  }
  func.func @transform_0(%arg0: i32) -> (i32, i32) {
    %c0_i32 = arith.constant 0 : i32
    %c0_i32_0 = arith.constant 0 : i32
    return %arg0, %c0_i32 : i32, i32
  }
  func.func @transform_1(%arg0: i32) -> (i32, i32) {
    %c0_i32 = arith.constant 0 : i32
    %c0_i32_0 = arith.constant 0 : i32
    %c0_i32_1 = arith.constant 0 : i32
    return %c0_i32, %c0_i32_0 : i32, i32
  }
  func.func @transform_2(%arg0: i32) -> (i32, i32) {
    %c0_i32 = arith.constant 0 : i32
    %c0_i32_0 = arith.constant 0 : i32
    return %arg0, %c0_i32 : i32, i32
  }
}

module attributes {stable_mosaic.version = 14 : i64} {
  func.func @_tc_scale_body(%arg0: i32, %arg1: memref<5000x16xf32, #tpu.memory_space<vmem>>, %arg2: memref<5000x2xf32, #tpu.memory_space<vmem>>, %arg3: memref<5000x16xf32, #tpu.memory_space<vmem>>) attributes {dimension_semantics = [#tpu.dimension_semantics<arbitrary>], iteration_bounds = array<i64: 2>, scalar_prefetch = 0 : i64, scratch_operands = 0 : i64, tpu.core_type = #tpu.core_type<tc>, window_params = [{transform_indices = @transform_0, window_bounds = array<i64: 5000, 16>}, {transform_indices = @transform_1, window_bounds = array<i64: 5000, 2>}, {transform_indices = @transform_2, window_bounds = array<i64: 5000, 16>}]} {
    %get3A = arith.constant 0 : index
    %get3A_0 = arith.constant 0 : index
    %get3A_1 = vector.load %arg1[%get3A, %get3A_0] : memref<5000x16xf32, #tpu.memory_space<vmem>>, vector<5000x16xf32>
    %get3A_2 = arith.constant 0 : index
    %get3A_3 = arith.constant 0 : index
    %get3A_4 = vector.load %arg2[%get3A_2, %get3A_3] : memref<5000x2xf32, #tpu.memory_space<vmem>>, vector<5000x2xf32>
    %reduce_sum3A = arith.constant dense<0.000000e+00> : vector<5000xf32>
    %reduce_sum3A_5 = vector.multi_reduction <add>, %get3A_4, %reduce_sum3A [1] : vector<5000x2xf32> to vector<5000xf32>
    %broadcast_in_dim3A = vector.shape_cast %reduce_sum3A_5 : vector<5000xf32> to vector<5000x1xf32>
    %add3A = arith.constant 1.000000e+00 : f32
    %add3A_6 = vector.broadcast %add3A : f32 to vector<5000x1xf32>
    %add3A_7 = arith.addf %add3A_6, %broadcast_in_dim3A : vector<5000x1xf32>
    %rsqrt3A = math.rsqrt %add3A_7 : vector<5000x1xf32>
    %mul3A = vector.broadcast %rsqrt3A : vector<5000x1xf32> to vector<5000x16xf32>
    %mul3A_8 = arith.mulf %get3A_1, %mul3A : vector<5000x16xf32>
    %swap3A = arith.constant 0 : index
    %swap3A_9 = arith.constant 0 : index
    %swap3A_10 = vector.load %arg3[%swap3A, %swap3A_9] : memref<5000x16xf32, #tpu.memory_space<vmem>>, vector<5000x16xf32>
    tpu.vector_store %arg3[%swap3A, %swap3A_9], %mul3A_8 {strides = array<i32>} : memref<5000x16xf32, #tpu.memory_space<vmem>>, vector<5000x16xf32>,
    return
  }
  func.func @transform_0(%arg0: i32) -> (i32, i32) {
    %c0_i32 = arith.constant 0 : i32
    %c0_i32_0 = arith.constant 0 : i32
    return %arg0, %c0_i32 : i32, i32
  }
  func.func @transform_1(%arg0: i32) -> (i32, i32) {
    %c0_i32 = arith.constant 0 : i32
    %c0_i32_0 = arith.constant 0 : i32
    return %arg0, %c0_i32 : i32, i32
  }
  func.func @transform_2(%arg0: i32) -> (i32, i32) {
    %c0_i32 = arith.constant 0 : i32
    %c0_i32_0 = arith.constant 0 : i32
    return %arg0, %c0_i32 : i32, i32
  }
}

module attributes {stable_mosaic.version = 14 : i64} {
  func.func @_tc_mid_body(%arg0: i32, %arg1: memref<2x5000x16xf32, #tpu.memory_space<vmem>>, %arg2: memref<5000x16xf32, #tpu.memory_space<vmem>>, %arg3: memref<5000x2xf32, #tpu.memory_space<vmem>>, %arg4: memref<1x16xf32, #tpu.memory_space<vmem>>, %arg5: memref<16x32xf32, #tpu.memory_space<vmem>>, %arg6: memref<5000x32xf32, #tpu.memory_space<vmem>>) attributes {dimension_semantics = [#tpu.dimension_semantics<arbitrary>], iteration_bounds = array<i64: 2>, scalar_prefetch = 0 : i64, scratch_operands = 0 : i64, tpu.core_type = #tpu.core_type<tc>, window_params = [{transform_indices = @transform_0, window_bounds = array<i64: 2, 5000, 16>}, {transform_indices = @transform_1, window_bounds = array<i64: 5000, 16>}, {transform_indices = @transform_2, window_bounds = array<i64: 5000, 2>}, {pipeline_mode = #tpu.pipeline_mode<synchronous>, transform_indices = @transform_3, window_bounds = array<i64: 1, 16>}, {pipeline_mode = #tpu.pipeline_mode<synchronous>, transform_indices = @transform_4, window_bounds = array<i64: 16, 32>}, {transform_indices = @transform_5, window_bounds = array<i64: 5000, 32>}]} {
    %get3A = arith.constant 0 : index
    %get3A_0 = arith.constant 0 : index
    %get3A_1 = vector.load %arg3[%get3A, %get3A_0] : memref<5000x2xf32, #tpu.memory_space<vmem>>, vector<5000x2xf32>
    %reduce_sum3A = arith.constant dense<0.000000e+00> : vector<5000xf32>
    %reduce_sum3A_2 = vector.multi_reduction <add>, %get3A_1, %reduce_sum3A [1] : vector<5000x2xf32> to vector<5000xf32>
    %broadcast_in_dim3A = vector.shape_cast %reduce_sum3A_2 : vector<5000xf32> to vector<5000x1xf32>
    %add3A = arith.constant 1.000000e+00 : f32
    %add3A_3 = vector.broadcast %add3A : f32 to vector<5000x1xf32>
    %add3A_4 = arith.addf %add3A_3, %broadcast_in_dim3A : vector<5000x1xf32>
    %rsqrt3A = math.rsqrt %add3A_4 : vector<5000x1xf32>
    %get3A_5 = arith.constant 0 : index
    %get3A_6 = arith.constant 0 : index
    %get3A_7 = arith.constant 0 : index
    %get3A_8 = vector.load %arg1[%get3A_5, %get3A_6, %get3A_7] : memref<2x5000x16xf32, #tpu.memory_space<vmem>>, vector<1x5000x16xf32>
    %get3A_9 = vector.shape_cast %get3A_8 : vector<1x5000x16xf32> to vector<5000x16xf32>
    %get3A_10 = arith.constant 1 : index
    %get3A_11 = arith.constant 0 : index
    %get3A_12 = arith.constant 0 : index
    %get3A_13 = vector.load %arg1[%get3A_10, %get3A_11, %get3A_12] : memref<2x5000x16xf32, #tpu.memory_space<vmem>>, vector<1x5000x16xf32>
    %get3A_14 = vector.shape_cast %get3A_13 : vector<1x5000x16xf32> to vector<5000x16xf32>
    %add3A_15 = arith.addf %get3A_9, %get3A_14 : vector<5000x16xf32>
    %get3A_16 = arith.constant 0 : index
    %get3A_17 = arith.constant 0 : index
    %get3A_18 = vector.load %arg2[%get3A_16, %get3A_17] : memref<5000x16xf32, #tpu.memory_space<vmem>>, vector<5000x16xf32>
    %add3A_19 = arith.addf %add3A_15, %get3A_18 : vector<5000x16xf32>
    %mul3A = vector.broadcast %rsqrt3A : vector<5000x1xf32> to vector<5000x16xf32>
    %mul3A_20 = arith.mulf %add3A_19, %mul3A : vector<5000x16xf32>
    %get3A_21 = arith.constant 0 : index
    %get3A_22 = arith.constant 0 : index
    %get3A_23 = vector.load %arg4[%get3A_21, %get3A_22] : memref<1x16xf32, #tpu.memory_space<vmem>>, vector<1x16xf32>
    %add3A_24 = vector.broadcast %get3A_23 : vector<1x16xf32> to vector<5000x16xf32>
    %add3A_25 = arith.addf %mul3A_20, %add3A_24 : vector<5000x16xf32>
    %max3A = arith.constant 0.000000e+00 : f32
    %max3A_26 = vector.broadcast %max3A : f32 to vector<5000x16xf32>
    %max3A_27 = arith.maximumf %add3A_25, %max3A_26 : vector<5000x16xf32>
    %get3A_28 = arith.constant 0 : index
    %get3A_29 = arith.constant 0 : index
    %get3A_30 = vector.load %arg5[%get3A_28, %get3A_29] : memref<16x32xf32, #tpu.memory_space<vmem>>, vector<16x32xf32>
    %dot_general3A = arith.constant dense<0.000000e+00> : vector<5000x32xf32>
    %dot_general3A_31 = tpu.matmul %max3A_27, %get3A_30, %dot_general3A {dimension_numbers = #tpu.dot_dimension_numbers<[1], [0], [0], [1], [0, 0, 1, 1], [], []>, transpose_lhs_hint = false} : vector<5000x16xf32>, vector<16x32xf32>, vector<5000x32xf32> -> vector<5000x32xf32>
    %mul3A_32 = vector.broadcast %rsqrt3A : vector<5000x1xf32> to vector<5000x32xf32>
    %mul3A_33 = arith.mulf %dot_general3A_31, %mul3A_32 : vector<5000x32xf32>
    %swap3A = arith.constant 0 : index
    %swap3A_34 = arith.constant 0 : index
    %swap3A_35 = vector.load %arg6[%swap3A, %swap3A_34] : memref<5000x32xf32, #tpu.memory_space<vmem>>, vector<5000x32xf32>
    tpu.vector_store %arg6[%swap3A, %swap3A_34], %mul3A_33 {strides = array<i32>} : memref<5000x32xf32, #tpu.memory_space<vmem>>, vector<5000x32xf32>,
    return
  }
  func.func @transform_0(%arg0: i32) -> (i32, i32, i32) {
    %c0_i32 = arith.constant 0 : i32
    %c0_i32_0 = arith.constant 0 : i32
    %c0_i32_1 = arith.constant 0 : i32
    return %c0_i32, %arg0, %c0_i32_0 : i32, i32, i32
  }
  func.func @transform_1(%arg0: i32) -> (i32, i32) {
    %c0_i32 = arith.constant 0 : i32
    %c0_i32_0 = arith.constant 0 : i32
    return %arg0, %c0_i32 : i32, i32
  }
  func.func @transform_2(%arg0: i32) -> (i32, i32) {
    %c0_i32 = arith.constant 0 : i32
    %c0_i32_0 = arith.constant 0 : i32
    return %arg0, %c0_i32 : i32, i32
  }
  func.func @transform_3(%arg0: i32) -> (i32, i32) {
    %c0_i32 = arith.constant 0 : i32
    %c0_i32_0 = arith.constant 0 : i32
    %c0_i32_1 = arith.constant 0 : i32
    return %c0_i32, %c0_i32_0 : i32, i32
  }
  func.func @transform_4(%arg0: i32) -> (i32, i32) {
    %c0_i32 = arith.constant 0 : i32
    %c0_i32_0 = arith.constant 0 : i32
    %c0_i32_1 = arith.constant 0 : i32
    return %c0_i32, %c0_i32_0 : i32, i32
  }
  func.func @transform_5(%arg0: i32) -> (i32, i32) {
    %c0_i32 = arith.constant 0 : i32
    %c0_i32_0 = arith.constant 0 : i32
    return %arg0, %c0_i32 : i32, i32
  }
}

module attributes {stable_mosaic.version = 14 : i64} {
  func.func @_tc_out_body(%arg0: memref<2x10000x32xf32, #tpu.memory_space<vmem>>, %arg1: memref<10000x32xf32, #tpu.memory_space<vmem>>, %arg2: memref<10000x2xf32, #tpu.memory_space<vmem>>, %arg3: memref<1x32xf32, #tpu.memory_space<vmem>>, %arg4: memref<32x10000xf32, #tpu.memory_space<vmem>>) attributes {dimension_semantics = [], scalar_prefetch = 0 : i64, scratch_operands = 0 : i64, tpu.core_type = #tpu.core_type<tc>} {
    %get3A = arith.constant 0 : index
    %get3A_0 = arith.constant 0 : index
    %get3A_1 = vector.load %arg2[%get3A, %get3A_0] : memref<10000x2xf32, #tpu.memory_space<vmem>>, vector<10000x2xf32>
    %reduce_sum3A = arith.constant dense<0.000000e+00> : vector<10000xf32>
    %reduce_sum3A_2 = vector.multi_reduction <add>, %get3A_1, %reduce_sum3A [1] : vector<10000x2xf32> to vector<10000xf32>
    %broadcast_in_dim3A = vector.shape_cast %reduce_sum3A_2 : vector<10000xf32> to vector<10000x1xf32>
    %add3A = arith.constant 1.000000e+00 : f32
    %add3A_3 = vector.broadcast %add3A : f32 to vector<10000x1xf32>
    %add3A_4 = arith.addf %add3A_3, %broadcast_in_dim3A : vector<10000x1xf32>
    %rsqrt3A = math.rsqrt %add3A_4 : vector<10000x1xf32>
    %get3A_5 = arith.constant 0 : index
    %get3A_6 = arith.constant 0 : index
    %get3A_7 = arith.constant 0 : index
    %get3A_8 = vector.load %arg0[%get3A_5, %get3A_6, %get3A_7] : memref<2x10000x32xf32, #tpu.memory_space<vmem>>, vector<1x10000x32xf32>
    %get3A_9 = vector.shape_cast %get3A_8 : vector<1x10000x32xf32> to vector<10000x32xf32>
    %get3A_10 = arith.constant 1 : index
    %get3A_11 = arith.constant 0 : index
    %get3A_12 = arith.constant 0 : index
    %get3A_13 = vector.load %arg0[%get3A_10, %get3A_11, %get3A_12] : memref<2x10000x32xf32, #tpu.memory_space<vmem>>, vector<1x10000x32xf32>
    %get3A_14 = vector.shape_cast %get3A_13 : vector<1x10000x32xf32> to vector<10000x32xf32>
    %add3A_15 = arith.addf %get3A_9, %get3A_14 : vector<10000x32xf32>
    %get3A_16 = arith.constant 0 : index
    %get3A_17 = arith.constant 0 : index
    %get3A_18 = vector.load %arg1[%get3A_16, %get3A_17] : memref<10000x32xf32, #tpu.memory_space<vmem>>, vector<10000x32xf32>
    %add3A_19 = arith.addf %add3A_15, %get3A_18 : vector<10000x32xf32>
    %mul3A = vector.broadcast %rsqrt3A : vector<10000x1xf32> to vector<10000x32xf32>
    %mul3A_20 = arith.mulf %add3A_19, %mul3A : vector<10000x32xf32>
    %get3A_21 = arith.constant 0 : index
    %get3A_22 = arith.constant 0 : index
    %get3A_23 = vector.load %arg3[%get3A_21, %get3A_22] : memref<1x32xf32, #tpu.memory_space<vmem>>, vector<1x32xf32>
    %add3A_24 = vector.broadcast %get3A_23 : vector<1x32xf32> to vector<10000x32xf32>
    %add3A_25 = arith.addf %mul3A_20, %add3A_24 : vector<10000x32xf32>
    %reduce_max3A = arith.constant dense<0xFF800000> : vector<10000xf32>
    %reduce_max3A_26 = vector.multi_reduction <maximumf>, %add3A_25, %reduce_max3A [1] : vector<10000x32xf32> to vector<10000xf32>
    %broadcast_in_dim3A_27 = vector.shape_cast %reduce_max3A_26 : vector<10000xf32> to vector<10000x1xf32>
    %sub3A = vector.broadcast %broadcast_in_dim3A_27 : vector<10000x1xf32> to vector<10000x32xf32>
    %sub3A_28 = arith.subf %add3A_25, %sub3A : vector<10000x32xf32>
    %exp3A = math.exp %sub3A_28 : vector<10000x32xf32>
    %reduce_sum3A_29 = arith.constant dense<0.000000e+00> : vector<10000xf32>
    %reduce_sum3A_30 = vector.multi_reduction <add>, %exp3A, %reduce_sum3A_29 [1] : vector<10000x32xf32> to vector<10000xf32>
    %broadcast_in_dim3A_31 = vector.shape_cast %reduce_sum3A_30 : vector<10000xf32> to vector<10000x1xf32>
    %log3A = math.log %broadcast_in_dim3A_31 : vector<10000x1xf32>
    %sub3A_32 = vector.broadcast %log3A : vector<10000x1xf32> to vector<10000x32xf32>
    %sub3A_33 = arith.subf %sub3A_28, %sub3A_32 : vector<10000x32xf32>
    %transpose3A = tpu.transpose %sub3A_33, [1, 0] : vector<10000x32xf32> -> vector<32x10000xf32>
    %swap3A = arith.constant 0 : index
    %swap3A_34 = arith.constant 0 : index
    %swap3A_35 = vector.load %arg4[%swap3A, %swap3A_34] : memref<32x10000xf32, #tpu.memory_space<vmem>>, vector<32x10000xf32>
    tpu.vector_store %arg4[%swap3A, %swap3A_34], %transpose3A {strides = array<i32>} : memref<32x10000xf32, #tpu.memory_space<vmem>>, vector<32x10000xf32>,
    return
  }
}

</mosaic_0001>

<sc_bundles>
// kernel: kernel.12.cloned.1.call-start
scs
__scs_entry_jumppad:
0x0: {  	(pc) =	sbr.rel $0x88, $3  }
0x1: {  	(tag) =	ssettag $0x0;
	lr =	simm.s32 $0x1  }
0x2: {  	[smem:$0x3F9B] =	sst lr;
	_ =	strace $0xD0000000  }
0x3: {  	_ = 	snop  }
0x4: {  	_ = 	snop  }
0x5: {  	_ = 	snop  }
0x6: {  	_ = 	snop  }
0x7: {  	_ = 	snop  }
__scs_overlays_trampoline_lowered:
0x8: {  	[smem:$0x3FAA] =	sst s0  }
0x9: {  	[smem:$0x3FAB] =	sst s1  }
0xa: {  	[smem:$0x3FAC] =	sst s2  }
0xb: {  	[smem:$0x3FAD] =	sst s3  }
0xc: {  	[smem:$0x3FAE] =	sst s4  }
0xd: {  	[smem:$0x3FAF] =	sst s5  }
0xe: {  	[smem:$0x3FB0] =	sst s6  }
0xf: {  	[smem:$0x3FB1] =	sst s7  }
0x10: {  	[smem:$0x3FB2] =	sst s8  }
0x11: {  	[smem:$0x3FB3] =	sst s9;
	s0 =	simm.s32 @!p0 $0x0  }
0x12: {  	s1 =	sld [smem:$0x3F99];
	s0 =	simm.s32 @p0 $0x1  }
0x13: {  	[smem:$0x3FB4] =	sst s0;
	s0 =	simm.s32 @!p1 $0x0  }
0x14: {  	s2 =	sld [smem:$0x3F98];
	s0 =	simm.s32 @p1 $0x1  }
0x15: {  	[smem:$0x3FB5] =	sst s0;
	s0 =	simm.s32 @!p2 $0x0  }
0x16: {  	s3 =	sld [smem:$0x3FDB];
	s0 =	simm.s32 @p2 $0x1  }
0x17: {  	s4 =	simm.s32 $0x1BF5;
	[smem:$0x3FB7] =	sst s0  }
0x18: {  	s0 =	sld [smem:$0x3F9A];
	_ =	swait.ge [sflag:s4], $0x0  }
0x19: {  	s7 =	sld [smem:$0x3F9B]  }
0x1a: {  	s8 =	sadd.s32 $0xFFFFE003, lr  }
0x1b: {  	s9 =	sadd.s32 $0xFFFFFEF7, lr;
	s5 =	simm.s32 $0xFFFFFFFF;
	p2 =	slt.u32 s8, $0xFFFFF086  }
0x1c: {  	p1 =	slt.u32 s9, $0xF7A;
	s5 =	simm.s32 @!p2 $0x0  }
0x1d: {  	s5 =	simm.s32 @p1 $0x1;
	p0 =	seq.s32 s7, s2  }
0x1e: {  	s7 =	smul.u32 @!p0 $0xF7A, s2;
	p2 =	seq.s32 @!p0 s5, $0x0  }
0x1f: {  	s9 =	smul.u32 $0xF7A, s1;
	s8 =	simm.s32 @!p0 $0x1BF5;
	p2 =	por !p2, p0  }
0x20: {  	[sflag:s8] =	ssyncset.s32 @!p0 $0xFFFFF086;
	s6 =	sadd.s32 @!p0 s3, s7;
	s7 =	simm.s32 @!p0 $0x108  }
0x21: {  	s3 =	sadd.s32 s3, s9;
	s6 =	sadd.s32 @!p0 $0x88, s6;
	s7 =	simm.s32 @p2 $0x1082  }
0x22: {  	[simem:s7], [sflag:s8] =	dma.local @!p0 [hbm:s6], $0xF7A  }
0x23: {  	s9 =	sor.u32 $0xD0000000, s2;
	s6 =	simm.s32 $0x108;
	_ =	swait.ge @!p0 [sflag:s8], $0x0  }
0x24: {  	s3 =	sadd.s32 $0x88, s3;
	s6 =	simm.s32 @!p1 $0x1082;
	[sflag:s4] =	ssyncset.s32 $0xFFFFF086  }
0x25: {  	[simem:s6], [sflag:s4] =	dma.local [hbm:s3], $0xF7A  }
0x26: {  	[smem:$0x3F9B] =	sst s1;
	(tag) =	ssettag s2;
	_ =	strace s9  }
0x27: {  	s1 =	sld [smem:$0x3FAB]  }
0x28: {  	s2 =	sld [smem:$0x3FAC]  }
0x29: {  	s4 =	sld [smem:$0x3FAE]  }
0x2a: {  	p0 =	seq.s32 s5, $0x0;
	s5 =	sld [smem:$0x3FAF]  }
0x2b: {  	s6 =	sld [smem:$0x3FB0]  }
0x2c: {  	s7 =	sld [smem:$0x3FB1]  }
0x2d: {  	s3 =	simm.s32 $0x108;
	s8 =	sld [smem:$0x3FB2]  }
0x2e: {  	s3 =	simm.s32 @!p0 $0x1082;
	s9 =	sld [smem:$0x3FB3]  }
0x2f: {  	lr =	sadd.s32 s0, s3;
	s0 =	sld [smem:$0x3FAA]  }
0x30: {  	s3 =	sld [smem:$0x3FAD]  }
0x31: {  	[smem:$0x3FB6] =	sst s10  }
0x32: {  	s10 =	sld [smem:$0x3FB4];
	_ =	sdelay $0x3  }
0x33: {  	p0 =	seq.s32 s10, $0x1;
	s10 =	sld [smem:$0x3FB6];
	_ =	sdelay $0x3  }
0x34: {  	[smem:$0x3FB6] =	sst s10  }
0x35: {  	s10 =	sld [smem:$0x3FB5];
	_ =	sdelay $0x3  }
0x36: {  	p1 =	seq.s32 s10, $0x1;
	s10 =	sld [smem:$0x3FB6];
	_ =	sdelay $0x3  }
0x37: {  	[smem:$0x3FB6] =	sst s10  }
0x38: {  	s10 =	sld [smem:$0x3FB7]  }
0x39: {  	_ = 	snop;
	(pc) =	sbr.ind lr, $3  }
0x3a: {  	_ = 	snop  }
0x3b: {  	_ = 	snop  }
0x3c: {  	p2 =	seq.s32 s10, $0x1;
	s10 =	sld [smem:$0x3FB6]  }
0x3d: {  	_ =	shalt  }
0x3e: {  	_ =	shalt  }
0x3f: {  	_ =	shalt  }
0x40: {  	_ =	shalt  }
0x41: {  	_ =	shalt  }
0x42: {  	_ =	shalt  }
0x43: {  	_ =	shalt  }
0x44: {  	_ =	shalt  }
0x45: {  	_ =	shalt  }
0x46: {  	_ =	shalt  }
0x47: {  	_ =	shalt  }
0x48: {  	_ =	shalt  }
0x49: {  	_ =	shalt  }
0x4a: {  	_ =	shalt  }
0x4b: {  	_ =	shalt  }
0x4c: {  	_ =	shalt  }
0x4d: {  	_ =	shalt  }
0x4e: {  	_ =	shalt  }
0x4f: {  	_ =	shalt  }
0x50: {  	_ =	shalt  }
0x51: {  	_ =	shalt  }
0x52: {  	_ =	shalt  }
0x53: {  	_ =	shalt  }
0x54: {  	_ =	shalt  }
0x55: {  	_ =	shalt  }
0x56: {  	_ =	shalt  }
0x57: {  	_ =	shalt  }
0x58: {  	_ =	shalt  }
0x59: {  	_ =	shalt  }
0x5a: {  	_ =	shalt  }
0x5b: {  	_ =	shalt  }
0x5c: {  	_ =	shalt  }
0x5d: {  	_ =	shalt  }
0x5e: {  	_ =	shalt  }
0x5f: {  	_ =	shalt  }
0x60: {  	_ =	shalt  }
0x61: {  	_ =	shalt  }
0x62: {  	_ =	shalt  }
0x63: {  	_ =	shalt  }
0x64: {  	_ =	shalt  }
0x65: {  	_ =	shalt  }
0x66: {  	_ =	shalt  }
0x67: {  	_ =	shalt  }
0x68: {  	_ =	shalt  }
0x69: {  	_ =	shalt  }
0x6a: {  	_ =	shalt  }
0x6b: {  	_ =	shalt  }
0x6c: {  	_ =	shalt  }
0x6d: {  	_ =	shalt  }
0x6e: {  	_ =	shalt  }
0x6f: {  	_ =	shalt  }
0x70: {  	_ =	shalt  }
0x71: {  	_ =	shalt  }
0x72: {  	_ =	shalt  }
0x73: {  	_ =	shalt  }
0x74: {  	_ =	shalt  }
0x75: {  	_ =	shalt  }
0x76: {  	_ =	shalt  }
0x77: {  	_ =	shalt  }
0x78: {  	_ =	shalt  }
0x79: {  	_ =	shalt  }
0x7a: {  	_ =	shalt  }
0x7b: {  	_ =	shalt  }
0x7c: {  	_ =	shalt  }
0x7d: {  	_ =	shalt  }
0x7e: {  	_ =	shalt  }
0x7f: {  	_ =	shalt  }
0x80: {  	_ =	shalt  }
0x81: {  	_ =	shalt  }
0x82: {  	_ =	shalt  }
0x83: {  	_ =	shalt  }
0x84: {  	_ =	shalt  }
0x85: {  	_ =	shalt  }
0x86: {  	_ =	shalt  }
0x87: {  	_ =	shalt  }
.Lfunc_end0:
.L_simem_size_0:
called_computation.1_lowered:
.L_overlay_start_0:
0x88: {  	s2 =	sld [smem:$0x3FD9]  }
0x89: {  	s3 =	sld [smem:$0x3FFE];
	_ =	sdelay $0x1  }
0x8a: {  	s1 =	srdreg.scid  }
0x8b: {  	s0 =	sand.u32 $0x1, s1  }
0x8c: {  	s17 =	sshll.u32 s0, $0xA;
	s2 =	sadd.s32 s3, s2  }
0x8d: {  	s2 =	sadd.s32 s2, s17  }
0x8e: {  	[smem:$0x3FC2] =	sst s2  }
0x8f: {  	_ = 	snop  }
0x90: {  	s2 =	sld [smem:$0x3FD0];
	(tm) =	ssettm $0x1  }
0x91: {  	s18 =	sld [smem:$0x3FFB];
	_ =	sdelay $0x3  }
0x92: {  	_ =	strace s18  }
0x93: {  	s3 =	sld [smem:$0x3FFC];
	_ =	sdelay $0x3  }
0x94: {  	_ =	strace s3  }
0x95: {  	s3 =	sld [smem:$0x3FFD];
	_ =	sdelay $0x3  }
0x96: {  	_ =	strace s3  }
0x97: {  	_ =	strace $0x8FFFFFFF  }
0x98: {  	s19 =	sld [smem:$0x3FDB];
	_ =	sdelay $0x1  }
0x99: {  	s4 =	simm.s32 $_scs_section_size  }
0x9a: {  	s5 =	simm.s32 $_size__tile_overlayer_lowered;
	s6 =	simm.s32 $_tile_overlayer_lowered  }
0x9b: {  	s22 =	simm.s32 $0x1BFF;
	s21 =	sshll.u32 s6, $0x1;
	s3 =	sadd.s32 s4, s19  }
0x9c: {  	s7 =	simm.s32 $0x0;
	s20 =	sshll.u32 s5, $0x1;
	s5 =	sadd.s32 s21, s3  }
0x9d: {  	[timem:s7], [sflag:s22] =	dma.local [hbm:s5], s20  }
0x9e: {  	_ =	swait.ge [sflag:s22], s20  }
0x9f: {  	s4 =	ssub.s32 $0x0, s20;
	[sflag:s22] =	ssyncset.done $0x0  }
0xa0: {  	[sflag:s22] =	ssyncadd.s32 s4;
	_ =	sdelay $0x1  }
0xa1: {  	s23 =	simm.s32 $0x1B8B  }
0xa2: {  	_ =	swait.ge [sflag:s23], $0x1  }
0xa3: {  	[sflag:s23] =	ssyncset.done $0x0  }
0xa4: {  	s25 =	simm.s32 $0x1B8E;
	s24 =	sld [smem:$0x3FFE];
	[sflag:s23] =	ssyncadd.s32 $0xFFFFFFFF  }
0xa5: {  	s26 =	simm.s32 $execute0_lowered;
	[smem:$0x3FD2] =	sst s25  }
0xa6: {  	s5 =	sshll.u32 s26, $0x1;
	_ =	strace $0x80000049;
	[dreg:$0x1] =	wrdreg $0xFFFFFFFF  }
0xa7: {  	s28 =	simm.s32 $_size_execute0_lowered;
	s3 =	sadd.s32 s3, s5;
	[dreg:$0x0] =	wrdreg $0x0  }
0xa8: {  	s5 =	sshll.u32 s28, $0x1;
	[dreg:$0x2] =	wrdreg s3  }
0xa9: {  	[dreg:$0x3] =	wrdreg s5  }
0xaa: {  	[dreg:$0x4] =	wrdreg $0xC0  }
0xab: {  	_ =	task [dreg:s7], $0x5FFFF  }
0xac: {  	[dreg:$0x1] =	wrdreg $0xFFFFFFFF  }
0xad: {  	[dreg:$0x0] =	wrdreg $0x60  }
0xae: {  	[dreg:$0x2] =	wrdreg s24  }
0xaf: {  	[dreg:$0x3] =	wrdreg s2  }
0xb0: {  	[dreg:$0x4] =	wrdreg $0x93200  }
0xb1: {  	[dreg:$0x5] =	wrdreg $0x9  }
0xb2: {  	_ =	task.clear_ibuf [dreg:s7], $0x6FFFF;
	_ =	strace $0x90000049  }
0xb3: {  	s29 =	simm.s32 $0x9;
	_ =	strace $0x8000004B  }
0xb4: {  	_ =	swait.ge [sflag:s29], $0x1  }
0xb5: {  	[sflag:s29] =	ssyncadd.s32 $0xFFFFFFFF  }
0xb6: {  	_ =	strace $0x9000004B  }
0xb7: {  	_ =	sfence  }
0xb8: {  	s30 =	sld [smem:$0x0];
	_ =	sdelay $0x2  }
0xb9: {  	s31 =	sshll.u32 s1, $0xD;
	s1 =	sshrl.u32 s1, $0x2  }
0xba: {  	s3 =	sand.u32 $0x4000, s31;
	s1 =	sadd.s32 s1, s30  }
0xbb: {  	s0 =	sor.u32 s3, s0;
	s1 =	sshll.u32 s1, $0x11  }
0xbc: {  	s0 =	sor.u32 s1, s0  }
0xbd: {  	s0 =	sadd.s32 $0x8F2B, s0  }
0xbe: {  	[sflag:s0] =	ssyncadd.remote.s32 $0x1  }
0xbf: {  	_ =	sfence.sel $0xFFFF  }
0xc0: {  	[dreg:$0x0] =	wrdreg $0xFFFFFFFF;
	(pc) =	sbr.abs _section_cstart, $3  }
0xc1: {  	[dreg:$0x1] =	wrdreg $0xFFFFFFFF  }
0xc2: {  	_ =	task.clear_ibuf [dreg:s7], $0x2FFFF;
	_ =	strace $0x9FFFFFFF  }
0xc3: {  	(tm) =	ssettm $0x7FFFFFFF  }
tec
execute0_lowered:
.L_overlay_start_1:
0x0: {  	(tag) =	ssettag $0x1  }
0x1: {  	s0 =	srdreg.scid;
	s1 =	rddreg [dreg:$0x0]  }
0x2: {  	s9 =	stileid.u32;
	s6 =	rddreg [dreg:$0x1]  }
0x3: {  	s11 =	simm.s32 $0x0;
	s18 =	simm.s32 $0x8F20;
	s28 =	simm.s32 $0x5E20  }
0x4: {  	s31 =	simm.s32 $0x1;
	s30 =	simm.s32 $0x10;
	s10 =	simm.s32 $0xD  }
0x5: {  	s0 =	sand.u32 $0x1, s0;
	s2 =	sshll.u32 s9, $0x1;
	s7 =	smul.u32 $0x9C40, s9  }
0x6: {  	[smem:$0x7FF] =	sst s11;
	s9 =	smul.u32 $0x2710, s9;
	s11 =	simm.s32 $0xE  }
0x7: {  	s3 =	sor.u32 s0, s2;
	s8 =	ssub.s32 $0x2, s0;
	s0 =	smul.u32 $0x4E20, s0  }
0x8: {  	s2 =	rddreg [dreg:$0x2];
	_ =	strace $0x8000004A;
	s4 =	smul.u32 $0x2710, s3  }
0x9: {  	s12 =	sshrl.u32 s7, $0x2;
	s13 =	sshrl.u32 s8, $0x1;
	s16 =	sshrl.u32 s9, $0x3  }
0xa: {  	s17 =	sadd.s32 s9, s2;
	s9 =	simm.s32 $0xC;
	s14 =	sadd.s32 s12, s2  }
0xb: {  	s7 =	ssub.s32 s8, s13;
	s29 =	sshrl.u32 s17, $0x3;
	[dreg:$0x4] =	wrdreg s14  }
0xc: {  	s0 =	sadd.s32 s6, s0;
	s19 =	smax.u32 s7, $0x1;
	[dreg:$0x12] =	wrdreg s29  }
0xd: {  	s6 =	simm.s32 $0x9;
	s20 =	sadd.s32 $0x400, s14;
	[dreg:$0x8] =	wrdreg s19  }
0xe: {  	s8 =	simm.s32 $0xB;
	s21 =	sadd.s32 $0x800, s14;
	[dreg:$0x9] =	wrdreg s20  }
0xf: {  	s13 =	simm.s32 $0x11;
	s22 =	sadd.s32 $0xC00, s14;
	[dreg:$0xa] =	wrdreg s21  }
0x10: {  	s5 =	sshrl.u32 s4, $0x3;
	s23 =	sadd.s32 $0x1000, s14;
	[dreg:$0xb] =	wrdreg s22  }
0x11: {  	s4 =	sadd.s32 $0x15600, s1;
	s24 =	sadd.s32 $0x1400, s14;
	[dreg:$0xc] =	wrdreg s23  }
0x12: {  	s25 =	sadd.s32 $0x1800, s14;
	s26 =	sadd.s32 $0x1C00, s14;
	[dreg:$0xd] =	wrdreg s24  }
0x13: {  	s3 =	sadd.s32 $0x2000, s14;
	s0 =	sadd.s32 s16, s0;
	[dreg:$0xe] =	wrdreg s25  }
0x14: {  	s7 =	simm.s32 $0xA;
	s1 =	sadd.s32 s5, s1;
	[dreg:$0xf] =	wrdreg s26  }
0x15: {  	s5 =	sadd.s32 $0x2400, s14;
	[dreg:$0x10] =	wrdreg s3;
	s19 =	simm.s32 $0x12  }
.Ltmp0:
0x16: {  	s21 =	simm.s32 $0x80;
	s22 =	simm.s32 $0x4E20;
	(pc) =	sbr.rel .LBB2_1-.Ltmp0, $4  }
0x17: {  	[dreg:$0x11] =	wrdreg s0;
	s0 =	simm.s32 $0x7620;
	s20 =	simm.s32 $0x3  }
0x18: {  	s24 =	simm.s32 $0x5;
	[dreg:$0x5] =	wrdreg s5;
	s15 =	sadd.s32 $0x1C00, s1  }
0x19: {  	s26 =	simm.s32 $0x6;
	s1 =	sadd.s32 $0xB840, s1;
	[dreg:$0x6] =	wrdreg s15  }
0x1a: {  	v0 =	vimm.f32 $0.0e+00;
	s14 =	simm.s32 $0x0;
	[dreg:$0x7] =	wrdreg s1;
	s1 =	simm.s32 $0x6E20  }
.LBB2_6:
0x1b: {  	_ =	swait.ge [sflag:s26], $0x800  }
0x1c: {  	[sflag:s26] =	ssyncset.done $0x0  }
0x1d: {  	s3 =	simm.s32 $0x4D90;
	[sflag:s26] =	ssyncadd.s32 $0xFFFFF800  }
0x1e: {  	[spmem:s2] =	stream.indirect.scatter.add.f32 [tilespmem:s0], [sflag:$0xE], $0x10, s3, s21, $0xb8;
	[tilespmem:$0xBA30] =	vst v63  }
.LBB2_4:
0x1f: {  	s3 =	simm.s32 $0xF  }
0x20: {  	_ =	swait.ge [sflag:s3], $0x800  }
0x21: {  	[sflag:s3] =	ssyncset.done $0x0  }
0x22: {  	[sflag:s3] =	ssyncadd.s32 $0xFFFFF800  }
0x23: {  	_ =	swait.ge [sflag:s30], $0x800  }
0x24: {  	[sflag:s30] =	ssyncset.done $0x0  }
0x25: {  	[sflag:s30] =	ssyncadd.s32 $0xFFFFF800  }
0x26: {  	_ =	swait.ge [sflag:s6], $0x800  }
0x27: {  	[sflag:s6] =	ssyncset.done $0x0  }
0x28: {  	[sflag:s6] =	ssyncadd.s32 $0xFFFFF800  }
0x29: {  	_ =	swait.ge [sflag:s7], $0x800  }
0x2a: {  	[sflag:s7] =	ssyncset.done $0x0  }
0x2b: {  	[sflag:s7] =	ssyncadd.s32 $0xFFFFF800  }
0x2c: {  	_ =	swait.ge [sflag:s8], $0x800  }
0x2d: {  	[sflag:s8] =	ssyncset.done $0x0  }
0x2e: {  	[sflag:s8] =	ssyncadd.s32 $0xFFFFF800  }
0x2f: {  	_ =	swait.ge [sflag:s9], $0x800  }
0x30: {  	[sflag:s9] =	ssyncset.done $0x0  }
0x31: {  	[sflag:s9] =	ssyncadd.s32 $0xFFFFF800  }
0x32: {  	_ =	swait.ge [sflag:s10], $0x800  }
0x33: {  	[sflag:s10] =	ssyncset.done $0x0  }
0x34: {  	[sflag:s10] =	ssyncadd.s32 $0xFFFFF800  }
0x35: {  	_ =	swait.ge [sflag:s11], $0x800  }
0x36: {  	[sflag:s11] =	ssyncset.done $0x0  }
0x37: {  	s16 =	simm.s32 $0x2700;
	s5 =	simm.s32 $0x8E20;
	[sflag:s11] =	ssyncadd.s32 $0xFFFFF800  }
0x38: {  	[tilespmem:s5], [sflag:$0x11] =	stream.indirect.gather [hbm4b:s4+s30], $0x10, s16, s30, $0xb8;
	[tilespmem:$0xBA30] =	vst v63  }
0x39: {  	_ =	swait.ge [sflag:s13], $0x100  }
0x3a: {  	[sflag:s13] =	ssyncset.done $0x0  }
0x3b: {  	s17 =	simm.s32 $0x4E10;
	[sflag:s13] =	ssyncadd.s32 $0xFFFFFF00  }
0x3c: {  	[spmem:s2] =	stream.indirect.scatter.add.f32 [tilespmem:s5], [sflag:$0x12], $0x10, s17, s30, $0xb8;
	[tilespmem:$0xBA30] =	vst v63  }
0x3d: {  	_ =	swait.ge [sflag:s19], $0x100  }
0x3e: {  	[sflag:s19] =	ssyncset.done $0x0  }
0x3f: {  	[sflag:s19] =	ssyncadd.s32 $0xFFFFFF00  }
0x40: {  	s23 =	stileid.u32;
	[bflag:$0x0] =	sbarrier.arrive $0xFFFF  }
0x41: {  	s3 =	sshll.u32 s23, $0x6;
	s25 =	rddreg [dreg:$0x11]  }
0x42: {  	s3 =	sor.u32 $0x1C12, s3;
	s12 =	rddreg [dreg:$0x12]  }
0x43: {  	[hbm:s25], [sflag:s3] =	dma.local [spmem:s12], $0x4E2  }
0x44: {  	_ =	swait.ge [sflag:s19], $0x4E2  }
0x45: {  	s14 =	sadd.s32 $0x1, s14;
	s29 =	rddreg [dreg:$0x8]  }
0x46: {  	p0 =	sne.s32 s14, s29  }
.Ltmp1:
0x47: {  	_ = 	snop;
	(pc) =	sbr.rel @!p0 .LBB2_5-.Ltmp1, $3  }
0x48: {  	_ =	sdelay $0x1  }
0x49: {  	[sflag:s19] =	ssyncset.done $0x0  }
0x4a: {  	[sflag:s19] =	ssyncadd.s32 $0xFFFFFB1E  }
.LBB2_1:
0x4b: {  	[tilespmem:$0x8F20] =	vst v0  }
0x4c: {  	[tilespmem:$0x8F30] =	vst v0  }
0x4d: {  	[tilespmem:$0x8F40] =	vst v0  }
0x4e: {  	[tilespmem:$0x8F50] =	vst v0  }
0x4f: {  	[tilespmem:$0x8F60] =	vst v0  }
0x50: {  	[tilespmem:$0x8F70] =	vst v0  }
0x51: {  	[tilespmem:$0x8F80] =	vst v0  }
0x52: {  	[tilespmem:$0x8F90] =	vst v0  }
0x53: {  	[tilespmem:$0x8FA0] =	vst v0  }
0x54: {  	[tilespmem:$0x8FB0] =	vst v0  }
0x55: {  	[tilespmem:$0x8FC0] =	vst v0  }
0x56: {  	[tilespmem:$0x8FD0] =	vst v0  }
0x57: {  	[tilespmem:$0x8FE0] =	vst v0  }
0x58: {  	[tilespmem:$0x8FF0] =	vst v0  }
0x59: {  	[tilespmem:$0x9000] =	vst v0  }
0x5a: {  	[tilespmem:$0x9010] =	vst v0  }
0x5b: {  	[tilespmem:$0x9020] =	vst v0  }
0x5c: {  	[tilespmem:$0x9030] =	vst v0  }
0x5d: {  	[tilespmem:$0x9040] =	vst v0  }
0x5e: {  	[tilespmem:$0x9050] =	vst v0  }
0x5f: {  	[tilespmem:$0x9060] =	vst v0  }
0x60: {  	[tilespmem:$0x9070] =	vst v0  }
0x61: {  	[tilespmem:$0x9080] =	vst v0  }
0x62: {  	[tilespmem:$0x9090] =	vst v0  }
0x63: {  	[tilespmem:$0x90A0] =	vst v0  }
0x64: {  	[tilespmem:$0x90B0] =	vst v0  }
0x65: {  	[tilespmem:$0x90C0] =	vst v0  }
0x66: {  	[tilespmem:$0x90D0] =	vst v0  }
0x67: {  	[tilespmem:$0x90E0] =	vst v0  }
0x68: {  	[tilespmem:$0x90F0] =	vst v0  }
0x69: {  	[tilespmem:$0x9100] =	vst v0  }
0x6a: {  	[tilespmem:$0x9110] =	vst v0  }
0x6b: {  	[tilespmem:$0x9120] =	vst v0  }
0x6c: {  	[tilespmem:$0x9130] =	vst v0  }
0x6d: {  	[tilespmem:$0x9140] =	vst v0  }
0x6e: {  	[tilespmem:$0x9150] =	vst v0  }
0x6f: {  	[tilespmem:$0x9160] =	vst v0  }
0x70: {  	[tilespmem:$0x9170] =	vst v0  }
0x71: {  	[tilespmem:$0x9180] =	vst v0  }
0x72: {  	[tilespmem:$0x9190] =	vst v0  }
0x73: {  	[tilespmem:$0x91A0] =	vst v0  }
0x74: {  	[tilespmem:$0x91B0] =	vst v0  }
0x75: {  	[tilespmem:$0x91C0] =	vst v0  }
0x76: {  	[tilespmem:$0x91D0] =	vst v0  }
0x77: {  	[tilespmem:$0x91E0] =	vst v0  }
0x78: {  	[tilespmem:$0x91F0] =	vst v0  }
0x79: {  	[tilespmem:$0x9200] =	vst v0  }
0x7a: {  	[tilespmem:$0x9210] =	vst v0  }
0x7b: {  	[tilespmem:$0x9220] =	vst v0  }
0x7c: {  	[tilespmem:$0x9230] =	vst v0  }
0x7d: {  	[tilespmem:$0x9240] =	vst v0  }
0x7e: {  	[tilespmem:$0x9250] =	vst v0  }
0x7f: {  	[tilespmem:$0x9260] =	vst v0  }
0x80: {  	[tilespmem:$0x9270] =	vst v0  }
0x81: {  	[tilespmem:$0x9280] =	vst v0  }
0x82: {  	[tilespmem:$0x9290] =	vst v0  }
0x83: {  	[tilespmem:$0x92A0] =	vst v0  }
0x84: {  	[tilespmem:$0x92B0] =	vst v0  }
0x85: {  	[tilespmem:$0x92C0] =	vst v0  }
0x86: {  	[tilespmem:$0x92D0] =	vst v0  }
0x87: {  	[tilespmem:$0x92E0] =	vst v0  }
0x88: {  	[tilespmem:$0x92F0] =	vst v0  }
0x89: {  	[tilespmem:$0x9300] =	vst v0  }
0x8a: {  	[tilespmem:$0x9310] =	vst v0;
	s3 =	rddreg [dreg:$0x4]  }
0x8b: {  	[spmem:s3] =	stream.linear.scatter [tilespmem:s18], [sflag:$0x12], $0x400, $0x38;
	[tilespmem:$0xBA30] =	vst v63  }
0x8c: {  	_ =	swait.ge [sflag:s19], $0x400  }
0x8d: {  	[sflag:s19] =	ssyncset.done $0x0  }
0x8e: {  	s16 =	rddreg [dreg:$0x9];
	[sflag:s19] =	ssyncadd.s32 $0xFFFFFC00  }
0x8f: {  	[spmem:s16] =	stream.linear.scatter [tilespmem:s18], [sflag:$0x12], $0x400, $0x38;
	[tilespmem:$0xBA30] =	vst v63  }
0x90: {  	_ =	swait.ge [sflag:s19], $0x400  }
0x91: {  	[sflag:s19] =	ssyncset.done $0x0  }
0x92: {  	s17 =	rddreg [dreg:$0xa];
	[sflag:s19] =	ssyncadd.s32 $0xFFFFFC00  }
0x93: {  	[spmem:s17] =	stream.linear.scatter [tilespmem:s18], [sflag:$0x12], $0x400, $0x38;
	[tilespmem:$0xBA30] =	vst v63  }
0x94: {  	_ =	swait.ge [sflag:s19], $0x400  }
0x95: {  	[sflag:s19] =	ssyncset.done $0x0  }
0x96: {  	s23 =	rddreg [dreg:$0xb];
	[sflag:s19] =	ssyncadd.s32 $0xFFFFFC00  }
0x97: {  	[spmem:s23] =	stream.linear.scatter [tilespmem:s18], [sflag:$0x12], $0x400, $0x38;
	[tilespmem:$0xBA30] =	vst v63  }
0x98: {  	_ =	swait.ge [sflag:s19], $0x400  }
0x99: {  	[sflag:s19] =	ssyncset.done $0x0  }
0x9a: {  	s25 =	rddreg [dreg:$0xc];
	[sflag:s19] =	ssyncadd.s32 $0xFFFFFC00  }
0x9b: {  	[spmem:s25] =	stream.linear.scatter [tilespmem:s18], [sflag:$0x12], $0x400, $0x38;
	[tilespmem:$0xBA30] =	vst v63  }
0x9c: {  	_ =	swait.ge [sflag:s19], $0x400  }
0x9d: {  	[sflag:s19] =	ssyncset.done $0x0  }
0x9e: {  	s29 =	rddreg [dreg:$0xd];
	[sflag:s19] =	ssyncadd.s32 $0xFFFFFC00  }
0x9f: {  	[spmem:s29] =	stream.linear.scatter [tilespmem:s18], [sflag:$0x12], $0x400, $0x38;
	[tilespmem:$0xBA30] =	vst v63  }
0xa0: {  	_ =	swait.ge [sflag:s19], $0x400  }
0xa1: {  	[sflag:s19] =	ssyncset.done $0x0  }
0xa2: {  	s5 =	rddreg [dreg:$0xe];
	[sflag:s19] =	ssyncadd.s32 $0xFFFFFC00  }
0xa3: {  	[spmem:s5] =	stream.linear.scatter [tilespmem:s18], [sflag:$0x12], $0x400, $0x38;
	[tilespmem:$0xBA30] =	vst v63  }
0xa4: {  	_ =	swait.ge [sflag:s19], $0x400  }
0xa5: {  	[sflag:s19] =	ssyncset.done $0x0  }
0xa6: {  	s12 =	rddreg [dreg:$0xf];
	[sflag:s19] =	ssyncadd.s32 $0xFFFFFC00  }
0xa7: {  	[spmem:s12] =	stream.linear.scatter [tilespmem:s18], [sflag:$0x12], $0x400, $0x38;
	[tilespmem:$0xBA30] =	vst v63  }
0xa8: {  	_ =	swait.ge [sflag:s19], $0x400  }
0xa9: {  	[sflag:s19] =	ssyncset.done $0x0  }
0xaa: {  	s15 =	rddreg [dreg:$0x10];
	[sflag:s19] =	ssyncadd.s32 $0xFFFFFC00  }
0xab: {  	[spmem:s15] =	stream.linear.scatter [tilespmem:s18], [sflag:$0x12], $0x400, $0x38;
	[tilespmem:$0xBA30] =	vst v63  }
0xac: {  	_ =	swait.ge [sflag:s19], $0x400  }
0xad: {  	[sflag:s19] =	ssyncset.done $0x0  }
0xae: {  	s16 =	rddreg [dreg:$0x5];
	[sflag:s19] =	ssyncadd.s32 $0xFFFFFC00  }
0xaf: {  	[spmem:s16] =	stream.linear.scatter [tilespmem:s18], [sflag:$0x12], $0x310, $0x38;
	[tilespmem:$0xBA30] =	vst v63  }
0xb0: {  	_ =	swait.ge [sflag:s19], $0x310  }
0xb1: {  	[sflag:s19] =	ssyncset.done $0x0  }
0xb2: {  	[sflag:s19] =	ssyncadd.s32 $0xFFFFFCF0  }
0xb3: {  	[bflag:$0x0] =	sbarrier.arrive $0xFFFF  }
0xb4: {  	s17 =	simm.s32 $0x0;
	s5 =	rddreg [dreg:$0x6]  }
0xb5: {  	[tilespmem:s17], [sflag:$0x12] =	stream.linear.gather [hbm4b:s5+s17], $0x2710, $0x38;
	[tilespmem:$0xBA30] =	vst v63  }
0xb6: {  	_ =	swait.ge [sflag:s19], $0x2710  }
0xb7: {  	[sflag:s19] =	ssyncset.done $0x0  }
0xb8: {  	s12 =	simm.s32 $0x2710;
	s23 =	rddreg [dreg:$0x7];
	[sflag:s19] =	ssyncadd.s32 $0xFFFFD8F0  }
0xb9: {  	[tilespmem:s12], [sflag:$0x12] =	stream.linear.gather [hbm4b:s23+s17], $0x2710, $0x38;
	[tilespmem:$0xBA30] =	vst v63  }
0xba: {  	_ =	swait.ge [sflag:s19], $0x2710  }
0xbb: {  	[sflag:s19] =	ssyncset.done $0x0  }
0xbc: {  	[sflag:s19] =	ssyncadd.s32 $0xFFFFD8F0  }
0xbd: {  	[tilespmem:s22], [sflag:$0x1] =	stream.indirect.gather [hbm4b:s4+s21], $0x10, s17, s21, $0xb8;
	[tilespmem:$0xBA30] =	vst v63  }
0xbe: {  	s25 =	simm.s32 $0x5620  }
0xbf: {  	[tilespmem:s25], [sflag:$0x2] =	stream.indirect.gather [hbm4b:s4+s21], $0x10, s21, s21, $0xb8;
	[tilespmem:$0xBA30] =	vst v63  }
0xc0: {  	s29 =	simm.s32 $0x100  }
0xc1: {  	[tilespmem:s28], [sflag:$0x3] =	stream.indirect.gather [hbm4b:s4+s21], $0x10, s29, s21, $0xb8;
	[tilespmem:$0xBA30] =	vst v63  }
0xc2: {  	s5 =	simm.s32 $0x180;
	s12 =	simm.s32 $0x6620  }
0xc3: {  	[tilespmem:s12], [sflag:$0x4] =	stream.indirect.gather [hbm4b:s4+s21], $0x10, s5, s21, $0xb8;
	[tilespmem:$0xBA30] =	vst v63  }
0xc4: {  	s15 =	simm.s32 $0x200  }
0xc5: {  	[tilespmem:s1], [sflag:$0x5] =	stream.indirect.gather [hbm4b:s4+s21], $0x10, s15, s21, $0xb8;
	[tilespmem:$0xBA30] =	vst v63  }
0xc6: {  	s16 =	simm.s32 $0x280;
	s23 =	simm.s32 $0x7E20  }
0xc7: {  	[tilespmem:s0], [sflag:$0x6] =	stream.indirect.gather [hbm4b:s4+s21], $0x10, s16, s21, $0xb8;
	[tilespmem:$0xBA30] =	vst v63  }
0xc8: {  	s17 =	simm.s32 $0x300;
	s25 =	simm.s32 $0x380;
	s29 =	simm.s32 $0x8620  }
0xc9: {  	[tilespmem:s23], [sflag:$0x7] =	stream.indirect.gather [hbm4b:s4+s21], $0x10, s17, s21, $0xb8;
	[tilespmem:$0xBA30] =	vst v63  }
0xca: {  	s15 =	simm.s32 $0x7;
	s16 =	simm.s32 $0x0;
	s17 =	simm.s32 $0x0  }
0xcb: {  	[tilespmem:s29], [sflag:$0x8] =	stream.indirect.gather [hbm4b:s4+s21], $0x10, s25, s21, $0xb8;
	[tilespmem:$0xBA30] =	vst v63  }
.LBB2_2:
0xcc: {  	_ =	swait.ge [sflag:s31], $0x800  }
0xcd: {  	s23 =	sshra.s32 s16, $0x2;
	[sflag:s31] =	ssyncset.done $0x0  }
0xce: {  	p0 =	seq.s32 s16, $0x9000;
	s25 =	sadd.s32 $0x2710, s23;
	[sflag:s31] =	ssyncadd.s32 $0xFFFFF800  }
0xcf: {  	[spmem:s2] =	stream.indirect.scatter.add.f32 [tilespmem:s22], [sflag:$0x9], $0x10, s25, s21, $0xb8;
	[tilespmem:$0xBA30] =	vst v63  }
0xd0: {  	s25 =	simm.s32 @p0 $0x2  }
0xd1: {  	_ =	swait.ge @p0 [sflag:s25], $0x800  }
0xd2: {  	[sflag:s25] =	ssyncset.done @p0 $0x0  }
0xd3: {  	[sflag:s25] =	ssyncadd.s32 @p0 $0xFFFFF800;
	s25 =	sshra.s32 @p0 s16, $0x2  }
0xd4: {  	s12 =	simm.s32 @p0 $0x80;
	s5 =	simm.s32 @p0 $0x5620;
	s25 =	sadd.s32 @p0 $0x2790, s25  }
0xd5: {  	[spmem:s2] =	stream.indirect.scatter.add.f32 @p0 [tilespmem:s5], [sflag:$0xA], $0x10, s25, s12, $0xb8;
	[tilespmem:$0xBA30] =	vst v63  }
0xd6: {  	s5 =	simm.s32 @!p0 $0x9  }
0xd7: {  	_ =	swait.ge @!p0 [sflag:s5], $0x800  }
0xd8: {  	[sflag:s5] =	ssyncset.done @!p0 $0x0  }
0xd9: {  	[sflag:s5] =	ssyncadd.s32 @!p0 $0xFFFFF800;
	s5 =	sshra.s32 @!p0 s16, $0x2  }
0xda: {  	s3 =	simm.s32 @!p0 $0x80;
	s29 =	simm.s32 @!p0 $0x4E20;
	s25 =	sadd.s32 @!p0 $0x400, s5  }
0xdb: {  	[tilespmem:s29], [sflag:$0x1] =	stream.indirect.gather @!p0 [hbm4b:s4+s3], $0x10, s25, s3, $0xb8;
	[tilespmem:$0xBA30] =	vst v63  }
0xdc: {  	s25 =	simm.s32 @!p0 $0x2  }
0xdd: {  	_ =	swait.ge @!p0 [sflag:s25], $0x800  }
0xde: {  	[sflag:s25] =	ssyncset.done @!p0 $0x0  }
0xdf: {  	s29 =	simm.s32 @!p0 $0x5620;
	[sflag:s25] =	ssyncadd.s32 @!p0 $0xFFFFF800;
	s25 =	sadd.s32 @!p0 $0x2790, s5  }
0xe0: {  	[spmem:s2] =	stream.indirect.scatter.add.f32 @!p0 [tilespmem:s29], [sflag:$0xA], $0x10, s25, s3, $0xb8;
	[tilespmem:$0xBA30] =	vst v63  }
0xe1: {  	s25 =	simm.s32 @!p0 $0xA  }
0xe2: {  	_ =	swait.ge @!p0 [sflag:s25], $0x800  }
0xe3: {  	[sflag:s25] =	ssyncset.done @!p0 $0x0  }
0xe4: {  	[sflag:s25] =	ssyncadd.s32 @!p0 $0xFFFFF800;
	s25 =	sadd.s32 @!p0 $0x480, s5  }
0xe5: {  	[tilespmem:s29], [sflag:$0x2] =	stream.indirect.gather @!p0 [hbm4b:s4+s3], $0x10, s25, s3, $0xb8;
	[tilespmem:$0xBA30] =	vst v63  }
0xe6: {  	s25 =	sadd.s32 @!p0 $0x400, s16  }
0xe7: {  	s25 =	simm.s32 @p0 $0x9400;
	_ =	swait.ge [sflag:s20], $0x800  }
0xe8: {  	[sflag:s20] =	ssyncset.done $0x0;
	s25 =	sshra.s32 s25, $0x2  }
0xe9: {  	[sflag:s20] =	ssyncadd.s32 $0xFFFFF800;
	s25 =	sadd.s32 $0x2710, s25  }
0xea: {  	[spmem:s2] =	stream.indirect.scatter.add.f32 [tilespmem:s28], [sflag:$0xB], $0x10, s25, s21, $0xb8;
	[tilespmem:$0xBA30] =	vst v63  }
0xeb: {  	s25 =	simm.s32 @p0 $0x4  }
0xec: {  	_ =	swait.ge @p0 [sflag:s25], $0x800  }
0xed: {  	[sflag:s25] =	ssyncset.done @p0 $0x0  }
0xee: {  	s29 =	simm.s32 @p0 $0x6620;
	[sflag:s25] =	ssyncadd.s32 @p0 $0xFFFFF800;
	s25 =	simm.s32 @p0 $0x4C90  }
0xef: {  	[spmem:s2] =	stream.indirect.scatter.add.f32 @p0 [tilespmem:s29], [sflag:$0xC], $0x10, s25, s12, $0xb8;
	[tilespmem:$0xBA30] =	vst v63  }
0xf0: {  	s12 =	simm.s32 @!p0 $0xB  }
0xf1: {  	_ =	swait.ge @!p0 [sflag:s12], $0x800  }
0xf2: {  	[sflag:s12] =	ssyncset.done @!p0 $0x0  }
0xf3: {  	s25 =	simm.s32 @!p0 $0x5E20;
	[sflag:s12] =	ssyncadd.s32 @!p0 $0xFFFFF800;
	s12 =	sadd.s32 @!p0 $0x500, s5  }
0xf4: {  	[tilespmem:s25], [sflag:$0x3] =	stream.indirect.gather @!p0 [hbm4b:s4+s3], $0x10, s12, s3, $0xb8;
	[tilespmem:$0xBA30] =	vst v63  }
0xf5: {  	s12 =	simm.s32 @!p0 $0x4  }
0xf6: {  	_ =	swait.ge @!p0 [sflag:s12], $0x800  }
0xf7: {  	[sflag:s12] =	ssyncset.done @!p0 $0x0  }
0xf8: {  	s25 =	simm.s32 @!p0 $0x6620;
	[sflag:s12] =	ssyncadd.s32 @!p0 $0xFFFFF800;
	s12 =	sadd.s32 @!p0 $0x2890, s5  }
0xf9: {  	[spmem:s2] =	stream.indirect.scatter.add.f32 @!p0 [tilespmem:s25], [sflag:$0xC], $0x10, s12, s3, $0xb8;
	[tilespmem:$0xBA30] =	vst v63  }
0xfa: {  	s12 =	simm.s32 @!p0 $0xC  }
0xfb: {  	_ =	swait.ge @!p0 [sflag:s12], $0x800  }
0xfc: {  	[sflag:s12] =	ssyncset.done @!p0 $0x0  }
0xfd: {  	s5 =	sadd.s32 @!p0 $0x580, s5;
	[sflag:s12] =	ssyncadd.s32 @!p0 $0xFFFFF800  }
0xfe: {  	[tilespmem:s25], [sflag:$0x4] =	stream.indirect.gather @!p0 [hbm4b:s4+s3], $0x10, s5, s3, $0xb8;
	[tilespmem:$0xBA30] =	vst v63  }
.Ltmp2:
0xff: {  	s3 =	sadd.s32 @!p0 $0x800, s16;
	(pc) =	sbr.rel @p0 .LBB2_6-.Ltmp2, $4  }
0x100: {  	s3 =	simm.s32 @p0 $0x9800;
	_ =	swait.ge [sflag:s24], $0x800  }
0x101: {  	[sflag:s24] =	ssyncset.done $0x0;
	s3 =	sshra.s32 s3, $0x2  }
0x102: {  	[sflag:s24] =	ssyncadd.s32 $0xFFFFF800;
	s3 =	sadd.s32 $0x2710, s3  }
0x103: {  	[spmem:s2] =	stream.indirect.scatter.add.f32 [tilespmem:s1], [sflag:$0xD], $0x10, s3, s21, $0xb8;
	[tilespmem:$0xBA30] =	vst v63  }
0x104: {  	_ =	swait.ge [sflag:s10], $0x800  }
0x105: {  	[sflag:s10] =	ssyncset.done $0x0  }
0x106: {  	s3 =	sadd.s32 $0x600, s23;
	[sflag:s10] =	ssyncadd.s32 $0xFFFFF800  }
0x107: {  	[tilespmem:s1], [sflag:$0x5] =	stream.indirect.gather [hbm4b:s4+s21], $0x10, s3, s21, $0xb8;
	[tilespmem:$0xBA30] =	vst v63  }
0x108: {  	_ =	swait.ge [sflag:s26], $0x800  }
0x109: {  	[sflag:s26] =	ssyncset.done $0x0  }
0x10a: {  	s12 =	sadd.s32 $0x2990, s23;
	[sflag:s26] =	ssyncadd.s32 $0xFFFFF800  }
0x10b: {  	[spmem:s2] =	stream.indirect.scatter.add.f32 [tilespmem:s0], [sflag:$0xE], $0x10, s12, s21, $0xb8;
	[tilespmem:$0xBA30] =	vst v63  }
0x10c: {  	s29 =	sadd.s32 $0xFFFFFFFF, s15;
	_ =	swait.ge [sflag:s11], $0x800  }
0x10d: {  	p0 =	sgt.u32 s29, $0x4D;
	[sflag:s11] =	ssyncset.done $0x0  }
0x10e: {  	s25 =	sadd.s32 $0x680, s23;
	s3 =	simm.s32 @!p0 $0x7;
	[sflag:s11] =	ssyncadd.s32 $0xFFFFF800  }
0x10f: {  	[tilespmem:s0], [sflag:$0x6] =	stream.indirect.gather [hbm4b:s4+s21], $0x10, s25, s21, $0xb8;
	[tilespmem:$0xBA30] =	vst v63  }
0x110: {  	_ =	swait.ge @!p0 [sflag:s3], $0x800  }
0x111: {  	[sflag:s3] =	ssyncset.done @!p0 $0x0  }
0x112: {  	[sflag:s3] =	ssyncadd.s32 @!p0 $0xFFFFF800;
	s3 =	sshra.s32 @!p0 s16, $0x2  }
0x113: {  	s5 =	simm.s32 @!p0 $0x80;
	s12 =	simm.s32 @!p0 $0x7E20;
	s3 =	sadd.s32 @!p0 $0x2A10, s3  }
0x114: {  	[spmem:s2] =	stream.indirect.scatter.add.f32 @!p0 [tilespmem:s12], [sflag:$0xF], $0x10, s3, s5, $0xb8;
	[tilespmem:$0xBA30] =	vst v63  }
0x115: {  	p0 =	sgt.u32 s17, $0x7  }
0x116: {  	s3 =	simm.s32 @!p0 $0xF  }
0x117: {  	_ =	swait.ge @!p0 [sflag:s3], $0x800  }
0x118: {  	[sflag:s3] =	ssyncset.done @!p0 $0x0  }
0x119: {  	[sflag:s3] =	ssyncadd.s32 @!p0 $0xFFFFF800;
	s3 =	sshra.s32 @!p0 s16, $0x2  }
0x11a: {  	s5 =	simm.s32 @!p0 $0x80;
	s12 =	simm.s32 @!p0 $0x7E20;
	s3 =	sadd.s32 @!p0 $0x700, s3  }
0x11b: {  	[tilespmem:s12], [sflag:$0x7] =	stream.indirect.gather @!p0 [hbm4b:s4+s5], $0x10, s3, s5, $0xb8;
	[tilespmem:$0xBA30] =	vst v63  }
0x11c: {  	p0 =	sgt.u32 s15, $0x4D  }
0x11d: {  	s3 =	simm.s32 @!p0 $0x8  }
0x11e: {  	_ =	swait.ge @!p0 [sflag:s3], $0x800  }
0x11f: {  	[sflag:s3] =	ssyncset.done @!p0 $0x0  }
0x120: {  	p1 =	sgt.u32 @!p0 s17, $0x7;
	[sflag:s3] =	ssyncadd.s32 @!p0 $0xFFFFF800;
	s3 =	sshra.s32 @!p0 s16, $0x2  }
0x121: {  	s5 =	simm.s32 @!p0 $0x80;
	s12 =	simm.s32 @!p0 $0x8620;
	s3 =	sadd.s32 @!p0 $0x2A90, s3  }
0x122: {  	[spmem:s2] =	stream.indirect.scatter.add.f32 @!p0 [tilespmem:s12], [sflag:$0x10], $0x10, s3, s5, $0xb8;
	[tilespmem:$0xBA30] =	vst v63  }
0x123: {  	p0 =	por p1, p0  }
0x124: {  	s3 =	simm.s32 @!p0 $0x10  }
0x125: {  	_ =	swait.ge @!p0 [sflag:s3], $0x800  }
0x126: {  	[sflag:s3] =	ssyncset.done @!p0 $0x0  }
0x127: {  	s5 =	simm.s32 @!p0 $0x80;
	[sflag:s3] =	ssyncadd.s32 @!p0 $0xFFFFF800;
	s3 =	sshra.s32 @!p0 s16, $0x2  }
0x128: {  	s12 =	simm.s32 @!p0 $0x8620;
	s16 =	sadd.s32 $0x1000, s16;
	s3 =	sadd.s32 @!p0 $0x780, s3  }
0x129: {  	[tilespmem:s12], [sflag:$0x8] =	stream.indirect.gather @!p0 [hbm4b:s4+s5], $0x10, s3, s5, $0xb8;
	[tilespmem:$0xBA30] =	vst v63  }
0x12a: {  	p0 =	sne.s32 s16, $0xA000  }
.Ltmp3:
0x12b: {  	_ = 	snop;
	(pc) =	sbr.rel @p0 .LBB2_2-.Ltmp3, $4  }
.Ltmp4:
0x12c: {  	_ = 	snop;
	(pc) =	sbr.rel @!p0 .LBB2_4-.Ltmp4, $4  }
0x12d: {  	_ = 	snop  }
0x12e: {  	_ = 	snop  }
0x12f: {  	s15 =	sadd.s32 $0x8, s15;
	s17 =	sadd.s32 $0x1, s17  }
0x130: {  	_ = 	snop  }
.LBB2_5:
0x131: {  	_ =	sfence.sel $0x180000  }
0x132: {  	[bflag:$0x0] =	sbarrier.arrive $0xFFFF  }
0x133: {  	_ =	strace $0x9000004A  }
0x134: {  	s0 =	stileid.u32;
	[bflag:$0x2] =	sbarrier.arrive $0xFFFF  }
0x135: {  	p0 =	sne.s32 s0, $0x0;
	s0 =	rddreg [dreg:$0x3]  }
0x136: {  	s0 =	sadd.s32 @!p0 $0x100000, s0  }
0x137: {  	[sflag:s0] =	ssyncadd.tile.s32 @!p0 $0x1;
	_ =	shalt  }
.Lfunc_end2:
_tile_overlayer_lowered:
.L_overlay_start_2:
0x138: {  	(tag) =	ssettag $0x2  }
0x139: {  	s0 =	rddreg [dreg:$0x0];
	s2 =	stileid.u32  }
0x13a: {  	s1 =	rddreg [dreg:$0x1];
	p0 =	sne.s32 s2, $0x0  }
0x13b: {  	s3 =	rddreg [dreg:$0x2];
	[bflag:$0x3] =	sbarrier.arrive $0xFFFF;
	s2 =	simm.s32 @!p0 $0x1C12  }
0x13c: {  	[timem:s3], [sflag:s2] =	dma.local @!p0 [hbm:s0], s1  }
0x13d: {  	s0 =	simm.s32 @!p0 $0x12  }
0x13e: {  	_ =	swait.ge @!p0 [sflag:s0], s1  }
0x13f: {  	s1 =	ssub.s32 @!p0 $0x0, s1;
	[sflag:s0] =	ssyncset.done @!p0 $0x0  }
0x140: {  	[sflag:s0] =	ssyncadd.s32 @!p0 s1  }
0x141: {  	[bflag:$0x3] =	sbarrier.arrive $0xFFFF  }
0x142: {  	_ =	shalt  }

// kernel: kernel.15.cloned.1.call-start
scs
__scs_entry_jumppad:
0x0: {  	(pc) =	sbr.rel $0x88, $3  }
0x1: {  	(tag) =	ssettag $0x0;
	lr =	simm.s32 $0x1  }
0x2: {  	[smem:$0x3F9B] =	sst lr;
	_ =	strace $0xD0000000  }
0x3: {  	_ = 	snop  }
0x4: {  	_ = 	snop  }
0x5: {  	_ = 	snop  }
0x6: {  	_ = 	snop  }
0x7: {  	_ = 	snop  }
__scs_overlays_trampoline_lowered:
0x8: {  	[smem:$0x3FAA] =	sst s0  }
0x9: {  	[smem:$0x3FAB] =	sst s1  }
0xa: {  	[smem:$0x3FAC] =	sst s2  }
0xb: {  	[smem:$0x3FAD] =	sst s3  }
0xc: {  	[smem:$0x3FAE] =	sst s4  }
0xd: {  	[smem:$0x3FAF] =	sst s5  }
0xe: {  	[smem:$0x3FB0] =	sst s6  }
0xf: {  	[smem:$0x3FB1] =	sst s7  }
0x10: {  	[smem:$0x3FB2] =	sst s8  }
0x11: {  	[smem:$0x3FB3] =	sst s9;
	s0 =	simm.s32 @!p0 $0x0  }
0x12: {  	s1 =	sld [smem:$0x3F99];
	s0 =	simm.s32 @p0 $0x1  }
0x13: {  	[smem:$0x3FB4] =	sst s0;
	s0 =	simm.s32 @!p1 $0x0  }
0x14: {  	s2 =	sld [smem:$0x3F98];
	s0 =	simm.s32 @p1 $0x1  }
0x15: {  	[smem:$0x3FB5] =	sst s0;
	s0 =	simm.s32 @!p2 $0x0  }
0x16: {  	s3 =	sld [smem:$0x3FDB];
	s0 =	simm.s32 @p2 $0x1  }
0x17: {  	s4 =	simm.s32 $0x1BF5;
	[smem:$0x3FB7] =	sst s0  }
0x18: {  	s0 =	sld [smem:$0x3F9A];
	_ =	swait.ge [sflag:s4], $0x0  }
0x19: {  	s7 =	sld [smem:$0x3F9B]  }
0x1a: {  	s8 =	sadd.s32 $0xFFFFE003, lr  }
0x1b: {  	s9 =	sadd.s32 $0xFFFFFEF7, lr;
	s5 =	simm.s32 $0xFFFFFFFF;
	p2 =	slt.u32 s8, $0xFFFFF086  }
0x1c: {  	p1 =	slt.u32 s9, $0xF7A;
	s5 =	simm.s32 @!p2 $0x0  }
0x1d: {  	s5 =	simm.s32 @p1 $0x1;
	p0 =	seq.s32 s7, s2  }
0x1e: {  	s7 =	smul.u32 @!p0 $0xF7A, s2;
	p2 =	seq.s32 @!p0 s5, $0x0  }
0x1f: {  	s9 =	smul.u32 $0xF7A, s1;
	s8 =	simm.s32 @!p0 $0x1BF5;
	p2 =	por !p2, p0  }
0x20: {  	[sflag:s8] =	ssyncset.s32 @!p0 $0xFFFFF086;
	s6 =	sadd.s32 @!p0 s3, s7;
	s7 =	simm.s32 @!p0 $0x108  }
0x21: {  	s3 =	sadd.s32 s3, s9;
	s6 =	sadd.s32 @!p0 $0x88, s6;
	s7 =	simm.s32 @p2 $0x1082  }
0x22: {  	[simem:s7], [sflag:s8] =	dma.local @!p0 [hbm:s6], $0xF7A  }
0x23: {  	s9 =	sor.u32 $0xD0000000, s2;
	s6 =	simm.s32 $0x108;
	_ =	swait.ge @!p0 [sflag:s8], $0x0  }
0x24: {  	s3 =	sadd.s32 $0x88, s3;
	s6 =	simm.s32 @!p1 $0x1082;
	[sflag:s4] =	ssyncset.s32 $0xFFFFF086  }
0x25: {  	[simem:s6], [sflag:s4] =	dma.local [hbm:s3], $0xF7A  }
0x26: {  	[smem:$0x3F9B] =	sst s1;
	(tag) =	ssettag s2;
	_ =	strace s9  }
0x27: {  	s1 =	sld [smem:$0x3FAB]  }
0x28: {  	s2 =	sld [smem:$0x3FAC]  }
0x29: {  	s4 =	sld [smem:$0x3FAE]  }
0x2a: {  	p0 =	seq.s32 s5, $0x0;
	s5 =	sld [smem:$0x3FAF]  }
0x2b: {  	s6 =	sld [smem:$0x3FB0]  }
0x2c: {  	s7 =	sld [smem:$0x3FB1]  }
0x2d: {  	s3 =	simm.s32 $0x108;
	s8 =	sld [smem:$0x3FB2]  }
0x2e: {  	s3 =	simm.s32 @!p0 $0x1082;
	s9 =	sld [smem:$0x3FB3]  }
0x2f: {  	lr =	sadd.s32 s0, s3;
	s0 =	sld [smem:$0x3FAA]  }
0x30: {  	s3 =	sld [smem:$0x3FAD]  }
0x31: {  	[smem:$0x3FB6] =	sst s10  }
0x32: {  	s10 =	sld [smem:$0x3FB4];
	_ =	sdelay $0x3  }
0x33: {  	p0 =	seq.s32 s10, $0x1;
	s10 =	sld [smem:$0x3FB6];
	_ =	sdelay $0x3  }
0x34: {  	[smem:$0x3FB6] =	sst s10  }
0x35: {  	s10 =	sld [smem:$0x3FB5];
	_ =	sdelay $0x3  }
0x36: {  	p1 =	seq.s32 s10, $0x1;
	s10 =	sld [smem:$0x3FB6];
	_ =	sdelay $0x3  }
0x37: {  	[smem:$0x3FB6] =	sst s10  }
0x38: {  	s10 =	sld [smem:$0x3FB7]  }
0x39: {  	_ = 	snop;
	(pc) =	sbr.ind lr, $3  }
0x3a: {  	_ = 	snop  }
0x3b: {  	_ = 	snop  }
0x3c: {  	p2 =	seq.s32 s10, $0x1;
	s10 =	sld [smem:$0x3FB6]  }
0x3d: {  	_ =	shalt  }
0x3e: {  	_ =	shalt  }
0x3f: {  	_ =	shalt  }
0x40: {  	_ =	shalt  }
0x41: {  	_ =	shalt  }
0x42: {  	_ =	shalt  }
0x43: {  	_ =	shalt  }
0x44: {  	_ =	shalt  }
0x45: {  	_ =	shalt  }
0x46: {  	_ =	shalt  }
0x47: {  	_ =	shalt  }
0x48: {  	_ =	shalt  }
0x49: {  	_ =	shalt  }
0x4a: {  	_ =	shalt  }
0x4b: {  	_ =	shalt  }
0x4c: {  	_ =	shalt  }
0x4d: {  	_ =	shalt  }
0x4e: {  	_ =	shalt  }
0x4f: {  	_ =	shalt  }
0x50: {  	_ =	shalt  }
0x51: {  	_ =	shalt  }
0x52: {  	_ =	shalt  }
0x53: {  	_ =	shalt  }
0x54: {  	_ =	shalt  }
0x55: {  	_ =	shalt  }
0x56: {  	_ =	shalt  }
0x57: {  	_ =	shalt  }
0x58: {  	_ =	shalt  }
0x59: {  	_ =	shalt  }
0x5a: {  	_ =	shalt  }
0x5b: {  	_ =	shalt  }
0x5c: {  	_ =	shalt  }
0x5d: {  	_ =	shalt  }
0x5e: {  	_ =	shalt  }
0x5f: {  	_ =	shalt  }
0x60: {  	_ =	shalt  }
0x61: {  	_ =	shalt  }
0x62: {  	_ =	shalt  }
0x63: {  	_ =	shalt  }
0x64: {  	_ =	shalt  }
0x65: {  	_ =	shalt  }
0x66: {  	_ =	shalt  }
0x67: {  	_ =	shalt  }
0x68: {  	_ =	shalt  }
0x69: {  	_ =	shalt  }
0x6a: {  	_ =	shalt  }
0x6b: {  	_ =	shalt  }
0x6c: {  	_ =	shalt  }
0x6d: {  	_ =	shalt  }
0x6e: {  	_ =	shalt  }
0x6f: {  	_ =	shalt  }
0x70: {  	_ =	shalt  }
0x71: {  	_ =	shalt  }
0x72: {  	_ =	shalt  }
0x73: {  	_ =	shalt  }
0x74: {  	_ =	shalt  }
0x75: {  	_ =	shalt  }
0x76: {  	_ =	shalt  }
0x77: {  	_ =	shalt  }
0x78: {  	_ =	shalt  }
0x79: {  	_ =	shalt  }
0x7a: {  	_ =	shalt  }
0x7b: {  	_ =	shalt  }
0x7c: {  	_ =	shalt  }
0x7d: {  	_ =	shalt  }
0x7e: {  	_ =	shalt  }
0x7f: {  	_ =	shalt  }
0x80: {  	_ =	shalt  }
0x81: {  	_ =	shalt  }
0x82: {  	_ =	shalt  }
0x83: {  	_ =	shalt  }
0x84: {  	_ =	shalt  }
0x85: {  	_ =	shalt  }
0x86: {  	_ =	shalt  }
0x87: {  	_ =	shalt  }
.Lfunc_end0:
.L_simem_size_0:
called_computation.2_lowered:
.L_overlay_start_0:
0x88: {  	s2 =	sld [smem:$0x3FD9]  }
0x89: {  	s3 =	sld [smem:$0x3FFE];
	_ =	sdelay $0x1  }
0x8a: {  	s1 =	srdreg.scid  }
0x8b: {  	s0 =	sand.u32 $0x1, s1  }
0x8c: {  	s17 =	sshll.u32 s0, $0xA;
	s2 =	sadd.s32 s3, s2  }
0x8d: {  	s2 =	sadd.s32 s2, s17  }
0x8e: {  	[smem:$0x3FC2] =	sst s2  }
0x8f: {  	_ = 	snop  }
0x90: {  	s2 =	sld [smem:$0x3FD0];
	(tm) =	ssettm $0x1  }
0x91: {  	s18 =	sld [smem:$0x3FFB];
	_ =	sdelay $0x3  }
0x92: {  	_ =	strace s18  }
0x93: {  	s3 =	sld [smem:$0x3FFC];
	_ =	sdelay $0x3  }
0x94: {  	_ =	strace s3  }
0x95: {  	s3 =	sld [smem:$0x3FFD];
	_ =	sdelay $0x3  }
0x96: {  	_ =	strace s3  }
0x97: {  	_ =	strace $0x8FFFFFFF  }
0x98: {  	s19 =	sld [smem:$0x3FDB];
	_ =	sdelay $0x1  }
0x99: {  	s4 =	simm.s32 $_scs_section_size  }
0x9a: {  	s5 =	simm.s32 $_size__tile_overlayer_lowered;
	s6 =	simm.s32 $_tile_overlayer_lowered  }
0x9b: {  	s22 =	simm.s32 $0x1BFF;
	s21 =	sshll.u32 s6, $0x1;
	s3 =	sadd.s32 s4, s19  }
0x9c: {  	s7 =	simm.s32 $0x0;
	s20 =	sshll.u32 s5, $0x1;
	s5 =	sadd.s32 s21, s3  }
0x9d: {  	[timem:s7], [sflag:s22] =	dma.local [hbm:s5], s20  }
0x9e: {  	_ =	swait.ge [sflag:s22], s20  }
0x9f: {  	s4 =	ssub.s32 $0x0, s20;
	[sflag:s22] =	ssyncset.done $0x0  }
0xa0: {  	[sflag:s22] =	ssyncadd.s32 s4;
	_ =	sdelay $0x1  }
0xa1: {  	s23 =	simm.s32 $0x1B8B  }
0xa2: {  	_ =	swait.ge [sflag:s23], $0x1  }
0xa3: {  	[sflag:s23] =	ssyncset.done $0x0  }
0xa4: {  	s25 =	simm.s32 $0x1B8E;
	s24 =	sld [smem:$0x3FFE];
	[sflag:s23] =	ssyncadd.s32 $0xFFFFFFFF  }
0xa5: {  	s26 =	simm.s32 $execute0_lowered;
	[smem:$0x3FD2] =	sst s25  }
0xa6: {  	s5 =	sshll.u32 s26, $0x1;
	_ =	strace $0x8000004C;
	[dreg:$0x1] =	wrdreg $0xFFFFFFFF  }
0xa7: {  	s28 =	simm.s32 $_size_execute0_lowered;
	s3 =	sadd.s32 s3, s5;
	[dreg:$0x0] =	wrdreg $0x0  }
0xa8: {  	s5 =	sshll.u32 s28, $0x1;
	[dreg:$0x2] =	wrdreg s3  }
0xa9: {  	[dreg:$0x3] =	wrdreg s5  }
0xaa: {  	[dreg:$0x4] =	wrdreg $0xC0  }
0xab: {  	_ =	task [dreg:s7], $0x5FFFF  }
0xac: {  	[dreg:$0x1] =	wrdreg $0xFFFFFFFF  }
0xad: {  	[dreg:$0x0] =	wrdreg $0x60  }
0xae: {  	[dreg:$0x2] =	wrdreg s2  }
0xaf: {  	[dreg:$0x3] =	wrdreg s24  }
0xb0: {  	[dreg:$0x4] =	wrdreg $0xD8200  }
0xb1: {  	[dreg:$0x5] =	wrdreg $0x9  }
0xb2: {  	_ =	task.clear_ibuf [dreg:s7], $0x6FFFF;
	_ =	strace $0x9000004C  }
0xb3: {  	s29 =	simm.s32 $0x9;
	_ =	strace $0x8000004E  }
0xb4: {  	_ =	swait.ge [sflag:s29], $0x1  }
0xb5: {  	[sflag:s29] =	ssyncadd.s32 $0xFFFFFFFF  }
0xb6: {  	_ =	strace $0x9000004E  }
0xb7: {  	_ =	sfence  }
0xb8: {  	s30 =	sld [smem:$0x0];
	_ =	sdelay $0x2  }
0xb9: {  	s31 =	sshll.u32 s1, $0xD;
	s1 =	sshrl.u32 s1, $0x2  }
0xba: {  	s3 =	sand.u32 $0x4000, s31;
	s1 =	sadd.s32 s1, s30  }
0xbb: {  	s0 =	sor.u32 s3, s0;
	s1 =	sshll.u32 s1, $0x11  }
0xbc: {  	s0 =	sor.u32 s1, s0  }
0xbd: {  	s0 =	sadd.s32 $0x8F2B, s0  }
0xbe: {  	[sflag:s0] =	ssyncadd.remote.s32 $0x1  }
0xbf: {  	_ =	sfence.sel $0xFFFF  }
0xc0: {  	[dreg:$0x0] =	wrdreg $0xFFFFFFFF;
	(pc) =	sbr.abs _section_cstart, $3  }
0xc1: {  	[dreg:$0x1] =	wrdreg $0xFFFFFFFF  }
0xc2: {  	_ =	task.clear_ibuf [dreg:s7], $0x2FFFF;
	_ =	strace $0x9FFFFFFF  }
0xc3: {  	(tm) =	ssettm $0x7FFFFFFF  }
tec
execute0_lowered:
.L_overlay_start_1:
0x0: {  	(tag) =	ssettag $0x1  }
0x1: {  	s1 =	rddreg [dreg:$0x0]  }
0x2: {  	s0 =	srdreg.scid;
	s5 =	rddreg [dreg:$0x1]  }
0x3: {  	s4 =	stileid.u32;
	s3 =	rddreg [dreg:$0x2];
	s7 =	simm.s32 $0x0  }
0x4: {  	s0 =	sand.u32 $0x1, s0;
	s2 =	sshll.u32 s4, $0x1;
	s10 =	smul.u32 $0x13880, s4  }
0x5: {  	[smem:$0x7FF] =	sst s7;
	s8 =	smul.u32 $0x4E20, s4;
	s2 =	sor.u32 s0, s2  }
0x6: {  	s6 =	smul.u32 $0x9C40, s0;
	_ =	strace $0x8000004D;
	s0 =	ssub.s32 $0x2, s0  }
0x7: {  	s2 =	smul.u32 $0x2710, s2;
	s11 =	sshrl.u32 s10, $0x2;
	s12 =	sshrl.u32 s0, $0x1  }
0x8: {  	s16 =	sshrl.u32 s8, $0x3;
	s17 =	sadd.s32 s8, s3;
	s6 =	sadd.s32 s6, s5  }
0x9: {  	s0 =	ssub.s32 s0, s12;
	s30 =	sshrl.u32 s17, $0x3;
	s2 =	sshrl.u32 s2, $0x3  }
0xa: {  	s15 =	sadd.s32 $0x15600, s6;
	s0 =	smax.u32 s0, $0x1;
	[dreg:$0x12] =	wrdreg s30  }
0xb: {  	s2 =	sadd.s32 s2, s5;
	s5 =	sadd.s32 s11, s3;
	[dreg:$0x8] =	wrdreg s0  }
0xc: {  	s26 =	sadd.s32 s16, s15;
	[dreg:$0x4] =	wrdreg s5  }
0xd: {  	s13 =	sadd.s32 $0x4800, s5;
	[dreg:$0x11] =	wrdreg s26  }
0xe: {  	s28 =	simm.s32 $0x6E20;
	s14 =	sadd.s32 $0x1C00, s2;
	[dreg:$0x5] =	wrdreg s13  }
0xf: {  	s31 =	simm.s32 $0x1;
	s2 =	sadd.s32 $0xB840, s2;
	[dreg:$0x6] =	wrdreg s14  }
0x10: {  	s29 =	simm.s32 $0x6;
	s18 =	sadd.s32 $0x800, s5;
	[dreg:$0x7] =	wrdreg s2  }
0x11: {  	s9 =	simm.s32 $0xC;
	s19 =	sadd.s32 $0x1000, s5;
	[dreg:$0x9] =	wrdreg s18  }
0x12: {  	s7 =	simm.s32 $0xA;
	s20 =	sadd.s32 $0x1800, s5;
	[dreg:$0xa] =	wrdreg s19  }
0x13: {  	s8 =	simm.s32 $0xB;
	s21 =	sadd.s32 $0x2000, s5;
	[dreg:$0xb] =	wrdreg s20  }
0x14: {  	s10 =	simm.s32 $0xD;
	s22 =	sadd.s32 $0x2800, s5;
	[dreg:$0xc] =	wrdreg s21  }
0x15: {  	s6 =	simm.s32 $0x9;
	s23 =	sadd.s32 $0x3000, s5;
	[dreg:$0xd] =	wrdreg s22  }
0x16: {  	s0 =	simm.s32 $0x10;
	s24 =	sadd.s32 $0x3800, s5;
	[dreg:$0xe] =	wrdreg s23  }
.Ltmp0:
0x17: {  	s25 =	sadd.s32 $0x4000, s5;
	[dreg:$0xf] =	wrdreg s24;
	(pc) =	sbr.rel .LBB2_1-.Ltmp0, $4  }
0x18: {  	s11 =	simm.s32 $0xE;
	s26 =	simm.s32 $0x5;
	[dreg:$0x10] =	wrdreg s25  }
0x19: {  	s18 =	simm.s32 $0xD020;
	s19 =	simm.s32 $0x12;
	s21 =	simm.s32 $0x80  }
0x1a: {  	s22 =	simm.s32 $0x4E20;
	s2 =	simm.s32 $0x8E20;
	s24 =	simm.s32 $0x9E20  }
0x1b: {  	v0 =	vimm.f32 $0.0e+00;
	s20 =	simm.s32 $0x3;
	s13 =	simm.s32 $0x11;
	s14 =	simm.s32 $0x0  }
.LBB2_6:
0x1c: {  	_ =	swait.ge [sflag:s29], $0x1000  }
0x1d: {  	[sflag:s29] =	ssyncset.done $0x0  }
0x1e: {  	s4 =	simm.s32 $0x4D90;
	[sflag:s29] =	ssyncadd.s32 $0xFFFFF000  }
0x1f: {  	[spmem:s3] =	stream.indirect.scatter.add.f32 [tilespmem:s24], [sflag:$0xE], $0x20, s4, s21, $0xb8;
	[tilespmem:$0x12640] =	vst v63  }
.LBB2_4:
0x20: {  	s4 =	simm.s32 $0xF  }
0x21: {  	_ =	swait.ge [sflag:s4], $0x1000  }
0x22: {  	[sflag:s4] =	ssyncset.done $0x0  }
0x23: {  	[sflag:s4] =	ssyncadd.s32 $0xFFFFF000  }
0x24: {  	_ =	swait.ge [sflag:s0], $0x1000  }
0x25: {  	[sflag:s0] =	ssyncset.done $0x0  }
0x26: {  	[sflag:s0] =	ssyncadd.s32 $0xFFFFF000  }
0x27: {  	_ =	swait.ge [sflag:s6], $0x1000  }
0x28: {  	[sflag:s6] =	ssyncset.done $0x0  }
0x29: {  	[sflag:s6] =	ssyncadd.s32 $0xFFFFF000  }
0x2a: {  	_ =	swait.ge [sflag:s7], $0x1000  }
0x2b: {  	[sflag:s7] =	ssyncset.done $0x0  }
0x2c: {  	[sflag:s7] =	ssyncadd.s32 $0xFFFFF000  }
0x2d: {  	_ =	swait.ge [sflag:s8], $0x1000  }
0x2e: {  	[sflag:s8] =	ssyncset.done $0x0  }
0x2f: {  	[sflag:s8] =	ssyncadd.s32 $0xFFFFF000  }
0x30: {  	_ =	swait.ge [sflag:s9], $0x1000  }
0x31: {  	[sflag:s9] =	ssyncset.done $0x0  }
0x32: {  	[sflag:s9] =	ssyncadd.s32 $0xFFFFF000  }
0x33: {  	_ =	swait.ge [sflag:s10], $0x1000  }
0x34: {  	[sflag:s10] =	ssyncset.done $0x0  }
0x35: {  	[sflag:s10] =	ssyncadd.s32 $0xFFFFF000  }
0x36: {  	_ =	swait.ge [sflag:s11], $0x1000  }
0x37: {  	[sflag:s11] =	ssyncset.done $0x0  }
0x38: {  	s16 =	simm.s32 $0x2700;
	s5 =	simm.s32 $0xCE20;
	[sflag:s11] =	ssyncadd.s32 $0xFFFFF000  }
0x39: {  	[tilespmem:s5], [sflag:$0x11] =	stream.indirect.gather [hbm4b:s1+s0], $0x20, s16, s0, $0xb8;
	[tilespmem:$0x12640] =	vst v63  }
0x3a: {  	_ =	swait.ge [sflag:s13], $0x200  }
0x3b: {  	[sflag:s13] =	ssyncset.done $0x0  }
0x3c: {  	s17 =	simm.s32 $0x4E10;
	[sflag:s13] =	ssyncadd.s32 $0xFFFFFE00  }
0x3d: {  	[spmem:s3] =	stream.indirect.scatter.add.f32 [tilespmem:s5], [sflag:$0x12], $0x20, s17, s0, $0xb8;
	[tilespmem:$0x12640] =	vst v63  }
0x3e: {  	_ =	swait.ge [sflag:s19], $0x200  }
0x3f: {  	[sflag:s19] =	ssyncset.done $0x0  }
0x40: {  	[sflag:s19] =	ssyncadd.s32 $0xFFFFFE00  }
0x41: {  	s23 =	stileid.u32;
	[bflag:$0x0] =	sbarrier.arrive $0xFFFF  }
0x42: {  	s4 =	sshll.u32 s23, $0x6;
	s25 =	rddreg [dreg:$0x11]  }
0x43: {  	s4 =	sor.u32 $0x1C12, s4;
	s12 =	rddreg [dreg:$0x12]  }
0x44: {  	[hbm:s25], [sflag:s4] =	dma.local [spmem:s12], $0x9C4  }
0x45: {  	_ =	swait.ge [sflag:s19], $0x9C4  }
0x46: {  	s14 =	sadd.s32 $0x1, s14;
	s30 =	rddreg [dreg:$0x8]  }
0x47: {  	p0 =	sne.s32 s14, s30  }
.Ltmp1:
0x48: {  	_ = 	snop;
	(pc) =	sbr.rel @!p0 .LBB2_5-.Ltmp1, $3  }
0x49: {  	_ =	sdelay $0x1  }
0x4a: {  	[sflag:s19] =	ssyncset.done $0x0  }
0x4b: {  	[sflag:s19] =	ssyncadd.s32 $0xFFFFF63C  }
.LBB2_1:
0x4c: {  	[tilespmem:$0xD020] =	vst v0  }
0x4d: {  	[tilespmem:$0xD030] =	vst v0  }
0x4e: {  	[tilespmem:$0xD040] =	vst v0  }
0x4f: {  	[tilespmem:$0xD050] =	vst v0  }
0x50: {  	[tilespmem:$0xD060] =	vst v0  }
0x51: {  	[tilespmem:$0xD070] =	vst v0  }
0x52: {  	[tilespmem:$0xD080] =	vst v0  }
0x53: {  	[tilespmem:$0xD090] =	vst v0  }
0x54: {  	[tilespmem:$0xD0A0] =	vst v0  }
0x55: {  	[tilespmem:$0xD0B0] =	vst v0  }
0x56: {  	[tilespmem:$0xD0C0] =	vst v0  }
0x57: {  	[tilespmem:$0xD0D0] =	vst v0  }
0x58: {  	[tilespmem:$0xD0E0] =	vst v0  }
0x59: {  	[tilespmem:$0xD0F0] =	vst v0  }
0x5a: {  	[tilespmem:$0xD100] =	vst v0  }
0x5b: {  	[tilespmem:$0xD110] =	vst v0  }
0x5c: {  	[tilespmem:$0xD120] =	vst v0  }
0x5d: {  	[tilespmem:$0xD130] =	vst v0  }
0x5e: {  	[tilespmem:$0xD140] =	vst v0  }
0x5f: {  	[tilespmem:$0xD150] =	vst v0  }
0x60: {  	[tilespmem:$0xD160] =	vst v0  }
0x61: {  	[tilespmem:$0xD170] =	vst v0  }
0x62: {  	[tilespmem:$0xD180] =	vst v0  }
0x63: {  	[tilespmem:$0xD190] =	vst v0  }
0x64: {  	[tilespmem:$0xD1A0] =	vst v0  }
0x65: {  	[tilespmem:$0xD1B0] =	vst v0  }
0x66: {  	[tilespmem:$0xD1C0] =	vst v0  }
0x67: {  	[tilespmem:$0xD1D0] =	vst v0  }
0x68: {  	[tilespmem:$0xD1E0] =	vst v0  }
0x69: {  	[tilespmem:$0xD1F0] =	vst v0  }
0x6a: {  	[tilespmem:$0xD200] =	vst v0  }
0x6b: {  	[tilespmem:$0xD210] =	vst v0  }
0x6c: {  	[tilespmem:$0xD220] =	vst v0  }
0x6d: {  	[tilespmem:$0xD230] =	vst v0  }
0x6e: {  	[tilespmem:$0xD240] =	vst v0  }
0x6f: {  	[tilespmem:$0xD250] =	vst v0  }
0x70: {  	[tilespmem:$0xD260] =	vst v0  }
0x71: {  	[tilespmem:$0xD270] =	vst v0  }
0x72: {  	[tilespmem:$0xD280] =	vst v0  }
0x73: {  	[tilespmem:$0xD290] =	vst v0  }
0x74: {  	[tilespmem:$0xD2A0] =	vst v0  }
0x75: {  	[tilespmem:$0xD2B0] =	vst v0  }
0x76: {  	[tilespmem:$0xD2C0] =	vst v0  }
0x77: {  	[tilespmem:$0xD2D0] =	vst v0  }
0x78: {  	[tilespmem:$0xD2E0] =	vst v0  }
0x79: {  	[tilespmem:$0xD2F0] =	vst v0  }
0x7a: {  	[tilespmem:$0xD300] =	vst v0  }
0x7b: {  	[tilespmem:$0xD310] =	vst v0  }
0x7c: {  	[tilespmem:$0xD320] =	vst v0  }
0x7d: {  	[tilespmem:$0xD330] =	vst v0  }
0x7e: {  	[tilespmem:$0xD340] =	vst v0  }
0x7f: {  	[tilespmem:$0xD350] =	vst v0  }
0x80: {  	[tilespmem:$0xD360] =	vst v0  }
0x81: {  	[tilespmem:$0xD370] =	vst v0  }
0x82: {  	[tilespmem:$0xD380] =	vst v0  }
0x83: {  	[tilespmem:$0xD390] =	vst v0  }
0x84: {  	[tilespmem:$0xD3A0] =	vst v0  }
0x85: {  	[tilespmem:$0xD3B0] =	vst v0  }
0x86: {  	[tilespmem:$0xD3C0] =	vst v0  }
0x87: {  	[tilespmem:$0xD3D0] =	vst v0  }
0x88: {  	[tilespmem:$0xD3E0] =	vst v0  }
0x89: {  	[tilespmem:$0xD3F0] =	vst v0  }
0x8a: {  	[tilespmem:$0xD400] =	vst v0  }
0x8b: {  	[tilespmem:$0xD410] =	vst v0  }
0x8c: {  	[tilespmem:$0xD420] =	vst v0  }
0x8d: {  	[tilespmem:$0xD430] =	vst v0  }
0x8e: {  	[tilespmem:$0xD440] =	vst v0  }
0x8f: {  	[tilespmem:$0xD450] =	vst v0  }
0x90: {  	[tilespmem:$0xD460] =	vst v0  }
0x91: {  	[tilespmem:$0xD470] =	vst v0  }
0x92: {  	[tilespmem:$0xD480] =	vst v0  }
0x93: {  	[tilespmem:$0xD490] =	vst v0  }
0x94: {  	[tilespmem:$0xD4A0] =	vst v0  }
0x95: {  	[tilespmem:$0xD4B0] =	vst v0  }
0x96: {  	[tilespmem:$0xD4C0] =	vst v0  }
0x97: {  	[tilespmem:$0xD4D0] =	vst v0  }
0x98: {  	[tilespmem:$0xD4E0] =	vst v0  }
0x99: {  	[tilespmem:$0xD4F0] =	vst v0  }
0x9a: {  	[tilespmem:$0xD500] =	vst v0  }
0x9b: {  	[tilespmem:$0xD510] =	vst v0  }
0x9c: {  	[tilespmem:$0xD520] =	vst v0  }
0x9d: {  	[tilespmem:$0xD530] =	vst v0  }
0x9e: {  	[tilespmem:$0xD540] =	vst v0  }
0x9f: {  	[tilespmem:$0xD550] =	vst v0  }
0xa0: {  	[tilespmem:$0xD560] =	vst v0  }
0xa1: {  	[tilespmem:$0xD570] =	vst v0  }
0xa2: {  	[tilespmem:$0xD580] =	vst v0  }
0xa3: {  	[tilespmem:$0xD590] =	vst v0  }
0xa4: {  	[tilespmem:$0xD5A0] =	vst v0  }
0xa5: {  	[tilespmem:$0xD5B0] =	vst v0  }
0xa6: {  	[tilespmem:$0xD5C0] =	vst v0  }
0xa7: {  	[tilespmem:$0xD5D0] =	vst v0  }
0xa8: {  	[tilespmem:$0xD5E0] =	vst v0  }
0xa9: {  	[tilespmem:$0xD5F0] =	vst v0  }
0xaa: {  	[tilespmem:$0xD600] =	vst v0  }
0xab: {  	[tilespmem:$0xD610] =	vst v0  }
0xac: {  	[tilespmem:$0xD620] =	vst v0  }
0xad: {  	[tilespmem:$0xD630] =	vst v0  }
0xae: {  	[tilespmem:$0xD640] =	vst v0  }
0xaf: {  	[tilespmem:$0xD650] =	vst v0  }
0xb0: {  	[tilespmem:$0xD660] =	vst v0  }
0xb1: {  	[tilespmem:$0xD670] =	vst v0  }
0xb2: {  	[tilespmem:$0xD680] =	vst v0  }
0xb3: {  	[tilespmem:$0xD690] =	vst v0  }
0xb4: {  	[tilespmem:$0xD6A0] =	vst v0  }
0xb5: {  	[tilespmem:$0xD6B0] =	vst v0  }
0xb6: {  	[tilespmem:$0xD6C0] =	vst v0  }
0xb7: {  	[tilespmem:$0xD6D0] =	vst v0  }
0xb8: {  	[tilespmem:$0xD6E0] =	vst v0  }
0xb9: {  	[tilespmem:$0xD6F0] =	vst v0  }
0xba: {  	[tilespmem:$0xD700] =	vst v0  }
0xbb: {  	[tilespmem:$0xD710] =	vst v0  }
0xbc: {  	[tilespmem:$0xD720] =	vst v0  }
0xbd: {  	[tilespmem:$0xD730] =	vst v0  }
0xbe: {  	[tilespmem:$0xD740] =	vst v0  }
0xbf: {  	[tilespmem:$0xD750] =	vst v0  }
0xc0: {  	[tilespmem:$0xD760] =	vst v0  }
0xc1: {  	[tilespmem:$0xD770] =	vst v0  }
0xc2: {  	[tilespmem:$0xD780] =	vst v0  }
0xc3: {  	[tilespmem:$0xD790] =	vst v0  }
0xc4: {  	[tilespmem:$0xD7A0] =	vst v0  }
0xc5: {  	[tilespmem:$0xD7B0] =	vst v0  }
0xc6: {  	[tilespmem:$0xD7C0] =	vst v0  }
0xc7: {  	[tilespmem:$0xD7D0] =	vst v0  }
0xc8: {  	[tilespmem:$0xD7E0] =	vst v0  }
0xc9: {  	[tilespmem:$0xD7F0] =	vst v0  }
0xca: {  	[tilespmem:$0xD800] =	vst v0  }
0xcb: {  	[tilespmem:$0xD810] =	vst v0;
	s4 =	rddreg [dreg:$0x4]  }
0xcc: {  	[spmem:s4] =	stream.linear.scatter [tilespmem:s18], [sflag:$0x12], $0x800, $0x38;
	[tilespmem:$0x12640] =	vst v63  }
0xcd: {  	_ =	swait.ge [sflag:s19], $0x800  }
0xce: {  	[sflag:s19] =	ssyncset.done $0x0  }
0xcf: {  	s16 =	rddreg [dreg:$0x9];
	[sflag:s19] =	ssyncadd.s32 $0xFFFFF800  }
0xd0: {  	[spmem:s16] =	stream.linear.scatter [tilespmem:s18], [sflag:$0x12], $0x800, $0x38;
	[tilespmem:$0x12640] =	vst v63  }
0xd1: {  	_ =	swait.ge [sflag:s19], $0x800  }
0xd2: {  	[sflag:s19] =	ssyncset.done $0x0  }
0xd3: {  	s17 =	rddreg [dreg:$0xa];
	[sflag:s19] =	ssyncadd.s32 $0xFFFFF800  }
0xd4: {  	[spmem:s17] =	stream.linear.scatter [tilespmem:s18], [sflag:$0x12], $0x800, $0x38;
	[tilespmem:$0x12640] =	vst v63  }
0xd5: {  	_ =	swait.ge [sflag:s19], $0x800  }
0xd6: {  	[sflag:s19] =	ssyncset.done $0x0  }
0xd7: {  	s23 =	rddreg [dreg:$0xb];
	[sflag:s19] =	ssyncadd.s32 $0xFFFFF800  }
0xd8: {  	[spmem:s23] =	stream.linear.scatter [tilespmem:s18], [sflag:$0x12], $0x800, $0x38;
	[tilespmem:$0x12640] =	vst v63  }
0xd9: {  	_ =	swait.ge [sflag:s19], $0x800  }
0xda: {  	[sflag:s19] =	ssyncset.done $0x0  }
0xdb: {  	s25 =	rddreg [dreg:$0xc];
	[sflag:s19] =	ssyncadd.s32 $0xFFFFF800  }
0xdc: {  	[spmem:s25] =	stream.linear.scatter [tilespmem:s18], [sflag:$0x12], $0x800, $0x38;
	[tilespmem:$0x12640] =	vst v63  }
0xdd: {  	_ =	swait.ge [sflag:s19], $0x800  }
0xde: {  	[sflag:s19] =	ssyncset.done $0x0  }
0xdf: {  	s30 =	rddreg [dreg:$0xd];
	[sflag:s19] =	ssyncadd.s32 $0xFFFFF800  }
0xe0: {  	[spmem:s30] =	stream.linear.scatter [tilespmem:s18], [sflag:$0x12], $0x800, $0x38;
	[tilespmem:$0x12640] =	vst v63  }
0xe1: {  	_ =	swait.ge [sflag:s19], $0x800  }
0xe2: {  	[sflag:s19] =	ssyncset.done $0x0  }
0xe3: {  	s5 =	rddreg [dreg:$0xe];
	[sflag:s19] =	ssyncadd.s32 $0xFFFFF800  }
0xe4: {  	[spmem:s5] =	stream.linear.scatter [tilespmem:s18], [sflag:$0x12], $0x800, $0x38;
	[tilespmem:$0x12640] =	vst v63  }
0xe5: {  	_ =	swait.ge [sflag:s19], $0x800  }
0xe6: {  	[sflag:s19] =	ssyncset.done $0x0  }
0xe7: {  	s12 =	rddreg [dreg:$0xf];
	[sflag:s19] =	ssyncadd.s32 $0xFFFFF800  }
0xe8: {  	[spmem:s12] =	stream.linear.scatter [tilespmem:s18], [sflag:$0x12], $0x800, $0x38;
	[tilespmem:$0x12640] =	vst v63  }
0xe9: {  	_ =	swait.ge [sflag:s19], $0x800  }
0xea: {  	[sflag:s19] =	ssyncset.done $0x0  }
0xeb: {  	s15 =	rddreg [dreg:$0x10];
	[sflag:s19] =	ssyncadd.s32 $0xFFFFF800  }
0xec: {  	[spmem:s15] =	stream.linear.scatter [tilespmem:s18], [sflag:$0x12], $0x800, $0x38;
	[tilespmem:$0x12640] =	vst v63  }
0xed: {  	_ =	swait.ge [sflag:s19], $0x800  }
0xee: {  	[sflag:s19] =	ssyncset.done $0x0  }
0xef: {  	s16 =	rddreg [dreg:$0x5];
	[sflag:s19] =	ssyncadd.s32 $0xFFFFF800  }
0xf0: {  	[spmem:s16] =	stream.linear.scatter [tilespmem:s18], [sflag:$0x12], $0x620, $0x38;
	[tilespmem:$0x12640] =	vst v63  }
0xf1: {  	_ =	swait.ge [sflag:s19], $0x620  }
0xf2: {  	[sflag:s19] =	ssyncset.done $0x0  }
0xf3: {  	[sflag:s19] =	ssyncadd.s32 $0xFFFFF9E0  }
0xf4: {  	[bflag:$0x0] =	sbarrier.arrive $0xFFFF  }
0xf5: {  	s17 =	simm.s32 $0x0;
	s5 =	rddreg [dreg:$0x6]  }
0xf6: {  	[tilespmem:s17], [sflag:$0x12] =	stream.linear.gather [hbm4b:s5+s17], $0x2710, $0x38;
	[tilespmem:$0x12640] =	vst v63  }
0xf7: {  	_ =	swait.ge [sflag:s19], $0x2710  }
0xf8: {  	[sflag:s19] =	ssyncset.done $0x0  }
0xf9: {  	s12 =	simm.s32 $0x2710;
	s23 =	rddreg [dreg:$0x7];
	[sflag:s19] =	ssyncadd.s32 $0xFFFFD8F0  }
0xfa: {  	[tilespmem:s12], [sflag:$0x12] =	stream.linear.gather [hbm4b:s23+s17], $0x2710, $0x38;
	[tilespmem:$0x12640] =	vst v63  }
0xfb: {  	_ =	swait.ge [sflag:s19], $0x2710  }
0xfc: {  	[sflag:s19] =	ssyncset.done $0x0  }
0xfd: {  	[sflag:s19] =	ssyncadd.s32 $0xFFFFD8F0  }
0xfe: {  	[tilespmem:s22], [sflag:$0x1] =	stream.indirect.gather [hbm4b:s1+s21], $0x20, s17, s21, $0xb8;
	[tilespmem:$0x12640] =	vst v63  }
0xff: {  	s25 =	simm.s32 $0x5E20  }
0x100: {  	[tilespmem:s25], [sflag:$0x2] =	stream.indirect.gather [hbm4b:s1+s21], $0x20, s21, s21, $0xb8;
	[tilespmem:$0x12640] =	vst v63  }
0x101: {  	s30 =	simm.s32 $0x100  }
0x102: {  	[tilespmem:s28], [sflag:$0x3] =	stream.indirect.gather [hbm4b:s1+s21], $0x20, s30, s21, $0xb8;
	[tilespmem:$0x12640] =	vst v63  }
0x103: {  	s5 =	simm.s32 $0x180;
	s12 =	simm.s32 $0x7E20  }
0x104: {  	[tilespmem:s12], [sflag:$0x4] =	stream.indirect.gather [hbm4b:s1+s21], $0x20, s5, s21, $0xb8;
	[tilespmem:$0x12640] =	vst v63  }
0x105: {  	s15 =	simm.s32 $0x200  }
0x106: {  	[tilespmem:s2], [sflag:$0x5] =	stream.indirect.gather [hbm4b:s1+s21], $0x20, s15, s21, $0xb8;
	[tilespmem:$0x12640] =	vst v63  }
0x107: {  	s16 =	simm.s32 $0x280;
	s23 =	simm.s32 $0xAE20  }
0x108: {  	[tilespmem:s24], [sflag:$0x6] =	stream.indirect.gather [hbm4b:s1+s21], $0x20, s16, s21, $0xb8;
	[tilespmem:$0x12640] =	vst v63  }
0x109: {  	s17 =	simm.s32 $0x300;
	s25 =	simm.s32 $0x380;
	s30 =	simm.s32 $0xBE20  }
0x10a: {  	[tilespmem:s23], [sflag:$0x7] =	stream.indirect.gather [hbm4b:s1+s21], $0x20, s17, s21, $0xb8;
	[tilespmem:$0x12640] =	vst v63  }
0x10b: {  	s15 =	simm.s32 $0x7;
	s16 =	simm.s32 $0x0;
	s17 =	simm.s32 $0x0  }
0x10c: {  	[tilespmem:s30], [sflag:$0x8] =	stream.indirect.gather [hbm4b:s1+s21], $0x20, s25, s21, $0xb8;
	[tilespmem:$0x12640] =	vst v63  }
.LBB2_2:
0x10d: {  	_ =	swait.ge [sflag:s31], $0x1000  }
0x10e: {  	s23 =	sshra.s32 s16, $0x2;
	[sflag:s31] =	ssyncset.done $0x0  }
0x10f: {  	p0 =	seq.s32 s16, $0x9000;
	s25 =	sadd.s32 $0x2710, s23;
	[sflag:s31] =	ssyncadd.s32 $0xFFFFF000  }
0x110: {  	[spmem:s3] =	stream.indirect.scatter.add.f32 [tilespmem:s22], [sflag:$0x9], $0x20, s25, s21, $0xb8;
	[tilespmem:$0x12640] =	vst v63  }
0x111: {  	s25 =	simm.s32 @p0 $0x2  }
0x112: {  	_ =	swait.ge @p0 [sflag:s25], $0x1000  }
0x113: {  	[sflag:s25] =	ssyncset.done @p0 $0x0  }
0x114: {  	[sflag:s25] =	ssyncadd.s32 @p0 $0xFFFFF000;
	s25 =	sshra.s32 @p0 s16, $0x2  }
0x115: {  	s12 =	simm.s32 @p0 $0x80;
	s5 =	simm.s32 @p0 $0x5E20;
	s25 =	sadd.s32 @p0 $0x2790, s25  }
0x116: {  	[spmem:s3] =	stream.indirect.scatter.add.f32 @p0 [tilespmem:s5], [sflag:$0xA], $0x20, s25, s12, $0xb8;
	[tilespmem:$0x12640] =	vst v63  }
0x117: {  	s5 =	simm.s32 @!p0 $0x9  }
0x118: {  	_ =	swait.ge @!p0 [sflag:s5], $0x1000  }
0x119: {  	[sflag:s5] =	ssyncset.done @!p0 $0x0  }
0x11a: {  	[sflag:s5] =	ssyncadd.s32 @!p0 $0xFFFFF000;
	s5 =	sshra.s32 @!p0 s16, $0x2  }
0x11b: {  	s4 =	simm.s32 @!p0 $0x80;
	s30 =	simm.s32 @!p0 $0x4E20;
	s25 =	sadd.s32 @!p0 $0x400, s5  }
0x11c: {  	[tilespmem:s30], [sflag:$0x1] =	stream.indirect.gather @!p0 [hbm4b:s1+s4], $0x20, s25, s4, $0xb8;
	[tilespmem:$0x12640] =	vst v63  }
0x11d: {  	s25 =	simm.s32 @!p0 $0x2  }
0x11e: {  	_ =	swait.ge @!p0 [sflag:s25], $0x1000  }
0x11f: {  	[sflag:s25] =	ssyncset.done @!p0 $0x0  }
0x120: {  	s30 =	simm.s32 @!p0 $0x5E20;
	[sflag:s25] =	ssyncadd.s32 @!p0 $0xFFFFF000;
	s25 =	sadd.s32 @!p0 $0x2790, s5  }
0x121: {  	[spmem:s3] =	stream.indirect.scatter.add.f32 @!p0 [tilespmem:s30], [sflag:$0xA], $0x20, s25, s4, $0xb8;
	[tilespmem:$0x12640] =	vst v63  }
0x122: {  	s25 =	simm.s32 @!p0 $0xA  }
0x123: {  	_ =	swait.ge @!p0 [sflag:s25], $0x1000  }
0x124: {  	[sflag:s25] =	ssyncset.done @!p0 $0x0  }
0x125: {  	[sflag:s25] =	ssyncadd.s32 @!p0 $0xFFFFF000;
	s25 =	sadd.s32 @!p0 $0x480, s5  }
0x126: {  	[tilespmem:s30], [sflag:$0x2] =	stream.indirect.gather @!p0 [hbm4b:s1+s4], $0x20, s25, s4, $0xb8;
	[tilespmem:$0x12640] =	vst v63  }
0x127: {  	s25 =	sadd.s32 @!p0 $0x400, s16  }
0x128: {  	s25 =	simm.s32 @p0 $0x9400;
	_ =	swait.ge [sflag:s20], $0x1000  }
0x129: {  	[sflag:s20] =	ssyncset.done $0x0;
	s25 =	sshra.s32 s25, $0x2  }
0x12a: {  	[sflag:s20] =	ssyncadd.s32 $0xFFFFF000;
	s25 =	sadd.s32 $0x2710, s25  }
0x12b: {  	[spmem:s3] =	stream.indirect.scatter.add.f32 [tilespmem:s28], [sflag:$0xB], $0x20, s25, s21, $0xb8;
	[tilespmem:$0x12640] =	vst v63  }
0x12c: {  	s25 =	simm.s32 @p0 $0x4  }
0x12d: {  	_ =	swait.ge @p0 [sflag:s25], $0x1000  }
0x12e: {  	[sflag:s25] =	ssyncset.done @p0 $0x0  }
0x12f: {  	s30 =	simm.s32 @p0 $0x7E20;
	[sflag:s25] =	ssyncadd.s32 @p0 $0xFFFFF000;
	s25 =	simm.s32 @p0 $0x4C90  }
0x130: {  	[spmem:s3] =	stream.indirect.scatter.add.f32 @p0 [tilespmem:s30], [sflag:$0xC], $0x20, s25, s12, $0xb8;
	[tilespmem:$0x12640] =	vst v63  }
0x131: {  	s12 =	simm.s32 @!p0 $0xB  }
0x132: {  	_ =	swait.ge @!p0 [sflag:s12], $0x1000  }
0x133: {  	[sflag:s12] =	ssyncset.done @!p0 $0x0  }
0x134: {  	s25 =	simm.s32 @!p0 $0x6E20;
	[sflag:s12] =	ssyncadd.s32 @!p0 $0xFFFFF000;
	s12 =	sadd.s32 @!p0 $0x500, s5  }
0x135: {  	[tilespmem:s25], [sflag:$0x3] =	stream.indirect.gather @!p0 [hbm4b:s1+s4], $0x20, s12, s4, $0xb8;
	[tilespmem:$0x12640] =	vst v63  }
0x136: {  	s12 =	simm.s32 @!p0 $0x4  }
0x137: {  	_ =	swait.ge @!p0 [sflag:s12], $0x1000  }
0x138: {  	[sflag:s12] =	ssyncset.done @!p0 $0x0  }
0x139: {  	s25 =	simm.s32 @!p0 $0x7E20;
	[sflag:s12] =	ssyncadd.s32 @!p0 $0xFFFFF000;
	s12 =	sadd.s32 @!p0 $0x2890, s5  }
0x13a: {  	[spmem:s3] =	stream.indirect.scatter.add.f32 @!p0 [tilespmem:s25], [sflag:$0xC], $0x20, s12, s4, $0xb8;
	[tilespmem:$0x12640] =	vst v63  }
0x13b: {  	s12 =	simm.s32 @!p0 $0xC  }
0x13c: {  	_ =	swait.ge @!p0 [sflag:s12], $0x1000  }
0x13d: {  	[sflag:s12] =	ssyncset.done @!p0 $0x0  }
0x13e: {  	s5 =	sadd.s32 @!p0 $0x580, s5;
	[sflag:s12] =	ssyncadd.s32 @!p0 $0xFFFFF000  }
0x13f: {  	[tilespmem:s25], [sflag:$0x4] =	stream.indirect.gather @!p0 [hbm4b:s1+s4], $0x20, s5, s4, $0xb8;
	[tilespmem:$0x12640] =	vst v63  }
.Ltmp2:
0x140: {  	s4 =	sadd.s32 @!p0 $0x800, s16;
	(pc) =	sbr.rel @p0 .LBB2_6-.Ltmp2, $4  }
0x141: {  	s4 =	simm.s32 @p0 $0x9800;
	_ =	swait.ge [sflag:s26], $0x1000  }
0x142: {  	[sflag:s26] =	ssyncset.done $0x0;
	s4 =	sshra.s32 s4, $0x2  }
0x143: {  	[sflag:s26] =	ssyncadd.s32 $0xFFFFF000;
	s4 =	sadd.s32 $0x2710, s4  }
0x144: {  	[spmem:s3] =	stream.indirect.scatter.add.f32 [tilespmem:s2], [sflag:$0xD], $0x20, s4, s21, $0xb8;
	[tilespmem:$0x12640] =	vst v63  }
0x145: {  	_ =	swait.ge [sflag:s10], $0x1000  }
0x146: {  	[sflag:s10] =	ssyncset.done $0x0  }
0x147: {  	s4 =	sadd.s32 $0x600, s23;
	[sflag:s10] =	ssyncadd.s32 $0xFFFFF000  }
0x148: {  	[tilespmem:s2], [sflag:$0x5] =	stream.indirect.gather [hbm4b:s1+s21], $0x20, s4, s21, $0xb8;
	[tilespmem:$0x12640] =	vst v63  }
0x149: {  	_ =	swait.ge [sflag:s29], $0x1000  }
0x14a: {  	[sflag:s29] =	ssyncset.done $0x0  }
0x14b: {  	s12 =	sadd.s32 $0x2990, s23;
	[sflag:s29] =	ssyncadd.s32 $0xFFFFF000  }
0x14c: {  	[spmem:s3] =	stream.indirect.scatter.add.f32 [tilespmem:s24], [sflag:$0xE], $0x20, s12, s21, $0xb8;
	[tilespmem:$0x12640] =	vst v63  }
0x14d: {  	s30 =	sadd.s32 $0xFFFFFFFF, s15;
	_ =	swait.ge [sflag:s11], $0x1000  }
0x14e: {  	p0 =	sgt.u32 s30, $0x4D;
	[sflag:s11] =	ssyncset.done $0x0  }
0x14f: {  	s25 =	sadd.s32 $0x680, s23;
	s4 =	simm.s32 @!p0 $0x7;
	[sflag:s11] =	ssyncadd.s32 $0xFFFFF000  }
0x150: {  	[tilespmem:s24], [sflag:$0x6] =	stream.indirect.gather [hbm4b:s1+s21], $0x20, s25, s21, $0xb8;
	[tilespmem:$0x12640] =	vst v63  }
0x151: {  	_ =	swait.ge @!p0 [sflag:s4], $0x1000  }
0x152: {  	[sflag:s4] =	ssyncset.done @!p0 $0x0  }
0x153: {  	[sflag:s4] =	ssyncadd.s32 @!p0 $0xFFFFF000;
	s4 =	sshra.s32 @!p0 s16, $0x2  }
0x154: {  	s5 =	simm.s32 @!p0 $0x80;
	s12 =	simm.s32 @!p0 $0xAE20;
	s4 =	sadd.s32 @!p0 $0x2A10, s4  }
0x155: {  	[spmem:s3] =	stream.indirect.scatter.add.f32 @!p0 [tilespmem:s12], [sflag:$0xF], $0x20, s4, s5, $0xb8;
	[tilespmem:$0x12640] =	vst v63  }
0x156: {  	p0 =	sgt.u32 s17, $0x7  }
0x157: {  	s4 =	simm.s32 @!p0 $0xF  }
0x158: {  	_ =	swait.ge @!p0 [sflag:s4], $0x1000  }
0x159: {  	[sflag:s4] =	ssyncset.done @!p0 $0x0  }
0x15a: {  	[sflag:s4] =	ssyncadd.s32 @!p0 $0xFFFFF000;
	s4 =	sshra.s32 @!p0 s16, $0x2  }
0x15b: {  	s5 =	simm.s32 @!p0 $0x80;
	s12 =	simm.s32 @!p0 $0xAE20;
	s4 =	sadd.s32 @!p0 $0x700, s4  }
0x15c: {  	[tilespmem:s12], [sflag:$0x7] =	stream.indirect.gather @!p0 [hbm4b:s1+s5], $0x20, s4, s5, $0xb8;
	[tilespmem:$0x12640] =	vst v63  }
0x15d: {  	p0 =	sgt.u32 s15, $0x4D  }
0x15e: {  	s4 =	simm.s32 @!p0 $0x8  }
0x15f: {  	_ =	swait.ge @!p0 [sflag:s4], $0x1000  }
0x160: {  	[sflag:s4] =	ssyncset.done @!p0 $0x0  }
0x161: {  	p1 =	sgt.u32 @!p0 s17, $0x7;
	[sflag:s4] =	ssyncadd.s32 @!p0 $0xFFFFF000;
	s4 =	sshra.s32 @!p0 s16, $0x2  }
0x162: {  	s5 =	simm.s32 @!p0 $0x80;
	s12 =	simm.s32 @!p0 $0xBE20;
	s4 =	sadd.s32 @!p0 $0x2A90, s4  }
0x163: {  	[spmem:s3] =	stream.indirect.scatter.add.f32 @!p0 [tilespmem:s12], [sflag:$0x10], $0x20, s4, s5, $0xb8;
	[tilespmem:$0x12640] =	vst v63  }
0x164: {  	p0 =	por p1, p0  }
0x165: {  	s4 =	simm.s32 @!p0 $0x10  }
0x166: {  	_ =	swait.ge @!p0 [sflag:s4], $0x1000  }
0x167: {  	[sflag:s4] =	ssyncset.done @!p0 $0x0  }
0x168: {  	s5 =	simm.s32 @!p0 $0x80;
	[sflag:s4] =	ssyncadd.s32 @!p0 $0xFFFFF000;
	s4 =	sshra.s32 @!p0 s16, $0x2  }
0x169: {  	s12 =	simm.s32 @!p0 $0xBE20;
	s16 =	sadd.s32 $0x1000, s16;
	s4 =	sadd.s32 @!p0 $0x780, s4  }
0x16a: {  	[tilespmem:s12], [sflag:$0x8] =	stream.indirect.gather @!p0 [hbm4b:s1+s5], $0x20, s4, s5, $0xb8;
	[tilespmem:$0x12640] =	vst v63  }
0x16b: {  	p0 =	sne.s32 s16, $0xA000  }
.Ltmp3:
0x16c: {  	_ = 	snop;
	(pc) =	sbr.rel @p0 .LBB2_2-.Ltmp3, $4  }
.Ltmp4:
0x16d: {  	_ = 	snop;
	(pc) =	sbr.rel @!p0 .LBB2_4-.Ltmp4, $4  }
0x16e: {  	_ = 	snop  }
0x16f: {  	_ = 	snop  }
0x170: {  	s15 =	sadd.s32 $0x8, s15;
	s17 =	sadd.s32 $0x1, s17  }
0x171: {  	_ = 	snop  }
.LBB2_5:
0x172: {  	_ =	sfence.sel $0x180000  }
0x173: {  	[bflag:$0x0] =	sbarrier.arrive $0xFFFF  }
0x174: {  	_ =	strace $0x9000004D  }
0x175: {  	s0 =	stileid.u32;
	[bflag:$0x2] =	sbarrier.arrive $0xFFFF  }
0x176: {  	p0 =	sne.s32 s0, $0x0;
	s0 =	rddreg [dreg:$0x3]  }
0x177: {  	s0 =	sadd.s32 @!p0 $0x100000, s0  }
0x178: {  	[sflag:s0] =	ssyncadd.tile.s32 @!p0 $0x1;
	_ =	shalt  }
.Lfunc_end2:
_tile_overlayer_lowered:
.L_overlay_start_2:
0x179: {  	(tag) =	ssettag $0x2  }
0x17a: {  	s0 =	rddreg [dreg:$0x0];
	s2 =	stileid.u32  }
0x17b: {  	s1 =	rddreg [dreg:$0x1];
	p0 =	sne.s32 s2, $0x0  }
0x17c: {  	s3 =	rddreg [dreg:$0x2];
	[bflag:$0x3] =	sbarrier.arrive $0xFFFF;
	s2 =	simm.s32 @!p0 $0x1C12  }
0x17d: {  	[timem:s3], [sflag:s2] =	dma.local @!p0 [hbm:s0], s1  }
0x17e: {  	s0 =	simm.s32 @!p0 $0x12  }
0x17f: {  	_ =	swait.ge @!p0 [sflag:s0], s1  }
0x180: {  	s1 =	ssub.s32 @!p0 $0x0, s1;
	[sflag:s0] =	ssyncset.done @!p0 $0x0  }
0x181: {  	[sflag:s0] =	ssyncadd.s32 @!p0 s1  }
0x182: {  	[bflag:$0x3] =	sbarrier.arrive $0xFFFF  }
0x183: {  	_ =	shalt  }

// kernel: kernel.9.cloned.1.call-start
scs
__scs_entry_jumppad:
0x0: {  	(pc) =	sbr.rel $0x88, $3  }
0x1: {  	(tag) =	ssettag $0x0;
	lr =	simm.s32 $0x1  }
0x2: {  	[smem:$0x3F9B] =	sst lr;
	_ =	strace $0xD0000000  }
0x3: {  	_ = 	snop  }
0x4: {  	_ = 	snop  }
0x5: {  	_ = 	snop  }
0x6: {  	_ = 	snop  }
0x7: {  	_ = 	snop  }
__scs_overlays_trampoline_lowered:
0x8: {  	[smem:$0x3FAA] =	sst s0  }
0x9: {  	[smem:$0x3FAB] =	sst s1  }
0xa: {  	[smem:$0x3FAC] =	sst s2  }
0xb: {  	[smem:$0x3FAD] =	sst s3  }
0xc: {  	[smem:$0x3FAE] =	sst s4  }
0xd: {  	[smem:$0x3FAF] =	sst s5  }
0xe: {  	[smem:$0x3FB0] =	sst s6  }
0xf: {  	[smem:$0x3FB1] =	sst s7  }
0x10: {  	[smem:$0x3FB2] =	sst s8  }
0x11: {  	[smem:$0x3FB3] =	sst s9;
	s0 =	simm.s32 @!p0 $0x0  }
0x12: {  	s1 =	sld [smem:$0x3F99];
	s0 =	simm.s32 @p0 $0x1  }
0x13: {  	[smem:$0x3FB4] =	sst s0;
	s0 =	simm.s32 @!p1 $0x0  }
0x14: {  	s2 =	sld [smem:$0x3F98];
	s0 =	simm.s32 @p1 $0x1  }
0x15: {  	[smem:$0x3FB5] =	sst s0;
	s0 =	simm.s32 @!p2 $0x0  }
0x16: {  	s3 =	sld [smem:$0x3FDB];
	s0 =	simm.s32 @p2 $0x1  }
0x17: {  	s4 =	simm.s32 $0x1BF5;
	[smem:$0x3FB7] =	sst s0  }
0x18: {  	s0 =	sld [smem:$0x3F9A];
	_ =	swait.ge [sflag:s4], $0x0  }
0x19: {  	s7 =	sld [smem:$0x3F9B]  }
0x1a: {  	s8 =	sadd.s32 $0xFFFFE003, lr  }
0x1b: {  	s9 =	sadd.s32 $0xFFFFFEF7, lr;
	s5 =	simm.s32 $0xFFFFFFFF;
	p2 =	slt.u32 s8, $0xFFFFF086  }
0x1c: {  	p1 =	slt.u32 s9, $0xF7A;
	s5 =	simm.s32 @!p2 $0x0  }
0x1d: {  	s5 =	simm.s32 @p1 $0x1;
	p0 =	seq.s32 s7, s2  }
0x1e: {  	s7 =	smul.u32 @!p0 $0xF7A, s2;
	p2 =	seq.s32 @!p0 s5, $0x0  }
0x1f: {  	s9 =	smul.u32 $0xF7A, s1;
	s8 =	simm.s32 @!p0 $0x1BF5;
	p2 =	por !p2, p0  }
0x20: {  	[sflag:s8] =	ssyncset.s32 @!p0 $0xFFFFF086;
	s6 =	sadd.s32 @!p0 s3, s7;
	s7 =	simm.s32 @!p0 $0x108  }
0x21: {  	s3 =	sadd.s32 s3, s9;
	s6 =	sadd.s32 @!p0 $0x88, s6;
	s7 =	simm.s32 @p2 $0x1082  }
0x22: {  	[simem:s7], [sflag:s8] =	dma.local @!p0 [hbm:s6], $0xF7A  }
0x23: {  	s9 =	sor.u32 $0xD0000000, s2;
	s6 =	simm.s32 $0x108;
	_ =	swait.ge @!p0 [sflag:s8], $0x0  }
0x24: {  	s3 =	sadd.s32 $0x88, s3;
	s6 =	simm.s32 @!p1 $0x1082;
	[sflag:s4] =	ssyncset.s32 $0xFFFFF086  }
0x25: {  	[simem:s6], [sflag:s4] =	dma.local [hbm:s3], $0xF7A  }
0x26: {  	[smem:$0x3F9B] =	sst s1;
	(tag) =	ssettag s2;
	_ =	strace s9  }
0x27: {  	s1 =	sld [smem:$0x3FAB]  }
0x28: {  	s2 =	sld [smem:$0x3FAC]  }
0x29: {  	s4 =	sld [smem:$0x3FAE]  }
0x2a: {  	p0 =	seq.s32 s5, $0x0;
	s5 =	sld [smem:$0x3FAF]  }
0x2b: {  	s6 =	sld [smem:$0x3FB0]  }
0x2c: {  	s7 =	sld [smem:$0x3FB1]  }
0x2d: {  	s3 =	simm.s32 $0x108;
	s8 =	sld [smem:$0x3FB2]  }
0x2e: {  	s3 =	simm.s32 @!p0 $0x1082;
	s9 =	sld [smem:$0x3FB3]  }
0x2f: {  	lr =	sadd.s32 s0, s3;
	s0 =	sld [smem:$0x3FAA]  }
0x30: {  	s3 =	sld [smem:$0x3FAD]  }
0x31: {  	[smem:$0x3FB6] =	sst s10  }
0x32: {  	s10 =	sld [smem:$0x3FB4];
	_ =	sdelay $0x3  }
0x33: {  	p0 =	seq.s32 s10, $0x1;
	s10 =	sld [smem:$0x3FB6];
	_ =	sdelay $0x3  }
0x34: {  	[smem:$0x3FB6] =	sst s10  }
0x35: {  	s10 =	sld [smem:$0x3FB5];
	_ =	sdelay $0x3  }
0x36: {  	p1 =	seq.s32 s10, $0x1;
	s10 =	sld [smem:$0x3FB6];
	_ =	sdelay $0x3  }
0x37: {  	[smem:$0x3FB6] =	sst s10  }
0x38: {  	s10 =	sld [smem:$0x3FB7]  }
0x39: {  	_ = 	snop;
	(pc) =	sbr.ind lr, $3  }
0x3a: {  	_ = 	snop  }
0x3b: {  	_ = 	snop  }
0x3c: {  	p2 =	seq.s32 s10, $0x1;
	s10 =	sld [smem:$0x3FB6]  }
0x3d: {  	_ =	shalt  }
0x3e: {  	_ =	shalt  }
0x3f: {  	_ =	shalt  }
0x40: {  	_ =	shalt  }
0x41: {  	_ =	shalt  }
0x42: {  	_ =	shalt  }
0x43: {  	_ =	shalt  }
0x44: {  	_ =	shalt  }
0x45: {  	_ =	shalt  }
0x46: {  	_ =	shalt  }
0x47: {  	_ =	shalt  }
0x48: {  	_ =	shalt  }
0x49: {  	_ =	shalt  }
0x4a: {  	_ =	shalt  }
0x4b: {  	_ =	shalt  }
0x4c: {  	_ =	shalt  }
0x4d: {  	_ =	shalt  }
0x4e: {  	_ =	shalt  }
0x4f: {  	_ =	shalt  }
0x50: {  	_ =	shalt  }
0x51: {  	_ =	shalt  }
0x52: {  	_ =	shalt  }
0x53: {  	_ =	shalt  }
0x54: {  	_ =	shalt  }
0x55: {  	_ =	shalt  }
0x56: {  	_ =	shalt  }
0x57: {  	_ =	shalt  }
0x58: {  	_ =	shalt  }
0x59: {  	_ =	shalt  }
0x5a: {  	_ =	shalt  }
0x5b: {  	_ =	shalt  }
0x5c: {  	_ =	shalt  }
0x5d: {  	_ =	shalt  }
0x5e: {  	_ =	shalt  }
0x5f: {  	_ =	shalt  }
0x60: {  	_ =	shalt  }
0x61: {  	_ =	shalt  }
0x62: {  	_ =	shalt  }
0x63: {  	_ =	shalt  }
0x64: {  	_ =	shalt  }
0x65: {  	_ =	shalt  }
0x66: {  	_ =	shalt  }
0x67: {  	_ =	shalt  }
0x68: {  	_ =	shalt  }
0x69: {  	_ =	shalt  }
0x6a: {  	_ =	shalt  }
0x6b: {  	_ =	shalt  }
0x6c: {  	_ =	shalt  }
0x6d: {  	_ =	shalt  }
0x6e: {  	_ =	shalt  }
0x6f: {  	_ =	shalt  }
0x70: {  	_ =	shalt  }
0x71: {  	_ =	shalt  }
0x72: {  	_ =	shalt  }
0x73: {  	_ =	shalt  }
0x74: {  	_ =	shalt  }
0x75: {  	_ =	shalt  }
0x76: {  	_ =	shalt  }
0x77: {  	_ =	shalt  }
0x78: {  	_ =	shalt  }
0x79: {  	_ =	shalt  }
0x7a: {  	_ =	shalt  }
0x7b: {  	_ =	shalt  }
0x7c: {  	_ =	shalt  }
0x7d: {  	_ =	shalt  }
0x7e: {  	_ =	shalt  }
0x7f: {  	_ =	shalt  }
0x80: {  	_ =	shalt  }
0x81: {  	_ =	shalt  }
0x82: {  	_ =	shalt  }
0x83: {  	_ =	shalt  }
0x84: {  	_ =	shalt  }
0x85: {  	_ =	shalt  }
0x86: {  	_ =	shalt  }
0x87: {  	_ =	shalt  }
.Lfunc_end0:
.L_simem_size_0:
called_computation_lowered:
.L_overlay_start_0:
0x88: {  	s2 =	sld [smem:$0x3FD9]  }
0x89: {  	s3 =	sld [smem:$0x3FFE];
	_ =	sdelay $0x1  }
0x8a: {  	s1 =	srdreg.scid  }
0x8b: {  	s0 =	sand.u32 $0x1, s1  }
0x8c: {  	s17 =	sshll.u32 s0, $0xA;
	s2 =	sadd.s32 s3, s2  }
0x8d: {  	s2 =	sadd.s32 s2, s17  }
0x8e: {  	[smem:$0x3FC2] =	sst s2  }
0x8f: {  	_ = 	snop  }
0x90: {  	s2 =	sld [smem:$0x3FD0];
	(tm) =	ssettm $0x1  }
0x91: {  	s18 =	sld [smem:$0x3FFB];
	_ =	sdelay $0x3  }
0x92: {  	_ =	strace s18  }
0x93: {  	s3 =	sld [smem:$0x3FFC];
	_ =	sdelay $0x3  }
0x94: {  	_ =	strace s3  }
0x95: {  	s3 =	sld [smem:$0x3FFD];
	_ =	sdelay $0x3  }
0x96: {  	_ =	strace s3  }
0x97: {  	_ =	strace $0x8FFFFFFF  }
0x98: {  	s19 =	sld [smem:$0x3FDB];
	_ =	sdelay $0x1  }
0x99: {  	s4 =	simm.s32 $_scs_section_size  }
0x9a: {  	s5 =	simm.s32 $_size__tile_overlayer_lowered;
	s6 =	simm.s32 $_tile_overlayer_lowered  }
0x9b: {  	s22 =	simm.s32 $0x1BFF;
	s21 =	sshll.u32 s6, $0x1;
	s3 =	sadd.s32 s4, s19  }
0x9c: {  	s7 =	simm.s32 $0x0;
	s20 =	sshll.u32 s5, $0x1;
	s5 =	sadd.s32 s21, s3  }
0x9d: {  	[timem:s7], [sflag:s22] =	dma.local [hbm:s5], s20  }
0x9e: {  	_ =	swait.ge [sflag:s22], s20  }
0x9f: {  	s4 =	ssub.s32 $0x0, s20;
	[sflag:s22] =	ssyncset.done $0x0  }
0xa0: {  	[sflag:s22] =	ssyncadd.s32 s4;
	_ =	sdelay $0x1  }
0xa1: {  	s23 =	simm.s32 $0x1B8B  }
0xa2: {  	_ =	swait.ge [sflag:s23], $0x1  }
0xa3: {  	[sflag:s23] =	ssyncset.done $0x0  }
0xa4: {  	s25 =	simm.s32 $0x1B8E;
	s24 =	sld [smem:$0x3FFE];
	[sflag:s23] =	ssyncadd.s32 $0xFFFFFFFF  }
0xa5: {  	s26 =	simm.s32 $execute0_lowered;
	[smem:$0x3FD2] =	sst s25  }
0xa6: {  	s5 =	sshll.u32 s26, $0x1;
	_ =	strace $0x80000046;
	[dreg:$0x1] =	wrdreg $0xFFFFFFFF  }
0xa7: {  	s28 =	simm.s32 $_size_execute0_lowered;
	s3 =	sadd.s32 s3, s5;
	[dreg:$0x0] =	wrdreg $0x0  }
0xa8: {  	s5 =	sshll.u32 s28, $0x1;
	[dreg:$0x2] =	wrdreg s3  }
0xa9: {  	[dreg:$0x3] =	wrdreg s5  }
0xaa: {  	[dreg:$0x4] =	wrdreg $0xC0  }
0xab: {  	_ =	task [dreg:s7], $0x5FFFF  }
0xac: {  	[dreg:$0x1] =	wrdreg $0xFFFFFFFF  }
0xad: {  	[dreg:$0x0] =	wrdreg $0x60  }
0xae: {  	[dreg:$0x2] =	wrdreg s24  }
0xaf: {  	[dreg:$0x3] =	wrdreg s2  }
0xb0: {  	[dreg:$0x4] =	wrdreg $0x2A100  }
0xb1: {  	[dreg:$0x5] =	wrdreg $0x9  }
0xb2: {  	_ =	task.clear_ibuf [dreg:s7], $0x6FFFF;
	_ =	strace $0x90000046  }
0xb3: {  	s29 =	simm.s32 $0x9;
	_ =	strace $0x80000048  }
0xb4: {  	_ =	swait.ge [sflag:s29], $0x1  }
0xb5: {  	[sflag:s29] =	ssyncadd.s32 $0xFFFFFFFF  }
0xb6: {  	_ =	strace $0x90000048  }
0xb7: {  	_ =	sfence  }
0xb8: {  	s30 =	sld [smem:$0x0];
	_ =	sdelay $0x2  }
0xb9: {  	s31 =	sshll.u32 s1, $0xD;
	s1 =	sshrl.u32 s1, $0x2  }
0xba: {  	s3 =	sand.u32 $0x4000, s31;
	s1 =	sadd.s32 s1, s30  }
0xbb: {  	s0 =	sor.u32 s3, s0;
	s1 =	sshll.u32 s1, $0x11  }
0xbc: {  	s0 =	sor.u32 s1, s0  }
0xbd: {  	s0 =	sadd.s32 $0x8F2B, s0  }
0xbe: {  	[sflag:s0] =	ssyncadd.remote.s32 $0x1  }
0xbf: {  	_ =	sfence.sel $0xFFFF  }
0xc0: {  	[dreg:$0x0] =	wrdreg $0xFFFFFFFF;
	(pc) =	sbr.abs _section_cstart, $3  }
0xc1: {  	[dreg:$0x1] =	wrdreg $0xFFFFFFFF  }
0xc2: {  	_ =	task.clear_ibuf [dreg:s7], $0x2FFFF;
	_ =	strace $0x9FFFFFFF  }
0xc3: {  	(tm) =	ssettm $0x7FFFFFFF  }
tec
execute0_lowered:
.L_overlay_start_1:
0x0: {  	(tag) =	ssettag $0x1  }
0x1: {  	s6 =	rddreg [dreg:$0x0]  }
0x2: {  	s1 =	srdreg.scid;
	s8 =	rddreg [dreg:$0x1]  }
0x3: {  	s0 =	stileid.u32;
	s2 =	rddreg [dreg:$0x2];
	s3 =	simm.s32 $0x0  }
0x4: {  	s13 =	simm.s32 $0x10;
	s14 =	simm.s32 $0x2700;
	s15 =	simm.s32 $0x1  }
0x5: {  	s19 =	simm.s32 $0x0;
	s4 =	sand.u32 $0x1, s1;
	s1 =	rddreg [dreg:$0x3]  }
0x6: {  	s24 =	sshll.u32 s0, $0x1;
	s7 =	smul.u32 $0xA00, s0;
	[smem:$0x7FF] =	sst s3  }
0x7: {  	s11 =	smul.u32 $0x280, s0;
	p0 =	seq.s32 s0, $0xF;
	s5 =	sor.u32 s4, s24  }
0x8: {  	s25 =	ssub.s32 $0x2, s4;
	s10 =	smul.u32 $0x2710, s4;
	_ =	strace $0x80000047  }
0x9: {  	s17 =	sshll.u32 @!p0 s0, $0x6;
	s9 =	smul.u32 $0x2710, s5;
	s26 =	sshrl.u32 s25, $0x1  }
0xa: {  	s7 =	sshrl.u32 s7, $0x2;
	s5 =	sadd.s32 $0x2580, s2;
	s18 =	sadd.s32 s11, s2  }
0xb: {  	s17 =	sor.u32 @!p0 $0x1C02, s17;
	s12 =	ssub.s32 s25, s26;
	s4 =	sadd.s32 s7, s2  }
0xc: {  	s29 =	sadd.s32 s11, s10;
	s31 =	sshrl.u32 s10, $0x3;
	s10 =	simm.s32 $0x2  }
0xd: {  	s11 =	simm.s32 $0x80;
	s16 =	sshrl.u32 @p0 s5, $0x3;
	s18 =	sshrl.u32 @!p0 s18, $0x3  }
0xe: {  	s28 =	sshrl.u32 s9, $0x3;
	s30 =	sshrl.u32 s29, $0x3;
	s9 =	smax.u32 s12, $0x1  }
0xf: {  	s6 =	sadd.s32 s6, s28;
	s7 =	sadd.s32 s8, s30;
	s8 =	sadd.s32 s8, s31  }
0x10: {  	v0 =	vimm.f32 $1.000000000e+00;
	v1 =	vimm.f32 $0.0e+00;
	s12 =	simm.s32 $0x2710;
	s6 =	sadd.s32 $0xB840, s6;
	s8 =	sadd.s32 $0x4B0, s8  }
.LBB2_1:
0x11: {  	[tilespmem:$0x2710] =	vst v0  }
0x12: {  	[tilespmem:$0x2720] =	vst v0  }
0x13: {  	[tilespmem:$0x2730] =	vst v0  }
0x14: {  	[tilespmem:$0x2740] =	vst v0  }
0x15: {  	[tilespmem:$0x2750] =	vst v0  }
0x16: {  	[tilespmem:$0x2760] =	vst v0  }
0x17: {  	[tilespmem:$0x2770] =	vst v0  }
0x18: {  	[tilespmem:$0x2780] =	vst v0  }
0x19: {  	[tilespmem:$0x2790] =	vst v1  }
0x1a: {  	[tilespmem:$0x27A0] =	vst v1  }
0x1b: {  	[tilespmem:$0x27B0] =	vst v1  }
0x1c: {  	[tilespmem:$0x27C0] =	vst v1  }
0x1d: {  	[tilespmem:$0x27D0] =	vst v1  }
0x1e: {  	[tilespmem:$0x27E0] =	vst v1  }
0x1f: {  	[tilespmem:$0x27F0] =	vst v1  }
0x20: {  	[tilespmem:$0x2800] =	vst v1  }
0x21: {  	[tilespmem:$0x2810] =	vst v1  }
0x22: {  	[tilespmem:$0x2820] =	vst v1  }
0x23: {  	[tilespmem:$0x2830] =	vst v1  }
0x24: {  	[tilespmem:$0x2840] =	vst v1  }
0x25: {  	[tilespmem:$0x2850] =	vst v1  }
0x26: {  	[tilespmem:$0x2860] =	vst v1  }
0x27: {  	[tilespmem:$0x2870] =	vst v1  }
0x28: {  	[tilespmem:$0x2880] =	vst v1  }
0x29: {  	[tilespmem:$0x2890] =	vst v1  }
0x2a: {  	[tilespmem:$0x28A0] =	vst v1  }
0x2b: {  	[tilespmem:$0x28B0] =	vst v1  }
0x2c: {  	[tilespmem:$0x28C0] =	vst v1  }
0x2d: {  	[tilespmem:$0x28D0] =	vst v1  }
0x2e: {  	[tilespmem:$0x28E0] =	vst v1  }
0x2f: {  	[tilespmem:$0x28F0] =	vst v1  }
0x30: {  	[tilespmem:$0x2900] =	vst v1  }
0x31: {  	[tilespmem:$0x2910] =	vst v1  }
0x32: {  	[tilespmem:$0x2920] =	vst v1  }
0x33: {  	[tilespmem:$0x2930] =	vst v1  }
0x34: {  	[tilespmem:$0x2940] =	vst v1  }
0x35: {  	[tilespmem:$0x2950] =	vst v1  }
0x36: {  	[tilespmem:$0x2960] =	vst v1  }
0x37: {  	[tilespmem:$0x2970] =	vst v1  }
0x38: {  	[tilespmem:$0x2980] =	vst v1  }
0x39: {  	[tilespmem:$0x2990] =	vst v1  }
0x3a: {  	[tilespmem:$0x29A0] =	vst v1  }
0x3b: {  	[tilespmem:$0x29B0] =	vst v1  }
0x3c: {  	[tilespmem:$0x29C0] =	vst v1  }
0x3d: {  	[tilespmem:$0x29D0] =	vst v1  }
0x3e: {  	[tilespmem:$0x29E0] =	vst v1  }
0x3f: {  	[tilespmem:$0x29F0] =	vst v1  }
0x40: {  	[tilespmem:$0x2A00] =	vst v1;
	s20 =	simm.s32 @p0 $0x2790  }
0x41: {  	[spmem:s5] =	stream.linear.scatter @p0 [tilespmem:s20], [sflag:$0x2], $0x190, $0x38;
	[tilespmem:$0x2C88] =	vst v63  }
0x42: {  	s20 =	simm.s32 @p0 $0x2  }
0x43: {  	_ =	swait.ge @p0 [sflag:s20], $0x190  }
0x44: {  	[sflag:s20] =	ssyncset.done @p0 $0x0  }
0x45: {  	[sflag:s20] =	ssyncadd.s32 @p0 $0xFFFFFE70;
	s20 =	simm.s32 @!p0 $0x2790  }
0x46: {  	[spmem:s4] =	stream.linear.scatter @!p0 [tilespmem:s20], [sflag:$0x2], $0x280, $0x38;
	[tilespmem:$0x2C88] =	vst v63  }
0x47: {  	s20 =	simm.s32 @!p0 $0x2  }
0x48: {  	_ =	swait.ge @!p0 [sflag:s20], $0x280  }
0x49: {  	[sflag:s20] =	ssyncset.done @!p0 $0x0  }
0x4a: {  	[sflag:s20] =	ssyncadd.s32 @!p0 $0xFFFFFD80  }
0x4b: {  	[bflag:$0x0] =	sbarrier.arrive $0xFFFF  }
0x4c: {  	[tilespmem:s3], [sflag:$0x2] =	stream.linear.gather [hbm4b:s6+s3], $0x2710, $0x38;
	[tilespmem:$0x2C88] =	vst v63  }
0x4d: {  	_ =	swait.ge [sflag:s10], $0x2710  }
0x4e: {  	[sflag:s10] =	ssyncset.done $0x0  }
0x4f: {  	s21 =	simm.s32 $0x0;
	s20 =	simm.s32 $0x200;
	[sflag:s10] =	ssyncadd.s32 $0xFFFFD8F0  }
.LBB2_2:
0x50: {  	[spmem:s2] =	stream.indirect.scatter.add.f32 [tilespmem:s12], [sflag:$0x1], $0x1, s21, s11, $0xb8;
	[tilespmem:$0x2C88] =	vst v63  }
0x51: {  	s21 =	smov.u32 s20;
	p1 =	sne.s32 s20, $0x9A00  }
.Ltmp0:
0x52: {  	s20 =	sadd.s32 $0x200, s20;
	(pc) =	sbr.rel @p1 .LBB2_2-.Ltmp0, $2  }
0x53: {  	_ =	sdelay $0x2  }
0x54: {  	s21 =	sshra.s32 s21, $0x2  }
0x55: {  	[spmem:s2] =	stream.indirect.scatter.add.f32 [tilespmem:s12], [sflag:$0x1], $0x1, s21, s11, $0xb8;
	[tilespmem:$0x2C88] =	vst v63  }
0x56: {  	_ = 	snop  }
0x57: {  	[spmem:s2] =	stream.indirect.scatter.add.f32 [tilespmem:s12], [sflag:$0x1], $0x1, s14, s13, $0xb8;
	[tilespmem:$0x2C88] =	vst v63  }
0x58: {  	_ =	swait.ge [sflag:s15], $0x80  }
0x59: {  	s20 =	simm.s32 $0x4D;
	[sflag:s15] =	ssyncset.done $0x0  }
.LBB2_4:
0x5a: {  	p1 =	sne.s32 s20, $0x1;
	s20 =	sadd.s32 $0xFFFFFFFF, s20;
	[sflag:s15] =	ssyncadd.s32 $0xFFFFFF80  }
.Ltmp1:
0x5b: {  	(pc) =	sbr.rel @p1 .LBB2_4-.Ltmp1, $3  }
0x5c: {  	_ =	sdelay $0x1  }
0x5d: {  	_ =	swait.ge [sflag:s15], $0x80  }
0x5e: {  	[sflag:s15] =	ssyncset.done $0x0  }
0x5f: {  	[sflag:s15] =	ssyncadd.s32 $0xFFFFFF80  }
0x60: {  	_ =	swait.ge [sflag:s15], $0x10  }
0x61: {  	[sflag:s15] =	ssyncset.done $0x0  }
0x62: {  	[sflag:s15] =	ssyncadd.s32 $0xFFFFFFF0  }
0x63: {  	s20 =	simm.s32 @p0 $0x1FC2;
	[bflag:$0x0] =	sbarrier.arrive $0xFFFF  }
0x64: {  	[hbm:s8], [sflag:s20] =	dma.local @p0 [spmem:s16], $0x32  }
0x65: {  	s20 =	simm.s32 @p0 $0x2  }
0x66: {  	s19 =	sadd.s32 $0x1, s19;
	_ =	swait.ge @p0 [sflag:s20], $0x32  }
0x67: {  	p1 =	sne.s32 s19, s9;
	[sflag:s20] =	ssyncset.done @p0 $0x0  }
.Ltmp2:
0x68: {  	[sflag:s20] =	ssyncadd.s32 @p0 $0xFFFFFFCE;
	s20 =	simm.s32 @!p0 $0x2;
	(pc) =	sbr.rel @p1 .LBB2_1-.Ltmp2, $4  }
0x69: {  	[hbm:s7], [sflag:s17] =	dma.local @!p0 [spmem:s18], $0x50  }
0x6a: {  	_ =	swait.ge @!p0 [sflag:s20], $0x50  }
0x6b: {  	[sflag:s20] =	ssyncset.done @!p0 $0x0  }
0x6c: {  	[sflag:s20] =	ssyncadd.s32 @!p0 $0xFFFFFFB0  }
0x6d: {  	_ =	sfence.sel $0x180000  }
0x6e: {  	[bflag:$0x0] =	sbarrier.arrive $0xFFFF  }
0x6f: {  	p0 =	sne.s32 s0, $0x0;
	_ =	strace $0x90000047  }
0x70: {  	s0 =	sadd.s32 @!p0 $0x100000, s1;
	[bflag:$0x2] =	sbarrier.arrive $0xFFFF  }
0x71: {  	[sflag:s0] =	ssyncadd.tile.s32 @!p0 $0x1;
	_ =	shalt  }
.Lfunc_end2:
_tile_overlayer_lowered:
.L_overlay_start_2:
0x72: {  	(tag) =	ssettag $0x2  }
0x73: {  	s0 =	rddreg [dreg:$0x0];
	s2 =	stileid.u32  }
0x74: {  	s1 =	rddreg [dreg:$0x1];
	p0 =	sne.s32 s2, $0x0  }
0x75: {  	s3 =	rddreg [dreg:$0x2];
	[bflag:$0x3] =	sbarrier.arrive $0xFFFF;
	s2 =	simm.s32 @!p0 $0x1C02  }
0x76: {  	[timem:s3], [sflag:s2] =	dma.local @!p0 [hbm:s0], s1  }
0x77: {  	s0 =	simm.s32 @!p0 $0x2  }
0x78: {  	_ =	swait.ge @!p0 [sflag:s0], s1  }
0x79: {  	s1 =	ssub.s32 @!p0 $0x0, s1;
	[sflag:s0] =	ssyncset.done @!p0 $0x0  }
0x7a: {  	[sflag:s0] =	ssyncadd.s32 @!p0 s1  }
0x7b: {  	[bflag:$0x3] =	sbarrier.arrive $0xFFFF  }
0x7c: {  	_ =	shalt  }

</sc_bundles>
